<compile_context>
chip_gen: v7x
topology: tpu7x:2x2x1
jax: 0.10.2.dev20260603
libtpu: 0.0.44.dev20260713+nightly
codegen_flags: <defaults>
</compile_context>

<pallas_src>
import dataclasses
import functools

import jax
import jax.numpy as jnp
from jax import lax
from jax.experimental import pallas as pl
from jax.experimental.pallas import tpu as pltpu
from jax.experimental.pallas import tpu_sc as plsc

NC = 2
NS = 16
L = 16
NW = NC * NS
HALVES = 2


@functools.lru_cache(maxsize=None)
def _bag_call(N, T, V, D):
    n_blocks = NW // HALVES
    rows_b = N // n_blocks
    n_groups = rows_b // L
    pairs_h = D // 2 // HALVES
    vpad = -(-V // 8) * 8
    sub = vpad * L

    mesh = plsc.VectorSubcoreMesh(core_axis_name="c", subcore_axis_name="s")
    cp = pltpu.CompilerParams()
    if "needs_layout_passes" in pltpu.CompilerParams.__dataclass_fields__:
        cp = dataclasses.replace(cp, needs_layout_passes=False)
    if "use_tc_tiling_on_sc" in pltpu.CompilerParams.__dataclass_fields__:
        cp = dataclasses.replace(cp, use_tc_tiling_on_sc=True)

    @functools.partial(
        pl.kernel,
        out_type=jax.ShapeDtypeStruct(
            (n_blocks, HALVES, D // HALVES, rows_b), jnp.float32),
        mesh=mesh,
        compiler_params=cp,
        scratch_types=[
            pltpu.VMEM((T, rows_b), jnp.int32),
            pltpu.VMEM((rows_b,), jnp.int32),
            pltpu.VMEM((pairs_h * sub,), jnp.int32),
            pltpu.VMEM((D // HALVES, rows_b), jnp.float32),
        ],
    )
    def bag(charsT_hbm, len_hbm, table_hbm, out_hbm,
            charsT_v, len_v, table_v, outT_v):
        wid = lax.axis_index("s") * NC + lax.axis_index("c")
        blk = wid // HALVES
        half = wid - blk * HALVES
        rbase = blk * rows_b
        pltpu.sync_copy(charsT_hbm.at[blk], charsT_v)
        pltpu.sync_copy(len_hbm.at[pl.ds(rbase, rows_b)], len_v)
        pltpu.sync_copy(table_hbm.at[half], table_v)

        iota = lax.iota(jnp.int32, L)
        himask = jnp.full((L,), -65536, jnp.int32)

        @pl.loop(0, n_groups)
        def _(g):
            sl = pl.ds(g * L, L)
            lenv = len_v[sl]
            invl = 1.0 / jnp.maximum(lenv.astype(jnp.float32), 1.0)
            cms = []
            for t in range(T):
                c = charsT_v[t, sl]
                cm = jnp.where(t < lenv, c, jnp.zeros_like(c))
                cms.append(cm * L + iota)
            for p in range(pairs_h):
                tv = table_v.at[pl.ds(p * sub, sub)]
                ws = [plsc.load_gather(tv, [cms[t]]) for t in range(T)]
                sums = [
                    plsc.bitcast(
                        plsc.bitcast(ws[k], jnp.bfloat16)
                        + plsc.bitcast(ws[k + 1], jnp.bfloat16),
                        jnp.int32)
                    for k in range(0, T - 1, 2)
                ]
                if T % 2:
                    sums.append(ws[-1])
                los = [plsc.bitcast(jnp.left_shift(s, 16), jnp.float32)
                       for s in sums]
                his = [plsc.bitcast(jnp.bitwise_and(s, himask), jnp.float32)
                       for s in sums]

                def _tree(vs):
                    while len(vs) > 1:
                        nxt = [vs[i] + vs[i + 1]
                               for i in range(0, len(vs) - 1, 2)]
                        if len(vs) % 2:
                            nxt.append(vs[-1])
                        vs = nxt
                    return vs[0]

                outT_v[2 * p, sl] = _tree(los) * invl
                outT_v[2 * p + 1, sl] = _tree(his) * invl

        pltpu.sync_copy(outT_v, out_hbm.at[blk, half])

    return bag


@functools.lru_cache(maxsize=None)
def _proj_call(NB, D, R, H):
    def body(xt_ref, w_ref, o_ref):
        o_ref[...] = lax.dot_general(
            xt_ref[...], w_ref[...],
            dimension_numbers=(((1,), (0,)), ((), ())),
            preferred_element_type=jnp.float32,
        )

    return pl.pallas_call(
        body,
        in_specs=[
            pl.BlockSpec((NB, D, R), lambda: (0, 0, 0)),
            pl.BlockSpec((D, H), lambda: (0, 0)),
        ],
        out_specs=pl.BlockSpec((NB, R, H), lambda: (0, 0, 0)),
        out_shape=jax.ShapeDtypeStruct((NB, R, H), jnp.float32),
    )


def _pack_table(emb):
    V, D = emb.shape
    vpad = -(-V // 8) * 8
    pairs_bf = emb.astype(jnp.bfloat16).reshape(V, D // 2, 2)
    packed = lax.bitcast_convert_type(pairs_bf, jnp.uint32)
    packed = packed.T
    packed = jnp.pad(packed, ((0, 0), (0, vpad - V)))
    packed = jnp.repeat(packed[:, :, None], L, axis=2)
    return lax.bitcast_convert_type(packed, jnp.int32).reshape(HALVES, -1)


def kernel(char_input, lengths, emb, W):
    B, S, T = char_input.shape
    N = B * S
    V, D = emb.shape
    H = W.shape[1]
    n_blocks = NW // HALVES
    rows_b = N // n_blocks

    charsT = (char_input.reshape(n_blocks, rows_b, T)
              .transpose(0, 2, 1)
              .astype(jnp.int32))
    flat_len = lengths.reshape(N)
    len_i32 = flat_len.astype(jnp.int32)

    pooledT = _bag_call(N, T, V, D)(charsT, len_i32, _pack_table(emb))
    out = _proj_call(n_blocks, D, rows_b, H)(
        pooledT.reshape(n_blocks, D, rows_b), W)
    return out.reshape(B, S, H), flat_len

# --- scband reference (transcript-rebuilt; emitter-appended) ---
"""Pipeline reference for scband-char-model-53334903881889 (READ-ONLY COPY).

The authoritative reference and input builder live on the scoring server;
editing this copy changes nothing except your own understanding.
"""

import jax, jax.numpy as jnp
import numpy as np


def setup_inputs(seed: int = 0) -> dict:
    key = jax.random.key(seed)
    k1, k2, k3, k4 = jax.random.split(key, 4)
    char_input = jax.random.randint(k1, (16, 512, 20), 0, 262)
    lengths = jax.random.randint(k2, (16, 512), 0, 20)
    # embedding table, init per CharModel.init_embedding: uniform(-sqrt(3/emb_dim), sqrt(3/emb_dim))
    init_range = float(np.sqrt(3.0 / 64.0))
    emb = jax.random.uniform(k3, (262, 64), minval=-init_range, maxval=init_range, dtype=jnp.float32)
    emb = emb.at[0].set(0.0)  # padding_idx=0
    # concrete char_model head: masked mean-pool over chars -> linear to hidden_size=128
    W = jax.random.normal(k4, (64, 128), dtype=jnp.float32) * 0.05
    return {"char_input": char_input, "lengths": lengths, "emb": emb, "W": W}


def reference(char_input, lengths, emb, W):
    B, S, T = char_input.shape
    flat_in = char_input.reshape(B * S, T)
    flat_len = lengths.reshape(B * S)
    # torch.sort(lengths, descending=True)
    sort_idx = jnp.argsort(-flat_len)
    sorted_len = flat_len[sort_idx]
    sorted_in = flat_in[sort_idx]
    # embedding lookup (dropout omitted: eval mode)
    embedded = jnp.take(emb, sorted_in, axis=0)  # [N, T, D]
    # char_model: masked mean pool over valid chars, then linear projection
    tmask = (jnp.arange(T)[None, :] < sorted_len[:, None]).astype(embedded.dtype)
    pooled = jnp.sum(embedded * tmask[:, :, None], axis=1)
    pooled = pooled / jnp.maximum(sorted_len, 1)[:, None].astype(embedded.dtype)
    out = pooled @ W  # [N, H]
    # zero-length (fully padded) rows produce zeros, matching the zeros_tensor cat
    out = out * (sorted_len != 0)[:, None].astype(out.dtype)
    H = out.shape[1]
    # scatter-unsort back to original row order
    unsorted = jnp.zeros((B * S, H), dtype=out.dtype).at[sort_idx].set(out)
    return unsorted.reshape(B, S, H), flat_len

if __name__ == "__main__":
    import jax
    _d = setup_inputs()
    print(jax.jit(kernel)(*tuple(_d.values())))

</pallas_src>

<mosaic_0001>
#map = affine_map<(d0, d1) -> (0, 0, 0)>
#map1 = affine_map<(d0, d1) -> (0)>
#map2 = affine_map<(d0, d1) -> (0, 0)>
#map3 = affine_map<(d0, d1) -> (0, 0, 0, 0)>
module attributes {stable_mosaic.version = 14 : i64} {
  func.func @bag(%arg0: i32, %arg1: i32, %arg2: memref<16x20x512xi32, #tpu.memory_space<hbm>>, %arg3: memref<8192xi32, #tpu.memory_space<hbm>>, %arg4: memref<2x67584xi32, #tpu.memory_space<hbm>>, %arg5: memref<16x2x32x512xf32, #tpu.memory_space<hbm>>, %arg6: memref<20x512xi32, #tpu.memory_space<vmem>>, %arg7: memref<512xi32, #tpu.memory_space<vmem>>, %arg8: memref<67584xi32, #tpu.memory_space<vmem>>, %arg9: memref<32x512xf32, #tpu.memory_space<vmem>>) attributes {dimension_semantics = [#tpu.dimension_semantics<core_parallel>, #tpu.dimension_semantics<subcore_parallel>], iteration_bounds = array<i64: 2, 16>, scalar_prefetch = 0 : i64, scratch_operands = 4 : i64, tpu.core_type = #tpu.core_type<sc_vector_subcore>, window_params = [{transform_indices = #map}, {transform_indices = #map1}, {transform_indices = #map2}, {transform_indices = #map3}]} {
    %mul3A = arith.constant 2 : i32
    %mul3A_0 = arith.muli %arg1, %mul3A : i32
    %add3A = arith.addi %mul3A_0, %arg0 : i32
    %jit3A = arith.constant 2 : i32
    %div3A = arith.divsi %add3A, %jit3A : i32
    %sign3A = arith.constant 0 : i32
    %sign3A_1 = arith.cmpi sgt, %add3A, %sign3A : i32
    %sign3A_2 = arith.extui %sign3A_1 : i1 to i32
    %sign3A_3 = arith.constant 0 : i32
    %sign3A_4 = arith.cmpi slt, %add3A, %sign3A_3 : i32
    %sign3A_5 = arith.extui %sign3A_4 : i1 to i32
    %sign3A_6 = arith.subi %sign3A_2, %sign3A_5 : i32
    %sign3A_7 = arith.constant 0 : i32
    %sign3A_8 = arith.cmpi sgt, %jit3A, %sign3A_7 : i32
    %sign3A_9 = arith.extui %sign3A_8 : i1 to i32
    %sign3A_10 = arith.constant 0 : i32
    %sign3A_11 = arith.cmpi slt, %jit3A, %sign3A_10 : i32
    %sign3A_12 = arith.extui %sign3A_11 : i1 to i32
    %sign3A_13 = arith.subi %sign3A_9, %sign3A_12 : i32
    %ne3A = arith.cmpi ne, %sign3A_6, %sign3A_13 : i32
    %rem3A = arith.remsi %add3A, %jit3A : i32
    %ne3A_14 = arith.constant 0 : i32
    %ne3A_15 = arith.cmpi ne, %rem3A, %ne3A_14 : i32
    %and3A = arith.andi %ne3A, %ne3A_15 : i1
    %sub3A = arith.constant 1 : i32
    %sub3A_16 = arith.subi %div3A, %sub3A : i32
    %select_n3A = arith.select %and3A, %sub3A_16, %div3A : i32
    %mul3A_17 = arith.constant 2 : i32
    %mul3A_18 = arith.muli %select_n3A, %mul3A_17 : i32
    %sub3A_19 = arith.subi %add3A, %mul3A_18 : i32
    %mul3A_20 = arith.constant 512 : i32
    %mul3A_21 = arith.muli %select_n3A, %mul3A_20 : i32
    "tpu.region"() ({
      %run_scoped3A = tpu.sem_alloc : memref<!tpu.dma_semaphore, #tpu.memory_space<semaphore_mem>>
      %dma_start3A = arith.constant 0 : i32
      %dma_start3A_27 = arith.constant 0 : i32
      %dma_start3A_28 = tpu.memref_slice %arg2[%select_n3A, %dma_start3A, %dma_start3A_27] : memref<16x20x512xi32, #tpu.memory_space<hbm>> -> memref<1x20x512xi32, #tpu.memory_space<hbm>>
      %dma_start3A_29 = tpu.memref_squeeze %dma_start3A_28 : memref<1x20x512xi32, #tpu.memory_space<hbm>> -> memref<20x512xi32, #tpu.memory_space<hbm>>
      %dma_start3A_30 = arith.constant 0 : i32
      %dma_start3A_31 = arith.constant 0 : i32
      %dma_start3A_32 = tpu.memref_slice %arg2[%select_n3A, %dma_start3A_30, %dma_start3A_31] : memref<16x20x512xi32, #tpu.memory_space<hbm>> -> memref<1x20x512xi32, #tpu.memory_space<hbm>>
      %dma_start3A_33 = tpu.memref_squeeze %dma_start3A_32 : memref<1x20x512xi32, #tpu.memory_space<hbm>> -> memref<20x512xi32, #tpu.memory_space<hbm>>
      tpu.enqueue_dma source(%dma_start3A_33 : memref<20x512xi32, #tpu.memory_space<hbm>>) target(%arg6 : memref<20x512xi32, #tpu.memory_space<vmem>>) target_semaphore(%run_scoped3A : memref<!tpu.dma_semaphore, #tpu.memory_space<semaphore_mem>>)
      %dma_wait3A = arith.constant 0 : i32
      %dma_wait3A_34 = arith.constant 0 : i32
      %dma_wait3A_35 = tpu.memref_slice %arg2[%select_n3A, %dma_wait3A, %dma_wait3A_34] : memref<16x20x512xi32, #tpu.memory_space<hbm>> -> memref<1x20x512xi32, #tpu.memory_space<hbm>>
      %dma_wait3A_36 = tpu.memref_squeeze %dma_wait3A_35 : memref<1x20x512xi32, #tpu.memory_space<hbm>> -> memref<20x512xi32, #tpu.memory_space<hbm>>
      %dma_wait3A_37 = arith.constant 0 : i32
      %dma_wait3A_38 = arith.constant 0 : i32
      %dma_wait3A_39 = tpu.memref_slice %arg2[%select_n3A, %dma_wait3A_37, %dma_wait3A_38] : memref<16x20x512xi32, #tpu.memory_space<hbm>> -> memref<1x20x512xi32, #tpu.memory_space<hbm>>
      %dma_wait3A_40 = tpu.memref_squeeze %dma_wait3A_39 : memref<1x20x512xi32, #tpu.memory_space<hbm>> -> memref<20x512xi32, #tpu.memory_space<hbm>>
      tpu.wait_dma2 semaphore(%run_scoped3A : memref<!tpu.dma_semaphore, #tpu.memory_space<semaphore_mem>>) src(%dma_wait3A_40 : memref<20x512xi32, #tpu.memory_space<hbm>>) dst(%arg6 : memref<20x512xi32, #tpu.memory_space<vmem>>)
      tpu.yield
    }) : () -> ()
    "tpu.region"() ({
      %run_scoped3A = tpu.sem_alloc : memref<!tpu.dma_semaphore, #tpu.memory_space<semaphore_mem>>
      %dma_start3A = tpu.memref_slice %arg3[%mul3A_21] : memref<8192xi32, #tpu.memory_space<hbm>> -> memref<512xi32, #tpu.memory_space<hbm>>
      %dma_start3A_27 = tpu.memref_slice %arg3[%mul3A_21] : memref<8192xi32, #tpu.memory_space<hbm>> -> memref<512xi32, #tpu.memory_space<hbm>>
      tpu.enqueue_dma source(%dma_start3A_27 : memref<512xi32, #tpu.memory_space<hbm>>) target(%arg7 : memref<512xi32, #tpu.memory_space<vmem>>) target_semaphore(%run_scoped3A : memref<!tpu.dma_semaphore, #tpu.memory_space<semaphore_mem>>)
      %dma_wait3A = tpu.memref_slice %arg3[%mul3A_21] : memref<8192xi32, #tpu.memory_space<hbm>> -> memref<512xi32, #tpu.memory_space<hbm>>
      %dma_wait3A_28 = tpu.memref_slice %arg3[%mul3A_21] : memref<8192xi32, #tpu.memory_space<hbm>> -> memref<512xi32, #tpu.memory_space<hbm>>
      tpu.wait_dma2 semaphore(%run_scoped3A : memref<!tpu.dma_semaphore, #tpu.memory_space<semaphore_mem>>) src(%dma_wait3A_28 : memref<512xi32, #tpu.memory_space<hbm>>) dst(%arg7 : memref<512xi32, #tpu.memory_space<vmem>>)
      tpu.yield
    }) : () -> ()
    "tpu.region"() ({
      %run_scoped3A = tpu.sem_alloc : memref<!tpu.dma_semaphore, #tpu.memory_space<semaphore_mem>>
      %dma_start3A = arith.constant 0 : i32
      %dma_start3A_27 = tpu.memref_slice %arg4[%sub3A_19, %dma_start3A] : memref<2x67584xi32, #tpu.memory_space<hbm>> -> memref<1x67584xi32, #tpu.memory_space<hbm>>
      %dma_start3A_28 = tpu.memref_squeeze %dma_start3A_27 : memref<1x67584xi32, #tpu.memory_space<hbm>> -> memref<67584xi32, #tpu.memory_space<hbm>>
      %dma_start3A_29 = arith.constant 0 : i32
      %dma_start3A_30 = tpu.memref_slice %arg4[%sub3A_19, %dma_start3A_29] : memref<2x67584xi32, #tpu.memory_space<hbm>> -> memref<1x67584xi32, #tpu.memory_space<hbm>>
      %dma_start3A_31 = tpu.memref_squeeze %dma_start3A_30 : memref<1x67584xi32, #tpu.memory_space<hbm>> -> memref<67584xi32, #tpu.memory_space<hbm>>
      tpu.enqueue_dma source(%dma_start3A_31 : memref<67584xi32, #tpu.memory_space<hbm>>) target(%arg8 : memref<67584xi32, #tpu.memory_space<vmem>>) target_semaphore(%run_scoped3A : memref<!tpu.dma_semaphore, #tpu.memory_space<semaphore_mem>>)
      %dma_wait3A = arith.constant 0 : i32
      %dma_wait3A_32 = tpu.memref_slice %arg4[%sub3A_19, %dma_wait3A] : memref<2x67584xi32, #tpu.memory_space<hbm>> -> memref<1x67584xi32, #tpu.memory_space<hbm>>
      %dma_wait3A_33 = tpu.memref_squeeze %dma_wait3A_32 : memref<1x67584xi32, #tpu.memory_space<hbm>> -> memref<67584xi32, #tpu.memory_space<hbm>>
      %dma_wait3A_34 = arith.constant 0 : i32
      %dma_wait3A_35 = tpu.memref_slice %arg4[%sub3A_19, %dma_wait3A_34] : memref<2x67584xi32, #tpu.memory_space<hbm>> -> memref<1x67584xi32, #tpu.memory_space<hbm>>
      %dma_wait3A_36 = tpu.memref_squeeze %dma_wait3A_35 : memref<1x67584xi32, #tpu.memory_space<hbm>> -> memref<67584xi32, #tpu.memory_space<hbm>>
      tpu.wait_dma2 semaphore(%run_scoped3A : memref<!tpu.dma_semaphore, #tpu.memory_space<semaphore_mem>>) src(%dma_wait3A_36 : memref<67584xi32, #tpu.memory_space<hbm>>) dst(%arg8 : memref<67584xi32, #tpu.memory_space<vmem>>)
      tpu.yield
    }) : () -> ()
    %iota3A = tpu.iota {dimensions = array<i32: 0>} : vector<16xi32>
    %broadcast_in_dim3A = arith.constant -65536 : i32
    %broadcast_in_dim3A_22 = vector.broadcast %broadcast_in_dim3A : i32 to vector<16xi32>
    %scan3A = arith.constant 0 : i32
    %scan3A_23 = arith.constant 32 : i32
    %scan3A_24 = arith.addi %scan3A, %scan3A_23 : i32
    %scan3A_25 = arith.constant 1 : i32
    scf.for %scan3A_27 = %scan3A to %scan3A_24 step %scan3A_25  : i32 {
      %mul3A_28 = arith.constant 1 : i32
      %mul3A_29 = arith.muli %scan3A_27, %mul3A_28 : i32
      %add3A_30 = arith.constant 0 : i32
      %add3A_31 = arith.addi %add3A_30, %mul3A_29 : i32
      %mul3A_32 = arith.constant 16 : i32
      %mul3A_33 = arith.muli %add3A_31, %mul3A_32 : i32
      %get3A = arith.index_cast %mul3A_33 : i32 to index
      %get3A_34 = tpu.vector_load %arg7[%get3A] {strides = array<i32>} : memref<512xi32, #tpu.memory_space<vmem>>, vector<16xi32>,
      %convert_element_type3A = arith.sitofp %get3A_34 : vector<16xi32> to vector<16xf32>
      %max3A = arith.constant 1.000000e+00 : f32
      %max3A_35 = vector.broadcast %max3A : f32 to vector<16xf32>
      %max3A_36 = arith.maximumf %convert_element_type3A, %max3A_35 : vector<16xf32>
      %div3A_37 = arith.constant 1.000000e+00 : f32
      %div3A_38 = vector.broadcast %div3A_37 : f32 to vector<16xf32>
      %div3A_39 = arith.divf %div3A_38, %max3A_36 : vector<16xf32>
      %get3A_40 = arith.constant 0 : i32
      %get3A_41 = arith.index_cast %get3A_40 : i32 to index
      %get3A_42 = arith.index_cast %mul3A_33 : i32 to index
      %get3A_43 = tpu.vector_load %arg6[%get3A_41, %get3A_42] {strides = array<i32>} : memref<20x512xi32, #tpu.memory_space<vmem>>, vector<16xi32>,
      %gt3A = arith.constant 0 : i32
      %gt3A_44 = vector.broadcast %gt3A : i32 to vector<16xi32>
      %gt3A_45 = arith.cmpi sgt, %get3A_34, %gt3A_44 : vector<16xi32>
      %broadcast_in_dim3A_46 = arith.constant 0 : i32
      %broadcast_in_dim3A_47 = vector.broadcast %broadcast_in_dim3A_46 : i32 to vector<16xi32>
      %select_n3A_48 = arith.select %gt3A_45, %get3A_43, %broadcast_in_dim3A_47 : vector<16xi1>, vector<16xi32>
      %mul3A_49 = arith.constant 16 : i32
      %mul3A_50 = vector.broadcast %mul3A_49 : i32 to vector<16xi32>
      %mul3A_51 = arith.muli %select_n3A_48, %mul3A_50 : vector<16xi32>
      %add3A_52 = arith.addi %mul3A_51, %iota3A : vector<16xi32>
      %get3A_53 = arith.constant 1 : i32
      %get3A_54 = arith.index_cast %get3A_53 : i32 to index
      %get3A_55 = arith.index_cast %mul3A_33 : i32 to index
      %get3A_56 = tpu.vector_load %arg6[%get3A_54, %get3A_55] {strides = array<i32>} : memref<20x512xi32, #tpu.memory_space<vmem>>, vector<16xi32>,
      %gt3A_57 = arith.constant 1 : i32
      %gt3A_58 = vector.broadcast %gt3A_57 : i32 to vector<16xi32>
      %gt3A_59 = arith.cmpi sgt, %get3A_34, %gt3A_58 : vector<16xi32>
      %broadcast_in_dim3A_60 = arith.constant 0 : i32
      %broadcast_in_dim3A_61 = vector.broadcast %broadcast_in_dim3A_60 : i32 to vector<16xi32>
      %select_n3A_62 = arith.select %gt3A_59, %get3A_56, %broadcast_in_dim3A_61 : vector<16xi1>, vector<16xi32>
      %mul3A_63 = arith.constant 16 : i32
      %mul3A_64 = vector.broadcast %mul3A_63 : i32 to vector<16xi32>
      %mul3A_65 = arith.muli %select_n3A_62, %mul3A_64 : vector<16xi32>
      %add3A_66 = arith.addi %mul3A_65, %iota3A : vector<16xi32>
      %get3A_67 = arith.constant 2 : i32
      %get3A_68 = arith.index_cast %get3A_67 : i32 to index
      %get3A_69 = arith.index_cast %mul3A_33 : i32 to index
      %get3A_70 = tpu.vector_load %arg6[%get3A_68, %get3A_69] {strides = array<i32>} : memref<20x512xi32, #tpu.memory_space<vmem>>, vector<16xi32>,
      %gt3A_71 = arith.constant 2 : i32
      %gt3A_72 = vector.broadcast %gt3A_71 : i32 to vector<16xi32>
      %gt3A_73 = arith.cmpi sgt, %get3A_34, %gt3A_72 : vector<16xi32>
      %broadcast_in_dim3A_74 = arith.constant 0 : i32
      %broadcast_in_dim3A_75 = vector.broadcast %broadcast_in_dim3A_74 : i32 to vector<16xi32>
      %select_n3A_76 = arith.select %gt3A_73, %get3A_70, %broadcast_in_dim3A_75 : vector<16xi1>, vector<16xi32>
      %mul3A_77 = arith.constant 16 : i32
      %mul3A_78 = vector.broadcast %mul3A_77 : i32 to vector<16xi32>
      %mul3A_79 = arith.muli %select_n3A_76, %mul3A_78 : vector<16xi32>
      %add3A_80 = arith.addi %mul3A_79, %iota3A : vector<16xi32>
      %get3A_81 = arith.constant 3 : i32
      %get3A_82 = arith.index_cast %get3A_81 : i32 to index
      %get3A_83 = arith.index_cast %mul3A_33 : i32 to index
      %get3A_84 = tpu.vector_load %arg6[%get3A_82, %get3A_83] {strides = array<i32>} : memref<20x512xi32, #tpu.memory_space<vmem>>, vector<16xi32>,
      %gt3A_85 = arith.constant 3 : i32
      %gt3A_86 = vector.broadcast %gt3A_85 : i32 to vector<16xi32>
      %gt3A_87 = arith.cmpi sgt, %get3A_34, %gt3A_86 : vector<16xi32>
      %broadcast_in_dim3A_88 = arith.constant 0 : i32
      %broadcast_in_dim3A_89 = vector.broadcast %broadcast_in_dim3A_88 : i32 to vector<16xi32>
      %select_n3A_90 = arith.select %gt3A_87, %get3A_84, %broadcast_in_dim3A_89 : vector<16xi1>, vector<16xi32>
      %mul3A_91 = arith.constant 16 : i32
      %mul3A_92 = vector.broadcast %mul3A_91 : i32 to vector<16xi32>
      %mul3A_93 = arith.muli %select_n3A_90, %mul3A_92 : vector<16xi32>
      %add3A_94 = arith.addi %mul3A_93, %iota3A : vector<16xi32>
      %get3A_95 = arith.constant 4 : i32
      %get3A_96 = arith.index_cast %get3A_95 : i32 to index
      %get3A_97 = arith.index_cast %mul3A_33 : i32 to index
      %get3A_98 = tpu.vector_load %arg6[%get3A_96, %get3A_97] {strides = array<i32>} : memref<20x512xi32, #tpu.memory_space<vmem>>, vector<16xi32>,
      %gt3A_99 = arith.constant 4 : i32
      %gt3A_100 = vector.broadcast %gt3A_99 : i32 to vector<16xi32>
      %gt3A_101 = arith.cmpi sgt, %get3A_34, %gt3A_100 : vector<16xi32>
      %broadcast_in_dim3A_102 = arith.constant 0 : i32
      %broadcast_in_dim3A_103 = vector.broadcast %broadcast_in_dim3A_102 : i32 to vector<16xi32>
      %select_n3A_104 = arith.select %gt3A_101, %get3A_98, %broadcast_in_dim3A_103 : vector<16xi1>, vector<16xi32>
      %mul3A_105 = arith.constant 16 : i32
      %mul3A_106 = vector.broadcast %mul3A_105 : i32 to vector<16xi32>
      %mul3A_107 = arith.muli %select_n3A_104, %mul3A_106 : vector<16xi32>
      %add3A_108 = arith.addi %mul3A_107, %iota3A : vector<16xi32>
      %get3A_109 = arith.constant 5 : i32
      %get3A_110 = arith.index_cast %get3A_109 : i32 to index
      %get3A_111 = arith.index_cast %mul3A_33 : i32 to index
      %get3A_112 = tpu.vector_load %arg6[%get3A_110, %get3A_111] {strides = array<i32>} : memref<20x512xi32, #tpu.memory_space<vmem>>, vector<16xi32>,
      %gt3A_113 = arith.constant 5 : i32
      %gt3A_114 = vector.broadcast %gt3A_113 : i32 to vector<16xi32>
      %gt3A_115 = arith.cmpi sgt, %get3A_34, %gt3A_114 : vector<16xi32>
      %broadcast_in_dim3A_116 = arith.constant 0 : i32
      %broadcast_in_dim3A_117 = vector.broadcast %broadcast_in_dim3A_116 : i32 to vector<16xi32>
      %select_n3A_118 = arith.select %gt3A_115, %get3A_112, %broadcast_in_dim3A_117 : vector<16xi1>, vector<16xi32>
      %mul3A_119 = arith.constant 16 : i32
      %mul3A_120 = vector.broadcast %mul3A_119 : i32 to vector<16xi32>
      %mul3A_121 = arith.muli %select_n3A_118, %mul3A_120 : vector<16xi32>
      %add3A_122 = arith.addi %mul3A_121, %iota3A : vector<16xi32>
      %get3A_123 = arith.constant 6 : i32
      %get3A_124 = arith.index_cast %get3A_123 : i32 to index
      %get3A_125 = arith.index_cast %mul3A_33 : i32 to index
      %get3A_126 = tpu.vector_load %arg6[%get3A_124, %get3A_125] {strides = array<i32>} : memref<20x512xi32, #tpu.memory_space<vmem>>, vector<16xi32>,
      %gt3A_127 = arith.constant 6 : i32
      %gt3A_128 = vector.broadcast %gt3A_127 : i32 to vector<16xi32>
      %gt3A_129 = arith.cmpi sgt, %get3A_34, %gt3A_128 : vector<16xi32>
      %broadcast_in_dim3A_130 = arith.constant 0 : i32
      %broadcast_in_dim3A_131 = vector.broadcast %broadcast_in_dim3A_130 : i32 to vector<16xi32>
      %select_n3A_132 = arith.select %gt3A_129, %get3A_126, %broadcast_in_dim3A_131 : vector<16xi1>, vector<16xi32>
      %mul3A_133 = arith.constant 16 : i32
      %mul3A_134 = vector.broadcast %mul3A_133 : i32 to vector<16xi32>
      %mul3A_135 = arith.muli %select_n3A_132, %mul3A_134 : vector<16xi32>
      %add3A_136 = arith.addi %mul3A_135, %iota3A : vector<16xi32>
      %get3A_137 = arith.constant 7 : i32
      %get3A_138 = arith.index_cast %get3A_137 : i32 to index
      %get3A_139 = arith.index_cast %mul3A_33 : i32 to index
      %get3A_140 = tpu.vector_load %arg6[%get3A_138, %get3A_139] {strides = array<i32>} : memref<20x512xi32, #tpu.memory_space<vmem>>, vector<16xi32>,
      %gt3A_141 = arith.constant 7 : i32
      %gt3A_142 = vector.broadcast %gt3A_141 : i32 to vector<16xi32>
      %gt3A_143 = arith.cmpi sgt, %get3A_34, %gt3A_142 : vector<16xi32>
      %broadcast_in_dim3A_144 = arith.constant 0 : i32
      %broadcast_in_dim3A_145 = vector.broadcast %broadcast_in_dim3A_144 : i32 to vector<16xi32>
      %select_n3A_146 = arith.select %gt3A_143, %get3A_140, %broadcast_in_dim3A_145 : vector<16xi1>, vector<16xi32>
      %mul3A_147 = arith.constant 16 : i32
      %mul3A_148 = vector.broadcast %mul3A_147 : i32 to vector<16xi32>
      %mul3A_149 = arith.muli %select_n3A_146, %mul3A_148 : vector<16xi32>
      %add3A_150 = arith.addi %mul3A_149, %iota3A : vector<16xi32>
      %get3A_151 = arith.constant 8 : i32
      %get3A_152 = arith.index_cast %get3A_151 : i32 to index
      %get3A_153 = arith.index_cast %mul3A_33 : i32 to index
      %get3A_154 = tpu.vector_load %arg6[%get3A_152, %get3A_153] {strides = array<i32>} : memref<20x512xi32, #tpu.memory_space<vmem>>, vector<16xi32>,
      %gt3A_155 = arith.constant 8 : i32
      %gt3A_156 = vector.broadcast %gt3A_155 : i32 to vector<16xi32>
      %gt3A_157 = arith.cmpi sgt, %get3A_34, %gt3A_156 : vector<16xi32>
      %broadcast_in_dim3A_158 = arith.constant 0 : i32
      %broadcast_in_dim3A_159 = vector.broadcast %broadcast_in_dim3A_158 : i32 to vector<16xi32>
      %select_n3A_160 = arith.select %gt3A_157, %get3A_154, %broadcast_in_dim3A_159 : vector<16xi1>, vector<16xi32>
      %mul3A_161 = arith.constant 16 : i32
      %mul3A_162 = vector.broadcast %mul3A_161 : i32 to vector<16xi32>
      %mul3A_163 = arith.muli %select_n3A_160, %mul3A_162 : vector<16xi32>
      %add3A_164 = arith.addi %mul3A_163, %iota3A : vector<16xi32>
      %get3A_165 = arith.constant 9 : i32
      %get3A_166 = arith.index_cast %get3A_165 : i32 to index
      %get3A_167 = arith.index_cast %mul3A_33 : i32 to index
      %get3A_168 = tpu.vector_load %arg6[%get3A_166, %get3A_167] {strides = array<i32>} : memref<20x512xi32, #tpu.memory_space<vmem>>, vector<16xi32>,
      %gt3A_169 = arith.constant 9 : i32
      %gt3A_170 = vector.broadcast %gt3A_169 : i32 to vector<16xi32>
      %gt3A_171 = arith.cmpi sgt, %get3A_34, %gt3A_170 : vector<16xi32>
      %broadcast_in_dim3A_172 = arith.constant 0 : i32
      %broadcast_in_dim3A_173 = vector.broadcast %broadcast_in_dim3A_172 : i32 to vector<16xi32>
      %select_n3A_174 = arith.select %gt3A_171, %get3A_168, %broadcast_in_dim3A_173 : vector<16xi1>, vector<16xi32>
      %mul3A_175 = arith.constant 16 : i32
      %mul3A_176 = vector.broadcast %mul3A_175 : i32 to vector<16xi32>
      %mul3A_177 = arith.muli %select_n3A_174, %mul3A_176 : vector<16xi32>
      %add3A_178 = arith.addi %mul3A_177, %iota3A : vector<16xi32>
      %get3A_179 = arith.constant 10 : i32
      %get3A_180 = arith.index_cast %get3A_179 : i32 to index
      %get3A_181 = arith.index_cast %mul3A_33 : i32 to index
      %get3A_182 = tpu.vector_load %arg6[%get3A_180, %get3A_181] {strides = array<i32>} : memref<20x512xi32, #tpu.memory_space<vmem>>, vector<16xi32>,
      %gt3A_183 = arith.constant 10 : i32
      %gt3A_184 = vector.broadcast %gt3A_183 : i32 to vector<16xi32>
      %gt3A_185 = arith.cmpi sgt, %get3A_34, %gt3A_184 : vector<16xi32>
      %broadcast_in_dim3A_186 = arith.constant 0 : i32
      %broadcast_in_dim3A_187 = vector.broadcast %broadcast_in_dim3A_186 : i32 to vector<16xi32>
      %select_n3A_188 = arith.select %gt3A_185, %get3A_182, %broadcast_in_dim3A_187 : vector<16xi1>, vector<16xi32>
      %mul3A_189 = arith.constant 16 : i32
      %mul3A_190 = vector.broadcast %mul3A_189 : i32 to vector<16xi32>
      %mul3A_191 = arith.muli %select_n3A_188, %mul3A_190 : vector<16xi32>
      %add3A_192 = arith.addi %mul3A_191, %iota3A : vector<16xi32>
      %get3A_193 = arith.constant 11 : i32
      %get3A_194 = arith.index_cast %get3A_193 : i32 to index
      %get3A_195 = arith.index_cast %mul3A_33 : i32 to index
      %get3A_196 = tpu.vector_load %arg6[%get3A_194, %get3A_195] {strides = array<i32>} : memref<20x512xi32, #tpu.memory_space<vmem>>, vector<16xi32>,
      %gt3A_197 = arith.constant 11 : i32
      %gt3A_198 = vector.broadcast %gt3A_197 : i32 to vector<16xi32>
      %gt3A_199 = arith.cmpi sgt, %get3A_34, %gt3A_198 : vector<16xi32>
      %broadcast_in_dim3A_200 = arith.constant 0 : i32
      %broadcast_in_dim3A_201 = vector.broadcast %broadcast_in_dim3A_200 : i32 to vector<16xi32>
      %select_n3A_202 = arith.select %gt3A_199, %get3A_196, %broadcast_in_dim3A_201 : vector<16xi1>, vector<16xi32>
      %mul3A_203 = arith.constant 16 : i32
      %mul3A_204 = vector.broadcast %mul3A_203 : i32 to vector<16xi32>
      %mul3A_205 = arith.muli %select_n3A_202, %mul3A_204 : vector<16xi32>
      %add3A_206 = arith.addi %mul3A_205, %iota3A : vector<16xi32>
      %get3A_207 = arith.constant 12 : i32
      %get3A_208 = arith.index_cast %get3A_207 : i32 to index
      %get3A_209 = arith.index_cast %mul3A_33 : i32 to index
      %get3A_210 = tpu.vector_load %arg6[%get3A_208, %get3A_209] {strides = array<i32>} : memref<20x512xi32, #tpu.memory_space<vmem>>, vector<16xi32>,
      %gt3A_211 = arith.constant 12 : i32
      %gt3A_212 = vector.broadcast %gt3A_211 : i32 to vector<16xi32>
      %gt3A_213 = arith.cmpi sgt, %get3A_34, %gt3A_212 : vector<16xi32>
      %broadcast_in_dim3A_214 = arith.constant 0 : i32
      %broadcast_in_dim3A_215 = vector.broadcast %broadcast_in_dim3A_214 : i32 to vector<16xi32>
      %select_n3A_216 = arith.select %gt3A_213, %get3A_210, %broadcast_in_dim3A_215 : vector<16xi1>, vector<16xi32>
      %mul3A_217 = arith.constant 16 : i32
      %mul3A_218 = vector.broadcast %mul3A_217 : i32 to vector<16xi32>
      %mul3A_219 = arith.muli %select_n3A_216, %mul3A_218 : vector<16xi32>
      %add3A_220 = arith.addi %mul3A_219, %iota3A : vector<16xi32>
      %get3A_221 = arith.constant 13 : i32
      %get3A_222 = arith.index_cast %get3A_221 : i32 to index
      %get3A_223 = arith.index_cast %mul3A_33 : i32 to index
      %get3A_224 = tpu.vector_load %arg6[%get3A_222, %get3A_223] {strides = array<i32>} : memref<20x512xi32, #tpu.memory_space<vmem>>, vector<16xi32>,
      %gt3A_225 = arith.constant 13 : i32
      %gt3A_226 = vector.broadcast %gt3A_225 : i32 to vector<16xi32>
      %gt3A_227 = arith.cmpi sgt, %get3A_34, %gt3A_226 : vector<16xi32>
      %broadcast_in_dim3A_228 = arith.constant 0 : i32
      %broadcast_in_dim3A_229 = vector.broadcast %broadcast_in_dim3A_228 : i32 to vector<16xi32>
      %select_n3A_230 = arith.select %gt3A_227, %get3A_224, %broadcast_in_dim3A_229 : vector<16xi1>, vector<16xi32>
      %mul3A_231 = arith.constant 16 : i32
      %mul3A_232 = vector.broadcast %mul3A_231 : i32 to vector<16xi32>
      %mul3A_233 = arith.muli %select_n3A_230, %mul3A_232 : vector<16xi32>
      %add3A_234 = arith.addi %mul3A_233, %iota3A : vector<16xi32>
      %get3A_235 = arith.constant 14 : i32
      %get3A_236 = arith.index_cast %get3A_235 : i32 to index
      %get3A_237 = arith.index_cast %mul3A_33 : i32 to index
      %get3A_238 = tpu.vector_load %arg6[%get3A_236, %get3A_237] {strides = array<i32>} : memref<20x512xi32, #tpu.memory_space<vmem>>, vector<16xi32>,
      %gt3A_239 = arith.constant 14 : i32
      %gt3A_240 = vector.broadcast %gt3A_239 : i32 to vector<16xi32>
      %gt3A_241 = arith.cmpi sgt, %get3A_34, %gt3A_240 : vector<16xi32>
      %broadcast_in_dim3A_242 = arith.constant 0 : i32
      %broadcast_in_dim3A_243 = vector.broadcast %broadcast_in_dim3A_242 : i32 to vector<16xi32>
      %select_n3A_244 = arith.select %gt3A_241, %get3A_238, %broadcast_in_dim3A_243 : vector<16xi1>, vector<16xi32>
      %mul3A_245 = arith.constant 16 : i32
      %mul3A_246 = vector.broadcast %mul3A_245 : i32 to vector<16xi32>
      %mul3A_247 = arith.muli %select_n3A_244, %mul3A_246 : vector<16xi32>
      %add3A_248 = arith.addi %mul3A_247, %iota3A : vector<16xi32>
      %get3A_249 = arith.constant 15 : i32
      %get3A_250 = arith.index_cast %get3A_249 : i32 to index
      %get3A_251 = arith.index_cast %mul3A_33 : i32 to index
      %get3A_252 = tpu.vector_load %arg6[%get3A_250, %get3A_251] {strides = array<i32>} : memref<20x512xi32, #tpu.memory_space<vmem>>, vector<16xi32>,
      %gt3A_253 = arith.constant 15 : i32
      %gt3A_254 = vector.broadcast %gt3A_253 : i32 to vector<16xi32>
      %gt3A_255 = arith.cmpi sgt, %get3A_34, %gt3A_254 : vector<16xi32>
      %broadcast_in_dim3A_256 = arith.constant 0 : i32
      %broadcast_in_dim3A_257 = vector.broadcast %broadcast_in_dim3A_256 : i32 to vector<16xi32>
      %select_n3A_258 = arith.select %gt3A_255, %get3A_252, %broadcast_in_dim3A_257 : vector<16xi1>, vector<16xi32>
      %mul3A_259 = arith.constant 16 : i32
      %mul3A_260 = vector.broadcast %mul3A_259 : i32 to vector<16xi32>
      %mul3A_261 = arith.muli %select_n3A_258, %mul3A_260 : vector<16xi32>
      %add3A_262 = arith.addi %mul3A_261, %iota3A : vector<16xi32>
      %get3A_263 = arith.constant 16 : i32
      %get3A_264 = arith.index_cast %get3A_263 : i32 to index
      %get3A_265 = arith.index_cast %mul3A_33 : i32 to index
      %get3A_266 = tpu.vector_load %arg6[%get3A_264, %get3A_265] {strides = array<i32>} : memref<20x512xi32, #tpu.memory_space<vmem>>, vector<16xi32>,
      %gt3A_267 = arith.constant 16 : i32
      %gt3A_268 = vector.broadcast %gt3A_267 : i32 to vector<16xi32>
      %gt3A_269 = arith.cmpi sgt, %get3A_34, %gt3A_268 : vector<16xi32>
      %broadcast_in_dim3A_270 = arith.constant 0 : i32
      %broadcast_in_dim3A_271 = vector.broadcast %broadcast_in_dim3A_270 : i32 to vector<16xi32>
      %select_n3A_272 = arith.select %gt3A_269, %get3A_266, %broadcast_in_dim3A_271 : vector<16xi1>, vector<16xi32>
      %mul3A_273 = arith.constant 16 : i32
      %mul3A_274 = vector.broadcast %mul3A_273 : i32 to vector<16xi32>
      %mul3A_275 = arith.muli %select_n3A_272, %mul3A_274 : vector<16xi32>
      %add3A_276 = arith.addi %mul3A_275, %iota3A : vector<16xi32>
      %get3A_277 = arith.constant 17 : i32
      %get3A_278 = arith.index_cast %get3A_277 : i32 to index
      %get3A_279 = arith.index_cast %mul3A_33 : i32 to index
      %get3A_280 = tpu.vector_load %arg6[%get3A_278, %get3A_279] {strides = array<i32>} : memref<20x512xi32, #tpu.memory_space<vmem>>, vector<16xi32>,
      %gt3A_281 = arith.constant 17 : i32
      %gt3A_282 = vector.broadcast %gt3A_281 : i32 to vector<16xi32>
      %gt3A_283 = arith.cmpi sgt, %get3A_34, %gt3A_282 : vector<16xi32>
      %broadcast_in_dim3A_284 = arith.constant 0 : i32
      %broadcast_in_dim3A_285 = vector.broadcast %broadcast_in_dim3A_284 : i32 to vector<16xi32>
      %select_n3A_286 = arith.select %gt3A_283, %get3A_280, %broadcast_in_dim3A_285 : vector<16xi1>, vector<16xi32>
      %mul3A_287 = arith.constant 16 : i32
      %mul3A_288 = vector.broadcast %mul3A_287 : i32 to vector<16xi32>
      %mul3A_289 = arith.muli %select_n3A_286, %mul3A_288 : vector<16xi32>
      %add3A_290 = arith.addi %mul3A_289, %iota3A : vector<16xi32>
      %get3A_291 = arith.constant 18 : i32
      %get3A_292 = arith.index_cast %get3A_291 : i32 to index
      %get3A_293 = arith.index_cast %mul3A_33 : i32 to index
      %get3A_294 = tpu.vector_load %arg6[%get3A_292, %get3A_293] {strides = array<i32>} : memref<20x512xi32, #tpu.memory_space<vmem>>, vector<16xi32>,
      %gt3A_295 = arith.constant 18 : i32
      %gt3A_296 = vector.broadcast %gt3A_295 : i32 to vector<16xi32>
      %gt3A_297 = arith.cmpi sgt, %get3A_34, %gt3A_296 : vector<16xi32>
      %broadcast_in_dim3A_298 = arith.constant 0 : i32
      %broadcast_in_dim3A_299 = vector.broadcast %broadcast_in_dim3A_298 : i32 to vector<16xi32>
      %select_n3A_300 = arith.select %gt3A_297, %get3A_294, %broadcast_in_dim3A_299 : vector<16xi1>, vector<16xi32>
      %mul3A_301 = arith.constant 16 : i32
      %mul3A_302 = vector.broadcast %mul3A_301 : i32 to vector<16xi32>
      %mul3A_303 = arith.muli %select_n3A_300, %mul3A_302 : vector<16xi32>
      %add3A_304 = arith.addi %mul3A_303, %iota3A : vector<16xi32>
      %get3A_305 = arith.constant 19 : i32
      %get3A_306 = arith.index_cast %get3A_305 : i32 to index
      %get3A_307 = arith.index_cast %mul3A_33 : i32 to index
      %get3A_308 = tpu.vector_load %arg6[%get3A_306, %get3A_307] {strides = array<i32>} : memref<20x512xi32, #tpu.memory_space<vmem>>, vector<16xi32>,
      %gt3A_309 = arith.constant 19 : i32
      %gt3A_310 = vector.broadcast %gt3A_309 : i32 to vector<16xi32>
      %gt3A_311 = arith.cmpi sgt, %get3A_34, %gt3A_310 : vector<16xi32>
      %broadcast_in_dim3A_312 = arith.constant 0 : i32
      %broadcast_in_dim3A_313 = vector.broadcast %broadcast_in_dim3A_312 : i32 to vector<16xi32>
      %select_n3A_314 = arith.select %gt3A_311, %get3A_308, %broadcast_in_dim3A_313 : vector<16xi1>, vector<16xi32>
      %mul3A_315 = arith.constant 16 : i32
      %mul3A_316 = vector.broadcast %mul3A_315 : i32 to vector<16xi32>
      %mul3A_317 = arith.muli %select_n3A_314, %mul3A_316 : vector<16xi32>
      %add3A_318 = arith.addi %mul3A_317, %iota3A : vector<16xi32>
      %gather3A = arith.constant 0 : i32
      %gather3A_319 = tpu.memref_slice %arg8[%gather3A] : memref<67584xi32, #tpu.memory_space<vmem>> -> memref<4224xi32, #tpu.memory_space<vmem>>
      %gather3A_320 = tpu.vector_load_idx %gather3A_319[%add3A_52] : memref<4224xi32, #tpu.memory_space<vmem>>[vector<16xi32>], vector<16xi32>,
      %gather3A_321 = arith.constant 0 : i32
      %gather3A_322 = tpu.memref_slice %arg8[%gather3A_321] : memref<67584xi32, #tpu.memory_space<vmem>> -> memref<4224xi32, #tpu.memory_space<vmem>>
      %gather3A_323 = tpu.vector_load_idx %gather3A_322[%add3A_66] : memref<4224xi32, #tpu.memory_space<vmem>>[vector<16xi32>], vector<16xi32>,
      %gather3A_324 = arith.constant 0 : i32
      %gather3A_325 = tpu.memref_slice %arg8[%gather3A_324] : memref<67584xi32, #tpu.memory_space<vmem>> -> memref<4224xi32, #tpu.memory_space<vmem>>
      %gather3A_326 = tpu.vector_load_idx %gather3A_325[%add3A_80] : memref<4224xi32, #tpu.memory_space<vmem>>[vector<16xi32>], vector<16xi32>,
      %gather3A_327 = arith.constant 0 : i32
      %gather3A_328 = tpu.memref_slice %arg8[%gather3A_327] : memref<67584xi32, #tpu.memory_space<vmem>> -> memref<4224xi32, #tpu.memory_space<vmem>>
      %gather3A_329 = tpu.vector_load_idx %gather3A_328[%add3A_94] : memref<4224xi32, #tpu.memory_space<vmem>>[vector<16xi32>], vector<16xi32>,
      %gather3A_330 = arith.constant 0 : i32
      %gather3A_331 = tpu.memref_slice %arg8[%gather3A_330] : memref<67584xi32, #tpu.memory_space<vmem>> -> memref<4224xi32, #tpu.memory_space<vmem>>
      %gather3A_332 = tpu.vector_load_idx %gather3A_331[%add3A_108] : memref<4224xi32, #tpu.memory_space<vmem>>[vector<16xi32>], vector<16xi32>,
      %gather3A_333 = arith.constant 0 : i32
      %gather3A_334 = tpu.memref_slice %arg8[%gather3A_333] : memref<67584xi32, #tpu.memory_space<vmem>> -> memref<4224xi32, #tpu.memory_space<vmem>>
      %gather3A_335 = tpu.vector_load_idx %gather3A_334[%add3A_122] : memref<4224xi32, #tpu.memory_space<vmem>>[vector<16xi32>], vector<16xi32>,
      %gather3A_336 = arith.constant 0 : i32
      %gather3A_337 = tpu.memref_slice %arg8[%gather3A_336] : memref<67584xi32, #tpu.memory_space<vmem>> -> memref<4224xi32, #tpu.memory_space<vmem>>
      %gather3A_338 = tpu.vector_load_idx %gather3A_337[%add3A_136] : memref<4224xi32, #tpu.memory_space<vmem>>[vector<16xi32>], vector<16xi32>,
      %gather3A_339 = arith.constant 0 : i32
      %gather3A_340 = tpu.memref_slice %arg8[%gather3A_339] : memref<67584xi32, #tpu.memory_space<vmem>> -> memref<4224xi32, #tpu.memory_space<vmem>>
      %gather3A_341 = tpu.vector_load_idx %gather3A_340[%add3A_150] : memref<4224xi32, #tpu.memory_space<vmem>>[vector<16xi32>], vector<16xi32>,
      %gather3A_342 = arith.constant 0 : i32
      %gather3A_343 = tpu.memref_slice %arg8[%gather3A_342] : memref<67584xi32, #tpu.memory_space<vmem>> -> memref<4224xi32, #tpu.memory_space<vmem>>
      %gather3A_344 = tpu.vector_load_idx %gather3A_343[%add3A_164] : memref<4224xi32, #tpu.memory_space<vmem>>[vector<16xi32>], vector<16xi32>,
      %gather3A_345 = arith.constant 0 : i32
      %gather3A_346 = tpu.memref_slice %arg8[%gather3A_345] : memref<67584xi32, #tpu.memory_space<vmem>> -> memref<4224xi32, #tpu.memory_space<vmem>>
      %gather3A_347 = tpu.vector_load_idx %gather3A_346[%add3A_178] : memref<4224xi32, #tpu.memory_space<vmem>>[vector<16xi32>], vector<16xi32>,
      %gather3A_348 = arith.constant 0 : i32
      %gather3A_349 = tpu.memref_slice %arg8[%gather3A_348] : memref<67584xi32, #tpu.memory_space<vmem>> -> memref<4224xi32, #tpu.memory_space<vmem>>
      %gather3A_350 = tpu.vector_load_idx %gather3A_349[%add3A_192] : memref<4224xi32, #tpu.memory_space<vmem>>[vector<16xi32>], vector<16xi32>,
      %gather3A_351 = arith.constant 0 : i32
      %gather3A_352 = tpu.memref_slice %arg8[%gather3A_351] : memref<67584xi32, #tpu.memory_space<vmem>> -> memref<4224xi32, #tpu.memory_space<vmem>>
      %gather3A_353 = tpu.vector_load_idx %gather3A_352[%add3A_206] : memref<4224xi32, #tpu.memory_space<vmem>>[vector<16xi32>], vector<16xi32>,
      %gather3A_354 = arith.constant 0 : i32
      %gather3A_355 = tpu.memref_slice %arg8[%gather3A_354] : memref<67584xi32, #tpu.memory_space<vmem>> -> memref<4224xi32, #tpu.memory_space<vmem>>
      %gather3A_356 = tpu.vector_load_idx %gather3A_355[%add3A_220] : memref<4224xi32, #tpu.memory_space<vmem>>[vector<16xi32>], vector<16xi32>,
      %gather3A_357 = arith.constant 0 : i32
      %gather3A_358 = tpu.memref_slice %arg8[%gather3A_357] : memref<67584xi32, #tpu.memory_space<vmem>> -> memref<4224xi32, #tpu.memory_space<vmem>>
      %gather3A_359 = tpu.vector_load_idx %gather3A_358[%add3A_234] : memref<4224xi32, #tpu.memory_space<vmem>>[vector<16xi32>], vector<16xi32>,
      %gather3A_360 = arith.constant 0 : i32
      %gather3A_361 = tpu.memref_slice %arg8[%gather3A_360] : memref<67584xi32, #tpu.memory_space<vmem>> -> memref<4224xi32, #tpu.memory_space<vmem>>
      %gather3A_362 = tpu.vector_load_idx %gather3A_361[%add3A_248] : memref<4224xi32, #tpu.memory_space<vmem>>[vector<16xi32>], vector<16xi32>,
      %gather3A_363 = arith.constant 0 : i32
      %gather3A_364 = tpu.memref_slice %arg8[%gather3A_363] : memref<67584xi32, #tpu.memory_space<vmem>> -> memref<4224xi32, #tpu.memory_space<vmem>>
      %gather3A_365 = tpu.vector_load_idx %gather3A_364[%add3A_262] : memref<4224xi32, #tpu.memory_space<vmem>>[vector<16xi32>], vector<16xi32>,
      %gather3A_366 = arith.constant 0 : i32
      %gather3A_367 = tpu.memref_slice %arg8[%gather3A_366] : memref<67584xi32, #tpu.memory_space<vmem>> -> memref<4224xi32, #tpu.memory_space<vmem>>
      %gather3A_368 = tpu.vector_load_idx %gather3A_367[%add3A_276] : memref<4224xi32, #tpu.memory_space<vmem>>[vector<16xi32>], vector<16xi32>,
      %gather3A_369 = arith.constant 0 : i32
      %gather3A_370 = tpu.memref_slice %arg8[%gather3A_369] : memref<67584xi32, #tpu.memory_space<vmem>> -> memref<4224xi32, #tpu.memory_space<vmem>>
      %gather3A_371 = tpu.vector_load_idx %gather3A_370[%add3A_290] : memref<4224xi32, #tpu.memory_space<vmem>>[vector<16xi32>], vector<16xi32>,
      %gather3A_372 = arith.constant 0 : i32
      %gather3A_373 = tpu.memref_slice %arg8[%gather3A_372] : memref<67584xi32, #tpu.memory_space<vmem>> -> memref<4224xi32, #tpu.memory_space<vmem>>
      %gather3A_374 = tpu.vector_load_idx %gather3A_373[%add3A_304] : memref<4224xi32, #tpu.memory_space<vmem>>[vector<16xi32>], vector<16xi32>,
      %gather3A_375 = arith.constant 0 : i32
      %gather3A_376 = tpu.memref_slice %arg8[%gather3A_375] : memref<67584xi32, #tpu.memory_space<vmem>> -> memref<4224xi32, #tpu.memory_space<vmem>>
      %gather3A_377 = tpu.vector_load_idx %gather3A_376[%add3A_318] : memref<4224xi32, #tpu.memory_space<vmem>>[vector<16xi32>], vector<16xi32>,
      %bitcast3A = vector.bitcast %gather3A_320 : vector<16xi32> to vector<32xbf16>
      %bitcast3A_378 = vector.bitcast %gather3A_323 : vector<16xi32> to vector<32xbf16>
      %add3A_379 = arith.addf %bitcast3A, %bitcast3A_378 : vector<32xbf16>
      %bitcast3A_380 = vector.bitcast %add3A_379 : vector<32xbf16> to vector<16xi32>
      %bitcast3A_381 = vector.bitcast %gather3A_326 : vector<16xi32> to vector<32xbf16>
      %bitcast3A_382 = vector.bitcast %gather3A_329 : vector<16xi32> to vector<32xbf16>
      %add3A_383 = arith.addf %bitcast3A_381, %bitcast3A_382 : vector<32xbf16>
      %bitcast3A_384 = vector.bitcast %add3A_383 : vector<32xbf16> to vector<16xi32>
      %bitcast3A_385 = vector.bitcast %gather3A_332 : vector<16xi32> to vector<32xbf16>
      %bitcast3A_386 = vector.bitcast %gather3A_335 : vector<16xi32> to vector<32xbf16>
      %add3A_387 = arith.addf %bitcast3A_385, %bitcast3A_386 : vector<32xbf16>
      %bitcast3A_388 = vector.bitcast %add3A_387 : vector<32xbf16> to vector<16xi32>
      %bitcast3A_389 = vector.bitcast %gather3A_338 : vector<16xi32> to vector<32xbf16>
      %bitcast3A_390 = vector.bitcast %gather3A_341 : vector<16xi32> to vector<32xbf16>
      %add3A_391 = arith.addf %bitcast3A_389, %bitcast3A_390 : vector<32xbf16>
      %bitcast3A_392 = vector.bitcast %add3A_391 : vector<32xbf16> to vector<16xi32>
      %bitcast3A_393 = vector.bitcast %gather3A_344 : vector<16xi32> to vector<32xbf16>
      %bitcast3A_394 = vector.bitcast %gather3A_347 : vector<16xi32> to vector<32xbf16>
      %add3A_395 = arith.addf %bitcast3A_393, %bitcast3A_394 : vector<32xbf16>
      %bitcast3A_396 = vector.bitcast %add3A_395 : vector<32xbf16> to vector<16xi32>
      %bitcast3A_397 = vector.bitcast %gather3A_350 : vector<16xi32> to vector<32xbf16>
      %bitcast3A_398 = vector.bitcast %gather3A_353 : vector<16xi32> to vector<32xbf16>
      %add3A_399 = arith.addf %bitcast3A_397, %bitcast3A_398 : vector<32xbf16>
      %bitcast3A_400 = vector.bitcast %add3A_399 : vector<32xbf16> to vector<16xi32>
      %bitcast3A_401 = vector.bitcast %gather3A_356 : vector<16xi32> to vector<32xbf16>
      %bitcast3A_402 = vector.bitcast %gather3A_359 : vector<16xi32> to vector<32xbf16>
      %add3A_403 = arith.addf %bitcast3A_401, %bitcast3A_402 : vector<32xbf16>
      %bitcast3A_404 = vector.bitcast %add3A_403 : vector<32xbf16> to vector<16xi32>
      %bitcast3A_405 = vector.bitcast %gather3A_362 : vector<16xi32> to vector<32xbf16>
      %bitcast3A_406 = vector.bitcast %gather3A_365 : vector<16xi32> to vector<32xbf16>
      %add3A_407 = arith.addf %bitcast3A_405, %bitcast3A_406 : vector<32xbf16>
      %bitcast3A_408 = vector.bitcast %add3A_407 : vector<32xbf16> to vector<16xi32>
      %bitcast3A_409 = vector.bitcast %gather3A_368 : vector<16xi32> to vector<32xbf16>
      %bitcast3A_410 = vector.bitcast %gather3A_371 : vector<16xi32> to vector<32xbf16>
      %add3A_411 = arith.addf %bitcast3A_409, %bitcast3A_410 : vector<32xbf16>
      %bitcast3A_412 = vector.bitcast %add3A_411 : vector<32xbf16> to vector<16xi32>
      %bitcast3A_413 = vector.bitcast %gather3A_374 : vector<16xi32> to vector<32xbf16>
      %bitcast3A_414 = vector.bitcast %gather3A_377 : vector<16xi32> to vector<32xbf16>
      %add3A_415 = arith.addf %bitcast3A_413, %bitcast3A_414 : vector<32xbf16>
      %bitcast3A_416 = vector.bitcast %add3A_415 : vector<32xbf16> to vector<16xi32>
      %shift_left3A = arith.constant 16 : i32
      %shift_left3A_417 = vector.broadcast %shift_left3A : i32 to vector<16xi32>
      %shift_left3A_418 = arith.shli %bitcast3A_380, %shift_left3A_417 : vector<16xi32>
      %bitcast3A_419 = vector.bitcast %shift_left3A_418 : vector<16xi32> to vector<16xf32>
      %shift_left3A_420 = arith.constant 16 : i32
      %shift_left3A_421 = vector.broadcast %shift_left3A_420 : i32 to vector<16xi32>
      %shift_left3A_422 = arith.shli %bitcast3A_384, %shift_left3A_421 : vector<16xi32>
      %bitcast3A_423 = vector.bitcast %shift_left3A_422 : vector<16xi32> to vector<16xf32>
      %shift_left3A_424 = arith.constant 16 : i32
      %shift_left3A_425 = vector.broadcast %shift_left3A_424 : i32 to vector<16xi32>
      %shift_left3A_426 = arith.shli %bitcast3A_388, %shift_left3A_425 : vector<16xi32>
      %bitcast3A_427 = vector.bitcast %shift_left3A_426 : vector<16xi32> to vector<16xf32>
      %shift_left3A_428 = arith.constant 16 : i32
      %shift_left3A_429 = vector.broadcast %shift_left3A_428 : i32 to vector<16xi32>
      %shift_left3A_430 = arith.shli %bitcast3A_392, %shift_left3A_429 : vector<16xi32>
      %bitcast3A_431 = vector.bitcast %shift_left3A_430 : vector<16xi32> to vector<16xf32>
      %shift_left3A_432 = arith.constant 16 : i32
      %shift_left3A_433 = vector.broadcast %shift_left3A_432 : i32 to vector<16xi32>
      %shift_left3A_434 = arith.shli %bitcast3A_396, %shift_left3A_433 : vector<16xi32>
      %bitcast3A_435 = vector.bitcast %shift_left3A_434 : vector<16xi32> to vector<16xf32>
      %shift_left3A_436 = arith.constant 16 : i32
      %shift_left3A_437 = vector.broadcast %shift_left3A_436 : i32 to vector<16xi32>
      %shift_left3A_438 = arith.shli %bitcast3A_400, %shift_left3A_437 : vector<16xi32>
      %bitcast3A_439 = vector.bitcast %shift_left3A_438 : vector<16xi32> to vector<16xf32>
      %shift_left3A_440 = arith.constant 16 : i32
      %shift_left3A_441 = vector.broadcast %shift_left3A_440 : i32 to vector<16xi32>
      %shift_left3A_442 = arith.shli %bitcast3A_404, %shift_left3A_441 : vector<16xi32>
      %bitcast3A_443 = vector.bitcast %shift_left3A_442 : vector<16xi32> to vector<16xf32>
      %shift_left3A_444 = arith.constant 16 : i32
      %shift_left3A_445 = vector.broadcast %shift_left3A_444 : i32 to vector<16xi32>
      %shift_left3A_446 = arith.shli %bitcast3A_408, %shift_left3A_445 : vector<16xi32>
      %bitcast3A_447 = vector.bitcast %shift_left3A_446 : vector<16xi32> to vector<16xf32>
      %shift_left3A_448 = arith.constant 16 : i32
      %shift_left3A_449 = vector.broadcast %shift_left3A_448 : i32 to vector<16xi32>
      %shift_left3A_450 = arith.shli %bitcast3A_412, %shift_left3A_449 : vector<16xi32>
      %bitcast3A_451 = vector.bitcast %shift_left3A_450 : vector<16xi32> to vector<16xf32>
      %shift_left3A_452 = arith.constant 16 : i32
      %shift_left3A_453 = vector.broadcast %shift_left3A_452 : i32 to vector<16xi32>
      %shift_left3A_454 = arith.shli %bitcast3A_416, %shift_left3A_453 : vector<16xi32>
      %bitcast3A_455 = vector.bitcast %shift_left3A_454 : vector<16xi32> to vector<16xf32>
      %and3A_456 = arith.andi %bitcast3A_380, %broadcast_in_dim3A_22 : vector<16xi32>
      %bitcast3A_457 = vector.bitcast %and3A_456 : vector<16xi32> to vector<16xf32>
      %and3A_458 = arith.andi %bitcast3A_384, %broadcast_in_dim3A_22 : vector<16xi32>
      %bitcast3A_459 = vector.bitcast %and3A_458 : vector<16xi32> to vector<16xf32>
      %and3A_460 = arith.andi %bitcast3A_388, %broadcast_in_dim3A_22 : vector<16xi32>
      %bitcast3A_461 = vector.bitcast %and3A_460 : vector<16xi32> to vector<16xf32>
      %and3A_462 = arith.andi %bitcast3A_392, %broadcast_in_dim3A_22 : vector<16xi32>
      %bitcast3A_463 = vector.bitcast %and3A_462 : vector<16xi32> to vector<16xf32>
      %and3A_464 = arith.andi %bitcast3A_396, %broadcast_in_dim3A_22 : vector<16xi32>
      %bitcast3A_465 = vector.bitcast %and3A_464 : vector<16xi32> to vector<16xf32>
      %and3A_466 = arith.andi %bitcast3A_400, %broadcast_in_dim3A_22 : vector<16xi32>
      %bitcast3A_467 = vector.bitcast %and3A_466 : vector<16xi32> to vector<16xf32>
      %and3A_468 = arith.andi %bitcast3A_404, %broadcast_in_dim3A_22 : vector<16xi32>
      %bitcast3A_469 = vector.bitcast %and3A_468 : vector<16xi32> to vector<16xf32>
      %and3A_470 = arith.andi %bitcast3A_408, %broadcast_in_dim3A_22 : vector<16xi32>
      %bitcast3A_471 = vector.bitcast %and3A_470 : vector<16xi32> to vector<16xf32>
      %and3A_472 = arith.andi %bitcast3A_412, %broadcast_in_dim3A_22 : vector<16xi32>
      %bitcast3A_473 = vector.bitcast %and3A_472 : vector<16xi32> to vector<16xf32>
      %and3A_474 = arith.andi %bitcast3A_416, %broadcast_in_dim3A_22 : vector<16xi32>
      %bitcast3A_475 = vector.bitcast %and3A_474 : vector<16xi32> to vector<16xf32>
      %add3A_476 = arith.addf %bitcast3A_419, %bitcast3A_423 : vector<16xf32>
      %add3A_477 = arith.addf %bitcast3A_427, %bitcast3A_431 : vector<16xf32>
      %add3A_478 = arith.addf %bitcast3A_435, %bitcast3A_439 : vector<16xf32>
      %add3A_479 = arith.addf %bitcast3A_443, %bitcast3A_447 : vector<16xf32>
      %add3A_480 = arith.addf %bitcast3A_451, %bitcast3A_455 : vector<16xf32>
      %add3A_481 = arith.addf %add3A_476, %add3A_477 : vector<16xf32>
      %add3A_482 = arith.addf %add3A_478, %add3A_479 : vector<16xf32>
      %add3A_483 = arith.addf %add3A_481, %add3A_482 : vector<16xf32>
      %add3A_484 = arith.addf %add3A_483, %add3A_480 : vector<16xf32>
      %mul3A_485 = arith.mulf %add3A_484, %div3A_39 : vector<16xf32>
      %swap3A = arith.constant 0 : i32
      %swap3A_486 = arith.index_cast %swap3A : i32 to index
      %swap3A_487 = arith.index_cast %mul3A_33 : i32 to index
      %swap3A_488 = tpu.vector_load %arg9[%swap3A_486, %swap3A_487] {strides = array<i32>} : memref<32x512xf32, #tpu.memory_space<vmem>>, vector<16xf32>,
      tpu.vector_store %arg9[%swap3A_486, %swap3A_487], %mul3A_485 {strides = array<i32>} : memref<32x512xf32, #tpu.memory_space<vmem>>, vector<16xf32>,
      %add3A_489 = arith.addf %bitcast3A_457, %bitcast3A_459 : vector<16xf32>
      %add3A_490 = arith.addf %bitcast3A_461, %bitcast3A_463 : vector<16xf32>
      %add3A_491 = arith.addf %bitcast3A_465, %bitcast3A_467 : vector<16xf32>
      %add3A_492 = arith.addf %bitcast3A_469, %bitcast3A_471 : vector<16xf32>
      %add3A_493 = arith.addf %bitcast3A_473, %bitcast3A_475 : vector<16xf32>
      %add3A_494 = arith.addf %add3A_489, %add3A_490 : vector<16xf32>
      %add3A_495 = arith.addf %add3A_491, %add3A_492 : vector<16xf32>
      %add3A_496 = arith.addf %add3A_494, %add3A_495 : vector<16xf32>
      %add3A_497 = arith.addf %add3A_496, %add3A_493 : vector<16xf32>
      %mul3A_498 = arith.mulf %add3A_497, %div3A_39 : vector<16xf32>
      %swap3A_499 = arith.constant 1 : i32
      %swap3A_500 = arith.index_cast %swap3A_499 : i32 to index
      %swap3A_501 = arith.index_cast %mul3A_33 : i32 to index
      %swap3A_502 = tpu.vector_load %arg9[%swap3A_500, %swap3A_501] {strides = array<i32>} : memref<32x512xf32, #tpu.memory_space<vmem>>, vector<16xf32>,
      tpu.vector_store %arg9[%swap3A_500, %swap3A_501], %mul3A_498 {strides = array<i32>} : memref<32x512xf32, #tpu.memory_space<vmem>>, vector<16xf32>,
      %gather3A_503 = arith.constant 4224 : i32
      %gather3A_504 = tpu.memref_slice %arg8[%gather3A_503] : memref<67584xi32, #tpu.memory_space<vmem>> -> memref<4224xi32, #tpu.memory_space<vmem>>
      %gather3A_505 = tpu.vector_load_idx %gather3A_504[%add3A_52] : memref<4224xi32, #tpu.memory_space<vmem>>[vector<16xi32>], vector<16xi32>,
      %gather3A_506 = arith.constant 4224 : i32
      %gather3A_507 = tpu.memref_slice %arg8[%gather3A_506] : memref<67584xi32, #tpu.memory_space<vmem>> -> memref<4224xi32, #tpu.memory_space<vmem>>
      %gather3A_508 = tpu.vector_load_idx %gather3A_507[%add3A_66] : memref<4224xi32, #tpu.memory_space<vmem>>[vector<16xi32>], vector<16xi32>,
      %gather3A_509 = arith.constant 4224 : i32
      %gather3A_510 = tpu.memref_slice %arg8[%gather3A_509] : memref<67584xi32, #tpu.memory_space<vmem>> -> memref<4224xi32, #tpu.memory_space<vmem>>
      %gather3A_511 = tpu.vector_load_idx %gather3A_510[%add3A_80] : memref<4224xi32, #tpu.memory_space<vmem>>[vector<16xi32>], vector<16xi32>,
      %gather3A_512 = arith.constant 4224 : i32
      %gather3A_513 = tpu.memref_slice %arg8[%gather3A_512] : memref<67584xi32, #tpu.memory_space<vmem>> -> memref<4224xi32, #tpu.memory_space<vmem>>
      %gather3A_514 = tpu.vector_load_idx %gather3A_513[%add3A_94] : memref<4224xi32, #tpu.memory_space<vmem>>[vector<16xi32>], vector<16xi32>,
      %gather3A_515 = arith.constant 4224 : i32
      %gather3A_516 = tpu.memref_slice %arg8[%gather3A_515] : memref<67584xi32, #tpu.memory_space<vmem>> -> memref<4224xi32, #tpu.memory_space<vmem>>
      %gather3A_517 = tpu.vector_load_idx %gather3A_516[%add3A_108] : memref<4224xi32, #tpu.memory_space<vmem>>[vector<16xi32>], vector<16xi32>,
      %gather3A_518 = arith.constant 4224 : i32
      %gather3A_519 = tpu.memref_slice %arg8[%gather3A_518] : memref<67584xi32, #tpu.memory_space<vmem>> -> memref<4224xi32, #tpu.memory_space<vmem>>
      %gather3A_520 = tpu.vector_load_idx %gather3A_519[%add3A_122] : memref<4224xi32, #tpu.memory_space<vmem>>[vector<16xi32>], vector<16xi32>,
      %gather3A_521 = arith.constant 4224 : i32
      %gather3A_522 = tpu.memref_slice %arg8[%gather3A_521] : memref<67584xi32, #tpu.memory_space<vmem>> -> memref<4224xi32, #tpu.memory_space<vmem>>
      %gather3A_523 = tpu.vector_load_idx %gather3A_522[%add3A_136] : memref<4224xi32, #tpu.memory_space<vmem>>[vector<16xi32>], vector<16xi32>,
      %gather3A_524 = arith.constant 4224 : i32
      %gather3A_525 = tpu.memref_slice %arg8[%gather3A_524] : memref<67584xi32, #tpu.memory_space<vmem>> -> memref<4224xi32, #tpu.memory_space<vmem>>
      %gather3A_526 = tpu.vector_load_idx %gather3A_525[%add3A_150] : memref<4224xi32, #tpu.memory_space<vmem>>[vector<16xi32>], vector<16xi32>,
      %gather3A_527 = arith.constant 4224 : i32
      %gather3A_528 = tpu.memref_slice %arg8[%gather3A_527] : memref<67584xi32, #tpu.memory_space<vmem>> -> memref<4224xi32, #tpu.memory_space<vmem>>
      %gather3A_529 = tpu.vector_load_idx %gather3A_528[%add3A_164] : memref<4224xi32, #tpu.memory_space<vmem>>[vector<16xi32>], vector<16xi32>,
      %gather3A_530 = arith.constant 4224 : i32
      %gather3A_531 = tpu.memref_slice %arg8[%gather3A_530] : memref<67584xi32, #tpu.memory_space<vmem>> -> memref<4224xi32, #tpu.memory_space<vmem>>
      %gather3A_532 = tpu.vector_load_idx %gather3A_531[%add3A_178] : memref<4224xi32, #tpu.memory_space<vmem>>[vector<16xi32>], vector<16xi32>,
      %gather3A_533 = arith.constant 4224 : i32
      %gather3A_534 = tpu.memref_slice %arg8[%gather3A_533] : memref<67584xi32, #tpu.memory_space<vmem>> -> memref<4224xi32, #tpu.memory_space<vmem>>
      %gather3A_535 = tpu.vector_load_idx %gather3A_534[%add3A_192] : memref<4224xi32, #tpu.memory_space<vmem>>[vector<16xi32>], vector<16xi32>,
      %gather3A_536 = arith.constant 4224 : i32
      %gather3A_537 = tpu.memref_slice %arg8[%gather3A_536] : memref<67584xi32, #tpu.memory_space<vmem>> -> memref<4224xi32, #tpu.memory_space<vmem>>
      %gather3A_538 = tpu.vector_load_idx %gather3A_537[%add3A_206] : memref<4224xi32, #tpu.memory_space<vmem>>[vector<16xi32>], vector<16xi32>,
      %gather3A_539 = arith.constant 4224 : i32
      %gather3A_540 = tpu.memref_slice %arg8[%gather3A_539] : memref<67584xi32, #tpu.memory_space<vmem>> -> memref<4224xi32, #tpu.memory_space<vmem>>
      %gather3A_541 = tpu.vector_load_idx %gather3A_540[%add3A_220] : memref<4224xi32, #tpu.memory_space<vmem>>[vector<16xi32>], vector<16xi32>,
      %gather3A_542 = arith.constant 4224 : i32
      %gather3A_543 = tpu.memref_slice %arg8[%gather3A_542] : memref<67584xi32, #tpu.memory_space<vmem>> -> memref<4224xi32, #tpu.memory_space<vmem>>
      %gather3A_544 = tpu.vector_load_idx %gather3A_543[%add3A_234] : memref<4224xi32, #tpu.memory_space<vmem>>[vector<16xi32>], vector<16xi32>,
      %gather3A_545 = arith.constant 4224 : i32
      %gather3A_546 = tpu.memref_slice %arg8[%gather3A_545] : memref<67584xi32, #tpu.memory_space<vmem>> -> memref<4224xi32, #tpu.memory_space<vmem>>
      %gather3A_547 = tpu.vector_load_idx %gather3A_546[%add3A_248] : memref<4224xi32, #tpu.memory_space<vmem>>[vector<16xi32>], vector<16xi32>,
      %gather3A_548 = arith.constant 4224 : i32
      %gather3A_549 = tpu.memref_slice %arg8[%gather3A_548] : memref<67584xi32, #tpu.memory_space<vmem>> -> memref<4224xi32, #tpu.memory_space<vmem>>
      %gather3A_550 = tpu.vector_load_idx %gather3A_549[%add3A_262] : memref<4224xi32, #tpu.memory_space<vmem>>[vector<16xi32>], vector<16xi32>,
      %gather3A_551 = arith.constant 4224 : i32
      %gather3A_552 = tpu.memref_slice %arg8[%gather3A_551] : memref<67584xi32, #tpu.memory_space<vmem>> -> memref<4224xi32, #tpu.memory_space<vmem>>
      %gather3A_553 = tpu.vector_load_idx %gather3A_552[%add3A_276] : memref<4224xi32, #tpu.memory_space<vmem>>[vector<16xi32>], vector<16xi32>,
      %gather3A_554 = arith.constant 4224 : i32
      %gather3A_555 = tpu.memref_slice %arg8[%gather3A_554] : memref<67584xi32, #tpu.memory_space<vmem>> -> memref<4224xi32, #tpu.memory_space<vmem>>
      %gather3A_556 = tpu.vector_load_idx %gather3A_555[%add3A_290] : memref<4224xi32, #tpu.memory_space<vmem>>[vector<16xi32>], vector<16xi32>,
      %gather3A_557 = arith.constant 4224 : i32
      %gather3A_558 = tpu.memref_slice %arg8[%gather3A_557] : memref<67584xi32, #tpu.memory_space<vmem>> -> memref<4224xi32, #tpu.memory_space<vmem>>
      %gather3A_559 = tpu.vector_load_idx %gather3A_558[%add3A_304] : memref<4224xi32, #tpu.memory_space<vmem>>[vector<16xi32>], vector<16xi32>,
      %gather3A_560 = arith.constant 4224 : i32
      %gather3A_561 = tpu.memref_slice %arg8[%gather3A_560] : memref<67584xi32, #tpu.memory_space<vmem>> -> memref<4224xi32, #tpu.memory_space<vmem>>
      %gather3A_562 = tpu.vector_load_idx %gather3A_561[%add3A_318] : memref<4224xi32, #tpu.memory_space<vmem>>[vector<16xi32>], vector<16xi32>,
      %bitcast3A_563 = vector.bitcast %gather3A_505 : vector<16xi32> to vector<32xbf16>
      %bitcast3A_564 = vector.bitcast %gather3A_508 : vector<16xi32> to vector<32xbf16>
      %add3A_565 = arith.addf %bitcast3A_563, %bitcast3A_564 : vector<32xbf16>
      %bitcast3A_566 = vector.bitcast %add3A_565 : vector<32xbf16> to vector<16xi32>
      %bitcast3A_567 = vector.bitcast %gather3A_511 : vector<16xi32> to vector<32xbf16>
      %bitcast3A_568 = vector.bitcast %gather3A_514 : vector<16xi32> to vector<32xbf16>
      %add3A_569 = arith.addf %bitcast3A_567, %bitcast3A_568 : vector<32xbf16>
      %bitcast3A_570 = vector.bitcast %add3A_569 : vector<32xbf16> to vector<16xi32>
      %bitcast3A_571 = vector.bitcast %gather3A_517 : vector<16xi32> to vector<32xbf16>
      %bitcast3A_572 = vector.bitcast %gather3A_520 : vector<16xi32> to vector<32xbf16>
      %add3A_573 = arith.addf %bitcast3A_571, %bitcast3A_572 : vector<32xbf16>
      %bitcast3A_574 = vector.bitcast %add3A_573 : vector<32xbf16> to vector<16xi32>
      %bitcast3A_575 = vector.bitcast %gather3A_523 : vector<16xi32> to vector<32xbf16>
      %bitcast3A_576 = vector.bitcast %gather3A_526 : vector<16xi32> to vector<32xbf16>
      %add3A_577 = arith.addf %bitcast3A_575, %bitcast3A_576 : vector<32xbf16>
      %bitcast3A_578 = vector.bitcast %add3A_577 : vector<32xbf16> to vector<16xi32>
      %bitcast3A_579 = vector.bitcast %gather3A_529 : vector<16xi32> to vector<32xbf16>
      %bitcast3A_580 = vector.bitcast %gather3A_532 : vector<16xi32> to vector<32xbf16>
      %add3A_581 = arith.addf %bitcast3A_579, %bitcast3A_580 : vector<32xbf16>
      %bitcast3A_582 = vector.bitcast %add3A_581 : vector<32xbf16> to vector<16xi32>
      %bitcast3A_583 = vector.bitcast %gather3A_535 : vector<16xi32> to vector<32xbf16>
      %bitcast3A_584 = vector.bitcast %gather3A_538 : vector<16xi32> to vector<32xbf16>
      %add3A_585 = arith.addf %bitcast3A_583, %bitcast3A_584 : vector<32xbf16>
      %bitcast3A_586 = vector.bitcast %add3A_585 : vector<32xbf16> to vector<16xi32>
      %bitcast3A_587 = vector.bitcast %gather3A_541 : vector<16xi32> to vector<32xbf16>
      %bitcast3A_588 = vector.bitcast %gather3A_544 : vector<16xi32> to vector<32xbf16>
      %add3A_589 = arith.addf %bitcast3A_587, %bitcast3A_588 : vector<32xbf16>
      %bitcast3A_590 = vector.bitcast %add3A_589 : vector<32xbf16> to vector<16xi32>
      %bitcast3A_591 = vector.bitcast %gather3A_547 : vector<16xi32> to vector<32xbf16>
      %bitcast3A_592 = vector.bitcast %gather3A_550 : vector<16xi32> to vector<32xbf16>
      %add3A_593 = arith.addf %bitcast3A_591, %bitcast3A_592 : vector<32xbf16>
      %bitcast3A_594 = vector.bitcast %add3A_593 : vector<32xbf16> to vector<16xi32>
      %bitcast3A_595 = vector.bitcast %gather3A_553 : vector<16xi32> to vector<32xbf16>
      %bitcast3A_596 = vector.bitcast %gather3A_556 : vector<16xi32> to vector<32xbf16>
      %add3A_597 = arith.addf %bitcast3A_595, %bitcast3A_596 : vector<32xbf16>
      %bitcast3A_598 = vector.bitcast %add3A_597 : vector<32xbf16> to vector<16xi32>
      %bitcast3A_599 = vector.bitcast %gather3A_559 : vector<16xi32> to vector<32xbf16>
      %bitcast3A_600 = vector.bitcast %gather3A_562 : vector<16xi32> to vector<32xbf16>
      %add3A_601 = arith.addf %bitcast3A_599, %bitcast3A_600 : vector<32xbf16>
      %bitcast3A_602 = vector.bitcast %add3A_601 : vector<32xbf16> to vector<16xi32>
      %shift_left3A_603 = arith.constant 16 : i32
      %shift_left3A_604 = vector.broadcast %shift_left3A_603 : i32 to vector<16xi32>
      %shift_left3A_605 = arith.shli %bitcast3A_566, %shift_left3A_604 : vector<16xi32>
      %bitcast3A_606 = vector.bitcast %shift_left3A_605 : vector<16xi32> to vector<16xf32>
      %shift_left3A_607 = arith.constant 16 : i32
      %shift_left3A_608 = vector.broadcast %shift_left3A_607 : i32 to vector<16xi32>
      %shift_left3A_609 = arith.shli %bitcast3A_570, %shift_left3A_608 : vector<16xi32>
      %bitcast3A_610 = vector.bitcast %shift_left3A_609 : vector<16xi32> to vector<16xf32>
      %shift_left3A_611 = arith.constant 16 : i32
      %shift_left3A_612 = vector.broadcast %shift_left3A_611 : i32 to vector<16xi32>
      %shift_left3A_613 = arith.shli %bitcast3A_574, %shift_left3A_612 : vector<16xi32>
      %bitcast3A_614 = vector.bitcast %shift_left3A_613 : vector<16xi32> to vector<16xf32>
      %shift_left3A_615 = arith.constant 16 : i32
      %shift_left3A_616 = vector.broadcast %shift_left3A_615 : i32 to vector<16xi32>
      %shift_left3A_617 = arith.shli %bitcast3A_578, %shift_left3A_616 : vector<16xi32>
      %bitcast3A_618 = vector.bitcast %shift_left3A_617 : vector<16xi32> to vector<16xf32>
      %shift_left3A_619 = arith.constant 16 : i32
      %shift_left3A_620 = vector.broadcast %shift_left3A_619 : i32 to vector<16xi32>
      %shift_left3A_621 = arith.shli %bitcast3A_582, %shift_left3A_620 : vector<16xi32>
      %bitcast3A_622 = vector.bitcast %shift_left3A_621 : vector<16xi32> to vector<16xf32>
      %shift_left3A_623 = arith.constant 16 : i32
      %shift_left3A_624 = vector.broadcast %shift_left3A_623 : i32 to vector<16xi32>
      %shift_left3A_625 = arith.shli %bitcast3A_586, %shift_left3A_624 : vector<16xi32>
      %bitcast3A_626 = vector.bitcast %shift_left3A_625 : vector<16xi32> to vector<16xf32>
      %shift_left3A_627 = arith.constant 16 : i32
      %shift_left3A_628 = vector.broadcast %shift_left3A_627 : i32 to vector<16xi32>
      %shift_left3A_629 = arith.shli %bitcast3A_590, %shift_left3A_628 : vector<16xi32>
      %bitcast3A_630 = vector.bitcast %shift_left3A_629 : vector<16xi32> to vector<16xf32>
      %shift_left3A_631 = arith.constant 16 : i32
      %shift_left3A_632 = vector.broadcast %shift_left3A_631 : i32 to vector<16xi32>
      %shift_left3A_633 = arith.shli %bitcast3A_594, %shift_left3A_632 : vector<16xi32>
      %bitcast3A_634 = vector.bitcast %shift_left3A_633 : vector<16xi32> to vector<16xf32>
      %shift_left3A_635 = arith.constant 16 : i32
      %shift_left3A_636 = vector.broadcast %shift_left3A_635 : i32 to vector<16xi32>
      %shift_left3A_637 = arith.shli %bitcast3A_598, %shift_left3A_636 : vector<16xi32>
      %bitcast3A_638 = vector.bitcast %shift_left3A_637 : vector<16xi32> to vector<16xf32>
      %shift_left3A_639 = arith.constant 16 : i32
      %shift_left3A_640 = vector.broadcast %shift_left3A_639 : i32 to vector<16xi32>
      %shift_left3A_641 = arith.shli %bitcast3A_602, %shift_left3A_640 : vector<16xi32>
      %bitcast3A_642 = vector.bitcast %shift_left3A_641 : vector<16xi32> to vector<16xf32>
      %and3A_643 = arith.andi %bitcast3A_566, %broadcast_in_dim3A_22 : vector<16xi32>
      %bitcast3A_644 = vector.bitcast %and3A_643 : vector<16xi32> to vector<16xf32>
      %and3A_645 = arith.andi %bitcast3A_570, %broadcast_in_dim3A_22 : vector<16xi32>
      %bitcast3A_646 = vector.bitcast %and3A_645 : vector<16xi32> to vector<16xf32>
      %and3A_647 = arith.andi %bitcast3A_574, %broadcast_in_dim3A_22 : vector<16xi32>
      %bitcast3A_648 = vector.bitcast %and3A_647 : vector<16xi32> to vector<16xf32>
      %and3A_649 = arith.andi %bitcast3A_578, %broadcast_in_dim3A_22 : vector<16xi32>
      %bitcast3A_650 = vector.bitcast %and3A_649 : vector<16xi32> to vector<16xf32>
      %and3A_651 = arith.andi %bitcast3A_582, %broadcast_in_dim3A_22 : vector<16xi32>
      %bitcast3A_652 = vector.bitcast %and3A_651 : vector<16xi32> to vector<16xf32>
      %and3A_653 = arith.andi %bitcast3A_586, %broadcast_in_dim3A_22 : vector<16xi32>
      %bitcast3A_654 = vector.bitcast %and3A_653 : vector<16xi32> to vector<16xf32>
      %and3A_655 = arith.andi %bitcast3A_590, %broadcast_in_dim3A_22 : vector<16xi32>
      %bitcast3A_656 = vector.bitcast %and3A_655 : vector<16xi32> to vector<16xf32>
      %and3A_657 = arith.andi %bitcast3A_594, %broadcast_in_dim3A_22 : vector<16xi32>
      %bitcast3A_658 = vector.bitcast %and3A_657 : vector<16xi32> to vector<16xf32>
      %and3A_659 = arith.andi %bitcast3A_598, %broadcast_in_dim3A_22 : vector<16xi32>
      %bitcast3A_660 = vector.bitcast %and3A_659 : vector<16xi32> to vector<16xf32>
      %and3A_661 = arith.andi %bitcast3A_602, %broadcast_in_dim3A_22 : vector<16xi32>
      %bitcast3A_662 = vector.bitcast %and3A_661 : vector<16xi32> to vector<16xf32>
      %add3A_663 = arith.addf %bitcast3A_606, %bitcast3A_610 : vector<16xf32>
      %add3A_664 = arith.addf %bitcast3A_614, %bitcast3A_618 : vector<16xf32>
      %add3A_665 = arith.addf %bitcast3A_622, %bitcast3A_626 : vector<16xf32>
      %add3A_666 = arith.addf %bitcast3A_630, %bitcast3A_634 : vector<16xf32>
      %add3A_667 = arith.addf %bitcast3A_638, %bitcast3A_642 : vector<16xf32>
      %add3A_668 = arith.addf %add3A_663, %add3A_664 : vector<16xf32>
      %add3A_669 = arith.addf %add3A_665, %add3A_666 : vector<16xf32>
      %add3A_670 = arith.addf %add3A_668, %add3A_669 : vector<16xf32>
      %add3A_671 = arith.addf %add3A_670, %add3A_667 : vector<16xf32>
      %mul3A_672 = arith.mulf %add3A_671, %div3A_39 : vector<16xf32>
      %swap3A_673 = arith.constant 2 : i32
      %swap3A_674 = arith.index_cast %swap3A_673 : i32 to index
      %swap3A_675 = arith.index_cast %mul3A_33 : i32 to index
      %swap3A_676 = tpu.vector_load %arg9[%swap3A_674, %swap3A_675] {strides = array<i32>} : memref<32x512xf32, #tpu.memory_space<vmem>>, vector<16xf32>,
      tpu.vector_store %arg9[%swap3A_674, %swap3A_675], %mul3A_672 {strides = array<i32>} : memref<32x512xf32, #tpu.memory_space<vmem>>, vector<16xf32>,
      %add3A_677 = arith.addf %bitcast3A_644, %bitcast3A_646 : vector<16xf32>
      %add3A_678 = arith.addf %bitcast3A_648, %bitcast3A_650 : vector<16xf32>
      %add3A_679 = arith.addf %bitcast3A_652, %bitcast3A_654 : vector<16xf32>
      %add3A_680 = arith.addf %bitcast3A_656, %bitcast3A_658 : vector<16xf32>
      %add3A_681 = arith.addf %bitcast3A_660, %bitcast3A_662 : vector<16xf32>
      %add3A_682 = arith.addf %add3A_677, %add3A_678 : vector<16xf32>
      %add3A_683 = arith.addf %add3A_679, %add3A_680 : vector<16xf32>
      %add3A_684 = arith.addf %add3A_682, %add3A_683 : vector<16xf32>
      %add3A_685 = arith.addf %add3A_684, %add3A_681 : vector<16xf32>
      %mul3A_686 = arith.mulf %add3A_685, %div3A_39 : vector<16xf32>
      %swap3A_687 = arith.constant 3 : i32
      %swap3A_688 = arith.index_cast %swap3A_687 : i32 to index
      %swap3A_689 = arith.index_cast %mul3A_33 : i32 to index
      %swap3A_690 = tpu.vector_load %arg9[%swap3A_688, %swap3A_689] {strides = array<i32>} : memref<32x512xf32, #tpu.memory_space<vmem>>, vector<16xf32>,
      tpu.vector_store %arg9[%swap3A_688, %swap3A_689], %mul3A_686 {strides = array<i32>} : memref<32x512xf32, #tpu.memory_space<vmem>>, vector<16xf32>,
      %gather3A_691 = arith.constant 8448 : i32
      %gather3A_692 = tpu.memref_slice %arg8[%gather3A_691] : memref<67584xi32, #tpu.memory_space<vmem>> -> memref<4224xi32, #tpu.memory_space<vmem>>
      %gather3A_693 = tpu.vector_load_idx %gather3A_692[%add3A_52] : memref<4224xi32, #tpu.memory_space<vmem>>[vector<16xi32>], vector<16xi32>,
      %gather3A_694 = arith.constant 8448 : i32
      %gather3A_695 = tpu.memref_slice %arg8[%gather3A_694] : memref<67584xi32, #tpu.memory_space<vmem>> -> memref<4224xi32, #tpu.memory_space<vmem>>
      %gather3A_696 = tpu.vector_load_idx %gather3A_695[%add3A_66] : memref<4224xi32, #tpu.memory_space<vmem>>[vector<16xi32>], vector<16xi32>,
      %gather3A_697 = arith.constant 8448 : i32
      %gather3A_698 = tpu.memref_slice %arg8[%gather3A_697] : memref<67584xi32, #tpu.memory_space<vmem>> -> memref<4224xi32, #tpu.memory_space<vmem>>
      %gather3A_699 = tpu.vector_load_idx %gather3A_698[%add3A_80] : memref<4224xi32, #tpu.memory_space<vmem>>[vector<16xi32>], vector<16xi32>,
      %gather3A_700 = arith.constant 8448 : i32
      %gather3A_701 = tpu.memref_slice %arg8[%gather3A_700] : memref<67584xi32, #tpu.memory_space<vmem>> -> memref<4224xi32, #tpu.memory_space<vmem>>
      %gather3A_702 = tpu.vector_load_idx %gather3A_701[%add3A_94] : memref<4224xi32, #tpu.memory_space<vmem>>[vector<16xi32>], vector<16xi32>,
      %gather3A_703 = arith.constant 8448 : i32
      %gather3A_704 = tpu.memref_slice %arg8[%gather3A_703] : memref<67584xi32, #tpu.memory_space<vmem>> -> memref<4224xi32, #tpu.memory_space<vmem>>
      %gather3A_705 = tpu.vector_load_idx %gather3A_704[%add3A_108] : memref<4224xi32, #tpu.memory_space<vmem>>[vector<16xi32>], vector<16xi32>,
      %gather3A_706 = arith.constant 8448 : i32
      %gather3A_707 = tpu.memref_slice %arg8[%gather3A_706] : memref<67584xi32, #tpu.memory_space<vmem>> -> memref<4224xi32, #tpu.memory_space<vmem>>
      %gather3A_708 = tpu.vector_load_idx %gather3A_707[%add3A_122] : memref<4224xi32, #tpu.memory_space<vmem>>[vector<16xi32>], vector<16xi32>,
      %gather3A_709 = arith.constant 8448 : i32
      %gather3A_710 = tpu.memref_slice %arg8[%gather3A_709] : memref<67584xi32, #tpu.memory_space<vmem>> -> memref<4224xi32, #tpu.memory_space<vmem>>
      %gather3A_711 = tpu.vector_load_idx %gather3A_710[%add3A_136] : memref<4224xi32, #tpu.memory_space<vmem>>[vector<16xi32>], vector<16xi32>,
      %gather3A_712 = arith.constant 8448 : i32
      %gather3A_713 = tpu.memref_slice %arg8[%gather3A_712] : memref<67584xi32, #tpu.memory_space<vmem>> -> memref<4224xi32, #tpu.memory_space<vmem>>
      %gather3A_714 = tpu.vector_load_idx %gather3A_713[%add3A_150] : memref<4224xi32, #tpu.memory_space<vmem>>[vector<16xi32>], vector<16xi32>,
      %gather3A_715 = arith.constant 8448 : i32
      %gather3A_716 = tpu.memref_slice %arg8[%gather3A_715] : memref<67584xi32, #tpu.memory_space<vmem>> -> memref<4224xi32, #tpu.memory_space<vmem>>
      %gather3A_717 = tpu.vector_load_idx %gather3A_716[%add3A_164] : memref<4224xi32, #tpu.memory_space<vmem>>[vector<16xi32>], vector<16xi32>,
      %gather3A_718 = arith.constant 8448 : i32
      %gather3A_719 = tpu.memref_slice %arg8[%gather3A_718] : memref<67584xi32, #tpu.memory_space<vmem>> -> memref<4224xi32, #tpu.memory_space<vmem>>
      %gather3A_720 = tpu.vector_load_idx %gather3A_719[%add3A_178] : memref<4224xi32, #tpu.memory_space<vmem>>[vector<16xi32>], vector<16xi32>,
      %gather3A_721 = arith.constant 8448 : i32
      %gather3A_722 = tpu.memref_slice %arg8[%gather3A_721] : memref<67584xi32, #tpu.memory_space<vmem>> -> memref<4224xi32, #tpu.memory_space<vmem>>
      %gather3A_723 = tpu.vector_load_idx %gather3A_722[%add3A_192] : memref<4224xi32, #tpu.memory_space<vmem>>[vector<16xi32>], vector<16xi32>,
      %gather3A_724 = arith.constant 8448 : i32
      %gather3A_725 = tpu.memref_slice %arg8[%gather3A_724] : memref<67584xi32, #tpu.memory_space<vmem>> -> memref<4224xi32, #tpu.memory_space<vmem>>
      %gather3A_726 = tpu.vector_load_idx %gather3A_725[%add3A_206] : memref<4224xi32, #tpu.memory_space<vmem>>[vector<16xi32>], vector<16xi32>,
      %gather3A_727 = arith.constant 8448 : i32
      %gather3A_728 = tpu.memref_slice %arg8[%gather3A_727] : memref<67584xi32, #tpu.memory_space<vmem>> -> memref<4224xi32, #tpu.memory_space<vmem>>
      %gather3A_729 = tpu.vector_load_idx %gather3A_728[%add3A_220] : memref<4224xi32, #tpu.memory_space<vmem>>[vector<16xi32>], vector<16xi32>,
      %gather3A_730 = arith.constant 8448 : i32
      %gather3A_731 = tpu.memref_slice %arg8[%gather3A_730] : memref<67584xi32, #tpu.memory_space<vmem>> -> memref<4224xi32, #tpu.memory_space<vmem>>
      %gather3A_732 = tpu.vector_load_idx %gather3A_731[%add3A_234] : memref<4224xi32, #tpu.memory_space<vmem>>[vector<16xi32>], vector<16xi32>,
      %gather3A_733 = arith.constant 8448 : i32
      %gather3A_734 = tpu.memref_slice %arg8[%gather3A_733] : memref<67584xi32, #tpu.memory_space<vmem>> -> memref<4224xi32, #tpu.memory_space<vmem>>
      %gather3A_735 = tpu.vector_load_idx %gather3A_734[%add3A_248] : memref<4224xi32, #tpu.memory_space<vmem>>[vector<16xi32>], vector<16xi32>,
      %gather3A_736 = arith.constant 8448 : i32
      %gather3A_737 = tpu.memref_slice %arg8[%gather3A_736] : memref<67584xi32, #tpu.memory_space<vmem>> -> memref<4224xi32, #tpu.memory_space<vmem>>
      %gather3A_738 = tpu.vector_load_idx %gather3A_737[%add3A_262] : memref<4224xi32, #tpu.memory_space<vmem>>[vector<16xi32>], vector<16xi32>,
      %gather3A_739 = arith.constant 8448 : i32
      %gather3A_740 = tpu.memref_slice %arg8[%gather3A_739] : memref<67584xi32, #tpu.memory_space<vmem>> -> memref<4224xi32, #tpu.memory_space<vmem>>
      %gather3A_741 = tpu.vector_load_idx %gather3A_740[%add3A_276] : memref<4224xi32, #tpu.memory_space<vmem>>[vector<16xi32>], vector<16xi32>,
      %gather3A_742 = arith.constant 8448 : i32
      %gather3A_743 = tpu.memref_slice %arg8[%gather3A_742] : memref<67584xi32, #tpu.memory_space<vmem>> -> memref<4224xi32, #tpu.memory_space<vmem>>
      %gather3A_744 = tpu.vector_load_idx %gather3A_743[%add3A_290] : memref<4224xi32, #tpu.memory_space<vmem>>[vector<16xi32>], vector<16xi32>,
      %gather3A_745 = arith.constant 8448 : i32
      %gather3A_746 = tpu.memref_slice %arg8[%gather3A_745] : memref<67584xi32, #tpu.memory_space<vmem>> -> memref<4224xi32, #tpu.memory_space<vmem>>
      %gather3A_747 = tpu.vector_load_idx %gather3A_746[%add3A_304] : memref<4224xi32, #tpu.memory_space<vmem>>[vector<16xi32>], vector<16xi32>,
      %gather3A_748 = arith.constant 8448 : i32
      %gather3A_749 = tpu.memref_slice %arg8[%gather3A_748] : memref<67584xi32, #tpu.memory_space<vmem>> -> memref<4224xi32, #tpu.memory_space<vmem>>
      %gather3A_750 = tpu.vector_load_idx %gather3A_749[%add3A_318] : memref<4224xi32, #tpu.memory_space<vmem>>[vector<16xi32>], vector<16xi32>,
      %bitcast3A_751 = vector.bitcast %gather3A_693 : vector<16xi32> to vector<32xbf16>
      %bitcast3A_752 = vector.bitcast %gather3A_696 : vector<16xi32> to vector<32xbf16>
      %add3A_753 = arith.addf %bitcast3A_751, %bitcast3A_752 : vector<32xbf16>
      %bitcast3A_754 = vector.bitcast %add3A_753 : vector<32xbf16> to vector<16xi32>
      %bitcast3A_755 = vector.bitcast %gather3A_699 : vector<16xi32> to vector<32xbf16>
      %bitcast3A_756 = vector.bitcast %gather3A_702 : vector<16xi32> to vector<32xbf16>
      %add3A_757 = arith.addf %bitcast3A_755, %bitcast3A_756 : vector<32xbf16>
      %bitcast3A_758 = vector.bitcast %add3A_757 : vector<32xbf16> to vector<16xi32>
      %bitcast3A_759 = vector.bitcast %gather3A_705 : vector<16xi32> to vector<32xbf16>
      %bitcast3A_760 = vector.bitcast %gather3A_708 : vector<16xi32> to vector<32xbf16>
      %add3A_761 = arith.addf %bitcast3A_759, %bitcast3A_760 : vector<32xbf16>
      %bitcast3A_762 = vector.bitcast %add3A_761 : vector<32xbf16> to vector<16xi32>
      %bitcast3A_763 = vector.bitcast %gather3A_711 : vector<16xi32> to vector<32xbf16>
      %bitcast3A_764 = vector.bitcast %gather3A_714 : vector<16xi32> to vector<32xbf16>
      %add3A_765 = arith.addf %bitcast3A_763, %bitcast3A_764 : vector<32xbf16>
      %bitcast3A_766 = vector.bitcast %add3A_765 : vector<32xbf16> to vector<16xi32>
      %bitcast3A_767 = vector.bitcast %gather3A_717 : vector<16xi32> to vector<32xbf16>
      %bitcast3A_768 = vector.bitcast %gather3A_720 : vector<16xi32> to vector<32xbf16>
      %add3A_769 = arith.addf %bitcast3A_767, %bitcast3A_768 : vector<32xbf16>
      %bitcast3A_770 = vector.bitcast %add3A_769 : vector<32xbf16> to vector<16xi32>
      %bitcast3A_771 = vector.bitcast %gather3A_723 : vector<16xi32> to vector<32xbf16>
      %bitcast3A_772 = vector.bitcast %gather3A_726 : vector<16xi32> to vector<32xbf16>
      %add3A_773 = arith.addf %bitcast3A_771, %bitcast3A_772 : vector<32xbf16>
      %bitcast3A_774 = vector.bitcast %add3A_773 : vector<32xbf16> to vector<16xi32>
      %bitcast3A_775 = vector.bitcast %gather3A_729 : vector<16xi32> to vector<32xbf16>
      %bitcast3A_776 = vector.bitcast %gather3A_732 : vector<16xi32> to vector<32xbf16>
      %add3A_777 = arith.addf %bitcast3A_775, %bitcast3A_776 : vector<32xbf16>
      %bitcast3A_778 = vector.bitcast %add3A_777 : vector<32xbf16> to vector<16xi32>
      %bitcast3A_779 = vector.bitcast %gather3A_735 : vector<16xi32> to vector<32xbf16>
      %bitcast3A_780 = vector.bitcast %gather3A_738 : vector<16xi32> to vector<32xbf16>
      %add3A_781 = arith.addf %bitcast3A_779, %bitcast3A_780 : vector<32xbf16>
      %bitcast3A_782 = vector.bitcast %add3A_781 : vector<32xbf16> to vector<16xi32>
      %bitcast3A_783 = vector.bitcast %gather3A_741 : vector<16xi32> to vector<32xbf16>
      %bitcast3A_784 = vector.bitcast %gather3A_744 : vector<16xi32> to vector<32xbf16>
      %add3A_785 = arith.addf %bitcast3A_783, %bitcast3A_784 : vector<32xbf16>
      %bitcast3A_786 = vector.bitcast %add3A_785 : vector<32xbf16> to vector<16xi32>
      %bitcast3A_787 = vector.bitcast %gather3A_747 : vector<16xi32> to vector<32xbf16>
      %bitcast3A_788 = vector.bitcast %gather3A_750 : vector<16xi32> to vector<32xbf16>
      %add3A_789 = arith.addf %bitcast3A_787, %bitcast3A_788 : vector<32xbf16>
      %bitcast3A_790 = vector.bitcast %add3A_789 : vector<32xbf16> to vector<16xi32>
      %shift_left3A_791 = arith.constant 16 : i32
      %shift_left3A_792 = vector.broadcast %shift_left3A_791 : i32 to vector<16xi32>
      %shift_left3A_793 = arith.shli %bitcast3A_754, %shift_left3A_792 : vector<16xi32>
      %bitcast3A_794 = vector.bitcast %shift_left3A_793 : vector<16xi32> to vector<16xf32>
      %shift_left3A_795 = arith.constant 16 : i32
      %shift_left3A_796 = vector.broadcast %shift_left3A_795 : i32 to vector<16xi32>
      %shift_left3A_797 = arith.shli %bitcast3A_758, %shift_left3A_796 : vector<16xi32>
      %bitcast3A_798 = vector.bitcast %shift_left3A_797 : vector<16xi32> to vector<16xf32>
      %shift_left3A_799 = arith.constant 16 : i32
      %shift_left3A_800 = vector.broadcast %shift_left3A_799 : i32 to vector<16xi32>
      %shift_left3A_801 = arith.shli %bitcast3A_762, %shift_left3A_800 : vector<16xi32>
      %bitcast3A_802 = vector.bitcast %shift_left3A_801 : vector<16xi32> to vector<16xf32>
      %shift_left3A_803 = arith.constant 16 : i32
      %shift_left3A_804 = vector.broadcast %shift_left3A_803 : i32 to vector<16xi32>
      %shift_left3A_805 = arith.shli %bitcast3A_766, %shift_left3A_804 : vector<16xi32>
      %bitcast3A_806 = vector.bitcast %shift_left3A_805 : vector<16xi32> to vector<16xf32>
      %shift_left3A_807 = arith.constant 16 : i32
      %shift_left3A_808 = vector.broadcast %shift_left3A_807 : i32 to vector<16xi32>
      %shift_left3A_809 = arith.shli %bitcast3A_770, %shift_left3A_808 : vector<16xi32>
      %bitcast3A_810 = vector.bitcast %shift_left3A_809 : vector<16xi32> to vector<16xf32>
      %shift_left3A_811 = arith.constant 16 : i32
      %shift_left3A_812 = vector.broadcast %shift_left3A_811 : i32 to vector<16xi32>
      %shift_left3A_813 = arith.shli %bitcast3A_774, %shift_left3A_812 : vector<16xi32>
      %bitcast3A_814 = vector.bitcast %shift_left3A_813 : vector<16xi32> to vector<16xf32>
      %shift_left3A_815 = arith.constant 16 : i32
      %shift_left3A_816 = vector.broadcast %shift_left3A_815 : i32 to vector<16xi32>
      %shift_left3A_817 = arith.shli %bitcast3A_778, %shift_left3A_816 : vector<16xi32>
      %bitcast3A_818 = vector.bitcast %shift_left3A_817 : vector<16xi32> to vector<16xf32>
      %shift_left3A_819 = arith.constant 16 : i32
      %shift_left3A_820 = vector.broadcast %shift_left3A_819 : i32 to vector<16xi32>
      %shift_left3A_821 = arith.shli %bitcast3A_782, %shift_left3A_820 : vector<16xi32>
      %bitcast3A_822 = vector.bitcast %shift_left3A_821 : vector<16xi32> to vector<16xf32>
      %shift_left3A_823 = arith.constant 16 : i32
      %shift_left3A_824 = vector.broadcast %shift_left3A_823 : i32 to vector<16xi32>
      %shift_left3A_825 = arith.shli %bitcast3A_786, %shift_left3A_824 : vector<16xi32>
      %bitcast3A_826 = vector.bitcast %shift_left3A_825 : vector<16xi32> to vector<16xf32>
      %shift_left3A_827 = arith.constant 16 : i32
      %shift_left3A_828 = vector.broadcast %shift_left3A_827 : i32 to vector<16xi32>
      %shift_left3A_829 = arith.shli %bitcast3A_790, %shift_left3A_828 : vector<16xi32>
      %bitcast3A_830 = vector.bitcast %shift_left3A_829 : vector<16xi32> to vector<16xf32>
      %and3A_831 = arith.andi %bitcast3A_754, %broadcast_in_dim3A_22 : vector<16xi32>
      %bitcast3A_832 = vector.bitcast %and3A_831 : vector<16xi32> to vector<16xf32>
      %and3A_833 = arith.andi %bitcast3A_758, %broadcast_in_dim3A_22 : vector<16xi32>
      %bitcast3A_834 = vector.bitcast %and3A_833 : vector<16xi32> to vector<16xf32>
      %and3A_835 = arith.andi %bitcast3A_762, %broadcast_in_dim3A_22 : vector<16xi32>
      %bitcast3A_836 = vector.bitcast %and3A_835 : vector<16xi32> to vector<16xf32>
      %and3A_837 = arith.andi %bitcast3A_766, %broadcast_in_dim3A_22 : vector<16xi32>
      %bitcast3A_838 = vector.bitcast %and3A_837 : vector<16xi32> to vector<16xf32>
      %and3A_839 = arith.andi %bitcast3A_770, %broadcast_in_dim3A_22 : vector<16xi32>
      %bitcast3A_840 = vector.bitcast %and3A_839 : vector<16xi32> to vector<16xf32>
      %and3A_841 = arith.andi %bitcast3A_774, %broadcast_in_dim3A_22 : vector<16xi32>
      %bitcast3A_842 = vector.bitcast %and3A_841 : vector<16xi32> to vector<16xf32>
      %and3A_843 = arith.andi %bitcast3A_778, %broadcast_in_dim3A_22 : vector<16xi32>
      %bitcast3A_844 = vector.bitcast %and3A_843 : vector<16xi32> to vector<16xf32>
      %and3A_845 = arith.andi %bitcast3A_782, %broadcast_in_dim3A_22 : vector<16xi32>
      %bitcast3A_846 = vector.bitcast %and3A_845 : vector<16xi32> to vector<16xf32>
      %and3A_847 = arith.andi %bitcast3A_786, %broadcast_in_dim3A_22 : vector<16xi32>
      %bitcast3A_848 = vector.bitcast %and3A_847 : vector<16xi32> to vector<16xf32>
      %and3A_849 = arith.andi %bitcast3A_790, %broadcast_in_dim3A_22 : vector<16xi32>
      %bitcast3A_850 = vector.bitcast %and3A_849 : vector<16xi32> to vector<16xf32>
      %add3A_851 = arith.addf %bitcast3A_794, %bitcast3A_798 : vector<16xf32>
      %add3A_852 = arith.addf %bitcast3A_802, %bitcast3A_806 : vector<16xf32>
      %add3A_853 = arith.addf %bitcast3A_810, %bitcast3A_814 : vector<16xf32>
      %add3A_854 = arith.addf %bitcast3A_818, %bitcast3A_822 : vector<16xf32>
      %add3A_855 = arith.addf %bitcast3A_826, %bitcast3A_830 : vector<16xf32>
      %add3A_856 = arith.addf %add3A_851, %add3A_852 : vector<16xf32>
      %add3A_857 = arith.addf %add3A_853, %add3A_854 : vector<16xf32>
      %add3A_858 = arith.addf %add3A_856, %add3A_857 : vector<16xf32>
      %add3A_859 = arith.addf %add3A_858, %add3A_855 : vector<16xf32>
      %mul3A_860 = arith.mulf %add3A_859, %div3A_39 : vector<16xf32>
      %swap3A_861 = arith.constant 4 : i32
      %swap3A_862 = arith.index_cast %swap3A_861 : i32 to index
      %swap3A_863 = arith.index_cast %mul3A_33 : i32 to index
      %swap3A_864 = tpu.vector_load %arg9[%swap3A_862, %swap3A_863] {strides = array<i32>} : memref<32x512xf32, #tpu.memory_space<vmem>>, vector<16xf32>,
      tpu.vector_store %arg9[%swap3A_862, %swap3A_863], %mul3A_860 {strides = array<i32>} : memref<32x512xf32, #tpu.memory_space<vmem>>, vector<16xf32>,
      %add3A_865 = arith.addf %bitcast3A_832, %bitcast3A_834 : vector<16xf32>
      %add3A_866 = arith.addf %bitcast3A_836, %bitcast3A_838 : vector<16xf32>
      %add3A_867 = arith.addf %bitcast3A_840, %bitcast3A_842 : vector<16xf32>
      %add3A_868 = arith.addf %bitcast3A_844, %bitcast3A_846 : vector<16xf32>
      %add3A_869 = arith.addf %bitcast3A_848, %bitcast3A_850 : vector<16xf32>
      %add3A_870 = arith.addf %add3A_865, %add3A_866 : vector<16xf32>
      %add3A_871 = arith.addf %add3A_867, %add3A_868 : vector<16xf32>
      %add3A_872 = arith.addf %add3A_870, %add3A_871 : vector<16xf32>
      %add3A_873 = arith.addf %add3A_872, %add3A_869 : vector<16xf32>
      %mul3A_874 = arith.mulf %add3A_873, %div3A_39 : vector<16xf32>
      %swap3A_875 = arith.constant 5 : i32
      %swap3A_876 = arith.index_cast %swap3A_875 : i32 to index
      %swap3A_877 = arith.index_cast %mul3A_33 : i32 to index
      %swap3A_878 = tpu.vector_load %arg9[%swap3A_876, %swap3A_877] {strides = array<i32>} : memref<32x512xf32, #tpu.memory_space<vmem>>, vector<16xf32>,
      tpu.vector_store %arg9[%swap3A_876, %swap3A_877], %mul3A_874 {strides = array<i32>} : memref<32x512xf32, #tpu.memory_space<vmem>>, vector<16xf32>,
      %gather3A_879 = arith.constant 12672 : i32
      %gather3A_880 = tpu.memref_slice %arg8[%gather3A_879] : memref<67584xi32, #tpu.memory_space<vmem>> -> memref<4224xi32, #tpu.memory_space<vmem>>
      %gather3A_881 = tpu.vector_load_idx %gather3A_880[%add3A_52] : memref<4224xi32, #tpu.memory_space<vmem>>[vector<16xi32>], vector<16xi32>,
      %gather3A_882 = arith.constant 12672 : i32
      %gather3A_883 = tpu.memref_slice %arg8[%gather3A_882] : memref<67584xi32, #tpu.memory_space<vmem>> -> memref<4224xi32, #tpu.memory_space<vmem>>
      %gather3A_884 = tpu.vector_load_idx %gather3A_883[%add3A_66] : memref<4224xi32, #tpu.memory_space<vmem>>[vector<16xi32>], vector<16xi32>,
      %gather3A_885 = arith.constant 12672 : i32
      %gather3A_886 = tpu.memref_slice %arg8[%gather3A_885] : memref<67584xi32, #tpu.memory_space<vmem>> -> memref<4224xi32, #tpu.memory_space<vmem>>
      %gather3A_887 = tpu.vector_load_idx %gather3A_886[%add3A_80] : memref<4224xi32, #tpu.memory_space<vmem>>[vector<16xi32>], vector<16xi32>,
      %gather3A_888 = arith.constant 12672 : i32
      %gather3A_889 = tpu.memref_slice %arg8[%gather3A_888] : memref<67584xi32, #tpu.memory_space<vmem>> -> memref<4224xi32, #tpu.memory_space<vmem>>
      %gather3A_890 = tpu.vector_load_idx %gather3A_889[%add3A_94] : memref<4224xi32, #tpu.memory_space<vmem>>[vector<16xi32>], vector<16xi32>,
      %gather3A_891 = arith.constant 12672 : i32
      %gather3A_892 = tpu.memref_slice %arg8[%gather3A_891] : memref<67584xi32, #tpu.memory_space<vmem>> -> memref<4224xi32, #tpu.memory_space<vmem>>
      %gather3A_893 = tpu.vector_load_idx %gather3A_892[%add3A_108] : memref<4224xi32, #tpu.memory_space<vmem>>[vector<16xi32>], vector<16xi32>,
      %gather3A_894 = arith.constant 12672 : i32
      %gather3A_895 = tpu.memref_slice %arg8[%gather3A_894] : memref<67584xi32, #tpu.memory_space<vmem>> -> memref<4224xi32, #tpu.memory_space<vmem>>
      %gather3A_896 = tpu.vector_load_idx %gather3A_895[%add3A_122] : memref<4224xi32, #tpu.memory_space<vmem>>[vector<16xi32>], vector<16xi32>,
      %gather3A_897 = arith.constant 12672 : i32
      %gather3A_898 = tpu.memref_slice %arg8[%gather3A_897] : memref<67584xi32, #tpu.memory_space<vmem>> -> memref<4224xi32, #tpu.memory_space<vmem>>
      %gather3A_899 = tpu.vector_load_idx %gather3A_898[%add3A_136] : memref<4224xi32, #tpu.memory_space<vmem>>[vector<16xi32>], vector<16xi32>,
      %gather3A_900 = arith.constant 12672 : i32
      %gather3A_901 = tpu.memref_slice %arg8[%gather3A_900] : memref<67584xi32, #tpu.memory_space<vmem>> -> memref<4224xi32, #tpu.memory_space<vmem>>
      %gather3A_902 = tpu.vector_load_idx %gather3A_901[%add3A_150] : memref<4224xi32, #tpu.memory_space<vmem>>[vector<16xi32>], vector<16xi32>,
      %gather3A_903 = arith.constant 12672 : i32
      %gather3A_904 = tpu.memref_slice %arg8[%gather3A_903] : memref<67584xi32, #tpu.memory_space<vmem>> -> memref<4224xi32, #tpu.memory_space<vmem>>
      %gather3A_905 = tpu.vector_load_idx %gather3A_904[%add3A_164] : memref<4224xi32, #tpu.memory_space<vmem>>[vector<16xi32>], vector<16xi32>,
      %gather3A_906 = arith.constant 12672 : i32
      %gather3A_907 = tpu.memref_slice %arg8[%gather3A_906] : memref<67584xi32, #tpu.memory_space<vmem>> -> memref<4224xi32, #tpu.memory_space<vmem>>
      %gather3A_908 = tpu.vector_load_idx %gather3A_907[%add3A_178] : memref<4224xi32, #tpu.memory_space<vmem>>[vector<16xi32>], vector<16xi32>,
      %gather3A_909 = arith.constant 12672 : i32
      %gather3A_910 = tpu.memref_slice %arg8[%gather3A_909] : memref<67584xi32, #tpu.memory_space<vmem>> -> memref<4224xi32, #tpu.memory_space<vmem>>
      %gather3A_911 = tpu.vector_load_idx %gather3A_910[%add3A_192] : memref<4224xi32, #tpu.memory_space<vmem>>[vector<16xi32>], vector<16xi32>,
      %gather3A_912 = arith.constant 12672 : i32
      %gather3A_913 = tpu.memref_slice %arg8[%gather3A_912] : memref<67584xi32, #tpu.memory_space<vmem>> -> memref<4224xi32, #tpu.memory_space<vmem>>
      %gather3A_914 = tpu.vector_load_idx %gather3A_913[%add3A_206] : memref<4224xi32, #tpu.memory_space<vmem>>[vector<16xi32>], vector<16xi32>,
      %gather3A_915 = arith.constant 12672 : i32
      %gather3A_916 = tpu.memref_slice %arg8[%gather3A_915] : memref<67584xi32, #tpu.memory_space<vmem>> -> memref<4224xi32, #tpu.memory_space<vmem>>
      %gather3A_917 = tpu.vector_load_idx %gather3A_916[%add3A_220] : memref<4224xi32, #tpu.memory_space<vmem>>[vector<16xi32>], vector<16xi32>,
      %gather3A_918 = arith.constant 12672 : i32
      %gather3A_919 = tpu.memref_slice %arg8[%gather3A_918] : memref<67584xi32, #tpu.memory_space<vmem>> -> memref<4224xi32, #tpu.memory_space<vmem>>
      %gather3A_920 = tpu.vector_load_idx %gather3A_919[%add3A_234] : memref<4224xi32, #tpu.memory_space<vmem>>[vector<16xi32>], vector<16xi32>,
      %gather3A_921 = arith.constant 12672 : i32
      %gather3A_922 = tpu.memref_slice %arg8[%gather3A_921] : memref<67584xi32, #tpu.memory_space<vmem>> -> memref<4224xi32, #tpu.memory_space<vmem>>
      %gather3A_923 = tpu.vector_load_idx %gather3A_922[%add3A_248] : memref<4224xi32, #tpu.memory_space<vmem>>[vector<16xi32>], vector<16xi32>,
      %gather3A_924 = arith.constant 12672 : i32
      %gather3A_925 = tpu.memref_slice %arg8[%gather3A_924] : memref<67584xi32, #tpu.memory_space<vmem>> -> memref<4224xi32, #tpu.memory_space<vmem>>
      %gather3A_926 = tpu.vector_load_idx %gather3A_925[%add3A_262] : memref<4224xi32, #tpu.memory_space<vmem>>[vector<16xi32>], vector<16xi32>,
      %gather3A_927 = arith.constant 12672 : i32
      %gather3A_928 = tpu.memref_slice %arg8[%gather3A_927] : memref<67584xi32, #tpu.memory_space<vmem>> -> memref<4224xi32, #tpu.memory_space<vmem>>
      %gather3A_929 = tpu.vector_load_idx %gather3A_928[%add3A_276] : memref<4224xi32, #tpu.memory_space<vmem>>[vector<16xi32>], vector<16xi32>,
      %gather3A_930 = arith.constant 12672 : i32
      %gather3A_931 = tpu.memref_slice %arg8[%gather3A_930] : memref<67584xi32, #tpu.memory_space<vmem>> -> memref<4224xi32, #tpu.memory_space<vmem>>
      %gather3A_932 = tpu.vector_load_idx %gather3A_931[%add3A_290] : memref<4224xi32, #tpu.memory_space<vmem>>[vector<16xi32>], vector<16xi32>,
      %gather3A_933 = arith.constant 12672 : i32
      %gather3A_934 = tpu.memref_slice %arg8[%gather3A_933] : memref<67584xi32, #tpu.memory_space<vmem>> -> memref<4224xi32, #tpu.memory_space<vmem>>
      %gather3A_935 = tpu.vector_load_idx %gather3A_934[%add3A_304] : memref<4224xi32, #tpu.memory_space<vmem>>[vector<16xi32>], vector<16xi32>,
      %gather3A_936 = arith.constant 12672 : i32
      %gather3A_937 = tpu.memref_slice %arg8[%gather3A_936] : memref<67584xi32, #tpu.memory_space<vmem>> -> memref<4224xi32, #tpu.memory_space<vmem>>
      %gather3A_938 = tpu.vector_load_idx %gather3A_937[%add3A_318] : memref<4224xi32, #tpu.memory_space<vmem>>[vector<16xi32>], vector<16xi32>,
      %bitcast3A_939 = vector.bitcast %gather3A_881 : vector<16xi32> to vector<32xbf16>
      %bitcast3A_940 = vector.bitcast %gather3A_884 : vector<16xi32> to vector<32xbf16>
      %add3A_941 = arith.addf %bitcast3A_939, %bitcast3A_940 : vector<32xbf16>
      %bitcast3A_942 = vector.bitcast %add3A_941 : vector<32xbf16> to vector<16xi32>
      %bitcast3A_943 = vector.bitcast %gather3A_887 : vector<16xi32> to vector<32xbf16>
      %bitcast3A_944 = vector.bitcast %gather3A_890 : vector<16xi32> to vector<32xbf16>
      %add3A_945 = arith.addf %bitcast3A_943, %bitcast3A_944 : vector<32xbf16>
      %bitcast3A_946 = vector.bitcast %add3A_945 : vector<32xbf16> to vector<16xi32>
      %bitcast3A_947 = vector.bitcast %gather3A_893 : vector<16xi32> to vector<32xbf16>
      %bitcast3A_948 = vector.bitcast %gather3A_896 : vector<16xi32> to vector<32xbf16>
      %add3A_949 = arith.addf %bitcast3A_947, %bitcast3A_948 : vector<32xbf16>
      %bitcast3A_950 = vector.bitcast %add3A_949 : vector<32xbf16> to vector<16xi32>
      %bitcast3A_951 = vector.bitcast %gather3A_899 : vector<16xi32> to vector<32xbf16>
      %bitcast3A_952 = vector.bitcast %gather3A_902 : vector<16xi32> to vector<32xbf16>
      %add3A_953 = arith.addf %bitcast3A_951, %bitcast3A_952 : vector<32xbf16>
      %bitcast3A_954 = vector.bitcast %add3A_953 : vector<32xbf16> to vector<16xi32>
      %bitcast3A_955 = vector.bitcast %gather3A_905 : vector<16xi32> to vector<32xbf16>
      %bitcast3A_956 = vector.bitcast %gather3A_908 : vector<16xi32> to vector<32xbf16>
      %add3A_957 = arith.addf %bitcast3A_955, %bitcast3A_956 : vector<32xbf16>
      %bitcast3A_958 = vector.bitcast %add3A_957 : vector<32xbf16> to vector<16xi32>
      %bitcast3A_959 = vector.bitcast %gather3A_911 : vector<16xi32> to vector<32xbf16>
      %bitcast3A_960 = vector.bitcast %gather3A_914 : vector<16xi32> to vector<32xbf16>
      %add3A_961 = arith.addf %bitcast3A_959, %bitcast3A_960 : vector<32xbf16>
      %bitcast3A_962 = vector.bitcast %add3A_961 : vector<32xbf16> to vector<16xi32>
      %bitcast3A_963 = vector.bitcast %gather3A_917 : vector<16xi32> to vector<32xbf16>
      %bitcast3A_964 = vector.bitcast %gather3A_920 : vector<16xi32> to vector<32xbf16>
      %add3A_965 = arith.addf %bitcast3A_963, %bitcast3A_964 : vector<32xbf16>
      %bitcast3A_966 = vector.bitcast %add3A_965 : vector<32xbf16> to vector<16xi32>
      %bitcast3A_967 = vector.bitcast %gather3A_923 : vector<16xi32> to vector<32xbf16>
      %bitcast3A_968 = vector.bitcast %gather3A_926 : vector<16xi32> to vector<32xbf16>
      %add3A_969 = arith.addf %bitcast3A_967, %bitcast3A_968 : vector<32xbf16>
      %bitcast3A_970 = vector.bitcast %add3A_969 : vector<32xbf16> to vector<16xi32>
      %bitcast3A_971 = vector.bitcast %gather3A_929 : vector<16xi32> to vector<32xbf16>
      %bitcast3A_972 = vector.bitcast %gather3A_932 : vector<16xi32> to vector<32xbf16>
      %add3A_973 = arith.addf %bitcast3A_971, %bitcast3A_972 : vector<32xbf16>
      %bitcast3A_974 = vector.bitcast %add3A_973 : vector<32xbf16> to vector<16xi32>
      %bitcast3A_975 = vector.bitcast %gather3A_935 : vector<16xi32> to vector<32xbf16>
      %bitcast3A_976 = vector.bitcast %gather3A_938 : vector<16xi32> to vector<32xbf16>
      %add3A_977 = arith.addf %bitcast3A_975, %bitcast3A_976 : vector<32xbf16>
      %bitcast3A_978 = vector.bitcast %add3A_977 : vector<32xbf16> to vector<16xi32>
      %shift_left3A_979 = arith.constant 16 : i32
      %shift_left3A_980 = vector.broadcast %shift_left3A_979 : i32 to vector<16xi32>
      %shift_left3A_981 = arith.shli %bitcast3A_942, %shift_left3A_980 : vector<16xi32>
      %bitcast3A_982 = vector.bitcast %shift_left3A_981 : vector<16xi32> to vector<16xf32>
      %shift_left3A_983 = arith.constant 16 : i32
      %shift_left3A_984 = vector.broadcast %shift_left3A_983 : i32 to vector<16xi32>
      %shift_left3A_985 = arith.shli %bitcast3A_946, %shift_left3A_984 : vector<16xi32>
      %bitcast3A_986 = vector.bitcast %shift_left3A_985 : vector<16xi32> to vector<16xf32>
      %shift_left3A_987 = arith.constant 16 : i32
      %shift_left3A_988 = vector.broadcast %shift_left3A_987 : i32 to vector<16xi32>
      %shift_left3A_989 = arith.shli %bitcast3A_950, %shift_left3A_988 : vector<16xi32>
      %bitcast3A_990 = vector.bitcast %shift_left3A_989 : vector<16xi32> to vector<16xf32>
      %shift_left3A_991 = arith.constant 16 : i32
      %shift_left3A_992 = vector.broadcast %shift_left3A_991 : i32 to vector<16xi32>
      %shift_left3A_993 = arith.shli %bitcast3A_954, %shift_left3A_992 : vector<16xi32>
      %bitcast3A_994 = vector.bitcast %shift_left3A_993 : vector<16xi32> to vector<16xf32>
      %shift_left3A_995 = arith.constant 16 : i32
      %shift_left3A_996 = vector.broadcast %shift_left3A_995 : i32 to vector<16xi32>
      %shift_left3A_997 = arith.shli %bitcast3A_958, %shift_left3A_996 : vector<16xi32>
      %bitcast3A_998 = vector.bitcast %shift_left3A_997 : vector<16xi32> to vector<16xf32>
      %shift_left3A_999 = arith.constant 16 : i32
      %shift_left3A_1000 = vector.broadcast %shift_left3A_999 : i32 to vector<16xi32>
      %shift_left3A_1001 = arith.shli %bitcast3A_962, %shift_left3A_1000 : vector<16xi32>
      %bitcast3A_1002 = vector.bitcast %shift_left3A_1001 : vector<16xi32> to vector<16xf32>
      %shift_left3A_1003 = arith.constant 16 : i32
      %shift_left3A_1004 = vector.broadcast %shift_left3A_1003 : i32 to vector<16xi32>
      %shift_left3A_1005 = arith.shli %bitcast3A_966, %shift_left3A_1004 : vector<16xi32>
      %bitcast3A_1006 = vector.bitcast %shift_left3A_1005 : vector<16xi32> to vector<16xf32>
      %shift_left3A_1007 = arith.constant 16 : i32
      %shift_left3A_1008 = vector.broadcast %shift_left3A_1007 : i32 to vector<16xi32>
      %shift_left3A_1009 = arith.shli %bitcast3A_970, %shift_left3A_1008 : vector<16xi32>
      %bitcast3A_1010 = vector.bitcast %shift_left3A_1009 : vector<16xi32> to vector<16xf32>
      %shift_left3A_1011 = arith.constant 16 : i32
      %shift_left3A_1012 = vector.broadcast %shift_left3A_1011 : i32 to vector<16xi32>
      %shift_left3A_1013 = arith.shli %bitcast3A_974, %shift_left3A_1012 : vector<16xi32>
      %bitcast3A_1014 = vector.bitcast %shift_left3A_1013 : vector<16xi32> to vector<16xf32>
      %shift_left3A_1015 = arith.constant 16 : i32
      %shift_left3A_1016 = vector.broadcast %shift_left3A_1015 : i32 to vector<16xi32>
      %shift_left3A_1017 = arith.shli %bitcast3A_978, %shift_left3A_1016 : vector<16xi32>
      %bitcast3A_1018 = vector.bitcast %shift_left3A_1017 : vector<16xi32> to vector<16xf32>
      %and3A_1019 = arith.andi %bitcast3A_942, %broadcast_in_dim3A_22 : vector<16xi32>
      %bitcast3A_1020 = vector.bitcast %and3A_1019 : vector<16xi32> to vector<16xf32>
      %and3A_1021 = arith.andi %bitcast3A_946, %broadcast_in_dim3A_22 : vector<16xi32>
      %bitcast3A_1022 = vector.bitcast %and3A_1021 : vector<16xi32> to vector<16xf32>
      %and3A_1023 = arith.andi %bitcast3A_950, %broadcast_in_dim3A_22 : vector<16xi32>
      %bitcast3A_1024 = vector.bitcast %and3A_1023 : vector<16xi32> to vector<16xf32>
      %and3A_1025 = arith.andi %bitcast3A_954, %broadcast_in_dim3A_22 : vector<16xi32>
      %bitcast3A_1026 = vector.bitcast %and3A_1025 : vector<16xi32> to vector<16xf32>
      %and3A_1027 = arith.andi %bitcast3A_958, %broadcast_in_dim3A_22 : vector<16xi32>
      %bitcast3A_1028 = vector.bitcast %and3A_1027 : vector<16xi32> to vector<16xf32>
      %and3A_1029 = arith.andi %bitcast3A_962, %broadcast_in_dim3A_22 : vector<16xi32>
      %bitcast3A_1030 = vector.bitcast %and3A_1029 : vector<16xi32> to vector<16xf32>
      %and3A_1031 = arith.andi %bitcast3A_966, %broadcast_in_dim3A_22 : vector<16xi32>
      %bitcast3A_1032 = vector.bitcast %and3A_1031 : vector<16xi32> to vector<16xf32>
      %and3A_1033 = arith.andi %bitcast3A_970, %broadcast_in_dim3A_22 : vector<16xi32>
      %bitcast3A_1034 = vector.bitcast %and3A_1033 : vector<16xi32> to vector<16xf32>
      %and3A_1035 = arith.andi %bitcast3A_974, %broadcast_in_dim3A_22 : vector<16xi32>
      %bitcast3A_1036 = vector.bitcast %and3A_1035 : vector<16xi32> to vector<16xf32>
      %and3A_1037 = arith.andi %bitcast3A_978, %broadcast_in_dim3A_22 : vector<16xi32>
      %bitcast3A_1038 = vector.bitcast %and3A_1037 : vector<16xi32> to vector<16xf32>
      %add3A_1039 = arith.addf %bitcast3A_982, %bitcast3A_986 : vector<16xf32>
      %add3A_1040 = arith.addf %bitcast3A_990, %bitcast3A_994 : vector<16xf32>
      %add3A_1041 = arith.addf %bitcast3A_998, %bitcast3A_1002 : vector<16xf32>
      %add3A_1042 = arith.addf %bitcast3A_1006, %bitcast3A_1010 : vector<16xf32>
      %add3A_1043 = arith.addf %bitcast3A_1014, %bitcast3A_1018 : vector<16xf32>
      %add3A_1044 = arith.addf %add3A_1039, %add3A_1040 : vector<16xf32>
      %add3A_1045 = arith.addf %add3A_1041, %add3A_1042 : vector<16xf32>
      %add3A_1046 = arith.addf %add3A_1044, %add3A_1045 : vector<16xf32>
      %add3A_1047 = arith.addf %add3A_1046, %add3A_1043 : vector<16xf32>
      %mul3A_1048 = arith.mulf %add3A_1047, %div3A_39 : vector<16xf32>
      %swap3A_1049 = arith.constant 6 : i32
      %swap3A_1050 = arith.index_cast %swap3A_1049 : i32 to index
      %swap3A_1051 = arith.index_cast %mul3A_33 : i32 to index
      %swap3A_1052 = tpu.vector_load %arg9[%swap3A_1050, %swap3A_1051] {strides = array<i32>} : memref<32x512xf32, #tpu.memory_space<vmem>>, vector<16xf32>,
      tpu.vector_store %arg9[%swap3A_1050, %swap3A_1051], %mul3A_1048 {strides = array<i32>} : memref<32x512xf32, #tpu.memory_space<vmem>>, vector<16xf32>,
      %add3A_1053 = arith.addf %bitcast3A_1020, %bitcast3A_1022 : vector<16xf32>
      %add3A_1054 = arith.addf %bitcast3A_1024, %bitcast3A_1026 : vector<16xf32>
      %add3A_1055 = arith.addf %bitcast3A_1028, %bitcast3A_1030 : vector<16xf32>
      %add3A_1056 = arith.addf %bitcast3A_1032, %bitcast3A_1034 : vector<16xf32>
      %add3A_1057 = arith.addf %bitcast3A_1036, %bitcast3A_1038 : vector<16xf32>
      %add3A_1058 = arith.addf %add3A_1053, %add3A_1054 : vector<16xf32>
      %add3A_1059 = arith.addf %add3A_1055, %add3A_1056 : vector<16xf32>
      %add3A_1060 = arith.addf %add3A_1058, %add3A_1059 : vector<16xf32>
      %add3A_1061 = arith.addf %add3A_1060, %add3A_1057 : vector<16xf32>
      %mul3A_1062 = arith.mulf %add3A_1061, %div3A_39 : vector<16xf32>
      %swap3A_1063 = arith.constant 7 : i32
      %swap3A_1064 = arith.index_cast %swap3A_1063 : i32 to index
      %swap3A_1065 = arith.index_cast %mul3A_33 : i32 to index
      %swap3A_1066 = tpu.vector_load %arg9[%swap3A_1064, %swap3A_1065] {strides = array<i32>} : memref<32x512xf32, #tpu.memory_space<vmem>>, vector<16xf32>,
      tpu.vector_store %arg9[%swap3A_1064, %swap3A_1065], %mul3A_1062 {strides = array<i32>} : memref<32x512xf32, #tpu.memory_space<vmem>>, vector<16xf32>,
      %gather3A_1067 = arith.constant 16896 : i32
      %gather3A_1068 = tpu.memref_slice %arg8[%gather3A_1067] : memref<67584xi32, #tpu.memory_space<vmem>> -> memref<4224xi32, #tpu.memory_space<vmem>>
      %gather3A_1069 = tpu.vector_load_idx %gather3A_1068[%add3A_52] : memref<4224xi32, #tpu.memory_space<vmem>>[vector<16xi32>], vector<16xi32>,
      %gather3A_1070 = arith.constant 16896 : i32
      %gather3A_1071 = tpu.memref_slice %arg8[%gather3A_1070] : memref<67584xi32, #tpu.memory_space<vmem>> -> memref<4224xi32, #tpu.memory_space<vmem>>
      %gather3A_1072 = tpu.vector_load_idx %gather3A_1071[%add3A_66] : memref<4224xi32, #tpu.memory_space<vmem>>[vector<16xi32>], vector<16xi32>,
      %gather3A_1073 = arith.constant 16896 : i32
      %gather3A_1074 = tpu.memref_slice %arg8[%gather3A_1073] : memref<67584xi32, #tpu.memory_space<vmem>> -> memref<4224xi32, #tpu.memory_space<vmem>>
      %gather3A_1075 = tpu.vector_load_idx %gather3A_1074[%add3A_80] : memref<4224xi32, #tpu.memory_space<vmem>>[vector<16xi32>], vector<16xi32>,
      %gather3A_1076 = arith.constant 16896 : i32
      %gather3A_1077 = tpu.memref_slice %arg8[%gather3A_1076] : memref<67584xi32, #tpu.memory_space<vmem>> -> memref<4224xi32, #tpu.memory_space<vmem>>
      %gather3A_1078 = tpu.vector_load_idx %gather3A_1077[%add3A_94] : memref<4224xi32, #tpu.memory_space<vmem>>[vector<16xi32>], vector<16xi32>,
      %gather3A_1079 = arith.constant 16896 : i32
      %gather3A_1080 = tpu.memref_slice %arg8[%gather3A_1079] : memref<67584xi32, #tpu.memory_space<vmem>> -> memref<4224xi32, #tpu.memory_space<vmem>>
      %gather3A_1081 = tpu.vector_load_idx %gather3A_1080[%add3A_108] : memref<4224xi32, #tpu.memory_space<vmem>>[vector<16xi32>], vector<16xi32>,
      %gather3A_1082 = arith.constant 16896 : i32
      %gather3A_1083 = tpu.memref_slice %arg8[%gather3A_1082] : memref<67584xi32, #tpu.memory_space<vmem>> -> memref<4224xi32, #tpu.memory_space<vmem>>
      %gather3A_1084 = tpu.vector_load_idx %gather3A_1083[%add3A_122] : memref<4224xi32, #tpu.memory_space<vmem>>[vector<16xi32>], vector<16xi32>,
      %gather3A_1085 = arith.constant 16896 : i32
      %gather3A_1086 = tpu.memref_slice %arg8[%gather3A_1085] : memref<67584xi32, #tpu.memory_space<vmem>> -> memref<4224xi32, #tpu.memory_space<vmem>>
      %gather3A_1087 = tpu.vector_load_idx %gather3A_1086[%add3A_136] : memref<4224xi32, #tpu.memory_space<vmem>>[vector<16xi32>], vector<16xi32>,
      %gather3A_1088 = arith.constant 16896 : i32
      %gather3A_1089 = tpu.memref_slice %arg8[%gather3A_1088] : memref<67584xi32, #tpu.memory_space<vmem>> -> memref<4224xi32, #tpu.memory_space<vmem>>
      %gather3A_1090 = tpu.vector_load_idx %gather3A_1089[%add3A_150] : memref<4224xi32, #tpu.memory_space<vmem>>[vector<16xi32>], vector<16xi32>,
      %gather3A_1091 = arith.constant 16896 : i32
      %gather3A_1092 = tpu.memref_slice %arg8[%gather3A_1091] : memref<67584xi32, #tpu.memory_space<vmem>> -> memref<4224xi32, #tpu.memory_space<vmem>>
      %gather3A_1093 = tpu.vector_load_idx %gather3A_1092[%add3A_164] : memref<4224xi32, #tpu.memory_space<vmem>>[vector<16xi32>], vector<16xi32>,
      %gather3A_1094 = arith.constant 16896 : i32
      %gather3A_1095 = tpu.memref_slice %arg8[%gather3A_1094] : memref<67584xi32, #tpu.memory_space<vmem>> -> memref<4224xi32, #tpu.memory_space<vmem>>
      %gather3A_1096 = tpu.vector_load_idx %gather3A_1095[%add3A_178] : memref<4224xi32, #tpu.memory_space<vmem>>[vector<16xi32>], vector<16xi32>,
      %gather3A_1097 = arith.constant 16896 : i32
      %gather3A_1098 = tpu.memref_slice %arg8[%gather3A_1097] : memref<67584xi32, #tpu.memory_space<vmem>> -> memref<4224xi32, #tpu.memory_space<vmem>>
      %gather3A_1099 = tpu.vector_load_idx %gather3A_1098[%add3A_192] : memref<4224xi32, #tpu.memory_space<vmem>>[vector<16xi32>], vector<16xi32>,
      %gather3A_1100 = arith.constant 16896 : i32
      %gather3A_1101 = tpu.memref_slice %arg8[%gather3A_1100] : memref<67584xi32, #tpu.memory_space<vmem>> -> memref<4224xi32, #tpu.memory_space<vmem>>
      %gather3A_1102 = tpu.vector_load_idx %gather3A_1101[%add3A_206] : memref<4224xi32, #tpu.memory_space<vmem>>[vector<16xi32>], vector<16xi32>,
      %gather3A_1103 = arith.constant 16896 : i32
      %gather3A_1104 = tpu.memref_slice %arg8[%gather3A_1103] : memref<67584xi32, #tpu.memory_space<vmem>> -> memref<4224xi32, #tpu.memory_space<vmem>>
      %gather3A_1105 = tpu.vector_load_idx %gather3A_1104[%add3A_220] : memref<4224xi32, #tpu.memory_space<vmem>>[vector<16xi32>], vector<16xi32>,
      %gather3A_1106 = arith.constant 16896 : i32
      %gather3A_1107 = tpu.memref_slice %arg8[%gather3A_1106] : memref<67584xi32, #tpu.memory_space<vmem>> -> memref<4224xi32, #tpu.memory_space<vmem>>
      %gather3A_1108 = tpu.vector_load_idx %gather3A_1107[%add3A_234] : memref<4224xi32, #tpu.memory_space<vmem>>[vector<16xi32>], vector<16xi32>,
      %gather3A_1109 = arith.constant 16896 : i32
      %gather3A_1110 = tpu.memref_slice %arg8[%gather3A_1109] : memref<67584xi32, #tpu.memory_space<vmem>> -> memref<4224xi32, #tpu.memory_space<vmem>>
      %gather3A_1111 = tpu.vector_load_idx %gather3A_1110[%add3A_248] : memref<4224xi32, #tpu.memory_space<vmem>>[vector<16xi32>], vector<16xi32>,
      %gather3A_1112 = arith.constant 16896 : i32
      %gather3A_1113 = tpu.memref_slice %arg8[%gather3A_1112] : memref<67584xi32, #tpu.memory_space<vmem>> -> memref<4224xi32, #tpu.memory_space<vmem>>
      %gather3A_1114 = tpu.vector_load_idx %gather3A_1113[%add3A_262] : memref<4224xi32, #tpu.memory_space<vmem>>[vector<16xi32>], vector<16xi32>,
      %gather3A_1115 = arith.constant 16896 : i32
      %gather3A_1116 = tpu.memref_slice %arg8[%gather3A_1115] : memref<67584xi32, #tpu.memory_space<vmem>> -> memref<4224xi32, #tpu.memory_space<vmem>>
      %gather3A_1117 = tpu.vector_load_idx %gather3A_1116[%add3A_276] : memref<4224xi32, #tpu.memory_space<vmem>>[vector<16xi32>], vector<16xi32>,
      %gather3A_1118 = arith.constant 16896 : i32
      %gather3A_1119 = tpu.memref_slice %arg8[%gather3A_1118] : memref<67584xi32, #tpu.memory_space<vmem>> -> memref<4224xi32, #tpu.memory_space<vmem>>
      %gather3A_1120 = tpu.vector_load_idx %gather3A_1119[%add3A_290] : memref<4224xi32, #tpu.memory_space<vmem>>[vector<16xi32>], vector<16xi32>,
      %gather3A_1121 = arith.constant 16896 : i32
      %gather3A_1122 = tpu.memref_slice %arg8[%gather3A_1121] : memref<67584xi32, #tpu.memory_space<vmem>> -> memref<4224xi32, #tpu.memory_space<vmem>>
      %gather3A_1123 = tpu.vector_load_idx %gather3A_1122[%add3A_304] : memref<4224xi32, #tpu.memory_space<vmem>>[vector<16xi32>], vector<16xi32>,
      %gather3A_1124 = arith.constant 16896 : i32
      %gather3A_1125 = tpu.memref_slice %arg8[%gather3A_1124] : memref<67584xi32, #tpu.memory_space<vmem>> -> memref<4224xi32, #tpu.memory_space<vmem>>
      %gather3A_1126 = tpu.vector_load_idx %gather3A_1125[%add3A_318] : memref<4224xi32, #tpu.memory_space<vmem>>[vector<16xi32>], vector<16xi32>,
      %bitcast3A_1127 = vector.bitcast %gather3A_1069 : vector<16xi32> to vector<32xbf16>
      %bitcast3A_1128 = vector.bitcast %gather3A_1072 : vector<16xi32> to vector<32xbf16>
      %add3A_1129 = arith.addf %bitcast3A_1127, %bitcast3A_1128 : vector<32xbf16>
      %bitcast3A_1130 = vector.bitcast %add3A_1129 : vector<32xbf16> to vector<16xi32>
      %bitcast3A_1131 = vector.bitcast %gather3A_1075 : vector<16xi32> to vector<32xbf16>
      %bitcast3A_1132 = vector.bitcast %gather3A_1078 : vector<16xi32> to vector<32xbf16>
      %add3A_1133 = arith.addf %bitcast3A_1131, %bitcast3A_1132 : vector<32xbf16>
      %bitcast3A_1134 = vector.bitcast %add3A_1133 : vector<32xbf16> to vector<16xi32>
      %bitcast3A_1135 = vector.bitcast %gather3A_1081 : vector<16xi32> to vector<32xbf16>
      %bitcast3A_1136 = vector.bitcast %gather3A_1084 : vector<16xi32> to vector<32xbf16>
      %add3A_1137 = arith.addf %bitcast3A_1135, %bitcast3A_1136 : vector<32xbf16>
      %bitcast3A_1138 = vector.bitcast %add3A_1137 : vector<32xbf16> to vector<16xi32>
      %bitcast3A_1139 = vector.bitcast %gather3A_1087 : vector<16xi32> to vector<32xbf16>
      %bitcast3A_1140 = vector.bitcast %gather3A_1090 : vector<16xi32> to vector<32xbf16>
      %add3A_1141 = arith.addf %bitcast3A_1139, %bitcast3A_1140 : vector<32xbf16>
      %bitcast3A_1142 = vector.bitcast %add3A_1141 : vector<32xbf16> to vector<16xi32>
      %bitcast3A_1143 = vector.bitcast %gather3A_1093 : vector<16xi32> to vector<32xbf16>
      %bitcast3A_1144 = vector.bitcast %gather3A_1096 : vector<16xi32> to vector<32xbf16>
      %add3A_1145 = arith.addf %bitcast3A_1143, %bitcast3A_1144 : vector<32xbf16>
      %bitcast3A_1146 = vector.bitcast %add3A_1145 : vector<32xbf16> to vector<16xi32>
      %bitcast3A_1147 = vector.bitcast %gather3A_1099 : vector<16xi32> to vector<32xbf16>
      %bitcast3A_1148 = vector.bitcast %gather3A_1102 : vector<16xi32> to vector<32xbf16>
      %add3A_1149 = arith.addf %bitcast3A_1147, %bitcast3A_1148 : vector<32xbf16>
      %bitcast3A_1150 = vector.bitcast %add3A_1149 : vector<32xbf16> to vector<16xi32>
      %bitcast3A_1151 = vector.bitcast %gather3A_1105 : vector<16xi32> to vector<32xbf16>
      %bitcast3A_1152 = vector.bitcast %gather3A_1108 : vector<16xi32> to vector<32xbf16>
      %add3A_1153 = arith.addf %bitcast3A_1151, %bitcast3A_1152 : vector<32xbf16>
      %bitcast3A_1154 = vector.bitcast %add3A_1153 : vector<32xbf16> to vector<16xi32>
      %bitcast3A_1155 = vector.bitcast %gather3A_1111 : vector<16xi32> to vector<32xbf16>
      %bitcast3A_1156 = vector.bitcast %gather3A_1114 : vector<16xi32> to vector<32xbf16>
      %add3A_1157 = arith.addf %bitcast3A_1155, %bitcast3A_1156 : vector<32xbf16>
      %bitcast3A_1158 = vector.bitcast %add3A_1157 : vector<32xbf16> to vector<16xi32>
      %bitcast3A_1159 = vector.bitcast %gather3A_1117 : vector<16xi32> to vector<32xbf16>
      %bitcast3A_1160 = vector.bitcast %gather3A_1120 : vector<16xi32> to vector<32xbf16>
      %add3A_1161 = arith.addf %bitcast3A_1159, %bitcast3A_1160 : vector<32xbf16>
      %bitcast3A_1162 = vector.bitcast %add3A_1161 : vector<32xbf16> to vector<16xi32>
      %bitcast3A_1163 = vector.bitcast %gather3A_1123 : vector<16xi32> to vector<32xbf16>
      %bitcast3A_1164 = vector.bitcast %gather3A_1126 : vector<16xi32> to vector<32xbf16>
      %add3A_1165 = arith.addf %bitcast3A_1163, %bitcast3A_1164 : vector<32xbf16>
      %bitcast3A_1166 = vector.bitcast %add3A_1165 : vector<32xbf16> to vector<16xi32>
      %shift_left3A_1167 = arith.constant 16 : i32
      %shift_left3A_1168 = vector.broadcast %shift_left3A_1167 : i32 to vector<16xi32>
      %shift_left3A_1169 = arith.shli %bitcast3A_1130, %shift_left3A_1168 : vector<16xi32>
      %bitcast3A_1170 = vector.bitcast %shift_left3A_1169 : vector<16xi32> to vector<16xf32>
      %shift_left3A_1171 = arith.constant 16 : i32
      %shift_left3A_1172 = vector.broadcast %shift_left3A_1171 : i32 to vector<16xi32>
      %shift_left3A_1173 = arith.shli %bitcast3A_1134, %shift_left3A_1172 : vector<16xi32>
      %bitcast3A_1174 = vector.bitcast %shift_left3A_1173 : vector<16xi32> to vector<16xf32>
      %shift_left3A_1175 = arith.constant 16 : i32
      %shift_left3A_1176 = vector.broadcast %shift_left3A_1175 : i32 to vector<16xi32>
      %shift_left3A_1177 = arith.shli %bitcast3A_1138, %shift_left3A_1176 : vector<16xi32>
      %bitcast3A_1178 = vector.bitcast %shift_left3A_1177 : vector<16xi32> to vector<16xf32>
      %shift_left3A_1179 = arith.constant 16 : i32
      %shift_left3A_1180 = vector.broadcast %shift_left3A_1179 : i32 to vector<16xi32>
      %shift_left3A_1181 = arith.shli %bitcast3A_1142, %shift_left3A_1180 : vector<16xi32>
      %bitcast3A_1182 = vector.bitcast %shift_left3A_1181 : vector<16xi32> to vector<16xf32>
      %shift_left3A_1183 = arith.constant 16 : i32
      %shift_left3A_1184 = vector.broadcast %shift_left3A_1183 : i32 to vector<16xi32>
      %shift_left3A_1185 = arith.shli %bitcast3A_1146, %shift_left3A_1184 : vector<16xi32>
      %bitcast3A_1186 = vector.bitcast %shift_left3A_1185 : vector<16xi32> to vector<16xf32>
      %shift_left3A_1187 = arith.constant 16 : i32
      %shift_left3A_1188 = vector.broadcast %shift_left3A_1187 : i32 to vector<16xi32>
      %shift_left3A_1189 = arith.shli %bitcast3A_1150, %shift_left3A_1188 : vector<16xi32>
      %bitcast3A_1190 = vector.bitcast %shift_left3A_1189 : vector<16xi32> to vector<16xf32>
      %shift_left3A_1191 = arith.constant 16 : i32
      %shift_left3A_1192 = vector.broadcast %shift_left3A_1191 : i32 to vector<16xi32>
      %shift_left3A_1193 = arith.shli %bitcast3A_1154, %shift_left3A_1192 : vector<16xi32>
      %bitcast3A_1194 = vector.bitcast %shift_left3A_1193 : vector<16xi32> to vector<16xf32>
      %shift_left3A_1195 = arith.constant 16 : i32
      %shift_left3A_1196 = vector.broadcast %shift_left3A_1195 : i32 to vector<16xi32>
      %shift_left3A_1197 = arith.shli %bitcast3A_1158, %shift_left3A_1196 : vector<16xi32>
      %bitcast3A_1198 = vector.bitcast %shift_left3A_1197 : vector<16xi32> to vector<16xf32>
      %shift_left3A_1199 = arith.constant 16 : i32
      %shift_left3A_1200 = vector.broadcast %shift_left3A_1199 : i32 to vector<16xi32>
      %shift_left3A_1201 = arith.shli %bitcast3A_1162, %shift_left3A_1200 : vector<16xi32>
      %bitcast3A_1202 = vector.bitcast %shift_left3A_1201 : vector<16xi32> to vector<16xf32>
      %shift_left3A_1203 = arith.constant 16 : i32
      %shift_left3A_1204 = vector.broadcast %shift_left3A_1203 : i32 to vector<16xi32>
      %shift_left3A_1205 = arith.shli %bitcast3A_1166, %shift_left3A_1204 : vector<16xi32>
      %bitcast3A_1206 = vector.bitcast %shift_left3A_1205 : vector<16xi32> to vector<16xf32>
      %and3A_1207 = arith.andi %bitcast3A_1130, %broadcast_in_dim3A_22 : vector<16xi32>
      %bitcast3A_1208 = vector.bitcast %and3A_1207 : vector<16xi32> to vector<16xf32>
      %and3A_1209 = arith.andi %bitcast3A_1134, %broadcast_in_dim3A_22 : vector<16xi32>
      %bitcast3A_1210 = vector.bitcast %and3A_1209 : vector<16xi32> to vector<16xf32>
      %and3A_1211 = arith.andi %bitcast3A_1138, %broadcast_in_dim3A_22 : vector<16xi32>
      %bitcast3A_1212 = vector.bitcast %and3A_1211 : vector<16xi32> to vector<16xf32>
      %and3A_1213 = arith.andi %bitcast3A_1142, %broadcast_in_dim3A_22 : vector<16xi32>
      %bitcast3A_1214 = vector.bitcast %and3A_1213 : vector<16xi32> to vector<16xf32>
      %and3A_1215 = arith.andi %bitcast3A_1146, %broadcast_in_dim3A_22 : vector<16xi32>
      %bitcast3A_1216 = vector.bitcast %and3A_1215 : vector<16xi32> to vector<16xf32>
      %and3A_1217 = arith.andi %bitcast3A_1150, %broadcast_in_dim3A_22 : vector<16xi32>
      %bitcast3A_1218 = vector.bitcast %and3A_1217 : vector<16xi32> to vector<16xf32>
      %and3A_1219 = arith.andi %bitcast3A_1154, %broadcast_in_dim3A_22 : vector<16xi32>
      %bitcast3A_1220 = vector.bitcast %and3A_1219 : vector<16xi32> to vector<16xf32>
      %and3A_1221 = arith.andi %bitcast3A_1158, %broadcast_in_dim3A_22 : vector<16xi32>
      %bitcast3A_1222 = vector.bitcast %and3A_1221 : vector<16xi32> to vector<16xf32>
      %and3A_1223 = arith.andi %bitcast3A_1162, %broadcast_in_dim3A_22 : vector<16xi32>
      %bitcast3A_1224 = vector.bitcast %and3A_1223 : vector<16xi32> to vector<16xf32>
      %and3A_1225 = arith.andi %bitcast3A_1166, %broadcast_in_dim3A_22 : vector<16xi32>
      %bitcast3A_1226 = vector.bitcast %and3A_1225 : vector<16xi32> to vector<16xf32>
      %add3A_1227 = arith.addf %bitcast3A_1170, %bitcast3A_1174 : vector<16xf32>
      %add3A_1228 = arith.addf %bitcast3A_1178, %bitcast3A_1182 : vector<16xf32>
      %add3A_1229 = arith.addf %bitcast3A_1186, %bitcast3A_1190 : vector<16xf32>
      %add3A_1230 = arith.addf %bitcast3A_1194, %bitcast3A_1198 : vector<16xf32>
      %add3A_1231 = arith.addf %bitcast3A_1202, %bitcast3A_1206 : vector<16xf32>
      %add3A_1232 = arith.addf %add3A_1227, %add3A_1228 : vector<16xf32>
      %add3A_1233 = arith.addf %add3A_1229, %add3A_1230 : vector<16xf32>
      %add3A_1234 = arith.addf %add3A_1232, %add3A_1233 : vector<16xf32>
      %add3A_1235 = arith.addf %add3A_1234, %add3A_1231 : vector<16xf32>
      %mul3A_1236 = arith.mulf %add3A_1235, %div3A_39 : vector<16xf32>
      %swap3A_1237 = arith.constant 8 : i32
      %swap3A_1238 = arith.index_cast %swap3A_1237 : i32 to index
      %swap3A_1239 = arith.index_cast %mul3A_33 : i32 to index
      %swap3A_1240 = tpu.vector_load %arg9[%swap3A_1238, %swap3A_1239] {strides = array<i32>} : memref<32x512xf32, #tpu.memory_space<vmem>>, vector<16xf32>,
      tpu.vector_store %arg9[%swap3A_1238, %swap3A_1239], %mul3A_1236 {strides = array<i32>} : memref<32x512xf32, #tpu.memory_space<vmem>>, vector<16xf32>,
      %add3A_1241 = arith.addf %bitcast3A_1208, %bitcast3A_1210 : vector<16xf32>
      %add3A_1242 = arith.addf %bitcast3A_1212, %bitcast3A_1214 : vector<16xf32>
      %add3A_1243 = arith.addf %bitcast3A_1216, %bitcast3A_1218 : vector<16xf32>
      %add3A_1244 = arith.addf %bitcast3A_1220, %bitcast3A_1222 : vector<16xf32>
      %add3A_1245 = arith.addf %bitcast3A_1224, %bitcast3A_1226 : vector<16xf32>
      %add3A_1246 = arith.addf %add3A_1241, %add3A_1242 : vector<16xf32>
      %add3A_1247 = arith.addf %add3A_1243, %add3A_1244 : vector<16xf32>
      %add3A_1248 = arith.addf %add3A_1246, %add3A_1247 : vector<16xf32>
      %add3A_1249 = arith.addf %add3A_1248, %add3A_1245 : vector<16xf32>
      %mul3A_1250 = arith.mulf %add3A_1249, %div3A_39 : vector<16xf32>
      %swap3A_1251 = arith.constant 9 : i32
      %swap3A_1252 = arith.index_cast %swap3A_1251 : i32 to index
      %swap3A_1253 = arith.index_cast %mul3A_33 : i32 to index
      %swap3A_1254 = tpu.vector_load %arg9[%swap3A_1252, %swap3A_1253] {strides = array<i32>} : memref<32x512xf32, #tpu.memory_space<vmem>>, vector<16xf32>,
      tpu.vector_store %arg9[%swap3A_1252, %swap3A_1253], %mul3A_1250 {strides = array<i32>} : memref<32x512xf32, #tpu.memory_space<vmem>>, vector<16xf32>,
      %gather3A_1255 = arith.constant 21120 : i32
      %gather3A_1256 = tpu.memref_slice %arg8[%gather3A_1255] : memref<67584xi32, #tpu.memory_space<vmem>> -> memref<4224xi32, #tpu.memory_space<vmem>>
      %gather3A_1257 = tpu.vector_load_idx %gather3A_1256[%add3A_52] : memref<4224xi32, #tpu.memory_space<vmem>>[vector<16xi32>], vector<16xi32>,
      %gather3A_1258 = arith.constant 21120 : i32
      %gather3A_1259 = tpu.memref_slice %arg8[%gather3A_1258] : memref<67584xi32, #tpu.memory_space<vmem>> -> memref<4224xi32, #tpu.memory_space<vmem>>
      %gather3A_1260 = tpu.vector_load_idx %gather3A_1259[%add3A_66] : memref<4224xi32, #tpu.memory_space<vmem>>[vector<16xi32>], vector<16xi32>,
      %gather3A_1261 = arith.constant 21120 : i32
      %gather3A_1262 = tpu.memref_slice %arg8[%gather3A_1261] : memref<67584xi32, #tpu.memory_space<vmem>> -> memref<4224xi32, #tpu.memory_space<vmem>>
      %gather3A_1263 = tpu.vector_load_idx %gather3A_1262[%add3A_80] : memref<4224xi32, #tpu.memory_space<vmem>>[vector<16xi32>], vector<16xi32>,
      %gather3A_1264 = arith.constant 21120 : i32
      %gather3A_1265 = tpu.memref_slice %arg8[%gather3A_1264] : memref<67584xi32, #tpu.memory_space<vmem>> -> memref<4224xi32, #tpu.memory_space<vmem>>
      %gather3A_1266 = tpu.vector_load_idx %gather3A_1265[%add3A_94] : memref<4224xi32, #tpu.memory_space<vmem>>[vector<16xi32>], vector<16xi32>,
      %gather3A_1267 = arith.constant 21120 : i32
      %gather3A_1268 = tpu.memref_slice %arg8[%gather3A_1267] : memref<67584xi32, #tpu.memory_space<vmem>> -> memref<4224xi32, #tpu.memory_space<vmem>>
      %gather3A_1269 = tpu.vector_load_idx %gather3A_1268[%add3A_108] : memref<4224xi32, #tpu.memory_space<vmem>>[vector<16xi32>], vector<16xi32>,
      %gather3A_1270 = arith.constant 21120 : i32
      %gather3A_1271 = tpu.memref_slice %arg8[%gather3A_1270] : memref<67584xi32, #tpu.memory_space<vmem>> -> memref<4224xi32, #tpu.memory_space<vmem>>
      %gather3A_1272 = tpu.vector_load_idx %gather3A_1271[%add3A_122] : memref<4224xi32, #tpu.memory_space<vmem>>[vector<16xi32>], vector<16xi32>,
      %gather3A_1273 = arith.constant 21120 : i32
      %gather3A_1274 = tpu.memref_slice %arg8[%gather3A_1273] : memref<67584xi32, #tpu.memory_space<vmem>> -> memref<4224xi32, #tpu.memory_space<vmem>>
      %gather3A_1275 = tpu.vector_load_idx %gather3A_1274[%add3A_136] : memref<4224xi32, #tpu.memory_space<vmem>>[vector<16xi32>], vector<16xi32>,
      %gather3A_1276 = arith.constant 21120 : i32
      %gather3A_1277 = tpu.memref_slice %arg8[%gather3A_1276] : memref<67584xi32, #tpu.memory_space<vmem>> -> memref<4224xi32, #tpu.memory_space<vmem>>
      %gather3A_1278 = tpu.vector_load_idx %gather3A_1277[%add3A_150] : memref<4224xi32, #tpu.memory_space<vmem>>[vector<16xi32>], vector<16xi32>,
      %gather3A_1279 = arith.constant 21120 : i32
      %gather3A_1280 = tpu.memref_slice %arg8[%gather3A_1279] : memref<67584xi32, #tpu.memory_space<vmem>> -> memref<4224xi32, #tpu.memory_space<vmem>>
      %gather3A_1281 = tpu.vector_load_idx %gather3A_1280[%add3A_164] : memref<4224xi32, #tpu.memory_space<vmem>>[vector<16xi32>], vector<16xi32>,
      %gather3A_1282 = arith.constant 21120 : i32
      %gather3A_1283 = tpu.memref_slice %arg8[%gather3A_1282] : memref<67584xi32, #tpu.memory_space<vmem>> -> memref<4224xi32, #tpu.memory_space<vmem>>
      %gather3A_1284 = tpu.vector_load_idx %gather3A_1283[%add3A_178] : memref<4224xi32, #tpu.memory_space<vmem>>[vector<16xi32>], vector<16xi32>,
      %gather3A_1285 = arith.constant 21120 : i32
      %gather3A_1286 = tpu.memref_slice %arg8[%gather3A_1285] : memref<67584xi32, #tpu.memory_space<vmem>> -> memref<4224xi32, #tpu.memory_space<vmem>>
      %gather3A_1287 = tpu.vector_load_idx %gather3A_1286[%add3A_192] : memref<4224xi32, #tpu.memory_space<vmem>>[vector<16xi32>], vector<16xi32>,
      %gather3A_1288 = arith.constant 21120 : i32
      %gather3A_1289 = tpu.memref_slice %arg8[%gather3A_1288] : memref<67584xi32, #tpu.memory_space<vmem>> -> memref<4224xi32, #tpu.memory_space<vmem>>
      %gather3A_1290 = tpu.vector_load_idx %gather3A_1289[%add3A_206] : memref<4224xi32, #tpu.memory_space<vmem>>[vector<16xi32>], vector<16xi32>,
      %gather3A_1291 = arith.constant 21120 : i32
      %gather3A_1292 = tpu.memref_slice %arg8[%gather3A_1291] : memref<67584xi32, #tpu.memory_space<vmem>> -> memref<4224xi32, #tpu.memory_space<vmem>>
      %gather3A_1293 = tpu.vector_load_idx %gather3A_1292[%add3A_220] : memref<4224xi32, #tpu.memory_space<vmem>>[vector<16xi32>], vector<16xi32>,
      %gather3A_1294 = arith.constant 21120 : i32
      %gather3A_1295 = tpu.memref_slice %arg8[%gather3A_1294] : memref<67584xi32, #tpu.memory_space<vmem>> -> memref<4224xi32, #tpu.memory_space<vmem>>
      %gather3A_1296 = tpu.vector_load_idx %gather3A_1295[%add3A_234] : memref<4224xi32, #tpu.memory_space<vmem>>[vector<16xi32>], vector<16xi32>,
      %gather3A_1297 = arith.constant 21120 : i32
      %gather3A_1298 = tpu.memref_slice %arg8[%gather3A_1297] : memref<67584xi32, #tpu.memory_space<vmem>> -> memref<4224xi32, #tpu.memory_space<vmem>>
      %gather3A_1299 = tpu.vector_load_idx %gather3A_1298[%add3A_248] : memref<4224xi32, #tpu.memory_space<vmem>>[vector<16xi32>], vector<16xi32>,
      %gather3A_1300 = arith.constant 21120 : i32
      %gather3A_1301 = tpu.memref_slice %arg8[%gather3A_1300] : memref<67584xi32, #tpu.memory_space<vmem>> -> memref<4224xi32, #tpu.memory_space<vmem>>
      %gather3A_1302 = tpu.vector_load_idx %gather3A_1301[%add3A_262] : memref<4224xi32, #tpu.memory_space<vmem>>[vector<16xi32>], vector<16xi32>,
      %gather3A_1303 = arith.constant 21120 : i32
      %gather3A_1304 = tpu.memref_slice %arg8[%gather3A_1303] : memref<67584xi32, #tpu.memory_space<vmem>> -> memref<4224xi32, #tpu.memory_space<vmem>>
      %gather3A_1305 = tpu.vector_load_idx %gather3A_1304[%add3A_276] : memref<4224xi32, #tpu.memory_space<vmem>>[vector<16xi32>], vector<16xi32>,
      %gather3A_1306 = arith.constant 21120 : i32
      %gather3A_1307 = tpu.memref_slice %arg8[%gather3A_1306] : memref<67584xi32, #tpu.memory_space<vmem>> -> memref<4224xi32, #tpu.memory_space<vmem>>
      %gather3A_1308 = tpu.vector_load_idx %gather3A_1307[%add3A_290] : memref<4224xi32, #tpu.memory_space<vmem>>[vector<16xi32>], vector<16xi32>,
      %gather3A_1309 = arith.constant 21120 : i32
      %gather3A_1310 = tpu.memref_slice %arg8[%gather3A_1309] : memref<67584xi32, #tpu.memory_space<vmem>> -> memref<4224xi32, #tpu.memory_space<vmem>>
      %gather3A_1311 = tpu.vector_load_idx %gather3A_1310[%add3A_304] : memref<4224xi32, #tpu.memory_space<vmem>>[vector<16xi32>], vector<16xi32>,
      %gather3A_1312 = arith.constant 21120 : i32
      %gather3A_1313 = tpu.memref_slice %arg8[%gather3A_1312] : memref<67584xi32, #tpu.memory_space<vmem>> -> memref<4224xi32, #tpu.memory_space<vmem>>
      %gather3A_1314 = tpu.vector_load_idx %gather3A_1313[%add3A_318] : memref<4224xi32, #tpu.memory_space<vmem>>[vector<16xi32>], vector<16xi32>,
      %bitcast3A_1315 = vector.bitcast %gather3A_1257 : vector<16xi32> to vector<32xbf16>
      %bitcast3A_1316 = vector.bitcast %gather3A_1260 : vector<16xi32> to vector<32xbf16>
      %add3A_1317 = arith.addf %bitcast3A_1315, %bitcast3A_1316 : vector<32xbf16>
      %bitcast3A_1318 = vector.bitcast %add3A_1317 : vector<32xbf16> to vector<16xi32>
      %bitcast3A_1319 = vector.bitcast %gather3A_1263 : vector<16xi32> to vector<32xbf16>
      %bitcast3A_1320 = vector.bitcast %gather3A_1266 : vector<16xi32> to vector<32xbf16>
      %add3A_1321 = arith.addf %bitcast3A_1319, %bitcast3A_1320 : vector<32xbf16>
      %bitcast3A_1322 = vector.bitcast %add3A_1321 : vector<32xbf16> to vector<16xi32>
      %bitcast3A_1323 = vector.bitcast %gather3A_1269 : vector<16xi32> to vector<32xbf16>
      %bitcast3A_1324 = vector.bitcast %gather3A_1272 : vector<16xi32> to vector<32xbf16>
      %add3A_1325 = arith.addf %bitcast3A_1323, %bitcast3A_1324 : vector<32xbf16>
      %bitcast3A_1326 = vector.bitcast %add3A_1325 : vector<32xbf16> to vector<16xi32>
      %bitcast3A_1327 = vector.bitcast %gather3A_1275 : vector<16xi32> to vector<32xbf16>
      %bitcast3A_1328 = vector.bitcast %gather3A_1278 : vector<16xi32> to vector<32xbf16>
      %add3A_1329 = arith.addf %bitcast3A_1327, %bitcast3A_1328 : vector<32xbf16>
      %bitcast3A_1330 = vector.bitcast %add3A_1329 : vector<32xbf16> to vector<16xi32>
      %bitcast3A_1331 = vector.bitcast %gather3A_1281 : vector<16xi32> to vector<32xbf16>
      %bitcast3A_1332 = vector.bitcast %gather3A_1284 : vector<16xi32> to vector<32xbf16>
      %add3A_1333 = arith.addf %bitcast3A_1331, %bitcast3A_1332 : vector<32xbf16>
      %bitcast3A_1334 = vector.bitcast %add3A_1333 : vector<32xbf16> to vector<16xi32>
      %bitcast3A_1335 = vector.bitcast %gather3A_1287 : vector<16xi32> to vector<32xbf16>
      %bitcast3A_1336 = vector.bitcast %gather3A_1290 : vector<16xi32> to vector<32xbf16>
      %add3A_1337 = arith.addf %bitcast3A_1335, %bitcast3A_1336 : vector<32xbf16>
      %bitcast3A_1338 = vector.bitcast %add3A_1337 : vector<32xbf16> to vector<16xi32>
      %bitcast3A_1339 = vector.bitcast %gather3A_1293 : vector<16xi32> to vector<32xbf16>
      %bitcast3A_1340 = vector.bitcast %gather3A_1296 : vector<16xi32> to vector<32xbf16>
      %add3A_1341 = arith.addf %bitcast3A_1339, %bitcast3A_1340 : vector<32xbf16>
      %bitcast3A_1342 = vector.bitcast %add3A_1341 : vector<32xbf16> to vector<16xi32>
      %bitcast3A_1343 = vector.bitcast %gather3A_1299 : vector<16xi32> to vector<32xbf16>
      %bitcast3A_1344 = vector.bitcast %gather3A_1302 : vector<16xi32> to vector<32xbf16>
      %add3A_1345 = arith.addf %bitcast3A_1343, %bitcast3A_1344 : vector<32xbf16>
      %bitcast3A_1346 = vector.bitcast %add3A_1345 : vector<32xbf16> to vector<16xi32>
      %bitcast3A_1347 = vector.bitcast %gather3A_1305 : vector<16xi32> to vector<32xbf16>
      %bitcast3A_1348 = vector.bitcast %gather3A_1308 : vector<16xi32> to vector<32xbf16>
      %add3A_1349 = arith.addf %bitcast3A_1347, %bitcast3A_1348 : vector<32xbf16>
      %bitcast3A_1350 = vector.bitcast %add3A_1349 : vector<32xbf16> to vector<16xi32>
      %bitcast3A_1351 = vector.bitcast %gather3A_1311 : vector<16xi32> to vector<32xbf16>
      %bitcast3A_1352 = vector.bitcast %gather3A_1314 : vector<16xi32> to vector<32xbf16>
      %add3A_1353 = arith.addf %bitcast3A_1351, %bitcast3A_1352 : vector<32xbf16>
      %bitcast3A_1354 = vector.bitcast %add3A_1353 : vector<32xbf16> to vector<16xi32>
      %shift_left3A_1355 = arith.constant 16 : i32
      %shift_left3A_1356 = vector.broadcast %shift_left3A_1355 : i32 to vector<16xi32>
      %shift_left3A_1357 = arith.shli %bitcast3A_1318, %shift_left3A_1356 : vector<16xi32>
      %bitcast3A_1358 = vector.bitcast %shift_left3A_1357 : vector<16xi32> to vector<16xf32>
      %shift_left3A_1359 = arith.constant 16 : i32
      %shift_left3A_1360 = vector.broadcast %shift_left3A_1359 : i32 to vector<16xi32>
      %shift_left3A_1361 = arith.shli %bitcast3A_1322, %shift_left3A_1360 : vector<16xi32>
      %bitcast3A_1362 = vector.bitcast %shift_left3A_1361 : vector<16xi32> to vector<16xf32>
      %shift_left3A_1363 = arith.constant 16 : i32
      %shift_left3A_1364 = vector.broadcast %shift_left3A_1363 : i32 to vector<16xi32>
      %shift_left3A_1365 = arith.shli %bitcast3A_1326, %shift_left3A_1364 : vector<16xi32>
      %bitcast3A_1366 = vector.bitcast %shift_left3A_1365 : vector<16xi32> to vector<16xf32>
      %shift_left3A_1367 = arith.constant 16 : i32
      %shift_left3A_1368 = vector.broadcast %shift_left3A_1367 : i32 to vector<16xi32>
      %shift_left3A_1369 = arith.shli %bitcast3A_1330, %shift_left3A_1368 : vector<16xi32>
      %bitcast3A_1370 = vector.bitcast %shift_left3A_1369 : vector<16xi32> to vector<16xf32>
      %shift_left3A_1371 = arith.constant 16 : i32
      %shift_left3A_1372 = vector.broadcast %shift_left3A_1371 : i32 to vector<16xi32>
      %shift_left3A_1373 = arith.shli %bitcast3A_1334, %shift_left3A_1372 : vector<16xi32>
      %bitcast3A_1374 = vector.bitcast %shift_left3A_1373 : vector<16xi32> to vector<16xf32>
      %shift_left3A_1375 = arith.constant 16 : i32
      %shift_left3A_1376 = vector.broadcast %shift_left3A_1375 : i32 to vector<16xi32>
      %shift_left3A_1377 = arith.shli %bitcast3A_1338, %shift_left3A_1376 : vector<16xi32>
      %bitcast3A_1378 = vector.bitcast %shift_left3A_1377 : vector<16xi32> to vector<16xf32>
      %shift_left3A_1379 = arith.constant 16 : i32
      %shift_left3A_1380 = vector.broadcast %shift_left3A_1379 : i32 to vector<16xi32>
      %shift_left3A_1381 = arith.shli %bitcast3A_1342, %shift_left3A_1380 : vector<16xi32>
      %bitcast3A_1382 = vector.bitcast %shift_left3A_1381 : vector<16xi32> to vector<16xf32>
      %shift_left3A_1383 = arith.constant 16 : i32
      %shift_left3A_1384 = vector.broadcast %shift_left3A_1383 : i32 to vector<16xi32>
      %shift_left3A_1385 = arith.shli %bitcast3A_1346, %shift_left3A_1384 : vector<16xi32>
      %bitcast3A_1386 = vector.bitcast %shift_left3A_1385 : vector<16xi32> to vector<16xf32>
      %shift_left3A_1387 = arith.constant 16 : i32
      %shift_left3A_1388 = vector.broadcast %shift_left3A_1387 : i32 to vector<16xi32>
      %shift_left3A_1389 = arith.shli %bitcast3A_1350, %shift_left3A_1388 : vector<16xi32>
      %bitcast3A_1390 = vector.bitcast %shift_left3A_1389 : vector<16xi32> to vector<16xf32>
      %shift_left3A_1391 = arith.constant 16 : i32
      %shift_left3A_1392 = vector.broadcast %shift_left3A_1391 : i32 to vector<16xi32>
      %shift_left3A_1393 = arith.shli %bitcast3A_1354, %shift_left3A_1392 : vector<16xi32>
      %bitcast3A_1394 = vector.bitcast %shift_left3A_1393 : vector<16xi32> to vector<16xf32>
      %and3A_1395 = arith.andi %bitcast3A_1318, %broadcast_in_dim3A_22 : vector<16xi32>
      %bitcast3A_1396 = vector.bitcast %and3A_1395 : vector<16xi32> to vector<16xf32>
      %and3A_1397 = arith.andi %bitcast3A_1322, %broadcast_in_dim3A_22 : vector<16xi32>
      %bitcast3A_1398 = vector.bitcast %and3A_1397 : vector<16xi32> to vector<16xf32>
      %and3A_1399 = arith.andi %bitcast3A_1326, %broadcast_in_dim3A_22 : vector<16xi32>
      %bitcast3A_1400 = vector.bitcast %and3A_1399 : vector<16xi32> to vector<16xf32>
      %and3A_1401 = arith.andi %bitcast3A_1330, %broadcast_in_dim3A_22 : vector<16xi32>
      %bitcast3A_1402 = vector.bitcast %and3A_1401 : vector<16xi32> to vector<16xf32>
      %and3A_1403 = arith.andi %bitcast3A_1334, %broadcast_in_dim3A_22 : vector<16xi32>
      %bitcast3A_1404 = vector.bitcast %and3A_1403 : vector<16xi32> to vector<16xf32>
      %and3A_1405 = arith.andi %bitcast3A_1338, %broadcast_in_dim3A_22 : vector<16xi32>
      %bitcast3A_1406 = vector.bitcast %and3A_1405 : vector<16xi32> to vector<16xf32>
      %and3A_1407 = arith.andi %bitcast3A_1342, %broadcast_in_dim3A_22 : vector<16xi32>
      %bitcast3A_1408 = vector.bitcast %and3A_1407 : vector<16xi32> to vector<16xf32>
      %and3A_1409 = arith.andi %bitcast3A_1346, %broadcast_in_dim3A_22 : vector<16xi32>
      %bitcast3A_1410 = vector.bitcast %and3A_1409 : vector<16xi32> to vector<16xf32>
      %and3A_1411 = arith.andi %bitcast3A_1350, %broadcast_in_dim3A_22 : vector<16xi32>
      %bitcast3A_1412 = vector.bitcast %and3A_1411 : vector<16xi32> to vector<16xf32>
      %and3A_1413 = arith.andi %bitcast3A_1354, %broadcast_in_dim3A_22 : vector<16xi32>
      %bitcast3A_1414 = vector.bitcast %and3A_1413 : vector<16xi32> to vector<16xf32>
      %add3A_1415 = arith.addf %bitcast3A_1358, %bitcast3A_1362 : vector<16xf32>
      %add3A_1416 = arith.addf %bitcast3A_1366, %bitcast3A_1370 : vector<16xf32>
      %add3A_1417 = arith.addf %bitcast3A_1374, %bitcast3A_1378 : vector<16xf32>
      %add3A_1418 = arith.addf %bitcast3A_1382, %bitcast3A_1386 : vector<16xf32>
      %add3A_1419 = arith.addf %bitcast3A_1390, %bitcast3A_1394 : vector<16xf32>
      %add3A_1420 = arith.addf %add3A_1415, %add3A_1416 : vector<16xf32>
      %add3A_1421 = arith.addf %add3A_1417, %add3A_1418 : vector<16xf32>
      %add3A_1422 = arith.addf %add3A_1420, %add3A_1421 : vector<16xf32>
      %add3A_1423 = arith.addf %add3A_1422, %add3A_1419 : vector<16xf32>
      %mul3A_1424 = arith.mulf %add3A_1423, %div3A_39 : vector<16xf32>
      %swap3A_1425 = arith.constant 10 : i32
      %swap3A_1426 = arith.index_cast %swap3A_1425 : i32 to index
      %swap3A_1427 = arith.index_cast %mul3A_33 : i32 to index
      %swap3A_1428 = tpu.vector_load %arg9[%swap3A_1426, %swap3A_1427] {strides = array<i32>} : memref<32x512xf32, #tpu.memory_space<vmem>>, vector<16xf32>,
      tpu.vector_store %arg9[%swap3A_1426, %swap3A_1427], %mul3A_1424 {strides = array<i32>} : memref<32x512xf32, #tpu.memory_space<vmem>>, vector<16xf32>,
      %add3A_1429 = arith.addf %bitcast3A_1396, %bitcast3A_1398 : vector<16xf32>
      %add3A_1430 = arith.addf %bitcast3A_1400, %bitcast3A_1402 : vector<16xf32>
      %add3A_1431 = arith.addf %bitcast3A_1404, %bitcast3A_1406 : vector<16xf32>
      %add3A_1432 = arith.addf %bitcast3A_1408, %bitcast3A_1410 : vector<16xf32>
      %add3A_1433 = arith.addf %bitcast3A_1412, %bitcast3A_1414 : vector<16xf32>
      %add3A_1434 = arith.addf %add3A_1429, %add3A_1430 : vector<16xf32>
      %add3A_1435 = arith.addf %add3A_1431, %add3A_1432 : vector<16xf32>
      %add3A_1436 = arith.addf %add3A_1434, %add3A_1435 : vector<16xf32>
      %add3A_1437 = arith.addf %add3A_1436, %add3A_1433 : vector<16xf32>
      %mul3A_1438 = arith.mulf %add3A_1437, %div3A_39 : vector<16xf32>
      %swap3A_1439 = arith.constant 11 : i32
      %swap3A_1440 = arith.index_cast %swap3A_1439 : i32 to index
      %swap3A_1441 = arith.index_cast %mul3A_33 : i32 to index
      %swap3A_1442 = tpu.vector_load %arg9[%swap3A_1440, %swap3A_1441] {strides = array<i32>} : memref<32x512xf32, #tpu.memory_space<vmem>>, vector<16xf32>,
      tpu.vector_store %arg9[%swap3A_1440, %swap3A_1441], %mul3A_1438 {strides = array<i32>} : memref<32x512xf32, #tpu.memory_space<vmem>>, vector<16xf32>,
      %gather3A_1443 = arith.constant 25344 : i32
      %gather3A_1444 = tpu.memref_slice %arg8[%gather3A_1443] : memref<67584xi32, #tpu.memory_space<vmem>> -> memref<4224xi32, #tpu.memory_space<vmem>>
      %gather3A_1445 = tpu.vector_load_idx %gather3A_1444[%add3A_52] : memref<4224xi32, #tpu.memory_space<vmem>>[vector<16xi32>], vector<16xi32>,
      %gather3A_1446 = arith.constant 25344 : i32
      %gather3A_1447 = tpu.memref_slice %arg8[%gather3A_1446] : memref<67584xi32, #tpu.memory_space<vmem>> -> memref<4224xi32, #tpu.memory_space<vmem>>
      %gather3A_1448 = tpu.vector_load_idx %gather3A_1447[%add3A_66] : memref<4224xi32, #tpu.memory_space<vmem>>[vector<16xi32>], vector<16xi32>,
      %gather3A_1449 = arith.constant 25344 : i32
      %gather3A_1450 = tpu.memref_slice %arg8[%gather3A_1449] : memref<67584xi32, #tpu.memory_space<vmem>> -> memref<4224xi32, #tpu.memory_space<vmem>>
      %gather3A_1451 = tpu.vector_load_idx %gather3A_1450[%add3A_80] : memref<4224xi32, #tpu.memory_space<vmem>>[vector<16xi32>], vector<16xi32>,
      %gather3A_1452 = arith.constant 25344 : i32
      %gather3A_1453 = tpu.memref_slice %arg8[%gather3A_1452] : memref<67584xi32, #tpu.memory_space<vmem>> -> memref<4224xi32, #tpu.memory_space<vmem>>
      %gather3A_1454 = tpu.vector_load_idx %gather3A_1453[%add3A_94] : memref<4224xi32, #tpu.memory_space<vmem>>[vector<16xi32>], vector<16xi32>,
      %gather3A_1455 = arith.constant 25344 : i32
      %gather3A_1456 = tpu.memref_slice %arg8[%gather3A_1455] : memref<67584xi32, #tpu.memory_space<vmem>> -> memref<4224xi32, #tpu.memory_space<vmem>>
      %gather3A_1457 = tpu.vector_load_idx %gather3A_1456[%add3A_108] : memref<4224xi32, #tpu.memory_space<vmem>>[vector<16xi32>], vector<16xi32>,
      %gather3A_1458 = arith.constant 25344 : i32
      %gather3A_1459 = tpu.memref_slice %arg8[%gather3A_1458] : memref<67584xi32, #tpu.memory_space<vmem>> -> memref<4224xi32, #tpu.memory_space<vmem>>
      %gather3A_1460 = tpu.vector_load_idx %gather3A_1459[%add3A_122] : memref<4224xi32, #tpu.memory_space<vmem>>[vector<16xi32>], vector<16xi32>,
      %gather3A_1461 = arith.constant 25344 : i32
      %gather3A_1462 = tpu.memref_slice %arg8[%gather3A_1461] : memref<67584xi32, #tpu.memory_space<vmem>> -> memref<4224xi32, #tpu.memory_space<vmem>>
      %gather3A_1463 = tpu.vector_load_idx %gather3A_1462[%add3A_136] : memref<4224xi32, #tpu.memory_space<vmem>>[vector<16xi32>], vector<16xi32>,
      %gather3A_1464 = arith.constant 25344 : i32
      %gather3A_1465 = tpu.memref_slice %arg8[%gather3A_1464] : memref<67584xi32, #tpu.memory_space<vmem>> -> memref<4224xi32, #tpu.memory_space<vmem>>
      %gather3A_1466 = tpu.vector_load_idx %gather3A_1465[%add3A_150] : memref<4224xi32, #tpu.memory_space<vmem>>[vector<16xi32>], vector<16xi32>,
      %gather3A_1467 = arith.constant 25344 : i32
      %gather3A_1468 = tpu.memref_slice %arg8[%gather3A_1467] : memref<67584xi32, #tpu.memory_space<vmem>> -> memref<4224xi32, #tpu.memory_space<vmem>>
      %gather3A_1469 = tpu.vector_load_idx %gather3A_1468[%add3A_164] : memref<4224xi32, #tpu.memory_space<vmem>>[vector<16xi32>], vector<16xi32>,
      %gather3A_1470 = arith.constant 25344 : i32
      %gather3A_1471 = tpu.memref_slice %arg8[%gather3A_1470] : memref<67584xi32, #tpu.memory_space<vmem>> -> memref<4224xi32, #tpu.memory_space<vmem>>
      %gather3A_1472 = tpu.vector_load_idx %gather3A_1471[%add3A_178] : memref<4224xi32, #tpu.memory_space<vmem>>[vector<16xi32>], vector<16xi32>,
      %gather3A_1473 = arith.constant 25344 : i32
      %gather3A_1474 = tpu.memref_slice %arg8[%gather3A_1473] : memref<67584xi32, #tpu.memory_space<vmem>> -> memref<4224xi32, #tpu.memory_space<vmem>>
      %gather3A_1475 = tpu.vector_load_idx %gather3A_1474[%add3A_192] : memref<4224xi32, #tpu.memory_space<vmem>>[vector<16xi32>], vector<16xi32>,
      %gather3A_1476 = arith.constant 25344 : i32
      %gather3A_1477 = tpu.memref_slice %arg8[%gather3A_1476] : memref<67584xi32, #tpu.memory_space<vmem>> -> memref<4224xi32, #tpu.memory_space<vmem>>
      %gather3A_1478 = tpu.vector_load_idx %gather3A_1477[%add3A_206] : memref<4224xi32, #tpu.memory_space<vmem>>[vector<16xi32>], vector<16xi32>,
      %gather3A_1479 = arith.constant 25344 : i32
      %gather3A_1480 = tpu.memref_slice %arg8[%gather3A_1479] : memref<67584xi32, #tpu.memory_space<vmem>> -> memref<4224xi32, #tpu.memory_space<vmem>>
      %gather3A_1481 = tpu.vector_load_idx %gather3A_1480[%add3A_220] : memref<4224xi32, #tpu.memory_space<vmem>>[vector<16xi32>], vector<16xi32>,
      %gather3A_1482 = arith.constant 25344 : i32
      %gather3A_1483 = tpu.memref_slice %arg8[%gather3A_1482] : memref<67584xi32, #tpu.memory_space<vmem>> -> memref<4224xi32, #tpu.memory_space<vmem>>
      %gather3A_1484 = tpu.vector_load_idx %gather3A_1483[%add3A_234] : memref<4224xi32, #tpu.memory_space<vmem>>[vector<16xi32>], vector<16xi32>,
      %gather3A_1485 = arith.constant 25344 : i32
      %gather3A_1486 = tpu.memref_slice %arg8[%gather3A_1485] : memref<67584xi32, #tpu.memory_space<vmem>> -> memref<4224xi32, #tpu.memory_space<vmem>>
      %gather3A_1487 = tpu.vector_load_idx %gather3A_1486[%add3A_248] : memref<4224xi32, #tpu.memory_space<vmem>>[vector<16xi32>], vector<16xi32>,
      %gather3A_1488 = arith.constant 25344 : i32
      %gather3A_1489 = tpu.memref_slice %arg8[%gather3A_1488] : memref<67584xi32, #tpu.memory_space<vmem>> -> memref<4224xi32, #tpu.memory_space<vmem>>
      %gather3A_1490 = tpu.vector_load_idx %gather3A_1489[%add3A_262] : memref<4224xi32, #tpu.memory_space<vmem>>[vector<16xi32>], vector<16xi32>,
      %gather3A_1491 = arith.constant 25344 : i32
      %gather3A_1492 = tpu.memref_slice %arg8[%gather3A_1491] : memref<67584xi32, #tpu.memory_space<vmem>> -> memref<4224xi32, #tpu.memory_space<vmem>>
      %gather3A_1493 = tpu.vector_load_idx %gather3A_1492[%add3A_276] : memref<4224xi32, #tpu.memory_space<vmem>>[vector<16xi32>], vector<16xi32>,
      %gather3A_1494 = arith.constant 25344 : i32
      %gather3A_1495 = tpu.memref_slice %arg8[%gather3A_1494] : memref<67584xi32, #tpu.memory_space<vmem>> -> memref<4224xi32, #tpu.memory_space<vmem>>
      %gather3A_1496 = tpu.vector_load_idx %gather3A_1495[%add3A_290] : memref<4224xi32, #tpu.memory_space<vmem>>[vector<16xi32>], vector<16xi32>,
      %gather3A_1497 = arith.constant 25344 : i32
      %gather3A_1498 = tpu.memref_slice %arg8[%gather3A_1497] : memref<67584xi32, #tpu.memory_space<vmem>> -> memref<4224xi32, #tpu.memory_space<vmem>>
      %gather3A_1499 = tpu.vector_load_idx %gather3A_1498[%add3A_304] : memref<4224xi32, #tpu.memory_space<vmem>>[vector<16xi32>], vector<16xi32>,
      %gather3A_1500 = arith.constant 25344 : i32
      %gather3A_1501 = tpu.memref_slice %arg8[%gather3A_1500] : memref<67584xi32, #tpu.memory_space<vmem>> -> memref<4224xi32, #tpu.memory_space<vmem>>
      %gather3A_1502 = tpu.vector_load_idx %gather3A_1501[%add3A_318] : memref<4224xi32, #tpu.memory_space<vmem>>[vector<16xi32>], vector<16xi32>,
      %bitcast3A_1503 = vector.bitcast %gather3A_1445 : vector<16xi32> to vector<32xbf16>
      %bitcast3A_1504 = vector.bitcast %gather3A_1448 : vector<16xi32> to vector<32xbf16>
      %add3A_1505 = arith.addf %bitcast3A_1503, %bitcast3A_1504 : vector<32xbf16>
      %bitcast3A_1506 = vector.bitcast %add3A_1505 : vector<32xbf16> to vector<16xi32>
      %bitcast3A_1507 = vector.bitcast %gather3A_1451 : vector<16xi32> to vector<32xbf16>
      %bitcast3A_1508 = vector.bitcast %gather3A_1454 : vector<16xi32> to vector<32xbf16>
      %add3A_1509 = arith.addf %bitcast3A_1507, %bitcast3A_1508 : vector<32xbf16>
      %bitcast3A_1510 = vector.bitcast %add3A_1509 : vector<32xbf16> to vector<16xi32>
      %bitcast3A_1511 = vector.bitcast %gather3A_1457 : vector<16xi32> to vector<32xbf16>
      %bitcast3A_1512 = vector.bitcast %gather3A_1460 : vector<16xi32> to vector<32xbf16>
      %add3A_1513 = arith.addf %bitcast3A_1511, %bitcast3A_1512 : vector<32xbf16>
      %bitcast3A_1514 = vector.bitcast %add3A_1513 : vector<32xbf16> to vector<16xi32>
      %bitcast3A_1515 = vector.bitcast %gather3A_1463 : vector<16xi32> to vector<32xbf16>
      %bitcast3A_1516 = vector.bitcast %gather3A_1466 : vector<16xi32> to vector<32xbf16>
      %add3A_1517 = arith.addf %bitcast3A_1515, %bitcast3A_1516 : vector<32xbf16>
      %bitcast3A_1518 = vector.bitcast %add3A_1517 : vector<32xbf16> to vector<16xi32>
      %bitcast3A_1519 = vector.bitcast %gather3A_1469 : vector<16xi32> to vector<32xbf16>
      %bitcast3A_1520 = vector.bitcast %gather3A_1472 : vector<16xi32> to vector<32xbf16>
      %add3A_1521 = arith.addf %bitcast3A_1519, %bitcast3A_1520 : vector<32xbf16>
      %bitcast3A_1522 = vector.bitcast %add3A_1521 : vector<32xbf16> to vector<16xi32>
      %bitcast3A_1523 = vector.bitcast %gather3A_1475 : vector<16xi32> to vector<32xbf16>
      %bitcast3A_1524 = vector.bitcast %gather3A_1478 : vector<16xi32> to vector<32xbf16>
      %add3A_1525 = arith.addf %bitcast3A_1523, %bitcast3A_1524 : vector<32xbf16>
      %bitcast3A_1526 = vector.bitcast %add3A_1525 : vector<32xbf16> to vector<16xi32>
      %bitcast3A_1527 = vector.bitcast %gather3A_1481 : vector<16xi32> to vector<32xbf16>
      %bitcast3A_1528 = vector.bitcast %gather3A_1484 : vector<16xi32> to vector<32xbf16>
      %add3A_1529 = arith.addf %bitcast3A_1527, %bitcast3A_1528 : vector<32xbf16>
      %bitcast3A_1530 = vector.bitcast %add3A_1529 : vector<32xbf16> to vector<16xi32>
      %bitcast3A_1531 = vector.bitcast %gather3A_1487 : vector<16xi32> to vector<32xbf16>
      %bitcast3A_1532 = vector.bitcast %gather3A_1490 : vector<16xi32> to vector<32xbf16>
      %add3A_1533 = arith.addf %bitcast3A_1531, %bitcast3A_1532 : vector<32xbf16>
      %bitcast3A_1534 = vector.bitcast %add3A_1533 : vector<32xbf16> to vector<16xi32>
      %bitcast3A_1535 = vector.bitcast %gather3A_1493 : vector<16xi32> to vector<32xbf16>
      %bitcast3A_1536 = vector.bitcast %gather3A_1496 : vector<16xi32> to vector<32xbf16>
      %add3A_1537 = arith.addf %bitcast3A_1535, %bitcast3A_1536 : vector<32xbf16>
      %bitcast3A_1538 = vector.bitcast %add3A_1537 : vector<32xbf16> to vector<16xi32>
      %bitcast3A_1539 = vector.bitcast %gather3A_1499 : vector<16xi32> to vector<32xbf16>
      %bitcast3A_1540 = vector.bitcast %gather3A_1502 : vector<16xi32> to vector<32xbf16>
      %add3A_1541 = arith.addf %bitcast3A_1539, %bitcast3A_1540 : vector<32xbf16>
      %bitcast3A_1542 = vector.bitcast %add3A_1541 : vector<32xbf16> to vector<16xi32>
      %shift_left3A_1543 = arith.constant 16 : i32
      %shift_left3A_1544 = vector.broadcast %shift_left3A_1543 : i32 to vector<16xi32>
      %shift_left3A_1545 = arith.shli %bitcast3A_1506, %shift_left3A_1544 : vector<16xi32>
      %bitcast3A_1546 = vector.bitcast %shift_left3A_1545 : vector<16xi32> to vector<16xf32>
      %shift_left3A_1547 = arith.constant 16 : i32
      %shift_left3A_1548 = vector.broadcast %shift_left3A_1547 : i32 to vector<16xi32>
      %shift_left3A_1549 = arith.shli %bitcast3A_1510, %shift_left3A_1548 : vector<16xi32>
      %bitcast3A_1550 = vector.bitcast %shift_left3A_1549 : vector<16xi32> to vector<16xf32>
      %shift_left3A_1551 = arith.constant 16 : i32
      %shift_left3A_1552 = vector.broadcast %shift_left3A_1551 : i32 to vector<16xi32>
      %shift_left3A_1553 = arith.shli %bitcast3A_1514, %shift_left3A_1552 : vector<16xi32>
      %bitcast3A_1554 = vector.bitcast %shift_left3A_1553 : vector<16xi32> to vector<16xf32>
      %shift_left3A_1555 = arith.constant 16 : i32
      %shift_left3A_1556 = vector.broadcast %shift_left3A_1555 : i32 to vector<16xi32>
      %shift_left3A_1557 = arith.shli %bitcast3A_1518, %shift_left3A_1556 : vector<16xi32>
      %bitcast3A_1558 = vector.bitcast %shift_left3A_1557 : vector<16xi32> to vector<16xf32>
      %shift_left3A_1559 = arith.constant 16 : i32
      %shift_left3A_1560 = vector.broadcast %shift_left3A_1559 : i32 to vector<16xi32>
      %shift_left3A_1561 = arith.shli %bitcast3A_1522, %shift_left3A_1560 : vector<16xi32>
      %bitcast3A_1562 = vector.bitcast %shift_left3A_1561 : vector<16xi32> to vector<16xf32>
      %shift_left3A_1563 = arith.constant 16 : i32
      %shift_left3A_1564 = vector.broadcast %shift_left3A_1563 : i32 to vector<16xi32>
      %shift_left3A_1565 = arith.shli %bitcast3A_1526, %shift_left3A_1564 : vector<16xi32>
      %bitcast3A_1566 = vector.bitcast %shift_left3A_1565 : vector<16xi32> to vector<16xf32>
      %shift_left3A_1567 = arith.constant 16 : i32
      %shift_left3A_1568 = vector.broadcast %shift_left3A_1567 : i32 to vector<16xi32>
      %shift_left3A_1569 = arith.shli %bitcast3A_1530, %shift_left3A_1568 : vector<16xi32>
      %bitcast3A_1570 = vector.bitcast %shift_left3A_1569 : vector<16xi32> to vector<16xf32>
      %shift_left3A_1571 = arith.constant 16 : i32
      %shift_left3A_1572 = vector.broadcast %shift_left3A_1571 : i32 to vector<16xi32>
      %shift_left3A_1573 = arith.shli %bitcast3A_1534, %shift_left3A_1572 : vector<16xi32>
      %bitcast3A_1574 = vector.bitcast %shift_left3A_1573 : vector<16xi32> to vector<16xf32>
      %shift_left3A_1575 = arith.constant 16 : i32
      %shift_left3A_1576 = vector.broadcast %shift_left3A_1575 : i32 to vector<16xi32>
      %shift_left3A_1577 = arith.shli %bitcast3A_1538, %shift_left3A_1576 : vector<16xi32>
      %bitcast3A_1578 = vector.bitcast %shift_left3A_1577 : vector<16xi32> to vector<16xf32>
      %shift_left3A_1579 = arith.constant 16 : i32
      %shift_left3A_1580 = vector.broadcast %shift_left3A_1579 : i32 to vector<16xi32>
      %shift_left3A_1581 = arith.shli %bitcast3A_1542, %shift_left3A_1580 : vector<16xi32>
      %bitcast3A_1582 = vector.bitcast %shift_left3A_1581 : vector<16xi32> to vector<16xf32>
      %and3A_1583 = arith.andi %bitcast3A_1506, %broadcast_in_dim3A_22 : vector<16xi32>
      %bitcast3A_1584 = vector.bitcast %and3A_1583 : vector<16xi32> to vector<16xf32>
      %and3A_1585 = arith.andi %bitcast3A_1510, %broadcast_in_dim3A_22 : vector<16xi32>
      %bitcast3A_1586 = vector.bitcast %and3A_1585 : vector<16xi32> to vector<16xf32>
      %and3A_1587 = arith.andi %bitcast3A_1514, %broadcast_in_dim3A_22 : vector<16xi32>
      %bitcast3A_1588 = vector.bitcast %and3A_1587 : vector<16xi32> to vector<16xf32>
      %and3A_1589 = arith.andi %bitcast3A_1518, %broadcast_in_dim3A_22 : vector<16xi32>
      %bitcast3A_1590 = vector.bitcast %and3A_1589 : vector<16xi32> to vector<16xf32>
      %and3A_1591 = arith.andi %bitcast3A_1522, %broadcast_in_dim3A_22 : vector<16xi32>
      %bitcast3A_1592 = vector.bitcast %and3A_1591 : vector<16xi32> to vector<16xf32>
      %and3A_1593 = arith.andi %bitcast3A_1526, %broadcast_in_dim3A_22 : vector<16xi32>
      %bitcast3A_1594 = vector.bitcast %and3A_1593 : vector<16xi32> to vector<16xf32>
      %and3A_1595 = arith.andi %bitcast3A_1530, %broadcast_in_dim3A_22 : vector<16xi32>
      %bitcast3A_1596 = vector.bitcast %and3A_1595 : vector<16xi32> to vector<16xf32>
      %and3A_1597 = arith.andi %bitcast3A_1534, %broadcast_in_dim3A_22 : vector<16xi32>
      %bitcast3A_1598 = vector.bitcast %and3A_1597 : vector<16xi32> to vector<16xf32>
      %and3A_1599 = arith.andi %bitcast3A_1538, %broadcast_in_dim3A_22 : vector<16xi32>
      %bitcast3A_1600 = vector.bitcast %and3A_1599 : vector<16xi32> to vector<16xf32>
      %and3A_1601 = arith.andi %bitcast3A_1542, %broadcast_in_dim3A_22 : vector<16xi32>
      %bitcast3A_1602 = vector.bitcast %and3A_1601 : vector<16xi32> to vector<16xf32>
      %add3A_1603 = arith.addf %bitcast3A_1546, %bitcast3A_1550 : vector<16xf32>
      %add3A_1604 = arith.addf %bitcast3A_1554, %bitcast3A_1558 : vector<16xf32>
      %add3A_1605 = arith.addf %bitcast3A_1562, %bitcast3A_1566 : vector<16xf32>
      %add3A_1606 = arith.addf %bitcast3A_1570, %bitcast3A_1574 : vector<16xf32>
      %add3A_1607 = arith.addf %bitcast3A_1578, %bitcast3A_1582 : vector<16xf32>
      %add3A_1608 = arith.addf %add3A_1603, %add3A_1604 : vector<16xf32>
      %add3A_1609 = arith.addf %add3A_1605, %add3A_1606 : vector<16xf32>
      %add3A_1610 = arith.addf %add3A_1608, %add3A_1609 : vector<16xf32>
      %add3A_1611 = arith.addf %add3A_1610, %add3A_1607 : vector<16xf32>
      %mul3A_1612 = arith.mulf %add3A_1611, %div3A_39 : vector<16xf32>
      %swap3A_1613 = arith.constant 12 : i32
      %swap3A_1614 = arith.index_cast %swap3A_1613 : i32 to index
      %swap3A_1615 = arith.index_cast %mul3A_33 : i32 to index
      %swap3A_1616 = tpu.vector_load %arg9[%swap3A_1614, %swap3A_1615] {strides = array<i32>} : memref<32x512xf32, #tpu.memory_space<vmem>>, vector<16xf32>,
      tpu.vector_store %arg9[%swap3A_1614, %swap3A_1615], %mul3A_1612 {strides = array<i32>} : memref<32x512xf32, #tpu.memory_space<vmem>>, vector<16xf32>,
      %add3A_1617 = arith.addf %bitcast3A_1584, %bitcast3A_1586 : vector<16xf32>
      %add3A_1618 = arith.addf %bitcast3A_1588, %bitcast3A_1590 : vector<16xf32>
      %add3A_1619 = arith.addf %bitcast3A_1592, %bitcast3A_1594 : vector<16xf32>
      %add3A_1620 = arith.addf %bitcast3A_1596, %bitcast3A_1598 : vector<16xf32>
      %add3A_1621 = arith.addf %bitcast3A_1600, %bitcast3A_1602 : vector<16xf32>
      %add3A_1622 = arith.addf %add3A_1617, %add3A_1618 : vector<16xf32>
      %add3A_1623 = arith.addf %add3A_1619, %add3A_1620 : vector<16xf32>
      %add3A_1624 = arith.addf %add3A_1622, %add3A_1623 : vector<16xf32>
      %add3A_1625 = arith.addf %add3A_1624, %add3A_1621 : vector<16xf32>
      %mul3A_1626 = arith.mulf %add3A_1625, %div3A_39 : vector<16xf32>
      %swap3A_1627 = arith.constant 13 : i32
      %swap3A_1628 = arith.index_cast %swap3A_1627 : i32 to index
      %swap3A_1629 = arith.index_cast %mul3A_33 : i32 to index
      %swap3A_1630 = tpu.vector_load %arg9[%swap3A_1628, %swap3A_1629] {strides = array<i32>} : memref<32x512xf32, #tpu.memory_space<vmem>>, vector<16xf32>,
      tpu.vector_store %arg9[%swap3A_1628, %swap3A_1629], %mul3A_1626 {strides = array<i32>} : memref<32x512xf32, #tpu.memory_space<vmem>>, vector<16xf32>,
      %gather3A_1631 = arith.constant 29568 : i32
      %gather3A_1632 = tpu.memref_slice %arg8[%gather3A_1631] : memref<67584xi32, #tpu.memory_space<vmem>> -> memref<4224xi32, #tpu.memory_space<vmem>>
      %gather3A_1633 = tpu.vector_load_idx %gather3A_1632[%add3A_52] : memref<4224xi32, #tpu.memory_space<vmem>>[vector<16xi32>], vector<16xi32>,
      %gather3A_1634 = arith.constant 29568 : i32
      %gather3A_1635 = tpu.memref_slice %arg8[%gather3A_1634] : memref<67584xi32, #tpu.memory_space<vmem>> -> memref<4224xi32, #tpu.memory_space<vmem>>
      %gather3A_1636 = tpu.vector_load_idx %gather3A_1635[%add3A_66] : memref<4224xi32, #tpu.memory_space<vmem>>[vector<16xi32>], vector<16xi32>,
      %gather3A_1637 = arith.constant 29568 : i32
      %gather3A_1638 = tpu.memref_slice %arg8[%gather3A_1637] : memref<67584xi32, #tpu.memory_space<vmem>> -> memref<4224xi32, #tpu.memory_space<vmem>>
      %gather3A_1639 = tpu.vector_load_idx %gather3A_1638[%add3A_80] : memref<4224xi32, #tpu.memory_space<vmem>>[vector<16xi32>], vector<16xi32>,
      %gather3A_1640 = arith.constant 29568 : i32
      %gather3A_1641 = tpu.memref_slice %arg8[%gather3A_1640] : memref<67584xi32, #tpu.memory_space<vmem>> -> memref<4224xi32, #tpu.memory_space<vmem>>
      %gather3A_1642 = tpu.vector_load_idx %gather3A_1641[%add3A_94] : memref<4224xi32, #tpu.memory_space<vmem>>[vector<16xi32>], vector<16xi32>,
      %gather3A_1643 = arith.constant 29568 : i32
      %gather3A_1644 = tpu.memref_slice %arg8[%gather3A_1643] : memref<67584xi32, #tpu.memory_space<vmem>> -> memref<4224xi32, #tpu.memory_space<vmem>>
      %gather3A_1645 = tpu.vector_load_idx %gather3A_1644[%add3A_108] : memref<4224xi32, #tpu.memory_space<vmem>>[vector<16xi32>], vector<16xi32>,
      %gather3A_1646 = arith.constant 29568 : i32
      %gather3A_1647 = tpu.memref_slice %arg8[%gather3A_1646] : memref<67584xi32, #tpu.memory_space<vmem>> -> memref<4224xi32, #tpu.memory_space<vmem>>
      %gather3A_1648 = tpu.vector_load_idx %gather3A_1647[%add3A_122] : memref<4224xi32, #tpu.memory_space<vmem>>[vector<16xi32>], vector<16xi32>,
      %gather3A_1649 = arith.constant 29568 : i32
      %gather3A_1650 = tpu.memref_slice %arg8[%gather3A_1649] : memref<67584xi32, #tpu.memory_space<vmem>> -> memref<4224xi32, #tpu.memory_space<vmem>>
      %gather3A_1651 = tpu.vector_load_idx %gather3A_1650[%add3A_136] : memref<4224xi32, #tpu.memory_space<vmem>>[vector<16xi32>], vector<16xi32>,
      %gather3A_1652 = arith.constant 29568 : i32
      %gather3A_1653 = tpu.memref_slice %arg8[%gather3A_1652] : memref<67584xi32, #tpu.memory_space<vmem>> -> memref<4224xi32, #tpu.memory_space<vmem>>
      %gather3A_1654 = tpu.vector_load_idx %gather3A_1653[%add3A_150] : memref<4224xi32, #tpu.memory_space<vmem>>[vector<16xi32>], vector<16xi32>,
      %gather3A_1655 = arith.constant 29568 : i32
      %gather3A_1656 = tpu.memref_slice %arg8[%gather3A_1655] : memref<67584xi32, #tpu.memory_space<vmem>> -> memref<4224xi32, #tpu.memory_space<vmem>>
      %gather3A_1657 = tpu.vector_load_idx %gather3A_1656[%add3A_164] : memref<4224xi32, #tpu.memory_space<vmem>>[vector<16xi32>], vector<16xi32>,
      %gather3A_1658 = arith.constant 29568 : i32
      %gather3A_1659 = tpu.memref_slice %arg8[%gather3A_1658] : memref<67584xi32, #tpu.memory_space<vmem>> -> memref<4224xi32, #tpu.memory_space<vmem>>
      %gather3A_1660 = tpu.vector_load_idx %gather3A_1659[%add3A_178] : memref<4224xi32, #tpu.memory_space<vmem>>[vector<16xi32>], vector<16xi32>,
      %gather3A_1661 = arith.constant 29568 : i32
      %gather3A_1662 = tpu.memref_slice %arg8[%gather3A_1661] : memref<67584xi32, #tpu.memory_space<vmem>> -> memref<4224xi32, #tpu.memory_space<vmem>>
      %gather3A_1663 = tpu.vector_load_idx %gather3A_1662[%add3A_192] : memref<4224xi32, #tpu.memory_space<vmem>>[vector<16xi32>], vector<16xi32>,
      %gather3A_1664 = arith.constant 29568 : i32
      %gather3A_1665 = tpu.memref_slice %arg8[%gather3A_1664] : memref<67584xi32, #tpu.memory_space<vmem>> -> memref<4224xi32, #tpu.memory_space<vmem>>
      %gather3A_1666 = tpu.vector_load_idx %gather3A_1665[%add3A_206] : memref<4224xi32, #tpu.memory_space<vmem>>[vector<16xi32>], vector<16xi32>,
      %gather3A_1667 = arith.constant 29568 : i32
      %gather3A_1668 = tpu.memref_slice %arg8[%gather3A_1667] : memref<67584xi32, #tpu.memory_space<vmem>> -> memref<4224xi32, #tpu.memory_space<vmem>>
      %gather3A_1669 = tpu.vector_load_idx %gather3A_1668[%add3A_220] : memref<4224xi32, #tpu.memory_space<vmem>>[vector<16xi32>], vector<16xi32>,
      %gather3A_1670 = arith.constant 29568 : i32
      %gather3A_1671 = tpu.memref_slice %arg8[%gather3A_1670] : memref<67584xi32, #tpu.memory_space<vmem>> -> memref<4224xi32, #tpu.memory_space<vmem>>
      %gather3A_1672 = tpu.vector_load_idx %gather3A_1671[%add3A_234] : memref<4224xi32, #tpu.memory_space<vmem>>[vector<16xi32>], vector<16xi32>,
      %gather3A_1673 = arith.constant 29568 : i32
      %gather3A_1674 = tpu.memref_slice %arg8[%gather3A_1673] : memref<67584xi32, #tpu.memory_space<vmem>> -> memref<4224xi32, #tpu.memory_space<vmem>>
      %gather3A_1675 = tpu.vector_load_idx %gather3A_1674[%add3A_248] : memref<4224xi32, #tpu.memory_space<vmem>>[vector<16xi32>], vector<16xi32>,
      %gather3A_1676 = arith.constant 29568 : i32
      %gather3A_1677 = tpu.memref_slice %arg8[%gather3A_1676] : memref<67584xi32, #tpu.memory_space<vmem>> -> memref<4224xi32, #tpu.memory_space<vmem>>
      %gather3A_1678 = tpu.vector_load_idx %gather3A_1677[%add3A_262] : memref<4224xi32, #tpu.memory_space<vmem>>[vector<16xi32>], vector<16xi32>,
      %gather3A_1679 = arith.constant 29568 : i32
      %gather3A_1680 = tpu.memref_slice %arg8[%gather3A_1679] : memref<67584xi32, #tpu.memory_space<vmem>> -> memref<4224xi32, #tpu.memory_space<vmem>>
      %gather3A_1681 = tpu.vector_load_idx %gather3A_1680[%add3A_276] : memref<4224xi32, #tpu.memory_space<vmem>>[vector<16xi32>], vector<16xi32>,
      %gather3A_1682 = arith.constant 29568 : i32
      %gather3A_1683 = tpu.memref_slice %arg8[%gather3A_1682] : memref<67584xi32, #tpu.memory_space<vmem>> -> memref<4224xi32, #tpu.memory_space<vmem>>
      %gather3A_1684 = tpu.vector_load_idx %gather3A_1683[%add3A_290] : memref<4224xi32, #tpu.memory_space<vmem>>[vector<16xi32>], vector<16xi32>,
      %gather3A_1685 = arith.constant 29568 : i32
      %gather3A_1686 = tpu.memref_slice %arg8[%gather3A_1685] : memref<67584xi32, #tpu.memory_space<vmem>> -> memref<4224xi32, #tpu.memory_space<vmem>>
      %gather3A_1687 = tpu.vector_load_idx %gather3A_1686[%add3A_304] : memref<4224xi32, #tpu.memory_space<vmem>>[vector<16xi32>], vector<16xi32>,
      %gather3A_1688 = arith.constant 29568 : i32
      %gather3A_1689 = tpu.memref_slice %arg8[%gather3A_1688] : memref<67584xi32, #tpu.memory_space<vmem>> -> memref<4224xi32, #tpu.memory_space<vmem>>
      %gather3A_1690 = tpu.vector_load_idx %gather3A_1689[%add3A_318] : memref<4224xi32, #tpu.memory_space<vmem>>[vector<16xi32>], vector<16xi32>,
      %bitcast3A_1691 = vector.bitcast %gather3A_1633 : vector<16xi32> to vector<32xbf16>
      %bitcast3A_1692 = vector.bitcast %gather3A_1636 : vector<16xi32> to vector<32xbf16>
      %add3A_1693 = arith.addf %bitcast3A_1691, %bitcast3A_1692 : vector<32xbf16>
      %bitcast3A_1694 = vector.bitcast %add3A_1693 : vector<32xbf16> to vector<16xi32>
      %bitcast3A_1695 = vector.bitcast %gather3A_1639 : vector<16xi32> to vector<32xbf16>
      %bitcast3A_1696 = vector.bitcast %gather3A_1642 : vector<16xi32> to vector<32xbf16>
      %add3A_1697 = arith.addf %bitcast3A_1695, %bitcast3A_1696 : vector<32xbf16>
      %bitcast3A_1698 = vector.bitcast %add3A_1697 : vector<32xbf16> to vector<16xi32>
      %bitcast3A_1699 = vector.bitcast %gather3A_1645 : vector<16xi32> to vector<32xbf16>
      %bitcast3A_1700 = vector.bitcast %gather3A_1648 : vector<16xi32> to vector<32xbf16>
      %add3A_1701 = arith.addf %bitcast3A_1699, %bitcast3A_1700 : vector<32xbf16>
      %bitcast3A_1702 = vector.bitcast %add3A_1701 : vector<32xbf16> to vector<16xi32>
      %bitcast3A_1703 = vector.bitcast %gather3A_1651 : vector<16xi32> to vector<32xbf16>
      %bitcast3A_1704 = vector.bitcast %gather3A_1654 : vector<16xi32> to vector<32xbf16>
      %add3A_1705 = arith.addf %bitcast3A_1703, %bitcast3A_1704 : vector<32xbf16>
      %bitcast3A_1706 = vector.bitcast %add3A_1705 : vector<32xbf16> to vector<16xi32>
      %bitcast3A_1707 = vector.bitcast %gather3A_1657 : vector<16xi32> to vector<32xbf16>
      %bitcast3A_1708 = vector.bitcast %gather3A_1660 : vector<16xi32> to vector<32xbf16>
      %add3A_1709 = arith.addf %bitcast3A_1707, %bitcast3A_1708 : vector<32xbf16>
      %bitcast3A_1710 = vector.bitcast %add3A_1709 : vector<32xbf16> to vector<16xi32>
      %bitcast3A_1711 = vector.bitcast %gather3A_1663 : vector<16xi32> to vector<32xbf16>
      %bitcast3A_1712 = vector.bitcast %gather3A_1666 : vector<16xi32> to vector<32xbf16>
      %add3A_1713 = arith.addf %bitcast3A_1711, %bitcast3A_1712 : vector<32xbf16>
      %bitcast3A_1714 = vector.bitcast %add3A_1713 : vector<32xbf16> to vector<16xi32>
      %bitcast3A_1715 = vector.bitcast %gather3A_1669 : vector<16xi32> to vector<32xbf16>
      %bitcast3A_1716 = vector.bitcast %gather3A_1672 : vector<16xi32> to vector<32xbf16>
      %add3A_1717 = arith.addf %bitcast3A_1715, %bitcast3A_1716 : vector<32xbf16>
      %bitcast3A_1718 = vector.bitcast %add3A_1717 : vector<32xbf16> to vector<16xi32>
      %bitcast3A_1719 = vector.bitcast %gather3A_1675 : vector<16xi32> to vector<32xbf16>
      %bitcast3A_1720 = vector.bitcast %gather3A_1678 : vector<16xi32> to vector<32xbf16>
      %add3A_1721 = arith.addf %bitcast3A_1719, %bitcast3A_1720 : vector<32xbf16>
      %bitcast3A_1722 = vector.bitcast %add3A_1721 : vector<32xbf16> to vector<16xi32>
      %bitcast3A_1723 = vector.bitcast %gather3A_1681 : vector<16xi32> to vector<32xbf16>
      %bitcast3A_1724 = vector.bitcast %gather3A_1684 : vector<16xi32> to vector<32xbf16>
      %add3A_1725 = arith.addf %bitcast3A_1723, %bitcast3A_1724 : vector<32xbf16>
      %bitcast3A_1726 = vector.bitcast %add3A_1725 : vector<32xbf16> to vector<16xi32>
      %bitcast3A_1727 = vector.bitcast %gather3A_1687 : vector<16xi32> to vector<32xbf16>
      %bitcast3A_1728 = vector.bitcast %gather3A_1690 : vector<16xi32> to vector<32xbf16>
      %add3A_1729 = arith.addf %bitcast3A_1727, %bitcast3A_1728 : vector<32xbf16>
      %bitcast3A_1730 = vector.bitcast %add3A_1729 : vector<32xbf16> to vector<16xi32>
      %shift_left3A_1731 = arith.constant 16 : i32
      %shift_left3A_1732 = vector.broadcast %shift_left3A_1731 : i32 to vector<16xi32>
      %shift_left3A_1733 = arith.shli %bitcast3A_1694, %shift_left3A_1732 : vector<16xi32>
      %bitcast3A_1734 = vector.bitcast %shift_left3A_1733 : vector<16xi32> to vector<16xf32>
      %shift_left3A_1735 = arith.constant 16 : i32
      %shift_left3A_1736 = vector.broadcast %shift_left3A_1735 : i32 to vector<16xi32>
      %shift_left3A_1737 = arith.shli %bitcast3A_1698, %shift_left3A_1736 : vector<16xi32>
      %bitcast3A_1738 = vector.bitcast %shift_left3A_1737 : vector<16xi32> to vector<16xf32>
      %shift_left3A_1739 = arith.constant 16 : i32
      %shift_left3A_1740 = vector.broadcast %shift_left3A_1739 : i32 to vector<16xi32>
      %shift_left3A_1741 = arith.shli %bitcast3A_1702, %shift_left3A_1740 : vector<16xi32>
      %bitcast3A_1742 = vector.bitcast %shift_left3A_1741 : vector<16xi32> to vector<16xf32>
      %shift_left3A_1743 = arith.constant 16 : i32
      %shift_left3A_1744 = vector.broadcast %shift_left3A_1743 : i32 to vector<16xi32>
      %shift_left3A_1745 = arith.shli %bitcast3A_1706, %shift_left3A_1744 : vector<16xi32>
      %bitcast3A_1746 = vector.bitcast %shift_left3A_1745 : vector<16xi32> to vector<16xf32>
      %shift_left3A_1747 = arith.constant 16 : i32
      %shift_left3A_1748 = vector.broadcast %shift_left3A_1747 : i32 to vector<16xi32>
      %shift_left3A_1749 = arith.shli %bitcast3A_1710, %shift_left3A_1748 : vector<16xi32>
      %bitcast3A_1750 = vector.bitcast %shift_left3A_1749 : vector<16xi32> to vector<16xf32>
      %shift_left3A_1751 = arith.constant 16 : i32
      %shift_left3A_1752 = vector.broadcast %shift_left3A_1751 : i32 to vector<16xi32>
      %shift_left3A_1753 = arith.shli %bitcast3A_1714, %shift_left3A_1752 : vector<16xi32>
      %bitcast3A_1754 = vector.bitcast %shift_left3A_1753 : vector<16xi32> to vector<16xf32>
      %shift_left3A_1755 = arith.constant 16 : i32
      %shift_left3A_1756 = vector.broadcast %shift_left3A_1755 : i32 to vector<16xi32>
      %shift_left3A_1757 = arith.shli %bitcast3A_1718, %shift_left3A_1756 : vector<16xi32>
      %bitcast3A_1758 = vector.bitcast %shift_left3A_1757 : vector<16xi32> to vector<16xf32>
      %shift_left3A_1759 = arith.constant 16 : i32
      %shift_left3A_1760 = vector.broadcast %shift_left3A_1759 : i32 to vector<16xi32>
      %shift_left3A_1761 = arith.shli %bitcast3A_1722, %shift_left3A_1760 : vector<16xi32>
      %bitcast3A_1762 = vector.bitcast %shift_left3A_1761 : vector<16xi32> to vector<16xf32>
      %shift_left3A_1763 = arith.constant 16 : i32
      %shift_left3A_1764 = vector.broadcast %shift_left3A_1763 : i32 to vector<16xi32>
      %shift_left3A_1765 = arith.shli %bitcast3A_1726, %shift_left3A_1764 : vector<16xi32>
      %bitcast3A_1766 = vector.bitcast %shift_left3A_1765 : vector<16xi32> to vector<16xf32>
      %shift_left3A_1767 = arith.constant 16 : i32
      %shift_left3A_1768 = vector.broadcast %shift_left3A_1767 : i32 to vector<16xi32>
      %shift_left3A_1769 = arith.shli %bitcast3A_1730, %shift_left3A_1768 : vector<16xi32>
      %bitcast3A_1770 = vector.bitcast %shift_left3A_1769 : vector<16xi32> to vector<16xf32>
      %and3A_1771 = arith.andi %bitcast3A_1694, %broadcast_in_dim3A_22 : vector<16xi32>
      %bitcast3A_1772 = vector.bitcast %and3A_1771 : vector<16xi32> to vector<16xf32>
      %and3A_1773 = arith.andi %bitcast3A_1698, %broadcast_in_dim3A_22 : vector<16xi32>
      %bitcast3A_1774 = vector.bitcast %and3A_1773 : vector<16xi32> to vector<16xf32>
      %and3A_1775 = arith.andi %bitcast3A_1702, %broadcast_in_dim3A_22 : vector<16xi32>
      %bitcast3A_1776 = vector.bitcast %and3A_1775 : vector<16xi32> to vector<16xf32>
      %and3A_1777 = arith.andi %bitcast3A_1706, %broadcast_in_dim3A_22 : vector<16xi32>
      %bitcast3A_1778 = vector.bitcast %and3A_1777 : vector<16xi32> to vector<16xf32>
      %and3A_1779 = arith.andi %bitcast3A_1710, %broadcast_in_dim3A_22 : vector<16xi32>
      %bitcast3A_1780 = vector.bitcast %and3A_1779 : vector<16xi32> to vector<16xf32>
      %and3A_1781 = arith.andi %bitcast3A_1714, %broadcast_in_dim3A_22 : vector<16xi32>
      %bitcast3A_1782 = vector.bitcast %and3A_1781 : vector<16xi32> to vector<16xf32>
      %and3A_1783 = arith.andi %bitcast3A_1718, %broadcast_in_dim3A_22 : vector<16xi32>
      %bitcast3A_1784 = vector.bitcast %and3A_1783 : vector<16xi32> to vector<16xf32>
      %and3A_1785 = arith.andi %bitcast3A_1722, %broadcast_in_dim3A_22 : vector<16xi32>
      %bitcast3A_1786 = vector.bitcast %and3A_1785 : vector<16xi32> to vector<16xf32>
      %and3A_1787 = arith.andi %bitcast3A_1726, %broadcast_in_dim3A_22 : vector<16xi32>
      %bitcast3A_1788 = vector.bitcast %and3A_1787 : vector<16xi32> to vector<16xf32>
      %and3A_1789 = arith.andi %bitcast3A_1730, %broadcast_in_dim3A_22 : vector<16xi32>
      %bitcast3A_1790 = vector.bitcast %and3A_1789 : vector<16xi32> to vector<16xf32>
      %add3A_1791 = arith.addf %bitcast3A_1734, %bitcast3A_1738 : vector<16xf32>
      %add3A_1792 = arith.addf %bitcast3A_1742, %bitcast3A_1746 : vector<16xf32>
      %add3A_1793 = arith.addf %bitcast3A_1750, %bitcast3A_1754 : vector<16xf32>
      %add3A_1794 = arith.addf %bitcast3A_1758, %bitcast3A_1762 : vector<16xf32>
      %add3A_1795 = arith.addf %bitcast3A_1766, %bitcast3A_1770 : vector<16xf32>
      %add3A_1796 = arith.addf %add3A_1791, %add3A_1792 : vector<16xf32>
      %add3A_1797 = arith.addf %add3A_1793, %add3A_1794 : vector<16xf32>
      %add3A_1798 = arith.addf %add3A_1796, %add3A_1797 : vector<16xf32>
      %add3A_1799 = arith.addf %add3A_1798, %add3A_1795 : vector<16xf32>
      %mul3A_1800 = arith.mulf %add3A_1799, %div3A_39 : vector<16xf32>
      %swap3A_1801 = arith.constant 14 : i32
      %swap3A_1802 = arith.index_cast %swap3A_1801 : i32 to index
      %swap3A_1803 = arith.index_cast %mul3A_33 : i32 to index
      %swap3A_1804 = tpu.vector_load %arg9[%swap3A_1802, %swap3A_1803] {strides = array<i32>} : memref<32x512xf32, #tpu.memory_space<vmem>>, vector<16xf32>,
      tpu.vector_store %arg9[%swap3A_1802, %swap3A_1803], %mul3A_1800 {strides = array<i32>} : memref<32x512xf32, #tpu.memory_space<vmem>>, vector<16xf32>,
      %add3A_1805 = arith.addf %bitcast3A_1772, %bitcast3A_1774 : vector<16xf32>
      %add3A_1806 = arith.addf %bitcast3A_1776, %bitcast3A_1778 : vector<16xf32>
      %add3A_1807 = arith.addf %bitcast3A_1780, %bitcast3A_1782 : vector<16xf32>
      %add3A_1808 = arith.addf %bitcast3A_1784, %bitcast3A_1786 : vector<16xf32>
      %add3A_1809 = arith.addf %bitcast3A_1788, %bitcast3A_1790 : vector<16xf32>
      %add3A_1810 = arith.addf %add3A_1805, %add3A_1806 : vector<16xf32>
      %add3A_1811 = arith.addf %add3A_1807, %add3A_1808 : vector<16xf32>
      %add3A_1812 = arith.addf %add3A_1810, %add3A_1811 : vector<16xf32>
      %add3A_1813 = arith.addf %add3A_1812, %add3A_1809 : vector<16xf32>
      %mul3A_1814 = arith.mulf %add3A_1813, %div3A_39 : vector<16xf32>
      %swap3A_1815 = arith.constant 15 : i32
      %swap3A_1816 = arith.index_cast %swap3A_1815 : i32 to index
      %swap3A_1817 = arith.index_cast %mul3A_33 : i32 to index
      %swap3A_1818 = tpu.vector_load %arg9[%swap3A_1816, %swap3A_1817] {strides = array<i32>} : memref<32x512xf32, #tpu.memory_space<vmem>>, vector<16xf32>,
      tpu.vector_store %arg9[%swap3A_1816, %swap3A_1817], %mul3A_1814 {strides = array<i32>} : memref<32x512xf32, #tpu.memory_space<vmem>>, vector<16xf32>,
      %gather3A_1819 = arith.constant 33792 : i32
      %gather3A_1820 = tpu.memref_slice %arg8[%gather3A_1819] : memref<67584xi32, #tpu.memory_space<vmem>> -> memref<4224xi32, #tpu.memory_space<vmem>>
      %gather3A_1821 = tpu.vector_load_idx %gather3A_1820[%add3A_52] : memref<4224xi32, #tpu.memory_space<vmem>>[vector<16xi32>], vector<16xi32>,
      %gather3A_1822 = arith.constant 33792 : i32
      %gather3A_1823 = tpu.memref_slice %arg8[%gather3A_1822] : memref<67584xi32, #tpu.memory_space<vmem>> -> memref<4224xi32, #tpu.memory_space<vmem>>
      %gather3A_1824 = tpu.vector_load_idx %gather3A_1823[%add3A_66] : memref<4224xi32, #tpu.memory_space<vmem>>[vector<16xi32>], vector<16xi32>,
      %gather3A_1825 = arith.constant 33792 : i32
      %gather3A_1826 = tpu.memref_slice %arg8[%gather3A_1825] : memref<67584xi32, #tpu.memory_space<vmem>> -> memref<4224xi32, #tpu.memory_space<vmem>>
      %gather3A_1827 = tpu.vector_load_idx %gather3A_1826[%add3A_80] : memref<4224xi32, #tpu.memory_space<vmem>>[vector<16xi32>], vector<16xi32>,
      %gather3A_1828 = arith.constant 33792 : i32
      %gather3A_1829 = tpu.memref_slice %arg8[%gather3A_1828] : memref<67584xi32, #tpu.memory_space<vmem>> -> memref<4224xi32, #tpu.memory_space<vmem>>
      %gather3A_1830 = tpu.vector_load_idx %gather3A_1829[%add3A_94] : memref<4224xi32, #tpu.memory_space<vmem>>[vector<16xi32>], vector<16xi32>,
      %gather3A_1831 = arith.constant 33792 : i32
      %gather3A_1832 = tpu.memref_slice %arg8[%gather3A_1831] : memref<67584xi32, #tpu.memory_space<vmem>> -> memref<4224xi32, #tpu.memory_space<vmem>>
      %gather3A_1833 = tpu.vector_load_idx %gather3A_1832[%add3A_108] : memref<4224xi32, #tpu.memory_space<vmem>>[vector<16xi32>], vector<16xi32>,
      %gather3A_1834 = arith.constant 33792 : i32
      %gather3A_1835 = tpu.memref_slice %arg8[%gather3A_1834] : memref<67584xi32, #tpu.memory_space<vmem>> -> memref<4224xi32, #tpu.memory_space<vmem>>
      %gather3A_1836 = tpu.vector_load_idx %gather3A_1835[%add3A_122] : memref<4224xi32, #tpu.memory_space<vmem>>[vector<16xi32>], vector<16xi32>,
      %gather3A_1837 = arith.constant 33792 : i32
      %gather3A_1838 = tpu.memref_slice %arg8[%gather3A_1837] : memref<67584xi32, #tpu.memory_space<vmem>> -> memref<4224xi32, #tpu.memory_space<vmem>>
      %gather3A_1839 = tpu.vector_load_idx %gather3A_1838[%add3A_136] : memref<4224xi32, #tpu.memory_space<vmem>>[vector<16xi32>], vector<16xi32>,
      %gather3A_1840 = arith.constant 33792 : i32
      %gather3A_1841 = tpu.memref_slice %arg8[%gather3A_1840] : memref<67584xi32, #tpu.memory_space<vmem>> -> memref<4224xi32, #tpu.memory_space<vmem>>
      %gather3A_1842 = tpu.vector_load_idx %gather3A_1841[%add3A_150] : memref<4224xi32, #tpu.memory_space<vmem>>[vector<16xi32>], vector<16xi32>,
      %gather3A_1843 = arith.constant 33792 : i32
      %gather3A_1844 = tpu.memref_slice %arg8[%gather3A_1843] : memref<67584xi32, #tpu.memory_space<vmem>> -> memref<4224xi32, #tpu.memory_space<vmem>>
      %gather3A_1845 = tpu.vector_load_idx %gather3A_1844[%add3A_164] : memref<4224xi32, #tpu.memory_space<vmem>>[vector<16xi32>], vector<16xi32>,
      %gather3A_1846 = arith.constant 33792 : i32
      %gather3A_1847 = tpu.memref_slice %arg8[%gather3A_1846] : memref<67584xi32, #tpu.memory_space<vmem>> -> memref<4224xi32, #tpu.memory_space<vmem>>
      %gather3A_1848 = tpu.vector_load_idx %gather3A_1847[%add3A_178] : memref<4224xi32, #tpu.memory_space<vmem>>[vector<16xi32>], vector<16xi32>,
      %gather3A_1849 = arith.constant 33792 : i32
      %gather3A_1850 = tpu.memref_slice %arg8[%gather3A_1849] : memref<67584xi32, #tpu.memory_space<vmem>> -> memref<4224xi32, #tpu.memory_space<vmem>>
      %gather3A_1851 = tpu.vector_load_idx %gather3A_1850[%add3A_192] : memref<4224xi32, #tpu.memory_space<vmem>>[vector<16xi32>], vector<16xi32>,
      %gather3A_1852 = arith.constant 33792 : i32
      %gather3A_1853 = tpu.memref_slice %arg8[%gather3A_1852] : memref<67584xi32, #tpu.memory_space<vmem>> -> memref<4224xi32, #tpu.memory_space<vmem>>
      %gather3A_1854 = tpu.vector_load_idx %gather3A_1853[%add3A_206] : memref<4224xi32, #tpu.memory_space<vmem>>[vector<16xi32>], vector<16xi32>,
      %gather3A_1855 = arith.constant 33792 : i32
      %gather3A_1856 = tpu.memref_slice %arg8[%gather3A_1855] : memref<67584xi32, #tpu.memory_space<vmem>> -> memref<4224xi32, #tpu.memory_space<vmem>>
      %gather3A_1857 = tpu.vector_load_idx %gather3A_1856[%add3A_220] : memref<4224xi32, #tpu.memory_space<vmem>>[vector<16xi32>], vector<16xi32>,
      %gather3A_1858 = arith.constant 33792 : i32
      %gather3A_1859 = tpu.memref_slice %arg8[%gather3A_1858] : memref<67584xi32, #tpu.memory_space<vmem>> -> memref<4224xi32, #tpu.memory_space<vmem>>
      %gather3A_1860 = tpu.vector_load_idx %gather3A_1859[%add3A_234] : memref<4224xi32, #tpu.memory_space<vmem>>[vector<16xi32>], vector<16xi32>,
      %gather3A_1861 = arith.constant 33792 : i32
      %gather3A_1862 = tpu.memref_slice %arg8[%gather3A_1861] : memref<67584xi32, #tpu.memory_space<vmem>> -> memref<4224xi32, #tpu.memory_space<vmem>>
      %gather3A_1863 = tpu.vector_load_idx %gather3A_1862[%add3A_248] : memref<4224xi32, #tpu.memory_space<vmem>>[vector<16xi32>], vector<16xi32>,
      %gather3A_1864 = arith.constant 33792 : i32
      %gather3A_1865 = tpu.memref_slice %arg8[%gather3A_1864] : memref<67584xi32, #tpu.memory_space<vmem>> -> memref<4224xi32, #tpu.memory_space<vmem>>
      %gather3A_1866 = tpu.vector_load_idx %gather3A_1865[%add3A_262] : memref<4224xi32, #tpu.memory_space<vmem>>[vector<16xi32>], vector<16xi32>,
      %gather3A_1867 = arith.constant 33792 : i32
      %gather3A_1868 = tpu.memref_slice %arg8[%gather3A_1867] : memref<67584xi32, #tpu.memory_space<vmem>> -> memref<4224xi32, #tpu.memory_space<vmem>>
      %gather3A_1869 = tpu.vector_load_idx %gather3A_1868[%add3A_276] : memref<4224xi32, #tpu.memory_space<vmem>>[vector<16xi32>], vector<16xi32>,
      %gather3A_1870 = arith.constant 33792 : i32
      %gather3A_1871 = tpu.memref_slice %arg8[%gather3A_1870] : memref<67584xi32, #tpu.memory_space<vmem>> -> memref<4224xi32, #tpu.memory_space<vmem>>
      %gather3A_1872 = tpu.vector_load_idx %gather3A_1871[%add3A_290] : memref<4224xi32, #tpu.memory_space<vmem>>[vector<16xi32>], vector<16xi32>,
      %gather3A_1873 = arith.constant 33792 : i32
      %gather3A_1874 = tpu.memref_slice %arg8[%gather3A_1873] : memref<67584xi32, #tpu.memory_space<vmem>> -> memref<4224xi32, #tpu.memory_space<vmem>>
      %gather3A_1875 = tpu.vector_load_idx %gather3A_1874[%add3A_304] : memref<4224xi32, #tpu.memory_space<vmem>>[vector<16xi32>], vector<16xi32>,
      %gather3A_1876 = arith.constant 33792 : i32
      %gather3A_1877 = tpu.memref_slice %arg8[%gather3A_1876] : memref<67584xi32, #tpu.memory_space<vmem>> -> memref<4224xi32, #tpu.memory_space<vmem>>
      %gather3A_1878 = tpu.vector_load_idx %gather3A_1877[%add3A_318] : memref<4224xi32, #tpu.memory_space<vmem>>[vector<16xi32>], vector<16xi32>,
      %bitcast3A_1879 = vector.bitcast %gather3A_1821 : vector<16xi32> to vector<32xbf16>
      %bitcast3A_1880 = vector.bitcast %gather3A_1824 : vector<16xi32> to vector<32xbf16>
      %add3A_1881 = arith.addf %bitcast3A_1879, %bitcast3A_1880 : vector<32xbf16>
      %bitcast3A_1882 = vector.bitcast %add3A_1881 : vector<32xbf16> to vector<16xi32>
      %bitcast3A_1883 = vector.bitcast %gather3A_1827 : vector<16xi32> to vector<32xbf16>
      %bitcast3A_1884 = vector.bitcast %gather3A_1830 : vector<16xi32> to vector<32xbf16>
      %add3A_1885 = arith.addf %bitcast3A_1883, %bitcast3A_1884 : vector<32xbf16>
      %bitcast3A_1886 = vector.bitcast %add3A_1885 : vector<32xbf16> to vector<16xi32>
      %bitcast3A_1887 = vector.bitcast %gather3A_1833 : vector<16xi32> to vector<32xbf16>
      %bitcast3A_1888 = vector.bitcast %gather3A_1836 : vector<16xi32> to vector<32xbf16>
      %add3A_1889 = arith.addf %bitcast3A_1887, %bitcast3A_1888 : vector<32xbf16>
      %bitcast3A_1890 = vector.bitcast %add3A_1889 : vector<32xbf16> to vector<16xi32>
      %bitcast3A_1891 = vector.bitcast %gather3A_1839 : vector<16xi32> to vector<32xbf16>
      %bitcast3A_1892 = vector.bitcast %gather3A_1842 : vector<16xi32> to vector<32xbf16>
      %add3A_1893 = arith.addf %bitcast3A_1891, %bitcast3A_1892 : vector<32xbf16>
      %bitcast3A_1894 = vector.bitcast %add3A_1893 : vector<32xbf16> to vector<16xi32>
      %bitcast3A_1895 = vector.bitcast %gather3A_1845 : vector<16xi32> to vector<32xbf16>
      %bitcast3A_1896 = vector.bitcast %gather3A_1848 : vector<16xi32> to vector<32xbf16>
      %add3A_1897 = arith.addf %bitcast3A_1895, %bitcast3A_1896 : vector<32xbf16>
      %bitcast3A_1898 = vector.bitcast %add3A_1897 : vector<32xbf16> to vector<16xi32>
      %bitcast3A_1899 = vector.bitcast %gather3A_1851 : vector<16xi32> to vector<32xbf16>
      %bitcast3A_1900 = vector.bitcast %gather3A_1854 : vector<16xi32> to vector<32xbf16>
      %add3A_1901 = arith.addf %bitcast3A_1899, %bitcast3A_1900 : vector<32xbf16>
      %bitcast3A_1902 = vector.bitcast %add3A_1901 : vector<32xbf16> to vector<16xi32>
      %bitcast3A_1903 = vector.bitcast %gather3A_1857 : vector<16xi32> to vector<32xbf16>
      %bitcast3A_1904 = vector.bitcast %gather3A_1860 : vector<16xi32> to vector<32xbf16>
      %add3A_1905 = arith.addf %bitcast3A_1903, %bitcast3A_1904 : vector<32xbf16>
      %bitcast3A_1906 = vector.bitcast %add3A_1905 : vector<32xbf16> to vector<16xi32>
      %bitcast3A_1907 = vector.bitcast %gather3A_1863 : vector<16xi32> to vector<32xbf16>
      %bitcast3A_1908 = vector.bitcast %gather3A_1866 : vector<16xi32> to vector<32xbf16>
      %add3A_1909 = arith.addf %bitcast3A_1907, %bitcast3A_1908 : vector<32xbf16>
      %bitcast3A_1910 = vector.bitcast %add3A_1909 : vector<32xbf16> to vector<16xi32>
      %bitcast3A_1911 = vector.bitcast %gather3A_1869 : vector<16xi32> to vector<32xbf16>
      %bitcast3A_1912 = vector.bitcast %gather3A_1872 : vector<16xi32> to vector<32xbf16>
      %add3A_1913 = arith.addf %bitcast3A_1911, %bitcast3A_1912 : vector<32xbf16>
      %bitcast3A_1914 = vector.bitcast %add3A_1913 : vector<32xbf16> to vector<16xi32>
      %bitcast3A_1915 = vector.bitcast %gather3A_1875 : vector<16xi32> to vector<32xbf16>
      %bitcast3A_1916 = vector.bitcast %gather3A_1878 : vector<16xi32> to vector<32xbf16>
      %add3A_1917 = arith.addf %bitcast3A_1915, %bitcast3A_1916 : vector<32xbf16>
      %bitcast3A_1918 = vector.bitcast %add3A_1917 : vector<32xbf16> to vector<16xi32>
      %shift_left3A_1919 = arith.constant 16 : i32
      %shift_left3A_1920 = vector.broadcast %shift_left3A_1919 : i32 to vector<16xi32>
      %shift_left3A_1921 = arith.shli %bitcast3A_1882, %shift_left3A_1920 : vector<16xi32>
      %bitcast3A_1922 = vector.bitcast %shift_left3A_1921 : vector<16xi32> to vector<16xf32>
      %shift_left3A_1923 = arith.constant 16 : i32
      %shift_left3A_1924 = vector.broadcast %shift_left3A_1923 : i32 to vector<16xi32>
      %shift_left3A_1925 = arith.shli %bitcast3A_1886, %shift_left3A_1924 : vector<16xi32>
      %bitcast3A_1926 = vector.bitcast %shift_left3A_1925 : vector<16xi32> to vector<16xf32>
      %shift_left3A_1927 = arith.constant 16 : i32
      %shift_left3A_1928 = vector.broadcast %shift_left3A_1927 : i32 to vector<16xi32>
      %shift_left3A_1929 = arith.shli %bitcast3A_1890, %shift_left3A_1928 : vector<16xi32>
      %bitcast3A_1930 = vector.bitcast %shift_left3A_1929 : vector<16xi32> to vector<16xf32>
      %shift_left3A_1931 = arith.constant 16 : i32
      %shift_left3A_1932 = vector.broadcast %shift_left3A_1931 : i32 to vector<16xi32>
      %shift_left3A_1933 = arith.shli %bitcast3A_1894, %shift_left3A_1932 : vector<16xi32>
      %bitcast3A_1934 = vector.bitcast %shift_left3A_1933 : vector<16xi32> to vector<16xf32>
      %shift_left3A_1935 = arith.constant 16 : i32
      %shift_left3A_1936 = vector.broadcast %shift_left3A_1935 : i32 to vector<16xi32>
      %shift_left3A_1937 = arith.shli %bitcast3A_1898, %shift_left3A_1936 : vector<16xi32>
      %bitcast3A_1938 = vector.bitcast %shift_left3A_1937 : vector<16xi32> to vector<16xf32>
      %shift_left3A_1939 = arith.constant 16 : i32
      %shift_left3A_1940 = vector.broadcast %shift_left3A_1939 : i32 to vector<16xi32>
      %shift_left3A_1941 = arith.shli %bitcast3A_1902, %shift_left3A_1940 : vector<16xi32>
      %bitcast3A_1942 = vector.bitcast %shift_left3A_1941 : vector<16xi32> to vector<16xf32>
      %shift_left3A_1943 = arith.constant 16 : i32
      %shift_left3A_1944 = vector.broadcast %shift_left3A_1943 : i32 to vector<16xi32>
      %shift_left3A_1945 = arith.shli %bitcast3A_1906, %shift_left3A_1944 : vector<16xi32>
      %bitcast3A_1946 = vector.bitcast %shift_left3A_1945 : vector<16xi32> to vector<16xf32>
      %shift_left3A_1947 = arith.constant 16 : i32
      %shift_left3A_1948 = vector.broadcast %shift_left3A_1947 : i32 to vector<16xi32>
      %shift_left3A_1949 = arith.shli %bitcast3A_1910, %shift_left3A_1948 : vector<16xi32>
      %bitcast3A_1950 = vector.bitcast %shift_left3A_1949 : vector<16xi32> to vector<16xf32>
      %shift_left3A_1951 = arith.constant 16 : i32
      %shift_left3A_1952 = vector.broadcast %shift_left3A_1951 : i32 to vector<16xi32>
      %shift_left3A_1953 = arith.shli %bitcast3A_1914, %shift_left3A_1952 : vector<16xi32>
      %bitcast3A_1954 = vector.bitcast %shift_left3A_1953 : vector<16xi32> to vector<16xf32>
      %shift_left3A_1955 = arith.constant 16 : i32
      %shift_left3A_1956 = vector.broadcast %shift_left3A_1955 : i32 to vector<16xi32>
      %shift_left3A_1957 = arith.shli %bitcast3A_1918, %shift_left3A_1956 : vector<16xi32>
      %bitcast3A_1958 = vector.bitcast %shift_left3A_1957 : vector<16xi32> to vector<16xf32>
      %and3A_1959 = arith.andi %bitcast3A_1882, %broadcast_in_dim3A_22 : vector<16xi32>
      %bitcast3A_1960 = vector.bitcast %and3A_1959 : vector<16xi32> to vector<16xf32>
      %and3A_1961 = arith.andi %bitcast3A_1886, %broadcast_in_dim3A_22 : vector<16xi32>
      %bitcast3A_1962 = vector.bitcast %and3A_1961 : vector<16xi32> to vector<16xf32>
      %and3A_1963 = arith.andi %bitcast3A_1890, %broadcast_in_dim3A_22 : vector<16xi32>
      %bitcast3A_1964 = vector.bitcast %and3A_1963 : vector<16xi32> to vector<16xf32>
      %and3A_1965 = arith.andi %bitcast3A_1894, %broadcast_in_dim3A_22 : vector<16xi32>
      %bitcast3A_1966 = vector.bitcast %and3A_1965 : vector<16xi32> to vector<16xf32>
      %and3A_1967 = arith.andi %bitcast3A_1898, %broadcast_in_dim3A_22 : vector<16xi32>
      %bitcast3A_1968 = vector.bitcast %and3A_1967 : vector<16xi32> to vector<16xf32>
      %and3A_1969 = arith.andi %bitcast3A_1902, %broadcast_in_dim3A_22 : vector<16xi32>
      %bitcast3A_1970 = vector.bitcast %and3A_1969 : vector<16xi32> to vector<16xf32>
      %and3A_1971 = arith.andi %bitcast3A_1906, %broadcast_in_dim3A_22 : vector<16xi32>
      %bitcast3A_1972 = vector.bitcast %and3A_1971 : vector<16xi32> to vector<16xf32>
      %and3A_1973 = arith.andi %bitcast3A_1910, %broadcast_in_dim3A_22 : vector<16xi32>
      %bitcast3A_1974 = vector.bitcast %and3A_1973 : vector<16xi32> to vector<16xf32>
      %and3A_1975 = arith.andi %bitcast3A_1914, %broadcast_in_dim3A_22 : vector<16xi32>
      %bitcast3A_1976 = vector.bitcast %and3A_1975 : vector<16xi32> to vector<16xf32>
      %and3A_1977 = arith.andi %bitcast3A_1918, %broadcast_in_dim3A_22 : vector<16xi32>
      %bitcast3A_1978 = vector.bitcast %and3A_1977 : vector<16xi32> to vector<16xf32>
      %add3A_1979 = arith.addf %bitcast3A_1922, %bitcast3A_1926 : vector<16xf32>
      %add3A_1980 = arith.addf %bitcast3A_1930, %bitcast3A_1934 : vector<16xf32>
      %add3A_1981 = arith.addf %bitcast3A_1938, %bitcast3A_1942 : vector<16xf32>
      %add3A_1982 = arith.addf %bitcast3A_1946, %bitcast3A_1950 : vector<16xf32>
      %add3A_1983 = arith.addf %bitcast3A_1954, %bitcast3A_1958 : vector<16xf32>
      %add3A_1984 = arith.addf %add3A_1979, %add3A_1980 : vector<16xf32>
      %add3A_1985 = arith.addf %add3A_1981, %add3A_1982 : vector<16xf32>
      %add3A_1986 = arith.addf %add3A_1984, %add3A_1985 : vector<16xf32>
      %add3A_1987 = arith.addf %add3A_1986, %add3A_1983 : vector<16xf32>
      %mul3A_1988 = arith.mulf %add3A_1987, %div3A_39 : vector<16xf32>
      %swap3A_1989 = arith.constant 16 : i32
      %swap3A_1990 = arith.index_cast %swap3A_1989 : i32 to index
      %swap3A_1991 = arith.index_cast %mul3A_33 : i32 to index
      %swap3A_1992 = tpu.vector_load %arg9[%swap3A_1990, %swap3A_1991] {strides = array<i32>} : memref<32x512xf32, #tpu.memory_space<vmem>>, vector<16xf32>,
      tpu.vector_store %arg9[%swap3A_1990, %swap3A_1991], %mul3A_1988 {strides = array<i32>} : memref<32x512xf32, #tpu.memory_space<vmem>>, vector<16xf32>,
      %add3A_1993 = arith.addf %bitcast3A_1960, %bitcast3A_1962 : vector<16xf32>
      %add3A_1994 = arith.addf %bitcast3A_1964, %bitcast3A_1966 : vector<16xf32>
      %add3A_1995 = arith.addf %bitcast3A_1968, %bitcast3A_1970 : vector<16xf32>
      %add3A_1996 = arith.addf %bitcast3A_1972, %bitcast3A_1974 : vector<16xf32>
      %add3A_1997 = arith.addf %bitcast3A_1976, %bitcast3A_1978 : vector<16xf32>
      %add3A_1998 = arith.addf %add3A_1993, %add3A_1994 : vector<16xf32>
      %add3A_1999 = arith.addf %add3A_1995, %add3A_1996 : vector<16xf32>
      %add3A_2000 = arith.addf %add3A_1998, %add3A_1999 : vector<16xf32>
      %add3A_2001 = arith.addf %add3A_2000, %add3A_1997 : vector<16xf32>
      %mul3A_2002 = arith.mulf %add3A_2001, %div3A_39 : vector<16xf32>
      %swap3A_2003 = arith.constant 17 : i32
      %swap3A_2004 = arith.index_cast %swap3A_2003 : i32 to index
      %swap3A_2005 = arith.index_cast %mul3A_33 : i32 to index
      %swap3A_2006 = tpu.vector_load %arg9[%swap3A_2004, %swap3A_2005] {strides = array<i32>} : memref<32x512xf32, #tpu.memory_space<vmem>>, vector<16xf32>,
      tpu.vector_store %arg9[%swap3A_2004, %swap3A_2005], %mul3A_2002 {strides = array<i32>} : memref<32x512xf32, #tpu.memory_space<vmem>>, vector<16xf32>,
      %gather3A_2007 = arith.constant 38016 : i32
      %gather3A_2008 = tpu.memref_slice %arg8[%gather3A_2007] : memref<67584xi32, #tpu.memory_space<vmem>> -> memref<4224xi32, #tpu.memory_space<vmem>>
      %gather3A_2009 = tpu.vector_load_idx %gather3A_2008[%add3A_52] : memref<4224xi32, #tpu.memory_space<vmem>>[vector<16xi32>], vector<16xi32>,
      %gather3A_2010 = arith.constant 38016 : i32
      %gather3A_2011 = tpu.memref_slice %arg8[%gather3A_2010] : memref<67584xi32, #tpu.memory_space<vmem>> -> memref<4224xi32, #tpu.memory_space<vmem>>
      %gather3A_2012 = tpu.vector_load_idx %gather3A_2011[%add3A_66] : memref<4224xi32, #tpu.memory_space<vmem>>[vector<16xi32>], vector<16xi32>,
      %gather3A_2013 = arith.constant 38016 : i32
      %gather3A_2014 = tpu.memref_slice %arg8[%gather3A_2013] : memref<67584xi32, #tpu.memory_space<vmem>> -> memref<4224xi32, #tpu.memory_space<vmem>>
      %gather3A_2015 = tpu.vector_load_idx %gather3A_2014[%add3A_80] : memref<4224xi32, #tpu.memory_space<vmem>>[vector<16xi32>], vector<16xi32>,
      %gather3A_2016 = arith.constant 38016 : i32
      %gather3A_2017 = tpu.memref_slice %arg8[%gather3A_2016] : memref<67584xi32, #tpu.memory_space<vmem>> -> memref<4224xi32, #tpu.memory_space<vmem>>
      %gather3A_2018 = tpu.vector_load_idx %gather3A_2017[%add3A_94] : memref<4224xi32, #tpu.memory_space<vmem>>[vector<16xi32>], vector<16xi32>,
      %gather3A_2019 = arith.constant 38016 : i32
      %gather3A_2020 = tpu.memref_slice %arg8[%gather3A_2019] : memref<67584xi32, #tpu.memory_space<vmem>> -> memref<4224xi32, #tpu.memory_space<vmem>>
      %gather3A_2021 = tpu.vector_load_idx %gather3A_2020[%add3A_108] : memref<4224xi32, #tpu.memory_space<vmem>>[vector<16xi32>], vector<16xi32>,
      %gather3A_2022 = arith.constant 38016 : i32
      %gather3A_2023 = tpu.memref_slice %arg8[%gather3A_2022] : memref<67584xi32, #tpu.memory_space<vmem>> -> memref<4224xi32, #tpu.memory_space<vmem>>
      %gather3A_2024 = tpu.vector_load_idx %gather3A_2023[%add3A_122] : memref<4224xi32, #tpu.memory_space<vmem>>[vector<16xi32>], vector<16xi32>,
      %gather3A_2025 = arith.constant 38016 : i32
      %gather3A_2026 = tpu.memref_slice %arg8[%gather3A_2025] : memref<67584xi32, #tpu.memory_space<vmem>> -> memref<4224xi32, #tpu.memory_space<vmem>>
      %gather3A_2027 = tpu.vector_load_idx %gather3A_2026[%add3A_136] : memref<4224xi32, #tpu.memory_space<vmem>>[vector<16xi32>], vector<16xi32>,
      %gather3A_2028 = arith.constant 38016 : i32
      %gather3A_2029 = tpu.memref_slice %arg8[%gather3A_2028] : memref<67584xi32, #tpu.memory_space<vmem>> -> memref<4224xi32, #tpu.memory_space<vmem>>
      %gather3A_2030 = tpu.vector_load_idx %gather3A_2029[%add3A_150] : memref<4224xi32, #tpu.memory_space<vmem>>[vector<16xi32>], vector<16xi32>,
      %gather3A_2031 = arith.constant 38016 : i32
      %gather3A_2032 = tpu.memref_slice %arg8[%gather3A_2031] : memref<67584xi32, #tpu.memory_space<vmem>> -> memref<4224xi32, #tpu.memory_space<vmem>>
      %gather3A_2033 = tpu.vector_load_idx %gather3A_2032[%add3A_164] : memref<4224xi32, #tpu.memory_space<vmem>>[vector<16xi32>], vector<16xi32>,
      %gather3A_2034 = arith.constant 38016 : i32
      %gather3A_2035 = tpu.memref_slice %arg8[%gather3A_2034] : memref<67584xi32, #tpu.memory_space<vmem>> -> memref<4224xi32, #tpu.memory_space<vmem>>
      %gather3A_2036 = tpu.vector_load_idx %gather3A_2035[%add3A_178] : memref<4224xi32, #tpu.memory_space<vmem>>[vector<16xi32>], vector<16xi32>,
      %gather3A_2037 = arith.constant 38016 : i32
      %gather3A_2038 = tpu.memref_slice %arg8[%gather3A_2037] : memref<67584xi32, #tpu.memory_space<vmem>> -> memref<4224xi32, #tpu.memory_space<vmem>>
      %gather3A_2039 = tpu.vector_load_idx %gather3A_2038[%add3A_192] : memref<4224xi32, #tpu.memory_space<vmem>>[vector<16xi32>], vector<16xi32>,
      %gather3A_2040 = arith.constant 38016 : i32
      %gather3A_2041 = tpu.memref_slice %arg8[%gather3A_2040] : memref<67584xi32, #tpu.memory_space<vmem>> -> memref<4224xi32, #tpu.memory_space<vmem>>
      %gather3A_2042 = tpu.vector_load_idx %gather3A_2041[%add3A_206] : memref<4224xi32, #tpu.memory_space<vmem>>[vector<16xi32>], vector<16xi32>,
      %gather3A_2043 = arith.constant 38016 : i32
      %gather3A_2044 = tpu.memref_slice %arg8[%gather3A_2043] : memref<67584xi32, #tpu.memory_space<vmem>> -> memref<4224xi32, #tpu.memory_space<vmem>>
      %gather3A_2045 = tpu.vector_load_idx %gather3A_2044[%add3A_220] : memref<4224xi32, #tpu.memory_space<vmem>>[vector<16xi32>], vector<16xi32>,
      %gather3A_2046 = arith.constant 38016 : i32
      %gather3A_2047 = tpu.memref_slice %arg8[%gather3A_2046] : memref<67584xi32, #tpu.memory_space<vmem>> -> memref<4224xi32, #tpu.memory_space<vmem>>
      %gather3A_2048 = tpu.vector_load_idx %gather3A_2047[%add3A_234] : memref<4224xi32, #tpu.memory_space<vmem>>[vector<16xi32>], vector<16xi32>,
      %gather3A_2049 = arith.constant 38016 : i32
      %gather3A_2050 = tpu.memref_slice %arg8[%gather3A_2049] : memref<67584xi32, #tpu.memory_space<vmem>> -> memref<4224xi32, #tpu.memory_space<vmem>>
      %gather3A_2051 = tpu.vector_load_idx %gather3A_2050[%add3A_248] : memref<4224xi32, #tpu.memory_space<vmem>>[vector<16xi32>], vector<16xi32>,
      %gather3A_2052 = arith.constant 38016 : i32
      %gather3A_2053 = tpu.memref_slice %arg8[%gather3A_2052] : memref<67584xi32, #tpu.memory_space<vmem>> -> memref<4224xi32, #tpu.memory_space<vmem>>
      %gather3A_2054 = tpu.vector_load_idx %gather3A_2053[%add3A_262] : memref<4224xi32, #tpu.memory_space<vmem>>[vector<16xi32>], vector<16xi32>,
      %gather3A_2055 = arith.constant 38016 : i32
      %gather3A_2056 = tpu.memref_slice %arg8[%gather3A_2055] : memref<67584xi32, #tpu.memory_space<vmem>> -> memref<4224xi32, #tpu.memory_space<vmem>>
      %gather3A_2057 = tpu.vector_load_idx %gather3A_2056[%add3A_276] : memref<4224xi32, #tpu.memory_space<vmem>>[vector<16xi32>], vector<16xi32>,
      %gather3A_2058 = arith.constant 38016 : i32
      %gather3A_2059 = tpu.memref_slice %arg8[%gather3A_2058] : memref<67584xi32, #tpu.memory_space<vmem>> -> memref<4224xi32, #tpu.memory_space<vmem>>
      %gather3A_2060 = tpu.vector_load_idx %gather3A_2059[%add3A_290] : memref<4224xi32, #tpu.memory_space<vmem>>[vector<16xi32>], vector<16xi32>,
      %gather3A_2061 = arith.constant 38016 : i32
      %gather3A_2062 = tpu.memref_slice %arg8[%gather3A_2061] : memref<67584xi32, #tpu.memory_space<vmem>> -> memref<4224xi32, #tpu.memory_space<vmem>>
      %gather3A_2063 = tpu.vector_load_idx %gather3A_2062[%add3A_304] : memref<4224xi32, #tpu.memory_space<vmem>>[vector<16xi32>], vector<16xi32>,
      %gather3A_2064 = arith.constant 38016 : i32
      %gather3A_2065 = tpu.memref_slice %arg8[%gather3A_2064] : memref<67584xi32, #tpu.memory_space<vmem>> -> memref<4224xi32, #tpu.memory_space<vmem>>
      %gather3A_2066 = tpu.vector_load_idx %gather3A_2065[%add3A_318] : memref<4224xi32, #tpu.memory_space<vmem>>[vector<16xi32>], vector<16xi32>,
      %bitcast3A_2067 = vector.bitcast %gather3A_2009 : vector<16xi32> to vector<32xbf16>
      %bitcast3A_2068 = vector.bitcast %gather3A_2012 : vector<16xi32> to vector<32xbf16>
      %add3A_2069 = arith.addf %bitcast3A_2067, %bitcast3A_2068 : vector<32xbf16>
      %bitcast3A_2070 = vector.bitcast %add3A_2069 : vector<32xbf16> to vector<16xi32>
      %bitcast3A_2071 = vector.bitcast %gather3A_2015 : vector<16xi32> to vector<32xbf16>
      %bitcast3A_2072 = vector.bitcast %gather3A_2018 : vector<16xi32> to vector<32xbf16>
      %add3A_2073 = arith.addf %bitcast3A_2071, %bitcast3A_2072 : vector<32xbf16>
      %bitcast3A_2074 = vector.bitcast %add3A_2073 : vector<32xbf16> to vector<16xi32>
      %bitcast3A_2075 = vector.bitcast %gather3A_2021 : vector<16xi32> to vector<32xbf16>
      %bitcast3A_2076 = vector.bitcast %gather3A_2024 : vector<16xi32> to vector<32xbf16>
      %add3A_2077 = arith.addf %bitcast3A_2075, %bitcast3A_2076 : vector<32xbf16>
      %bitcast3A_2078 = vector.bitcast %add3A_2077 : vector<32xbf16> to vector<16xi32>
      %bitcast3A_2079 = vector.bitcast %gather3A_2027 : vector<16xi32> to vector<32xbf16>
      %bitcast3A_2080 = vector.bitcast %gather3A_2030 : vector<16xi32> to vector<32xbf16>
      %add3A_2081 = arith.addf %bitcast3A_2079, %bitcast3A_2080 : vector<32xbf16>
      %bitcast3A_2082 = vector.bitcast %add3A_2081 : vector<32xbf16> to vector<16xi32>
      %bitcast3A_2083 = vector.bitcast %gather3A_2033 : vector<16xi32> to vector<32xbf16>
      %bitcast3A_2084 = vector.bitcast %gather3A_2036 : vector<16xi32> to vector<32xbf16>
      %add3A_2085 = arith.addf %bitcast3A_2083, %bitcast3A_2084 : vector<32xbf16>
      %bitcast3A_2086 = vector.bitcast %add3A_2085 : vector<32xbf16> to vector<16xi32>
      %bitcast3A_2087 = vector.bitcast %gather3A_2039 : vector<16xi32> to vector<32xbf16>
      %bitcast3A_2088 = vector.bitcast %gather3A_2042 : vector<16xi32> to vector<32xbf16>
      %add3A_2089 = arith.addf %bitcast3A_2087, %bitcast3A_2088 : vector<32xbf16>
      %bitcast3A_2090 = vector.bitcast %add3A_2089 : vector<32xbf16> to vector<16xi32>
      %bitcast3A_2091 = vector.bitcast %gather3A_2045 : vector<16xi32> to vector<32xbf16>
      %bitcast3A_2092 = vector.bitcast %gather3A_2048 : vector<16xi32> to vector<32xbf16>
      %add3A_2093 = arith.addf %bitcast3A_2091, %bitcast3A_2092 : vector<32xbf16>
      %bitcast3A_2094 = vector.bitcast %add3A_2093 : vector<32xbf16> to vector<16xi32>
      %bitcast3A_2095 = vector.bitcast %gather3A_2051 : vector<16xi32> to vector<32xbf16>
      %bitcast3A_2096 = vector.bitcast %gather3A_2054 : vector<16xi32> to vector<32xbf16>
      %add3A_2097 = arith.addf %bitcast3A_2095, %bitcast3A_2096 : vector<32xbf16>
      %bitcast3A_2098 = vector.bitcast %add3A_2097 : vector<32xbf16> to vector<16xi32>
      %bitcast3A_2099 = vector.bitcast %gather3A_2057 : vector<16xi32> to vector<32xbf16>
      %bitcast3A_2100 = vector.bitcast %gather3A_2060 : vector<16xi32> to vector<32xbf16>
      %add3A_2101 = arith.addf %bitcast3A_2099, %bitcast3A_2100 : vector<32xbf16>
      %bitcast3A_2102 = vector.bitcast %add3A_2101 : vector<32xbf16> to vector<16xi32>
      %bitcast3A_2103 = vector.bitcast %gather3A_2063 : vector<16xi32> to vector<32xbf16>
      %bitcast3A_2104 = vector.bitcast %gather3A_2066 : vector<16xi32> to vector<32xbf16>
      %add3A_2105 = arith.addf %bitcast3A_2103, %bitcast3A_2104 : vector<32xbf16>
      %bitcast3A_2106 = vector.bitcast %add3A_2105 : vector<32xbf16> to vector<16xi32>
      %shift_left3A_2107 = arith.constant 16 : i32
      %shift_left3A_2108 = vector.broadcast %shift_left3A_2107 : i32 to vector<16xi32>
      %shift_left3A_2109 = arith.shli %bitcast3A_2070, %shift_left3A_2108 : vector<16xi32>
      %bitcast3A_2110 = vector.bitcast %shift_left3A_2109 : vector<16xi32> to vector<16xf32>
      %shift_left3A_2111 = arith.constant 16 : i32
      %shift_left3A_2112 = vector.broadcast %shift_left3A_2111 : i32 to vector<16xi32>
      %shift_left3A_2113 = arith.shli %bitcast3A_2074, %shift_left3A_2112 : vector<16xi32>
      %bitcast3A_2114 = vector.bitcast %shift_left3A_2113 : vector<16xi32> to vector<16xf32>
      %shift_left3A_2115 = arith.constant 16 : i32
      %shift_left3A_2116 = vector.broadcast %shift_left3A_2115 : i32 to vector<16xi32>
      %shift_left3A_2117 = arith.shli %bitcast3A_2078, %shift_left3A_2116 : vector<16xi32>
      %bitcast3A_2118 = vector.bitcast %shift_left3A_2117 : vector<16xi32> to vector<16xf32>
      %shift_left3A_2119 = arith.constant 16 : i32
      %shift_left3A_2120 = vector.broadcast %shift_left3A_2119 : i32 to vector<16xi32>
      %shift_left3A_2121 = arith.shli %bitcast3A_2082, %shift_left3A_2120 : vector<16xi32>
      %bitcast3A_2122 = vector.bitcast %shift_left3A_2121 : vector<16xi32> to vector<16xf32>
      %shift_left3A_2123 = arith.constant 16 : i32
      %shift_left3A_2124 = vector.broadcast %shift_left3A_2123 : i32 to vector<16xi32>
      %shift_left3A_2125 = arith.shli %bitcast3A_2086, %shift_left3A_2124 : vector<16xi32>
      %bitcast3A_2126 = vector.bitcast %shift_left3A_2125 : vector<16xi32> to vector<16xf32>
      %shift_left3A_2127 = arith.constant 16 : i32
      %shift_left3A_2128 = vector.broadcast %shift_left3A_2127 : i32 to vector<16xi32>
      %shift_left3A_2129 = arith.shli %bitcast3A_2090, %shift_left3A_2128 : vector<16xi32>
      %bitcast3A_2130 = vector.bitcast %shift_left3A_2129 : vector<16xi32> to vector<16xf32>
      %shift_left3A_2131 = arith.constant 16 : i32
      %shift_left3A_2132 = vector.broadcast %shift_left3A_2131 : i32 to vector<16xi32>
      %shift_left3A_2133 = arith.shli %bitcast3A_2094, %shift_left3A_2132 : vector<16xi32>
      %bitcast3A_2134 = vector.bitcast %shift_left3A_2133 : vector<16xi32> to vector<16xf32>
      %shift_left3A_2135 = arith.constant 16 : i32
      %shift_left3A_2136 = vector.broadcast %shift_left3A_2135 : i32 to vector<16xi32>
      %shift_left3A_2137 = arith.shli %bitcast3A_2098, %shift_left3A_2136 : vector<16xi32>
      %bitcast3A_2138 = vector.bitcast %shift_left3A_2137 : vector<16xi32> to vector<16xf32>
      %shift_left3A_2139 = arith.constant 16 : i32
      %shift_left3A_2140 = vector.broadcast %shift_left3A_2139 : i32 to vector<16xi32>
      %shift_left3A_2141 = arith.shli %bitcast3A_2102, %shift_left3A_2140 : vector<16xi32>
      %bitcast3A_2142 = vector.bitcast %shift_left3A_2141 : vector<16xi32> to vector<16xf32>
      %shift_left3A_2143 = arith.constant 16 : i32
      %shift_left3A_2144 = vector.broadcast %shift_left3A_2143 : i32 to vector<16xi32>
      %shift_left3A_2145 = arith.shli %bitcast3A_2106, %shift_left3A_2144 : vector<16xi32>
      %bitcast3A_2146 = vector.bitcast %shift_left3A_2145 : vector<16xi32> to vector<16xf32>
      %and3A_2147 = arith.andi %bitcast3A_2070, %broadcast_in_dim3A_22 : vector<16xi32>
      %bitcast3A_2148 = vector.bitcast %and3A_2147 : vector<16xi32> to vector<16xf32>
      %and3A_2149 = arith.andi %bitcast3A_2074, %broadcast_in_dim3A_22 : vector<16xi32>
      %bitcast3A_2150 = vector.bitcast %and3A_2149 : vector<16xi32> to vector<16xf32>
      %and3A_2151 = arith.andi %bitcast3A_2078, %broadcast_in_dim3A_22 : vector<16xi32>
      %bitcast3A_2152 = vector.bitcast %and3A_2151 : vector<16xi32> to vector<16xf32>
      %and3A_2153 = arith.andi %bitcast3A_2082, %broadcast_in_dim3A_22 : vector<16xi32>
      %bitcast3A_2154 = vector.bitcast %and3A_2153 : vector<16xi32> to vector<16xf32>
      %and3A_2155 = arith.andi %bitcast3A_2086, %broadcast_in_dim3A_22 : vector<16xi32>
      %bitcast3A_2156 = vector.bitcast %and3A_2155 : vector<16xi32> to vector<16xf32>
      %and3A_2157 = arith.andi %bitcast3A_2090, %broadcast_in_dim3A_22 : vector<16xi32>
      %bitcast3A_2158 = vector.bitcast %and3A_2157 : vector<16xi32> to vector<16xf32>
      %and3A_2159 = arith.andi %bitcast3A_2094, %broadcast_in_dim3A_22 : vector<16xi32>
      %bitcast3A_2160 = vector.bitcast %and3A_2159 : vector<16xi32> to vector<16xf32>
      %and3A_2161 = arith.andi %bitcast3A_2098, %broadcast_in_dim3A_22 : vector<16xi32>
      %bitcast3A_2162 = vector.bitcast %and3A_2161 : vector<16xi32> to vector<16xf32>
      %and3A_2163 = arith.andi %bitcast3A_2102, %broadcast_in_dim3A_22 : vector<16xi32>
      %bitcast3A_2164 = vector.bitcast %and3A_2163 : vector<16xi32> to vector<16xf32>
      %and3A_2165 = arith.andi %bitcast3A_2106, %broadcast_in_dim3A_22 : vector<16xi32>
      %bitcast3A_2166 = vector.bitcast %and3A_2165 : vector<16xi32> to vector<16xf32>
      %add3A_2167 = arith.addf %bitcast3A_2110, %bitcast3A_2114 : vector<16xf32>
      %add3A_2168 = arith.addf %bitcast3A_2118, %bitcast3A_2122 : vector<16xf32>
      %add3A_2169 = arith.addf %bitcast3A_2126, %bitcast3A_2130 : vector<16xf32>
      %add3A_2170 = arith.addf %bitcast3A_2134, %bitcast3A_2138 : vector<16xf32>
      %add3A_2171 = arith.addf %bitcast3A_2142, %bitcast3A_2146 : vector<16xf32>
      %add3A_2172 = arith.addf %add3A_2167, %add3A_2168 : vector<16xf32>
      %add3A_2173 = arith.addf %add3A_2169, %add3A_2170 : vector<16xf32>
      %add3A_2174 = arith.addf %add3A_2172, %add3A_2173 : vector<16xf32>
      %add3A_2175 = arith.addf %add3A_2174, %add3A_2171 : vector<16xf32>
      %mul3A_2176 = arith.mulf %add3A_2175, %div3A_39 : vector<16xf32>
      %swap3A_2177 = arith.constant 18 : i32
      %swap3A_2178 = arith.index_cast %swap3A_2177 : i32 to index
      %swap3A_2179 = arith.index_cast %mul3A_33 : i32 to index
      %swap3A_2180 = tpu.vector_load %arg9[%swap3A_2178, %swap3A_2179] {strides = array<i32>} : memref<32x512xf32, #tpu.memory_space<vmem>>, vector<16xf32>,
      tpu.vector_store %arg9[%swap3A_2178, %swap3A_2179], %mul3A_2176 {strides = array<i32>} : memref<32x512xf32, #tpu.memory_space<vmem>>, vector<16xf32>,
      %add3A_2181 = arith.addf %bitcast3A_2148, %bitcast3A_2150 : vector<16xf32>
      %add3A_2182 = arith.addf %bitcast3A_2152, %bitcast3A_2154 : vector<16xf32>
      %add3A_2183 = arith.addf %bitcast3A_2156, %bitcast3A_2158 : vector<16xf32>
      %add3A_2184 = arith.addf %bitcast3A_2160, %bitcast3A_2162 : vector<16xf32>
      %add3A_2185 = arith.addf %bitcast3A_2164, %bitcast3A_2166 : vector<16xf32>
      %add3A_2186 = arith.addf %add3A_2181, %add3A_2182 : vector<16xf32>
      %add3A_2187 = arith.addf %add3A_2183, %add3A_2184 : vector<16xf32>
      %add3A_2188 = arith.addf %add3A_2186, %add3A_2187 : vector<16xf32>
      %add3A_2189 = arith.addf %add3A_2188, %add3A_2185 : vector<16xf32>
      %mul3A_2190 = arith.mulf %add3A_2189, %div3A_39 : vector<16xf32>
      %swap3A_2191 = arith.constant 19 : i32
      %swap3A_2192 = arith.index_cast %swap3A_2191 : i32 to index
      %swap3A_2193 = arith.index_cast %mul3A_33 : i32 to index
      %swap3A_2194 = tpu.vector_load %arg9[%swap3A_2192, %swap3A_2193] {strides = array<i32>} : memref<32x512xf32, #tpu.memory_space<vmem>>, vector<16xf32>,
      tpu.vector_store %arg9[%swap3A_2192, %swap3A_2193], %mul3A_2190 {strides = array<i32>} : memref<32x512xf32, #tpu.memory_space<vmem>>, vector<16xf32>,
      %gather3A_2195 = arith.constant 42240 : i32
      %gather3A_2196 = tpu.memref_slice %arg8[%gather3A_2195] : memref<67584xi32, #tpu.memory_space<vmem>> -> memref<4224xi32, #tpu.memory_space<vmem>>
      %gather3A_2197 = tpu.vector_load_idx %gather3A_2196[%add3A_52] : memref<4224xi32, #tpu.memory_space<vmem>>[vector<16xi32>], vector<16xi32>,
      %gather3A_2198 = arith.constant 42240 : i32
      %gather3A_2199 = tpu.memref_slice %arg8[%gather3A_2198] : memref<67584xi32, #tpu.memory_space<vmem>> -> memref<4224xi32, #tpu.memory_space<vmem>>
      %gather3A_2200 = tpu.vector_load_idx %gather3A_2199[%add3A_66] : memref<4224xi32, #tpu.memory_space<vmem>>[vector<16xi32>], vector<16xi32>,
      %gather3A_2201 = arith.constant 42240 : i32
      %gather3A_2202 = tpu.memref_slice %arg8[%gather3A_2201] : memref<67584xi32, #tpu.memory_space<vmem>> -> memref<4224xi32, #tpu.memory_space<vmem>>
      %gather3A_2203 = tpu.vector_load_idx %gather3A_2202[%add3A_80] : memref<4224xi32, #tpu.memory_space<vmem>>[vector<16xi32>], vector<16xi32>,
      %gather3A_2204 = arith.constant 42240 : i32
      %gather3A_2205 = tpu.memref_slice %arg8[%gather3A_2204] : memref<67584xi32, #tpu.memory_space<vmem>> -> memref<4224xi32, #tpu.memory_space<vmem>>
      %gather3A_2206 = tpu.vector_load_idx %gather3A_2205[%add3A_94] : memref<4224xi32, #tpu.memory_space<vmem>>[vector<16xi32>], vector<16xi32>,
      %gather3A_2207 = arith.constant 42240 : i32
      %gather3A_2208 = tpu.memref_slice %arg8[%gather3A_2207] : memref<67584xi32, #tpu.memory_space<vmem>> -> memref<4224xi32, #tpu.memory_space<vmem>>
      %gather3A_2209 = tpu.vector_load_idx %gather3A_2208[%add3A_108] : memref<4224xi32, #tpu.memory_space<vmem>>[vector<16xi32>], vector<16xi32>,
      %gather3A_2210 = arith.constant 42240 : i32
      %gather3A_2211 = tpu.memref_slice %arg8[%gather3A_2210] : memref<67584xi32, #tpu.memory_space<vmem>> -> memref<4224xi32, #tpu.memory_space<vmem>>
      %gather3A_2212 = tpu.vector_load_idx %gather3A_2211[%add3A_122] : memref<4224xi32, #tpu.memory_space<vmem>>[vector<16xi32>], vector<16xi32>,
      %gather3A_2213 = arith.constant 42240 : i32
      %gather3A_2214 = tpu.memref_slice %arg8[%gather3A_2213] : memref<67584xi32, #tpu.memory_space<vmem>> -> memref<4224xi32, #tpu.memory_space<vmem>>
      %gather3A_2215 = tpu.vector_load_idx %gather3A_2214[%add3A_136] : memref<4224xi32, #tpu.memory_space<vmem>>[vector<16xi32>], vector<16xi32>,
      %gather3A_2216 = arith.constant 42240 : i32
      %gather3A_2217 = tpu.memref_slice %arg8[%gather3A_2216] : memref<67584xi32, #tpu.memory_space<vmem>> -> memref<4224xi32, #tpu.memory_space<vmem>>
      %gather3A_2218 = tpu.vector_load_idx %gather3A_2217[%add3A_150] : memref<4224xi32, #tpu.memory_space<vmem>>[vector<16xi32>], vector<16xi32>,
      %gather3A_2219 = arith.constant 42240 : i32
      %gather3A_2220 = tpu.memref_slice %arg8[%gather3A_2219] : memref<67584xi32, #tpu.memory_space<vmem>> -> memref<4224xi32, #tpu.memory_space<vmem>>
      %gather3A_2221 = tpu.vector_load_idx %gather3A_2220[%add3A_164] : memref<4224xi32, #tpu.memory_space<vmem>>[vector<16xi32>], vector<16xi32>,
      %gather3A_2222 = arith.constant 42240 : i32
      %gather3A_2223 = tpu.memref_slice %arg8[%gather3A_2222] : memref<67584xi32, #tpu.memory_space<vmem>> -> memref<4224xi32, #tpu.memory_space<vmem>>
      %gather3A_2224 = tpu.vector_load_idx %gather3A_2223[%add3A_178] : memref<4224xi32, #tpu.memory_space<vmem>>[vector<16xi32>], vector<16xi32>,
      %gather3A_2225 = arith.constant 42240 : i32
      %gather3A_2226 = tpu.memref_slice %arg8[%gather3A_2225] : memref<67584xi32, #tpu.memory_space<vmem>> -> memref<4224xi32, #tpu.memory_space<vmem>>
      %gather3A_2227 = tpu.vector_load_idx %gather3A_2226[%add3A_192] : memref<4224xi32, #tpu.memory_space<vmem>>[vector<16xi32>], vector<16xi32>,
      %gather3A_2228 = arith.constant 42240 : i32
      %gather3A_2229 = tpu.memref_slice %arg8[%gather3A_2228] : memref<67584xi32, #tpu.memory_space<vmem>> -> memref<4224xi32, #tpu.memory_space<vmem>>
      %gather3A_2230 = tpu.vector_load_idx %gather3A_2229[%add3A_206] : memref<4224xi32, #tpu.memory_space<vmem>>[vector<16xi32>], vector<16xi32>,
      %gather3A_2231 = arith.constant 42240 : i32
      %gather3A_2232 = tpu.memref_slice %arg8[%gather3A_2231] : memref<67584xi32, #tpu.memory_space<vmem>> -> memref<4224xi32, #tpu.memory_space<vmem>>
      %gather3A_2233 = tpu.vector_load_idx %gather3A_2232[%add3A_220] : memref<4224xi32, #tpu.memory_space<vmem>>[vector<16xi32>], vector<16xi32>,
      %gather3A_2234 = arith.constant 42240 : i32
      %gather3A_2235 = tpu.memref_slice %arg8[%gather3A_2234] : memref<67584xi32, #tpu.memory_space<vmem>> -> memref<4224xi32, #tpu.memory_space<vmem>>
      %gather3A_2236 = tpu.vector_load_idx %gather3A_2235[%add3A_234] : memref<4224xi32, #tpu.memory_space<vmem>>[vector<16xi32>], vector<16xi32>,
      %gather3A_2237 = arith.constant 42240 : i32
      %gather3A_2238 = tpu.memref_slice %arg8[%gather3A_2237] : memref<67584xi32, #tpu.memory_space<vmem>> -> memref<4224xi32, #tpu.memory_space<vmem>>
      %gather3A_2239 = tpu.vector_load_idx %gather3A_2238[%add3A_248] : memref<4224xi32, #tpu.memory_space<vmem>>[vector<16xi32>], vector<16xi32>,
      %gather3A_2240 = arith.constant 42240 : i32
      %gather3A_2241 = tpu.memref_slice %arg8[%gather3A_2240] : memref<67584xi32, #tpu.memory_space<vmem>> -> memref<4224xi32, #tpu.memory_space<vmem>>
      %gather3A_2242 = tpu.vector_load_idx %gather3A_2241[%add3A_262] : memref<4224xi32, #tpu.memory_space<vmem>>[vector<16xi32>], vector<16xi32>,
      %gather3A_2243 = arith.constant 42240 : i32
      %gather3A_2244 = tpu.memref_slice %arg8[%gather3A_2243] : memref<67584xi32, #tpu.memory_space<vmem>> -> memref<4224xi32, #tpu.memory_space<vmem>>
      %gather3A_2245 = tpu.vector_load_idx %gather3A_2244[%add3A_276] : memref<4224xi32, #tpu.memory_space<vmem>>[vector<16xi32>], vector<16xi32>,
      %gather3A_2246 = arith.constant 42240 : i32
      %gather3A_2247 = tpu.memref_slice %arg8[%gather3A_2246] : memref<67584xi32, #tpu.memory_space<vmem>> -> memref<4224xi32, #tpu.memory_space<vmem>>
      %gather3A_2248 = tpu.vector_load_idx %gather3A_2247[%add3A_290] : memref<4224xi32, #tpu.memory_space<vmem>>[vector<16xi32>], vector<16xi32>,
      %gather3A_2249 = arith.constant 42240 : i32
      %gather3A_2250 = tpu.memref_slice %arg8[%gather3A_2249] : memref<67584xi32, #tpu.memory_space<vmem>> -> memref<4224xi32, #tpu.memory_space<vmem>>
      %gather3A_2251 = tpu.vector_load_idx %gather3A_2250[%add3A_304] : memref<4224xi32, #tpu.memory_space<vmem>>[vector<16xi32>], vector<16xi32>,
      %gather3A_2252 = arith.constant 42240 : i32
      %gather3A_2253 = tpu.memref_slice %arg8[%gather3A_2252] : memref<67584xi32, #tpu.memory_space<vmem>> -> memref<4224xi32, #tpu.memory_space<vmem>>
      %gather3A_2254 = tpu.vector_load_idx %gather3A_2253[%add3A_318] : memref<4224xi32, #tpu.memory_space<vmem>>[vector<16xi32>], vector<16xi32>,
      %bitcast3A_2255 = vector.bitcast %gather3A_2197 : vector<16xi32> to vector<32xbf16>
      %bitcast3A_2256 = vector.bitcast %gather3A_2200 : vector<16xi32> to vector<32xbf16>
      %add3A_2257 = arith.addf %bitcast3A_2255, %bitcast3A_2256 : vector<32xbf16>
      %bitcast3A_2258 = vector.bitcast %add3A_2257 : vector<32xbf16> to vector<16xi32>
      %bitcast3A_2259 = vector.bitcast %gather3A_2203 : vector<16xi32> to vector<32xbf16>
      %bitcast3A_2260 = vector.bitcast %gather3A_2206 : vector<16xi32> to vector<32xbf16>
      %add3A_2261 = arith.addf %bitcast3A_2259, %bitcast3A_2260 : vector<32xbf16>
      %bitcast3A_2262 = vector.bitcast %add3A_2261 : vector<32xbf16> to vector<16xi32>
      %bitcast3A_2263 = vector.bitcast %gather3A_2209 : vector<16xi32> to vector<32xbf16>
      %bitcast3A_2264 = vector.bitcast %gather3A_2212 : vector<16xi32> to vector<32xbf16>
      %add3A_2265 = arith.addf %bitcast3A_2263, %bitcast3A_2264 : vector<32xbf16>
      %bitcast3A_2266 = vector.bitcast %add3A_2265 : vector<32xbf16> to vector<16xi32>
      %bitcast3A_2267 = vector.bitcast %gather3A_2215 : vector<16xi32> to vector<32xbf16>
      %bitcast3A_2268 = vector.bitcast %gather3A_2218 : vector<16xi32> to vector<32xbf16>
      %add3A_2269 = arith.addf %bitcast3A_2267, %bitcast3A_2268 : vector<32xbf16>
      %bitcast3A_2270 = vector.bitcast %add3A_2269 : vector<32xbf16> to vector<16xi32>
      %bitcast3A_2271 = vector.bitcast %gather3A_2221 : vector<16xi32> to vector<32xbf16>
      %bitcast3A_2272 = vector.bitcast %gather3A_2224 : vector<16xi32> to vector<32xbf16>
      %add3A_2273 = arith.addf %bitcast3A_2271, %bitcast3A_2272 : vector<32xbf16>
      %bitcast3A_2274 = vector.bitcast %add3A_2273 : vector<32xbf16> to vector<16xi32>
      %bitcast3A_2275 = vector.bitcast %gather3A_2227 : vector<16xi32> to vector<32xbf16>
      %bitcast3A_2276 = vector.bitcast %gather3A_2230 : vector<16xi32> to vector<32xbf16>
      %add3A_2277 = arith.addf %bitcast3A_2275, %bitcast3A_2276 : vector<32xbf16>
      %bitcast3A_2278 = vector.bitcast %add3A_2277 : vector<32xbf16> to vector<16xi32>
      %bitcast3A_2279 = vector.bitcast %gather3A_2233 : vector<16xi32> to vector<32xbf16>
      %bitcast3A_2280 = vector.bitcast %gather3A_2236 : vector<16xi32> to vector<32xbf16>
      %add3A_2281 = arith.addf %bitcast3A_2279, %bitcast3A_2280 : vector<32xbf16>
      %bitcast3A_2282 = vector.bitcast %add3A_2281 : vector<32xbf16> to vector<16xi32>
      %bitcast3A_2283 = vector.bitcast %gather3A_2239 : vector<16xi32> to vector<32xbf16>
      %bitcast3A_2284 = vector.bitcast %gather3A_2242 : vector<16xi32> to vector<32xbf16>
      %add3A_2285 = arith.addf %bitcast3A_2283, %bitcast3A_2284 : vector<32xbf16>
      %bitcast3A_2286 = vector.bitcast %add3A_2285 : vector<32xbf16> to vector<16xi32>
      %bitcast3A_2287 = vector.bitcast %gather3A_2245 : vector<16xi32> to vector<32xbf16>
      %bitcast3A_2288 = vector.bitcast %gather3A_2248 : vector<16xi32> to vector<32xbf16>
      %add3A_2289 = arith.addf %bitcast3A_2287, %bitcast3A_2288 : vector<32xbf16>
      %bitcast3A_2290 = vector.bitcast %add3A_2289 : vector<32xbf16> to vector<16xi32>
      %bitcast3A_2291 = vector.bitcast %gather3A_2251 : vector<16xi32> to vector<32xbf16>
      %bitcast3A_2292 = vector.bitcast %gather3A_2254 : vector<16xi32> to vector<32xbf16>
      %add3A_2293 = arith.addf %bitcast3A_2291, %bitcast3A_2292 : vector<32xbf16>
      %bitcast3A_2294 = vector.bitcast %add3A_2293 : vector<32xbf16> to vector<16xi32>
      %shift_left3A_2295 = arith.constant 16 : i32
      %shift_left3A_2296 = vector.broadcast %shift_left3A_2295 : i32 to vector<16xi32>
      %shift_left3A_2297 = arith.shli %bitcast3A_2258, %shift_left3A_2296 : vector<16xi32>
      %bitcast3A_2298 = vector.bitcast %shift_left3A_2297 : vector<16xi32> to vector<16xf32>
      %shift_left3A_2299 = arith.constant 16 : i32
      %shift_left3A_2300 = vector.broadcast %shift_left3A_2299 : i32 to vector<16xi32>
      %shift_left3A_2301 = arith.shli %bitcast3A_2262, %shift_left3A_2300 : vector<16xi32>
      %bitcast3A_2302 = vector.bitcast %shift_left3A_2301 : vector<16xi32> to vector<16xf32>
      %shift_left3A_2303 = arith.constant 16 : i32
      %shift_left3A_2304 = vector.broadcast %shift_left3A_2303 : i32 to vector<16xi32>
      %shift_left3A_2305 = arith.shli %bitcast3A_2266, %shift_left3A_2304 : vector<16xi32>
      %bitcast3A_2306 = vector.bitcast %shift_left3A_2305 : vector<16xi32> to vector<16xf32>
      %shift_left3A_2307 = arith.constant 16 : i32
      %shift_left3A_2308 = vector.broadcast %shift_left3A_2307 : i32 to vector<16xi32>
      %shift_left3A_2309 = arith.shli %bitcast3A_2270, %shift_left3A_2308 : vector<16xi32>
      %bitcast3A_2310 = vector.bitcast %shift_left3A_2309 : vector<16xi32> to vector<16xf32>
      %shift_left3A_2311 = arith.constant 16 : i32
      %shift_left3A_2312 = vector.broadcast %shift_left3A_2311 : i32 to vector<16xi32>
      %shift_left3A_2313 = arith.shli %bitcast3A_2274, %shift_left3A_2312 : vector<16xi32>
      %bitcast3A_2314 = vector.bitcast %shift_left3A_2313 : vector<16xi32> to vector<16xf32>
      %shift_left3A_2315 = arith.constant 16 : i32
      %shift_left3A_2316 = vector.broadcast %shift_left3A_2315 : i32 to vector<16xi32>
      %shift_left3A_2317 = arith.shli %bitcast3A_2278, %shift_left3A_2316 : vector<16xi32>
      %bitcast3A_2318 = vector.bitcast %shift_left3A_2317 : vector<16xi32> to vector<16xf32>
      %shift_left3A_2319 = arith.constant 16 : i32
      %shift_left3A_2320 = vector.broadcast %shift_left3A_2319 : i32 to vector<16xi32>
      %shift_left3A_2321 = arith.shli %bitcast3A_2282, %shift_left3A_2320 : vector<16xi32>
      %bitcast3A_2322 = vector.bitcast %shift_left3A_2321 : vector<16xi32> to vector<16xf32>
      %shift_left3A_2323 = arith.constant 16 : i32
      %shift_left3A_2324 = vector.broadcast %shift_left3A_2323 : i32 to vector<16xi32>
      %shift_left3A_2325 = arith.shli %bitcast3A_2286, %shift_left3A_2324 : vector<16xi32>
      %bitcast3A_2326 = vector.bitcast %shift_left3A_2325 : vector<16xi32> to vector<16xf32>
      %shift_left3A_2327 = arith.constant 16 : i32
      %shift_left3A_2328 = vector.broadcast %shift_left3A_2327 : i32 to vector<16xi32>
      %shift_left3A_2329 = arith.shli %bitcast3A_2290, %shift_left3A_2328 : vector<16xi32>
      %bitcast3A_2330 = vector.bitcast %shift_left3A_2329 : vector<16xi32> to vector<16xf32>
      %shift_left3A_2331 = arith.constant 16 : i32
      %shift_left3A_2332 = vector.broadcast %shift_left3A_2331 : i32 to vector<16xi32>
      %shift_left3A_2333 = arith.shli %bitcast3A_2294, %shift_left3A_2332 : vector<16xi32>
      %bitcast3A_2334 = vector.bitcast %shift_left3A_2333 : vector<16xi32> to vector<16xf32>
      %and3A_2335 = arith.andi %bitcast3A_2258, %broadcast_in_dim3A_22 : vector<16xi32>
      %bitcast3A_2336 = vector.bitcast %and3A_2335 : vector<16xi32> to vector<16xf32>
      %and3A_2337 = arith.andi %bitcast3A_2262, %broadcast_in_dim3A_22 : vector<16xi32>
      %bitcast3A_2338 = vector.bitcast %and3A_2337 : vector<16xi32> to vector<16xf32>
      %and3A_2339 = arith.andi %bitcast3A_2266, %broadcast_in_dim3A_22 : vector<16xi32>
      %bitcast3A_2340 = vector.bitcast %and3A_2339 : vector<16xi32> to vector<16xf32>
      %and3A_2341 = arith.andi %bitcast3A_2270, %broadcast_in_dim3A_22 : vector<16xi32>
      %bitcast3A_2342 = vector.bitcast %and3A_2341 : vector<16xi32> to vector<16xf32>
      %and3A_2343 = arith.andi %bitcast3A_2274, %broadcast_in_dim3A_22 : vector<16xi32>
      %bitcast3A_2344 = vector.bitcast %and3A_2343 : vector<16xi32> to vector<16xf32>
      %and3A_2345 = arith.andi %bitcast3A_2278, %broadcast_in_dim3A_22 : vector<16xi32>
      %bitcast3A_2346 = vector.bitcast %and3A_2345 : vector<16xi32> to vector<16xf32>
      %and3A_2347 = arith.andi %bitcast3A_2282, %broadcast_in_dim3A_22 : vector<16xi32>
      %bitcast3A_2348 = vector.bitcast %and3A_2347 : vector<16xi32> to vector<16xf32>
      %and3A_2349 = arith.andi %bitcast3A_2286, %broadcast_in_dim3A_22 : vector<16xi32>
      %bitcast3A_2350 = vector.bitcast %and3A_2349 : vector<16xi32> to vector<16xf32>
      %and3A_2351 = arith.andi %bitcast3A_2290, %broadcast_in_dim3A_22 : vector<16xi32>
      %bitcast3A_2352 = vector.bitcast %and3A_2351 : vector<16xi32> to vector<16xf32>
      %and3A_2353 = arith.andi %bitcast3A_2294, %broadcast_in_dim3A_22 : vector<16xi32>
      %bitcast3A_2354 = vector.bitcast %and3A_2353 : vector<16xi32> to vector<16xf32>
      %add3A_2355 = arith.addf %bitcast3A_2298, %bitcast3A_2302 : vector<16xf32>
      %add3A_2356 = arith.addf %bitcast3A_2306, %bitcast3A_2310 : vector<16xf32>
      %add3A_2357 = arith.addf %bitcast3A_2314, %bitcast3A_2318 : vector<16xf32>
      %add3A_2358 = arith.addf %bitcast3A_2322, %bitcast3A_2326 : vector<16xf32>
      %add3A_2359 = arith.addf %bitcast3A_2330, %bitcast3A_2334 : vector<16xf32>
      %add3A_2360 = arith.addf %add3A_2355, %add3A_2356 : vector<16xf32>
      %add3A_2361 = arith.addf %add3A_2357, %add3A_2358 : vector<16xf32>
      %add3A_2362 = arith.addf %add3A_2360, %add3A_2361 : vector<16xf32>
      %add3A_2363 = arith.addf %add3A_2362, %add3A_2359 : vector<16xf32>
      %mul3A_2364 = arith.mulf %add3A_2363, %div3A_39 : vector<16xf32>
      %swap3A_2365 = arith.constant 20 : i32
      %swap3A_2366 = arith.index_cast %swap3A_2365 : i32 to index
      %swap3A_2367 = arith.index_cast %mul3A_33 : i32 to index
      %swap3A_2368 = tpu.vector_load %arg9[%swap3A_2366, %swap3A_2367] {strides = array<i32>} : memref<32x512xf32, #tpu.memory_space<vmem>>, vector<16xf32>,
      tpu.vector_store %arg9[%swap3A_2366, %swap3A_2367], %mul3A_2364 {strides = array<i32>} : memref<32x512xf32, #tpu.memory_space<vmem>>, vector<16xf32>,
      %add3A_2369 = arith.addf %bitcast3A_2336, %bitcast3A_2338 : vector<16xf32>
      %add3A_2370 = arith.addf %bitcast3A_2340, %bitcast3A_2342 : vector<16xf32>
      %add3A_2371 = arith.addf %bitcast3A_2344, %bitcast3A_2346 : vector<16xf32>
      %add3A_2372 = arith.addf %bitcast3A_2348, %bitcast3A_2350 : vector<16xf32>
      %add3A_2373 = arith.addf %bitcast3A_2352, %bitcast3A_2354 : vector<16xf32>
      %add3A_2374 = arith.addf %add3A_2369, %add3A_2370 : vector<16xf32>
      %add3A_2375 = arith.addf %add3A_2371, %add3A_2372 : vector<16xf32>
      %add3A_2376 = arith.addf %add3A_2374, %add3A_2375 : vector<16xf32>
      %add3A_2377 = arith.addf %add3A_2376, %add3A_2373 : vector<16xf32>
      %mul3A_2378 = arith.mulf %add3A_2377, %div3A_39 : vector<16xf32>
      %swap3A_2379 = arith.constant 21 : i32
      %swap3A_2380 = arith.index_cast %swap3A_2379 : i32 to index
      %swap3A_2381 = arith.index_cast %mul3A_33 : i32 to index
      %swap3A_2382 = tpu.vector_load %arg9[%swap3A_2380, %swap3A_2381] {strides = array<i32>} : memref<32x512xf32, #tpu.memory_space<vmem>>, vector<16xf32>,
      tpu.vector_store %arg9[%swap3A_2380, %swap3A_2381], %mul3A_2378 {strides = array<i32>} : memref<32x512xf32, #tpu.memory_space<vmem>>, vector<16xf32>,
      %gather3A_2383 = arith.constant 46464 : i32
      %gather3A_2384 = tpu.memref_slice %arg8[%gather3A_2383] : memref<67584xi32, #tpu.memory_space<vmem>> -> memref<4224xi32, #tpu.memory_space<vmem>>
      %gather3A_2385 = tpu.vector_load_idx %gather3A_2384[%add3A_52] : memref<4224xi32, #tpu.memory_space<vmem>>[vector<16xi32>], vector<16xi32>,
      %gather3A_2386 = arith.constant 46464 : i32
      %gather3A_2387 = tpu.memref_slice %arg8[%gather3A_2386] : memref<67584xi32, #tpu.memory_space<vmem>> -> memref<4224xi32, #tpu.memory_space<vmem>>
      %gather3A_2388 = tpu.vector_load_idx %gather3A_2387[%add3A_66] : memref<4224xi32, #tpu.memory_space<vmem>>[vector<16xi32>], vector<16xi32>,
      %gather3A_2389 = arith.constant 46464 : i32
      %gather3A_2390 = tpu.memref_slice %arg8[%gather3A_2389] : memref<67584xi32, #tpu.memory_space<vmem>> -> memref<4224xi32, #tpu.memory_space<vmem>>
      %gather3A_2391 = tpu.vector_load_idx %gather3A_2390[%add3A_80] : memref<4224xi32, #tpu.memory_space<vmem>>[vector<16xi32>], vector<16xi32>,
      %gather3A_2392 = arith.constant 46464 : i32
      %gather3A_2393 = tpu.memref_slice %arg8[%gather3A_2392] : memref<67584xi32, #tpu.memory_space<vmem>> -> memref<4224xi32, #tpu.memory_space<vmem>>
      %gather3A_2394 = tpu.vector_load_idx %gather3A_2393[%add3A_94] : memref<4224xi32, #tpu.memory_space<vmem>>[vector<16xi32>], vector<16xi32>,
      %gather3A_2395 = arith.constant 46464 : i32
      %gather3A_2396 = tpu.memref_slice %arg8[%gather3A_2395] : memref<67584xi32, #tpu.memory_space<vmem>> -> memref<4224xi32, #tpu.memory_space<vmem>>
      %gather3A_2397 = tpu.vector_load_idx %gather3A_2396[%add3A_108] : memref<4224xi32, #tpu.memory_space<vmem>>[vector<16xi32>], vector<16xi32>,
      %gather3A_2398 = arith.constant 46464 : i32
      %gather3A_2399 = tpu.memref_slice %arg8[%gather3A_2398] : memref<67584xi32, #tpu.memory_space<vmem>> -> memref<4224xi32, #tpu.memory_space<vmem>>
      %gather3A_2400 = tpu.vector_load_idx %gather3A_2399[%add3A_122] : memref<4224xi32, #tpu.memory_space<vmem>>[vector<16xi32>], vector<16xi32>,
      %gather3A_2401 = arith.constant 46464 : i32
      %gather3A_2402 = tpu.memref_slice %arg8[%gather3A_2401] : memref<67584xi32, #tpu.memory_space<vmem>> -> memref<4224xi32, #tpu.memory_space<vmem>>
      %gather3A_2403 = tpu.vector_load_idx %gather3A_2402[%add3A_136] : memref<4224xi32, #tpu.memory_space<vmem>>[vector<16xi32>], vector<16xi32>,
      %gather3A_2404 = arith.constant 46464 : i32
      %gather3A_2405 = tpu.memref_slice %arg8[%gather3A_2404] : memref<67584xi32, #tpu.memory_space<vmem>> -> memref<4224xi32, #tpu.memory_space<vmem>>
      %gather3A_2406 = tpu.vector_load_idx %gather3A_2405[%add3A_150] : memref<4224xi32, #tpu.memory_space<vmem>>[vector<16xi32>], vector<16xi32>,
      %gather3A_2407 = arith.constant 46464 : i32
      %gather3A_2408 = tpu.memref_slice %arg8[%gather3A_2407] : memref<67584xi32, #tpu.memory_space<vmem>> -> memref<4224xi32, #tpu.memory_space<vmem>>
      %gather3A_2409 = tpu.vector_load_idx %gather3A_2408[%add3A_164] : memref<4224xi32, #tpu.memory_space<vmem>>[vector<16xi32>], vector<16xi32>,
      %gather3A_2410 = arith.constant 46464 : i32
      %gather3A_2411 = tpu.memref_slice %arg8[%gather3A_2410] : memref<67584xi32, #tpu.memory_space<vmem>> -> memref<4224xi32, #tpu.memory_space<vmem>>
      %gather3A_2412 = tpu.vector_load_idx %gather3A_2411[%add3A_178] : memref<4224xi32, #tpu.memory_space<vmem>>[vector<16xi32>], vector<16xi32>,
      %gather3A_2413 = arith.constant 46464 : i32
      %gather3A_2414 = tpu.memref_slice %arg8[%gather3A_2413] : memref<67584xi32, #tpu.memory_space<vmem>> -> memref<4224xi32, #tpu.memory_space<vmem>>
      %gather3A_2415 = tpu.vector_load_idx %gather3A_2414[%add3A_192] : memref<4224xi32, #tpu.memory_space<vmem>>[vector<16xi32>], vector<16xi32>,
      %gather3A_2416 = arith.constant 46464 : i32
      %gather3A_2417 = tpu.memref_slice %arg8[%gather3A_2416] : memref<67584xi32, #tpu.memory_space<vmem>> -> memref<4224xi32, #tpu.memory_space<vmem>>
      %gather3A_2418 = tpu.vector_load_idx %gather3A_2417[%add3A_206] : memref<4224xi32, #tpu.memory_space<vmem>>[vector<16xi32>], vector<16xi32>,
      %gather3A_2419 = arith.constant 46464 : i32
      %gather3A_2420 = tpu.memref_slice %arg8[%gather3A_2419] : memref<67584xi32, #tpu.memory_space<vmem>> -> memref<4224xi32, #tpu.memory_space<vmem>>
      %gather3A_2421 = tpu.vector_load_idx %gather3A_2420[%add3A_220] : memref<4224xi32, #tpu.memory_space<vmem>>[vector<16xi32>], vector<16xi32>,
      %gather3A_2422 = arith.constant 46464 : i32
      %gather3A_2423 = tpu.memref_slice %arg8[%gather3A_2422] : memref<67584xi32, #tpu.memory_space<vmem>> -> memref<4224xi32, #tpu.memory_space<vmem>>
      %gather3A_2424 = tpu.vector_load_idx %gather3A_2423[%add3A_234] : memref<4224xi32, #tpu.memory_space<vmem>>[vector<16xi32>], vector<16xi32>,
      %gather3A_2425 = arith.constant 46464 : i32
      %gather3A_2426 = tpu.memref_slice %arg8[%gather3A_2425] : memref<67584xi32, #tpu.memory_space<vmem>> -> memref<4224xi32, #tpu.memory_space<vmem>>
      %gather3A_2427 = tpu.vector_load_idx %gather3A_2426[%add3A_248] : memref<4224xi32, #tpu.memory_space<vmem>>[vector<16xi32>], vector<16xi32>,
      %gather3A_2428 = arith.constant 46464 : i32
      %gather3A_2429 = tpu.memref_slice %arg8[%gather3A_2428] : memref<67584xi32, #tpu.memory_space<vmem>> -> memref<4224xi32, #tpu.memory_space<vmem>>
      %gather3A_2430 = tpu.vector_load_idx %gather3A_2429[%add3A_262] : memref<4224xi32, #tpu.memory_space<vmem>>[vector<16xi32>], vector<16xi32>,
      %gather3A_2431 = arith.constant 46464 : i32
      %gather3A_2432 = tpu.memref_slice %arg8[%gather3A_2431] : memref<67584xi32, #tpu.memory_space<vmem>> -> memref<4224xi32, #tpu.memory_space<vmem>>
      %gather3A_2433 = tpu.vector_load_idx %gather3A_2432[%add3A_276] : memref<4224xi32, #tpu.memory_space<vmem>>[vector<16xi32>], vector<16xi32>,
      %gather3A_2434 = arith.constant 46464 : i32
      %gather3A_2435 = tpu.memref_slice %arg8[%gather3A_2434] : memref<67584xi32, #tpu.memory_space<vmem>> -> memref<4224xi32, #tpu.memory_space<vmem>>
      %gather3A_2436 = tpu.vector_load_idx %gather3A_2435[%add3A_290] : memref<4224xi32, #tpu.memory_space<vmem>>[vector<16xi32>], vector<16xi32>,
      %gather3A_2437 = arith.constant 46464 : i32
      %gather3A_2438 = tpu.memref_slice %arg8[%gather3A_2437] : memref<67584xi32, #tpu.memory_space<vmem>> -> memref<4224xi32, #tpu.memory_space<vmem>>
      %gather3A_2439 = tpu.vector_load_idx %gather3A_2438[%add3A_304] : memref<4224xi32, #tpu.memory_space<vmem>>[vector<16xi32>], vector<16xi32>,
      %gather3A_2440 = arith.constant 46464 : i32
      %gather3A_2441 = tpu.memref_slice %arg8[%gather3A_2440] : memref<67584xi32, #tpu.memory_space<vmem>> -> memref<4224xi32, #tpu.memory_space<vmem>>
      %gather3A_2442 = tpu.vector_load_idx %gather3A_2441[%add3A_318] : memref<4224xi32, #tpu.memory_space<vmem>>[vector<16xi32>], vector<16xi32>,
      %bitcast3A_2443 = vector.bitcast %gather3A_2385 : vector<16xi32> to vector<32xbf16>
      %bitcast3A_2444 = vector.bitcast %gather3A_2388 : vector<16xi32> to vector<32xbf16>
      %add3A_2445 = arith.addf %bitcast3A_2443, %bitcast3A_2444 : vector<32xbf16>
      %bitcast3A_2446 = vector.bitcast %add3A_2445 : vector<32xbf16> to vector<16xi32>
      %bitcast3A_2447 = vector.bitcast %gather3A_2391 : vector<16xi32> to vector<32xbf16>
      %bitcast3A_2448 = vector.bitcast %gather3A_2394 : vector<16xi32> to vector<32xbf16>
      %add3A_2449 = arith.addf %bitcast3A_2447, %bitcast3A_2448 : vector<32xbf16>
      %bitcast3A_2450 = vector.bitcast %add3A_2449 : vector<32xbf16> to vector<16xi32>
      %bitcast3A_2451 = vector.bitcast %gather3A_2397 : vector<16xi32> to vector<32xbf16>
      %bitcast3A_2452 = vector.bitcast %gather3A_2400 : vector<16xi32> to vector<32xbf16>
      %add3A_2453 = arith.addf %bitcast3A_2451, %bitcast3A_2452 : vector<32xbf16>
      %bitcast3A_2454 = vector.bitcast %add3A_2453 : vector<32xbf16> to vector<16xi32>
      %bitcast3A_2455 = vector.bitcast %gather3A_2403 : vector<16xi32> to vector<32xbf16>
      %bitcast3A_2456 = vector.bitcast %gather3A_2406 : vector<16xi32> to vector<32xbf16>
      %add3A_2457 = arith.addf %bitcast3A_2455, %bitcast3A_2456 : vector<32xbf16>
      %bitcast3A_2458 = vector.bitcast %add3A_2457 : vector<32xbf16> to vector<16xi32>
      %bitcast3A_2459 = vector.bitcast %gather3A_2409 : vector<16xi32> to vector<32xbf16>
      %bitcast3A_2460 = vector.bitcast %gather3A_2412 : vector<16xi32> to vector<32xbf16>
      %add3A_2461 = arith.addf %bitcast3A_2459, %bitcast3A_2460 : vector<32xbf16>
      %bitcast3A_2462 = vector.bitcast %add3A_2461 : vector<32xbf16> to vector<16xi32>
      %bitcast3A_2463 = vector.bitcast %gather3A_2415 : vector<16xi32> to vector<32xbf16>
      %bitcast3A_2464 = vector.bitcast %gather3A_2418 : vector<16xi32> to vector<32xbf16>
      %add3A_2465 = arith.addf %bitcast3A_2463, %bitcast3A_2464 : vector<32xbf16>
      %bitcast3A_2466 = vector.bitcast %add3A_2465 : vector<32xbf16> to vector<16xi32>
      %bitcast3A_2467 = vector.bitcast %gather3A_2421 : vector<16xi32> to vector<32xbf16>
      %bitcast3A_2468 = vector.bitcast %gather3A_2424 : vector<16xi32> to vector<32xbf16>
      %add3A_2469 = arith.addf %bitcast3A_2467, %bitcast3A_2468 : vector<32xbf16>
      %bitcast3A_2470 = vector.bitcast %add3A_2469 : vector<32xbf16> to vector<16xi32>
      %bitcast3A_2471 = vector.bitcast %gather3A_2427 : vector<16xi32> to vector<32xbf16>
      %bitcast3A_2472 = vector.bitcast %gather3A_2430 : vector<16xi32> to vector<32xbf16>
      %add3A_2473 = arith.addf %bitcast3A_2471, %bitcast3A_2472 : vector<32xbf16>
      %bitcast3A_2474 = vector.bitcast %add3A_2473 : vector<32xbf16> to vector<16xi32>
      %bitcast3A_2475 = vector.bitcast %gather3A_2433 : vector<16xi32> to vector<32xbf16>
      %bitcast3A_2476 = vector.bitcast %gather3A_2436 : vector<16xi32> to vector<32xbf16>
      %add3A_2477 = arith.addf %bitcast3A_2475, %bitcast3A_2476 : vector<32xbf16>
      %bitcast3A_2478 = vector.bitcast %add3A_2477 : vector<32xbf16> to vector<16xi32>
      %bitcast3A_2479 = vector.bitcast %gather3A_2439 : vector<16xi32> to vector<32xbf16>
      %bitcast3A_2480 = vector.bitcast %gather3A_2442 : vector<16xi32> to vector<32xbf16>
      %add3A_2481 = arith.addf %bitcast3A_2479, %bitcast3A_2480 : vector<32xbf16>
      %bitcast3A_2482 = vector.bitcast %add3A_2481 : vector<32xbf16> to vector<16xi32>
      %shift_left3A_2483 = arith.constant 16 : i32
      %shift_left3A_2484 = vector.broadcast %shift_left3A_2483 : i32 to vector<16xi32>
      %shift_left3A_2485 = arith.shli %bitcast3A_2446, %shift_left3A_2484 : vector<16xi32>
      %bitcast3A_2486 = vector.bitcast %shift_left3A_2485 : vector<16xi32> to vector<16xf32>
      %shift_left3A_2487 = arith.constant 16 : i32
      %shift_left3A_2488 = vector.broadcast %shift_left3A_2487 : i32 to vector<16xi32>
      %shift_left3A_2489 = arith.shli %bitcast3A_2450, %shift_left3A_2488 : vector<16xi32>
      %bitcast3A_2490 = vector.bitcast %shift_left3A_2489 : vector<16xi32> to vector<16xf32>
      %shift_left3A_2491 = arith.constant 16 : i32
      %shift_left3A_2492 = vector.broadcast %shift_left3A_2491 : i32 to vector<16xi32>
      %shift_left3A_2493 = arith.shli %bitcast3A_2454, %shift_left3A_2492 : vector<16xi32>
      %bitcast3A_2494 = vector.bitcast %shift_left3A_2493 : vector<16xi32> to vector<16xf32>
      %shift_left3A_2495 = arith.constant 16 : i32
      %shift_left3A_2496 = vector.broadcast %shift_left3A_2495 : i32 to vector<16xi32>
      %shift_left3A_2497 = arith.shli %bitcast3A_2458, %shift_left3A_2496 : vector<16xi32>
      %bitcast3A_2498 = vector.bitcast %shift_left3A_2497 : vector<16xi32> to vector<16xf32>
      %shift_left3A_2499 = arith.constant 16 : i32
      %shift_left3A_2500 = vector.broadcast %shift_left3A_2499 : i32 to vector<16xi32>
      %shift_left3A_2501 = arith.shli %bitcast3A_2462, %shift_left3A_2500 : vector<16xi32>
      %bitcast3A_2502 = vector.bitcast %shift_left3A_2501 : vector<16xi32> to vector<16xf32>
      %shift_left3A_2503 = arith.constant 16 : i32
      %shift_left3A_2504 = vector.broadcast %shift_left3A_2503 : i32 to vector<16xi32>
      %shift_left3A_2505 = arith.shli %bitcast3A_2466, %shift_left3A_2504 : vector<16xi32>
      %bitcast3A_2506 = vector.bitcast %shift_left3A_2505 : vector<16xi32> to vector<16xf32>
      %shift_left3A_2507 = arith.constant 16 : i32
      %shift_left3A_2508 = vector.broadcast %shift_left3A_2507 : i32 to vector<16xi32>
      %shift_left3A_2509 = arith.shli %bitcast3A_2470, %shift_left3A_2508 : vector<16xi32>
      %bitcast3A_2510 = vector.bitcast %shift_left3A_2509 : vector<16xi32> to vector<16xf32>
      %shift_left3A_2511 = arith.constant 16 : i32
      %shift_left3A_2512 = vector.broadcast %shift_left3A_2511 : i32 to vector<16xi32>
      %shift_left3A_2513 = arith.shli %bitcast3A_2474, %shift_left3A_2512 : vector<16xi32>
      %bitcast3A_2514 = vector.bitcast %shift_left3A_2513 : vector<16xi32> to vector<16xf32>
      %shift_left3A_2515 = arith.constant 16 : i32
      %shift_left3A_2516 = vector.broadcast %shift_left3A_2515 : i32 to vector<16xi32>
      %shift_left3A_2517 = arith.shli %bitcast3A_2478, %shift_left3A_2516 : vector<16xi32>
      %bitcast3A_2518 = vector.bitcast %shift_left3A_2517 : vector<16xi32> to vector<16xf32>
      %shift_left3A_2519 = arith.constant 16 : i32
      %shift_left3A_2520 = vector.broadcast %shift_left3A_2519 : i32 to vector<16xi32>
      %shift_left3A_2521 = arith.shli %bitcast3A_2482, %shift_left3A_2520 : vector<16xi32>
      %bitcast3A_2522 = vector.bitcast %shift_left3A_2521 : vector<16xi32> to vector<16xf32>
      %and3A_2523 = arith.andi %bitcast3A_2446, %broadcast_in_dim3A_22 : vector<16xi32>
      %bitcast3A_2524 = vector.bitcast %and3A_2523 : vector<16xi32> to vector<16xf32>
      %and3A_2525 = arith.andi %bitcast3A_2450, %broadcast_in_dim3A_22 : vector<16xi32>
      %bitcast3A_2526 = vector.bitcast %and3A_2525 : vector<16xi32> to vector<16xf32>
      %and3A_2527 = arith.andi %bitcast3A_2454, %broadcast_in_dim3A_22 : vector<16xi32>
      %bitcast3A_2528 = vector.bitcast %and3A_2527 : vector<16xi32> to vector<16xf32>
      %and3A_2529 = arith.andi %bitcast3A_2458, %broadcast_in_dim3A_22 : vector<16xi32>
      %bitcast3A_2530 = vector.bitcast %and3A_2529 : vector<16xi32> to vector<16xf32>
      %and3A_2531 = arith.andi %bitcast3A_2462, %broadcast_in_dim3A_22 : vector<16xi32>
      %bitcast3A_2532 = vector.bitcast %and3A_2531 : vector<16xi32> to vector<16xf32>
      %and3A_2533 = arith.andi %bitcast3A_2466, %broadcast_in_dim3A_22 : vector<16xi32>
      %bitcast3A_2534 = vector.bitcast %and3A_2533 : vector<16xi32> to vector<16xf32>
      %and3A_2535 = arith.andi %bitcast3A_2470, %broadcast_in_dim3A_22 : vector<16xi32>
      %bitcast3A_2536 = vector.bitcast %and3A_2535 : vector<16xi32> to vector<16xf32>
      %and3A_2537 = arith.andi %bitcast3A_2474, %broadcast_in_dim3A_22 : vector<16xi32>
      %bitcast3A_2538 = vector.bitcast %and3A_2537 : vector<16xi32> to vector<16xf32>
      %and3A_2539 = arith.andi %bitcast3A_2478, %broadcast_in_dim3A_22 : vector<16xi32>
      %bitcast3A_2540 = vector.bitcast %and3A_2539 : vector<16xi32> to vector<16xf32>
      %and3A_2541 = arith.andi %bitcast3A_2482, %broadcast_in_dim3A_22 : vector<16xi32>
      %bitcast3A_2542 = vector.bitcast %and3A_2541 : vector<16xi32> to vector<16xf32>
      %add3A_2543 = arith.addf %bitcast3A_2486, %bitcast3A_2490 : vector<16xf32>
      %add3A_2544 = arith.addf %bitcast3A_2494, %bitcast3A_2498 : vector<16xf32>
      %add3A_2545 = arith.addf %bitcast3A_2502, %bitcast3A_2506 : vector<16xf32>
      %add3A_2546 = arith.addf %bitcast3A_2510, %bitcast3A_2514 : vector<16xf32>
      %add3A_2547 = arith.addf %bitcast3A_2518, %bitcast3A_2522 : vector<16xf32>
      %add3A_2548 = arith.addf %add3A_2543, %add3A_2544 : vector<16xf32>
      %add3A_2549 = arith.addf %add3A_2545, %add3A_2546 : vector<16xf32>
      %add3A_2550 = arith.addf %add3A_2548, %add3A_2549 : vector<16xf32>
      %add3A_2551 = arith.addf %add3A_2550, %add3A_2547 : vector<16xf32>
      %mul3A_2552 = arith.mulf %add3A_2551, %div3A_39 : vector<16xf32>
      %swap3A_2553 = arith.constant 22 : i32
      %swap3A_2554 = arith.index_cast %swap3A_2553 : i32 to index
      %swap3A_2555 = arith.index_cast %mul3A_33 : i32 to index
      %swap3A_2556 = tpu.vector_load %arg9[%swap3A_2554, %swap3A_2555] {strides = array<i32>} : memref<32x512xf32, #tpu.memory_space<vmem>>, vector<16xf32>,
      tpu.vector_store %arg9[%swap3A_2554, %swap3A_2555], %mul3A_2552 {strides = array<i32>} : memref<32x512xf32, #tpu.memory_space<vmem>>, vector<16xf32>,
      %add3A_2557 = arith.addf %bitcast3A_2524, %bitcast3A_2526 : vector<16xf32>
      %add3A_2558 = arith.addf %bitcast3A_2528, %bitcast3A_2530 : vector<16xf32>
      %add3A_2559 = arith.addf %bitcast3A_2532, %bitcast3A_2534 : vector<16xf32>
      %add3A_2560 = arith.addf %bitcast3A_2536, %bitcast3A_2538 : vector<16xf32>
      %add3A_2561 = arith.addf %bitcast3A_2540, %bitcast3A_2542 : vector<16xf32>
      %add3A_2562 = arith.addf %add3A_2557, %add3A_2558 : vector<16xf32>
      %add3A_2563 = arith.addf %add3A_2559, %add3A_2560 : vector<16xf32>
      %add3A_2564 = arith.addf %add3A_2562, %add3A_2563 : vector<16xf32>
      %add3A_2565 = arith.addf %add3A_2564, %add3A_2561 : vector<16xf32>
      %mul3A_2566 = arith.mulf %add3A_2565, %div3A_39 : vector<16xf32>
      %swap3A_2567 = arith.constant 23 : i32
      %swap3A_2568 = arith.index_cast %swap3A_2567 : i32 to index
      %swap3A_2569 = arith.index_cast %mul3A_33 : i32 to index
      %swap3A_2570 = tpu.vector_load %arg9[%swap3A_2568, %swap3A_2569] {strides = array<i32>} : memref<32x512xf32, #tpu.memory_space<vmem>>, vector<16xf32>,
      tpu.vector_store %arg9[%swap3A_2568, %swap3A_2569], %mul3A_2566 {strides = array<i32>} : memref<32x512xf32, #tpu.memory_space<vmem>>, vector<16xf32>,
      %gather3A_2571 = arith.constant 50688 : i32
      %gather3A_2572 = tpu.memref_slice %arg8[%gather3A_2571] : memref<67584xi32, #tpu.memory_space<vmem>> -> memref<4224xi32, #tpu.memory_space<vmem>>
      %gather3A_2573 = tpu.vector_load_idx %gather3A_2572[%add3A_52] : memref<4224xi32, #tpu.memory_space<vmem>>[vector<16xi32>], vector<16xi32>,
      %gather3A_2574 = arith.constant 50688 : i32
      %gather3A_2575 = tpu.memref_slice %arg8[%gather3A_2574] : memref<67584xi32, #tpu.memory_space<vmem>> -> memref<4224xi32, #tpu.memory_space<vmem>>
      %gather3A_2576 = tpu.vector_load_idx %gather3A_2575[%add3A_66] : memref<4224xi32, #tpu.memory_space<vmem>>[vector<16xi32>], vector<16xi32>,
      %gather3A_2577 = arith.constant 50688 : i32
      %gather3A_2578 = tpu.memref_slice %arg8[%gather3A_2577] : memref<67584xi32, #tpu.memory_space<vmem>> -> memref<4224xi32, #tpu.memory_space<vmem>>
      %gather3A_2579 = tpu.vector_load_idx %gather3A_2578[%add3A_80] : memref<4224xi32, #tpu.memory_space<vmem>>[vector<16xi32>], vector<16xi32>,
      %gather3A_2580 = arith.constant 50688 : i32
      %gather3A_2581 = tpu.memref_slice %arg8[%gather3A_2580] : memref<67584xi32, #tpu.memory_space<vmem>> -> memref<4224xi32, #tpu.memory_space<vmem>>
      %gather3A_2582 = tpu.vector_load_idx %gather3A_2581[%add3A_94] : memref<4224xi32, #tpu.memory_space<vmem>>[vector<16xi32>], vector<16xi32>,
      %gather3A_2583 = arith.constant 50688 : i32
      %gather3A_2584 = tpu.memref_slice %arg8[%gather3A_2583] : memref<67584xi32, #tpu.memory_space<vmem>> -> memref<4224xi32, #tpu.memory_space<vmem>>
      %gather3A_2585 = tpu.vector_load_idx %gather3A_2584[%add3A_108] : memref<4224xi32, #tpu.memory_space<vmem>>[vector<16xi32>], vector<16xi32>,
      %gather3A_2586 = arith.constant 50688 : i32
      %gather3A_2587 = tpu.memref_slice %arg8[%gather3A_2586] : memref<67584xi32, #tpu.memory_space<vmem>> -> memref<4224xi32, #tpu.memory_space<vmem>>
      %gather3A_2588 = tpu.vector_load_idx %gather3A_2587[%add3A_122] : memref<4224xi32, #tpu.memory_space<vmem>>[vector<16xi32>], vector<16xi32>,
      %gather3A_2589 = arith.constant 50688 : i32
      %gather3A_2590 = tpu.memref_slice %arg8[%gather3A_2589] : memref<67584xi32, #tpu.memory_space<vmem>> -> memref<4224xi32, #tpu.memory_space<vmem>>
      %gather3A_2591 = tpu.vector_load_idx %gather3A_2590[%add3A_136] : memref<4224xi32, #tpu.memory_space<vmem>>[vector<16xi32>], vector<16xi32>,
      %gather3A_2592 = arith.constant 50688 : i32
      %gather3A_2593 = tpu.memref_slice %arg8[%gather3A_2592] : memref<67584xi32, #tpu.memory_space<vmem>> -> memref<4224xi32, #tpu.memory_space<vmem>>
      %gather3A_2594 = tpu.vector_load_idx %gather3A_2593[%add3A_150] : memref<4224xi32, #tpu.memory_space<vmem>>[vector<16xi32>], vector<16xi32>,
      %gather3A_2595 = arith.constant 50688 : i32
      %gather3A_2596 = tpu.memref_slice %arg8[%gather3A_2595] : memref<67584xi32, #tpu.memory_space<vmem>> -> memref<4224xi32, #tpu.memory_space<vmem>>
      %gather3A_2597 = tpu.vector_load_idx %gather3A_2596[%add3A_164] : memref<4224xi32, #tpu.memory_space<vmem>>[vector<16xi32>], vector<16xi32>,
      %gather3A_2598 = arith.constant 50688 : i32
      %gather3A_2599 = tpu.memref_slice %arg8[%gather3A_2598] : memref<67584xi32, #tpu.memory_space<vmem>> -> memref<4224xi32, #tpu.memory_space<vmem>>
      %gather3A_2600 = tpu.vector_load_idx %gather3A_2599[%add3A_178] : memref<4224xi32, #tpu.memory_space<vmem>>[vector<16xi32>], vector<16xi32>,
      %gather3A_2601 = arith.constant 50688 : i32
      %gather3A_2602 = tpu.memref_slice %arg8[%gather3A_2601] : memref<67584xi32, #tpu.memory_space<vmem>> -> memref<4224xi32, #tpu.memory_space<vmem>>
      %gather3A_2603 = tpu.vector_load_idx %gather3A_2602[%add3A_192] : memref<4224xi32, #tpu.memory_space<vmem>>[vector<16xi32>], vector<16xi32>,
      %gather3A_2604 = arith.constant 50688 : i32
      %gather3A_2605 = tpu.memref_slice %arg8[%gather3A_2604] : memref<67584xi32, #tpu.memory_space<vmem>> -> memref<4224xi32, #tpu.memory_space<vmem>>
      %gather3A_2606 = tpu.vector_load_idx %gather3A_2605[%add3A_206] : memref<4224xi32, #tpu.memory_space<vmem>>[vector<16xi32>], vector<16xi32>,
      %gather3A_2607 = arith.constant 50688 : i32
      %gather3A_2608 = tpu.memref_slice %arg8[%gather3A_2607] : memref<67584xi32, #tpu.memory_space<vmem>> -> memref<4224xi32, #tpu.memory_space<vmem>>
      %gather3A_2609 = tpu.vector_load_idx %gather3A_2608[%add3A_220] : memref<4224xi32, #tpu.memory_space<vmem>>[vector<16xi32>], vector<16xi32>,
      %gather3A_2610 = arith.constant 50688 : i32
      %gather3A_2611 = tpu.memref_slice %arg8[%gather3A_2610] : memref<67584xi32, #tpu.memory_space<vmem>> -> memref<4224xi32, #tpu.memory_space<vmem>>
      %gather3A_2612 = tpu.vector_load_idx %gather3A_2611[%add3A_234] : memref<4224xi32, #tpu.memory_space<vmem>>[vector<16xi32>], vector<16xi32>,
      %gather3A_2613 = arith.constant 50688 : i32
      %gather3A_2614 = tpu.memref_slice %arg8[%gather3A_2613] : memref<67584xi32, #tpu.memory_space<vmem>> -> memref<4224xi32, #tpu.memory_space<vmem>>
      %gather3A_2615 = tpu.vector_load_idx %gather3A_2614[%add3A_248] : memref<4224xi32, #tpu.memory_space<vmem>>[vector<16xi32>], vector<16xi32>,
      %gather3A_2616 = arith.constant 50688 : i32
      %gather3A_2617 = tpu.memref_slice %arg8[%gather3A_2616] : memref<67584xi32, #tpu.memory_space<vmem>> -> memref<4224xi32, #tpu.memory_space<vmem>>
      %gather3A_2618 = tpu.vector_load_idx %gather3A_2617[%add3A_262] : memref<4224xi32, #tpu.memory_space<vmem>>[vector<16xi32>], vector<16xi32>,
      %gather3A_2619 = arith.constant 50688 : i32
      %gather3A_2620 = tpu.memref_slice %arg8[%gather3A_2619] : memref<67584xi32, #tpu.memory_space<vmem>> -> memref<4224xi32, #tpu.memory_space<vmem>>
      %gather3A_2621 = tpu.vector_load_idx %gather3A_2620[%add3A_276] : memref<4224xi32, #tpu.memory_space<vmem>>[vector<16xi32>], vector<16xi32>,
      %gather3A_2622 = arith.constant 50688 : i32
      %gather3A_2623 = tpu.memref_slice %arg8[%gather3A_2622] : memref<67584xi32, #tpu.memory_space<vmem>> -> memref<4224xi32, #tpu.memory_space<vmem>>
      %gather3A_2624 = tpu.vector_load_idx %gather3A_2623[%add3A_290] : memref<4224xi32, #tpu.memory_space<vmem>>[vector<16xi32>], vector<16xi32>,
      %gather3A_2625 = arith.constant 50688 : i32
      %gather3A_2626 = tpu.memref_slice %arg8[%gather3A_2625] : memref<67584xi32, #tpu.memory_space<vmem>> -> memref<4224xi32, #tpu.memory_space<vmem>>
      %gather3A_2627 = tpu.vector_load_idx %gather3A_2626[%add3A_304] : memref<4224xi32, #tpu.memory_space<vmem>>[vector<16xi32>], vector<16xi32>,
      %gather3A_2628 = arith.constant 50688 : i32
      %gather3A_2629 = tpu.memref_slice %arg8[%gather3A_2628] : memref<67584xi32, #tpu.memory_space<vmem>> -> memref<4224xi32, #tpu.memory_space<vmem>>
      %gather3A_2630 = tpu.vector_load_idx %gather3A_2629[%add3A_318] : memref<4224xi32, #tpu.memory_space<vmem>>[vector<16xi32>], vector<16xi32>,
      %bitcast3A_2631 = vector.bitcast %gather3A_2573 : vector<16xi32> to vector<32xbf16>
      %bitcast3A_2632 = vector.bitcast %gather3A_2576 : vector<16xi32> to vector<32xbf16>
      %add3A_2633 = arith.addf %bitcast3A_2631, %bitcast3A_2632 : vector<32xbf16>
      %bitcast3A_2634 = vector.bitcast %add3A_2633 : vector<32xbf16> to vector<16xi32>
      %bitcast3A_2635 = vector.bitcast %gather3A_2579 : vector<16xi32> to vector<32xbf16>
      %bitcast3A_2636 = vector.bitcast %gather3A_2582 : vector<16xi32> to vector<32xbf16>
      %add3A_2637 = arith.addf %bitcast3A_2635, %bitcast3A_2636 : vector<32xbf16>
      %bitcast3A_2638 = vector.bitcast %add3A_2637 : vector<32xbf16> to vector<16xi32>
      %bitcast3A_2639 = vector.bitcast %gather3A_2585 : vector<16xi32> to vector<32xbf16>
      %bitcast3A_2640 = vector.bitcast %gather3A_2588 : vector<16xi32> to vector<32xbf16>
      %add3A_2641 = arith.addf %bitcast3A_2639, %bitcast3A_2640 : vector<32xbf16>
      %bitcast3A_2642 = vector.bitcast %add3A_2641 : vector<32xbf16> to vector<16xi32>
      %bitcast3A_2643 = vector.bitcast %gather3A_2591 : vector<16xi32> to vector<32xbf16>
      %bitcast3A_2644 = vector.bitcast %gather3A_2594 : vector<16xi32> to vector<32xbf16>
      %add3A_2645 = arith.addf %bitcast3A_2643, %bitcast3A_2644 : vector<32xbf16>
      %bitcast3A_2646 = vector.bitcast %add3A_2645 : vector<32xbf16> to vector<16xi32>
      %bitcast3A_2647 = vector.bitcast %gather3A_2597 : vector<16xi32> to vector<32xbf16>
      %bitcast3A_2648 = vector.bitcast %gather3A_2600 : vector<16xi32> to vector<32xbf16>
      %add3A_2649 = arith.addf %bitcast3A_2647, %bitcast3A_2648 : vector<32xbf16>
      %bitcast3A_2650 = vector.bitcast %add3A_2649 : vector<32xbf16> to vector<16xi32>
      %bitcast3A_2651 = vector.bitcast %gather3A_2603 : vector<16xi32> to vector<32xbf16>
      %bitcast3A_2652 = vector.bitcast %gather3A_2606 : vector<16xi32> to vector<32xbf16>
      %add3A_2653 = arith.addf %bitcast3A_2651, %bitcast3A_2652 : vector<32xbf16>
      %bitcast3A_2654 = vector.bitcast %add3A_2653 : vector<32xbf16> to vector<16xi32>
      %bitcast3A_2655 = vector.bitcast %gather3A_2609 : vector<16xi32> to vector<32xbf16>
      %bitcast3A_2656 = vector.bitcast %gather3A_2612 : vector<16xi32> to vector<32xbf16>
      %add3A_2657 = arith.addf %bitcast3A_2655, %bitcast3A_2656 : vector<32xbf16>
      %bitcast3A_2658 = vector.bitcast %add3A_2657 : vector<32xbf16> to vector<16xi32>
      %bitcast3A_2659 = vector.bitcast %gather3A_2615 : vector<16xi32> to vector<32xbf16>
      %bitcast3A_2660 = vector.bitcast %gather3A_2618 : vector<16xi32> to vector<32xbf16>
      %add3A_2661 = arith.addf %bitcast3A_2659, %bitcast3A_2660 : vector<32xbf16>
      %bitcast3A_2662 = vector.bitcast %add3A_2661 : vector<32xbf16> to vector<16xi32>
      %bitcast3A_2663 = vector.bitcast %gather3A_2621 : vector<16xi32> to vector<32xbf16>
      %bitcast3A_2664 = vector.bitcast %gather3A_2624 : vector<16xi32> to vector<32xbf16>
      %add3A_2665 = arith.addf %bitcast3A_2663, %bitcast3A_2664 : vector<32xbf16>
      %bitcast3A_2666 = vector.bitcast %add3A_2665 : vector<32xbf16> to vector<16xi32>
      %bitcast3A_2667 = vector.bitcast %gather3A_2627 : vector<16xi32> to vector<32xbf16>
      %bitcast3A_2668 = vector.bitcast %gather3A_2630 : vector<16xi32> to vector<32xbf16>
      %add3A_2669 = arith.addf %bitcast3A_2667, %bitcast3A_2668 : vector<32xbf16>
      %bitcast3A_2670 = vector.bitcast %add3A_2669 : vector<32xbf16> to vector<16xi32>
      %shift_left3A_2671 = arith.constant 16 : i32
      %shift_left3A_2672 = vector.broadcast %shift_left3A_2671 : i32 to vector<16xi32>
      %shift_left3A_2673 = arith.shli %bitcast3A_2634, %shift_left3A_2672 : vector<16xi32>
      %bitcast3A_2674 = vector.bitcast %shift_left3A_2673 : vector<16xi32> to vector<16xf32>
      %shift_left3A_2675 = arith.constant 16 : i32
      %shift_left3A_2676 = vector.broadcast %shift_left3A_2675 : i32 to vector<16xi32>
      %shift_left3A_2677 = arith.shli %bitcast3A_2638, %shift_left3A_2676 : vector<16xi32>
      %bitcast3A_2678 = vector.bitcast %shift_left3A_2677 : vector<16xi32> to vector<16xf32>
      %shift_left3A_2679 = arith.constant 16 : i32
      %shift_left3A_2680 = vector.broadcast %shift_left3A_2679 : i32 to vector<16xi32>
      %shift_left3A_2681 = arith.shli %bitcast3A_2642, %shift_left3A_2680 : vector<16xi32>
      %bitcast3A_2682 = vector.bitcast %shift_left3A_2681 : vector<16xi32> to vector<16xf32>
      %shift_left3A_2683 = arith.constant 16 : i32
      %shift_left3A_2684 = vector.broadcast %shift_left3A_2683 : i32 to vector<16xi32>
      %shift_left3A_2685 = arith.shli %bitcast3A_2646, %shift_left3A_2684 : vector<16xi32>
      %bitcast3A_2686 = vector.bitcast %shift_left3A_2685 : vector<16xi32> to vector<16xf32>
      %shift_left3A_2687 = arith.constant 16 : i32
      %shift_left3A_2688 = vector.broadcast %shift_left3A_2687 : i32 to vector<16xi32>
      %shift_left3A_2689 = arith.shli %bitcast3A_2650, %shift_left3A_2688 : vector<16xi32>
      %bitcast3A_2690 = vector.bitcast %shift_left3A_2689 : vector<16xi32> to vector<16xf32>
      %shift_left3A_2691 = arith.constant 16 : i32
      %shift_left3A_2692 = vector.broadcast %shift_left3A_2691 : i32 to vector<16xi32>
      %shift_left3A_2693 = arith.shli %bitcast3A_2654, %shift_left3A_2692 : vector<16xi32>
      %bitcast3A_2694 = vector.bitcast %shift_left3A_2693 : vector<16xi32> to vector<16xf32>
      %shift_left3A_2695 = arith.constant 16 : i32
      %shift_left3A_2696 = vector.broadcast %shift_left3A_2695 : i32 to vector<16xi32>
      %shift_left3A_2697 = arith.shli %bitcast3A_2658, %shift_left3A_2696 : vector<16xi32>
      %bitcast3A_2698 = vector.bitcast %shift_left3A_2697 : vector<16xi32> to vector<16xf32>
      %shift_left3A_2699 = arith.constant 16 : i32
      %shift_left3A_2700 = vector.broadcast %shift_left3A_2699 : i32 to vector<16xi32>
      %shift_left3A_2701 = arith.shli %bitcast3A_2662, %shift_left3A_2700 : vector<16xi32>
      %bitcast3A_2702 = vector.bitcast %shift_left3A_2701 : vector<16xi32> to vector<16xf32>
      %shift_left3A_2703 = arith.constant 16 : i32
      %shift_left3A_2704 = vector.broadcast %shift_left3A_2703 : i32 to vector<16xi32>
      %shift_left3A_2705 = arith.shli %bitcast3A_2666, %shift_left3A_2704 : vector<16xi32>
      %bitcast3A_2706 = vector.bitcast %shift_left3A_2705 : vector<16xi32> to vector<16xf32>
      %shift_left3A_2707 = arith.constant 16 : i32
      %shift_left3A_2708 = vector.broadcast %shift_left3A_2707 : i32 to vector<16xi32>
      %shift_left3A_2709 = arith.shli %bitcast3A_2670, %shift_left3A_2708 : vector<16xi32>
      %bitcast3A_2710 = vector.bitcast %shift_left3A_2709 : vector<16xi32> to vector<16xf32>
      %and3A_2711 = arith.andi %bitcast3A_2634, %broadcast_in_dim3A_22 : vector<16xi32>
      %bitcast3A_2712 = vector.bitcast %and3A_2711 : vector<16xi32> to vector<16xf32>
      %and3A_2713 = arith.andi %bitcast3A_2638, %broadcast_in_dim3A_22 : vector<16xi32>
      %bitcast3A_2714 = vector.bitcast %and3A_2713 : vector<16xi32> to vector<16xf32>
      %and3A_2715 = arith.andi %bitcast3A_2642, %broadcast_in_dim3A_22 : vector<16xi32>
      %bitcast3A_2716 = vector.bitcast %and3A_2715 : vector<16xi32> to vector<16xf32>
      %and3A_2717 = arith.andi %bitcast3A_2646, %broadcast_in_dim3A_22 : vector<16xi32>
      %bitcast3A_2718 = vector.bitcast %and3A_2717 : vector<16xi32> to vector<16xf32>
      %and3A_2719 = arith.andi %bitcast3A_2650, %broadcast_in_dim3A_22 : vector<16xi32>
      %bitcast3A_2720 = vector.bitcast %and3A_2719 : vector<16xi32> to vector<16xf32>
      %and3A_2721 = arith.andi %bitcast3A_2654, %broadcast_in_dim3A_22 : vector<16xi32>
      %bitcast3A_2722 = vector.bitcast %and3A_2721 : vector<16xi32> to vector<16xf32>
      %and3A_2723 = arith.andi %bitcast3A_2658, %broadcast_in_dim3A_22 : vector<16xi32>
      %bitcast3A_2724 = vector.bitcast %and3A_2723 : vector<16xi32> to vector<16xf32>
      %and3A_2725 = arith.andi %bitcast3A_2662, %broadcast_in_dim3A_22 : vector<16xi32>
      %bitcast3A_2726 = vector.bitcast %and3A_2725 : vector<16xi32> to vector<16xf32>
      %and3A_2727 = arith.andi %bitcast3A_2666, %broadcast_in_dim3A_22 : vector<16xi32>
      %bitcast3A_2728 = vector.bitcast %and3A_2727 : vector<16xi32> to vector<16xf32>
      %and3A_2729 = arith.andi %bitcast3A_2670, %broadcast_in_dim3A_22 : vector<16xi32>
      %bitcast3A_2730 = vector.bitcast %and3A_2729 : vector<16xi32> to vector<16xf32>
      %add3A_2731 = arith.addf %bitcast3A_2674, %bitcast3A_2678 : vector<16xf32>
      %add3A_2732 = arith.addf %bitcast3A_2682, %bitcast3A_2686 : vector<16xf32>
      %add3A_2733 = arith.addf %bitcast3A_2690, %bitcast3A_2694 : vector<16xf32>
      %add3A_2734 = arith.addf %bitcast3A_2698, %bitcast3A_2702 : vector<16xf32>
      %add3A_2735 = arith.addf %bitcast3A_2706, %bitcast3A_2710 : vector<16xf32>
      %add3A_2736 = arith.addf %add3A_2731, %add3A_2732 : vector<16xf32>
      %add3A_2737 = arith.addf %add3A_2733, %add3A_2734 : vector<16xf32>
      %add3A_2738 = arith.addf %add3A_2736, %add3A_2737 : vector<16xf32>
      %add3A_2739 = arith.addf %add3A_2738, %add3A_2735 : vector<16xf32>
      %mul3A_2740 = arith.mulf %add3A_2739, %div3A_39 : vector<16xf32>
      %swap3A_2741 = arith.constant 24 : i32
      %swap3A_2742 = arith.index_cast %swap3A_2741 : i32 to index
      %swap3A_2743 = arith.index_cast %mul3A_33 : i32 to index
      %swap3A_2744 = tpu.vector_load %arg9[%swap3A_2742, %swap3A_2743] {strides = array<i32>} : memref<32x512xf32, #tpu.memory_space<vmem>>, vector<16xf32>,
      tpu.vector_store %arg9[%swap3A_2742, %swap3A_2743], %mul3A_2740 {strides = array<i32>} : memref<32x512xf32, #tpu.memory_space<vmem>>, vector<16xf32>,
      %add3A_2745 = arith.addf %bitcast3A_2712, %bitcast3A_2714 : vector<16xf32>
      %add3A_2746 = arith.addf %bitcast3A_2716, %bitcast3A_2718 : vector<16xf32>
      %add3A_2747 = arith.addf %bitcast3A_2720, %bitcast3A_2722 : vector<16xf32>
      %add3A_2748 = arith.addf %bitcast3A_2724, %bitcast3A_2726 : vector<16xf32>
      %add3A_2749 = arith.addf %bitcast3A_2728, %bitcast3A_2730 : vector<16xf32>
      %add3A_2750 = arith.addf %add3A_2745, %add3A_2746 : vector<16xf32>
      %add3A_2751 = arith.addf %add3A_2747, %add3A_2748 : vector<16xf32>
      %add3A_2752 = arith.addf %add3A_2750, %add3A_2751 : vector<16xf32>
      %add3A_2753 = arith.addf %add3A_2752, %add3A_2749 : vector<16xf32>
      %mul3A_2754 = arith.mulf %add3A_2753, %div3A_39 : vector<16xf32>
      %swap3A_2755 = arith.constant 25 : i32
      %swap3A_2756 = arith.index_cast %swap3A_2755 : i32 to index
      %swap3A_2757 = arith.index_cast %mul3A_33 : i32 to index
      %swap3A_2758 = tpu.vector_load %arg9[%swap3A_2756, %swap3A_2757] {strides = array<i32>} : memref<32x512xf32, #tpu.memory_space<vmem>>, vector<16xf32>,
      tpu.vector_store %arg9[%swap3A_2756, %swap3A_2757], %mul3A_2754 {strides = array<i32>} : memref<32x512xf32, #tpu.memory_space<vmem>>, vector<16xf32>,
      %gather3A_2759 = arith.constant 54912 : i32
      %gather3A_2760 = tpu.memref_slice %arg8[%gather3A_2759] : memref<67584xi32, #tpu.memory_space<vmem>> -> memref<4224xi32, #tpu.memory_space<vmem>>
      %gather3A_2761 = tpu.vector_load_idx %gather3A_2760[%add3A_52] : memref<4224xi32, #tpu.memory_space<vmem>>[vector<16xi32>], vector<16xi32>,
      %gather3A_2762 = arith.constant 54912 : i32
      %gather3A_2763 = tpu.memref_slice %arg8[%gather3A_2762] : memref<67584xi32, #tpu.memory_space<vmem>> -> memref<4224xi32, #tpu.memory_space<vmem>>
      %gather3A_2764 = tpu.vector_load_idx %gather3A_2763[%add3A_66] : memref<4224xi32, #tpu.memory_space<vmem>>[vector<16xi32>], vector<16xi32>,
      %gather3A_2765 = arith.constant 54912 : i32
      %gather3A_2766 = tpu.memref_slice %arg8[%gather3A_2765] : memref<67584xi32, #tpu.memory_space<vmem>> -> memref<4224xi32, #tpu.memory_space<vmem>>
      %gather3A_2767 = tpu.vector_load_idx %gather3A_2766[%add3A_80] : memref<4224xi32, #tpu.memory_space<vmem>>[vector<16xi32>], vector<16xi32>,
      %gather3A_2768 = arith.constant 54912 : i32
      %gather3A_2769 = tpu.memref_slice %arg8[%gather3A_2768] : memref<67584xi32, #tpu.memory_space<vmem>> -> memref<4224xi32, #tpu.memory_space<vmem>>
      %gather3A_2770 = tpu.vector_load_idx %gather3A_2769[%add3A_94] : memref<4224xi32, #tpu.memory_space<vmem>>[vector<16xi32>], vector<16xi32>,
      %gather3A_2771 = arith.constant 54912 : i32
      %gather3A_2772 = tpu.memref_slice %arg8[%gather3A_2771] : memref<67584xi32, #tpu.memory_space<vmem>> -> memref<4224xi32, #tpu.memory_space<vmem>>
      %gather3A_2773 = tpu.vector_load_idx %gather3A_2772[%add3A_108] : memref<4224xi32, #tpu.memory_space<vmem>>[vector<16xi32>], vector<16xi32>,
      %gather3A_2774 = arith.constant 54912 : i32
      %gather3A_2775 = tpu.memref_slice %arg8[%gather3A_2774] : memref<67584xi32, #tpu.memory_space<vmem>> -> memref<4224xi32, #tpu.memory_space<vmem>>
      %gather3A_2776 = tpu.vector_load_idx %gather3A_2775[%add3A_122] : memref<4224xi32, #tpu.memory_space<vmem>>[vector<16xi32>], vector<16xi32>,
      %gather3A_2777 = arith.constant 54912 : i32
      %gather3A_2778 = tpu.memref_slice %arg8[%gather3A_2777] : memref<67584xi32, #tpu.memory_space<vmem>> -> memref<4224xi32, #tpu.memory_space<vmem>>
      %gather3A_2779 = tpu.vector_load_idx %gather3A_2778[%add3A_136] : memref<4224xi32, #tpu.memory_space<vmem>>[vector<16xi32>], vector<16xi32>,
      %gather3A_2780 = arith.constant 54912 : i32
      %gather3A_2781 = tpu.memref_slice %arg8[%gather3A_2780] : memref<67584xi32, #tpu.memory_space<vmem>> -> memref<4224xi32, #tpu.memory_space<vmem>>
      %gather3A_2782 = tpu.vector_load_idx %gather3A_2781[%add3A_150] : memref<4224xi32, #tpu.memory_space<vmem>>[vector<16xi32>], vector<16xi32>,
      %gather3A_2783 = arith.constant 54912 : i32
      %gather3A_2784 = tpu.memref_slice %arg8[%gather3A_2783] : memref<67584xi32, #tpu.memory_space<vmem>> -> memref<4224xi32, #tpu.memory_space<vmem>>
      %gather3A_2785 = tpu.vector_load_idx %gather3A_2784[%add3A_164] : memref<4224xi32, #tpu.memory_space<vmem>>[vector<16xi32>], vector<16xi32>,
      %gather3A_2786 = arith.constant 54912 : i32
      %gather3A_2787 = tpu.memref_slice %arg8[%gather3A_2786] : memref<67584xi32, #tpu.memory_space<vmem>> -> memref<4224xi32, #tpu.memory_space<vmem>>
      %gather3A_2788 = tpu.vector_load_idx %gather3A_2787[%add3A_178] : memref<4224xi32, #tpu.memory_space<vmem>>[vector<16xi32>], vector<16xi32>,
      %gather3A_2789 = arith.constant 54912 : i32
      %gather3A_2790 = tpu.memref_slice %arg8[%gather3A_2789] : memref<67584xi32, #tpu.memory_space<vmem>> -> memref<4224xi32, #tpu.memory_space<vmem>>
      %gather3A_2791 = tpu.vector_load_idx %gather3A_2790[%add3A_192] : memref<4224xi32, #tpu.memory_space<vmem>>[vector<16xi32>], vector<16xi32>,
      %gather3A_2792 = arith.constant 54912 : i32
      %gather3A_2793 = tpu.memref_slice %arg8[%gather3A_2792] : memref<67584xi32, #tpu.memory_space<vmem>> -> memref<4224xi32, #tpu.memory_space<vmem>>
      %gather3A_2794 = tpu.vector_load_idx %gather3A_2793[%add3A_206] : memref<4224xi32, #tpu.memory_space<vmem>>[vector<16xi32>], vector<16xi32>,
      %gather3A_2795 = arith.constant 54912 : i32
      %gather3A_2796 = tpu.memref_slice %arg8[%gather3A_2795] : memref<67584xi32, #tpu.memory_space<vmem>> -> memref<4224xi32, #tpu.memory_space<vmem>>
      %gather3A_2797 = tpu.vector_load_idx %gather3A_2796[%add3A_220] : memref<4224xi32, #tpu.memory_space<vmem>>[vector<16xi32>], vector<16xi32>,
      %gather3A_2798 = arith.constant 54912 : i32
      %gather3A_2799 = tpu.memref_slice %arg8[%gather3A_2798] : memref<67584xi32, #tpu.memory_space<vmem>> -> memref<4224xi32, #tpu.memory_space<vmem>>
      %gather3A_2800 = tpu.vector_load_idx %gather3A_2799[%add3A_234] : memref<4224xi32, #tpu.memory_space<vmem>>[vector<16xi32>], vector<16xi32>,
      %gather3A_2801 = arith.constant 54912 : i32
      %gather3A_2802 = tpu.memref_slice %arg8[%gather3A_2801] : memref<67584xi32, #tpu.memory_space<vmem>> -> memref<4224xi32, #tpu.memory_space<vmem>>
      %gather3A_2803 = tpu.vector_load_idx %gather3A_2802[%add3A_248] : memref<4224xi32, #tpu.memory_space<vmem>>[vector<16xi32>], vector<16xi32>,
      %gather3A_2804 = arith.constant 54912 : i32
      %gather3A_2805 = tpu.memref_slice %arg8[%gather3A_2804] : memref<67584xi32, #tpu.memory_space<vmem>> -> memref<4224xi32, #tpu.memory_space<vmem>>
      %gather3A_2806 = tpu.vector_load_idx %gather3A_2805[%add3A_262] : memref<4224xi32, #tpu.memory_space<vmem>>[vector<16xi32>], vector<16xi32>,
      %gather3A_2807 = arith.constant 54912 : i32
      %gather3A_2808 = tpu.memref_slice %arg8[%gather3A_2807] : memref<67584xi32, #tpu.memory_space<vmem>> -> memref<4224xi32, #tpu.memory_space<vmem>>
      %gather3A_2809 = tpu.vector_load_idx %gather3A_2808[%add3A_276] : memref<4224xi32, #tpu.memory_space<vmem>>[vector<16xi32>], vector<16xi32>,
      %gather3A_2810 = arith.constant 54912 : i32
      %gather3A_2811 = tpu.memref_slice %arg8[%gather3A_2810] : memref<67584xi32, #tpu.memory_space<vmem>> -> memref<4224xi32, #tpu.memory_space<vmem>>
      %gather3A_2812 = tpu.vector_load_idx %gather3A_2811[%add3A_290] : memref<4224xi32, #tpu.memory_space<vmem>>[vector<16xi32>], vector<16xi32>,
      %gather3A_2813 = arith.constant 54912 : i32
      %gather3A_2814 = tpu.memref_slice %arg8[%gather3A_2813] : memref<67584xi32, #tpu.memory_space<vmem>> -> memref<4224xi32, #tpu.memory_space<vmem>>
      %gather3A_2815 = tpu.vector_load_idx %gather3A_2814[%add3A_304] : memref<4224xi32, #tpu.memory_space<vmem>>[vector<16xi32>], vector<16xi32>,
      %gather3A_2816 = arith.constant 54912 : i32
      %gather3A_2817 = tpu.memref_slice %arg8[%gather3A_2816] : memref<67584xi32, #tpu.memory_space<vmem>> -> memref<4224xi32, #tpu.memory_space<vmem>>
      %gather3A_2818 = tpu.vector_load_idx %gather3A_2817[%add3A_318] : memref<4224xi32, #tpu.memory_space<vmem>>[vector<16xi32>], vector<16xi32>,
      %bitcast3A_2819 = vector.bitcast %gather3A_2761 : vector<16xi32> to vector<32xbf16>
      %bitcast3A_2820 = vector.bitcast %gather3A_2764 : vector<16xi32> to vector<32xbf16>
      %add3A_2821 = arith.addf %bitcast3A_2819, %bitcast3A_2820 : vector<32xbf16>
      %bitcast3A_2822 = vector.bitcast %add3A_2821 : vector<32xbf16> to vector<16xi32>
      %bitcast3A_2823 = vector.bitcast %gather3A_2767 : vector<16xi32> to vector<32xbf16>
      %bitcast3A_2824 = vector.bitcast %gather3A_2770 : vector<16xi32> to vector<32xbf16>
      %add3A_2825 = arith.addf %bitcast3A_2823, %bitcast3A_2824 : vector<32xbf16>
      %bitcast3A_2826 = vector.bitcast %add3A_2825 : vector<32xbf16> to vector<16xi32>
      %bitcast3A_2827 = vector.bitcast %gather3A_2773 : vector<16xi32> to vector<32xbf16>
      %bitcast3A_2828 = vector.bitcast %gather3A_2776 : vector<16xi32> to vector<32xbf16>
      %add3A_2829 = arith.addf %bitcast3A_2827, %bitcast3A_2828 : vector<32xbf16>
      %bitcast3A_2830 = vector.bitcast %add3A_2829 : vector<32xbf16> to vector<16xi32>
      %bitcast3A_2831 = vector.bitcast %gather3A_2779 : vector<16xi32> to vector<32xbf16>
      %bitcast3A_2832 = vector.bitcast %gather3A_2782 : vector<16xi32> to vector<32xbf16>
      %add3A_2833 = arith.addf %bitcast3A_2831, %bitcast3A_2832 : vector<32xbf16>
      %bitcast3A_2834 = vector.bitcast %add3A_2833 : vector<32xbf16> to vector<16xi32>
      %bitcast3A_2835 = vector.bitcast %gather3A_2785 : vector<16xi32> to vector<32xbf16>
      %bitcast3A_2836 = vector.bitcast %gather3A_2788 : vector<16xi32> to vector<32xbf16>
      %add3A_2837 = arith.addf %bitcast3A_2835, %bitcast3A_2836 : vector<32xbf16>
      %bitcast3A_2838 = vector.bitcast %add3A_2837 : vector<32xbf16> to vector<16xi32>
      %bitcast3A_2839 = vector.bitcast %gather3A_2791 : vector<16xi32> to vector<32xbf16>
      %bitcast3A_2840 = vector.bitcast %gather3A_2794 : vector<16xi32> to vector<32xbf16>
      %add3A_2841 = arith.addf %bitcast3A_2839, %bitcast3A_2840 : vector<32xbf16>
      %bitcast3A_2842 = vector.bitcast %add3A_2841 : vector<32xbf16> to vector<16xi32>
      %bitcast3A_2843 = vector.bitcast %gather3A_2797 : vector<16xi32> to vector<32xbf16>
      %bitcast3A_2844 = vector.bitcast %gather3A_2800 : vector<16xi32> to vector<32xbf16>
      %add3A_2845 = arith.addf %bitcast3A_2843, %bitcast3A_2844 : vector<32xbf16>
      %bitcast3A_2846 = vector.bitcast %add3A_2845 : vector<32xbf16> to vector<16xi32>
      %bitcast3A_2847 = vector.bitcast %gather3A_2803 : vector<16xi32> to vector<32xbf16>
      %bitcast3A_2848 = vector.bitcast %gather3A_2806 : vector<16xi32> to vector<32xbf16>
      %add3A_2849 = arith.addf %bitcast3A_2847, %bitcast3A_2848 : vector<32xbf16>
      %bitcast3A_2850 = vector.bitcast %add3A_2849 : vector<32xbf16> to vector<16xi32>
      %bitcast3A_2851 = vector.bitcast %gather3A_2809 : vector<16xi32> to vector<32xbf16>
      %bitcast3A_2852 = vector.bitcast %gather3A_2812 : vector<16xi32> to vector<32xbf16>
      %add3A_2853 = arith.addf %bitcast3A_2851, %bitcast3A_2852 : vector<32xbf16>
      %bitcast3A_2854 = vector.bitcast %add3A_2853 : vector<32xbf16> to vector<16xi32>
      %bitcast3A_2855 = vector.bitcast %gather3A_2815 : vector<16xi32> to vector<32xbf16>
      %bitcast3A_2856 = vector.bitcast %gather3A_2818 : vector<16xi32> to vector<32xbf16>
      %add3A_2857 = arith.addf %bitcast3A_2855, %bitcast3A_2856 : vector<32xbf16>
      %bitcast3A_2858 = vector.bitcast %add3A_2857 : vector<32xbf16> to vector<16xi32>
      %shift_left3A_2859 = arith.constant 16 : i32
      %shift_left3A_2860 = vector.broadcast %shift_left3A_2859 : i32 to vector<16xi32>
      %shift_left3A_2861 = arith.shli %bitcast3A_2822, %shift_left3A_2860 : vector<16xi32>
      %bitcast3A_2862 = vector.bitcast %shift_left3A_2861 : vector<16xi32> to vector<16xf32>
      %shift_left3A_2863 = arith.constant 16 : i32
      %shift_left3A_2864 = vector.broadcast %shift_left3A_2863 : i32 to vector<16xi32>
      %shift_left3A_2865 = arith.shli %bitcast3A_2826, %shift_left3A_2864 : vector<16xi32>
      %bitcast3A_2866 = vector.bitcast %shift_left3A_2865 : vector<16xi32> to vector<16xf32>
      %shift_left3A_2867 = arith.constant 16 : i32
      %shift_left3A_2868 = vector.broadcast %shift_left3A_2867 : i32 to vector<16xi32>
      %shift_left3A_2869 = arith.shli %bitcast3A_2830, %shift_left3A_2868 : vector<16xi32>
      %bitcast3A_2870 = vector.bitcast %shift_left3A_2869 : vector<16xi32> to vector<16xf32>
      %shift_left3A_2871 = arith.constant 16 : i32
      %shift_left3A_2872 = vector.broadcast %shift_left3A_2871 : i32 to vector<16xi32>
      %shift_left3A_2873 = arith.shli %bitcast3A_2834, %shift_left3A_2872 : vector<16xi32>
      %bitcast3A_2874 = vector.bitcast %shift_left3A_2873 : vector<16xi32> to vector<16xf32>
      %shift_left3A_2875 = arith.constant 16 : i32
      %shift_left3A_2876 = vector.broadcast %shift_left3A_2875 : i32 to vector<16xi32>
      %shift_left3A_2877 = arith.shli %bitcast3A_2838, %shift_left3A_2876 : vector<16xi32>
      %bitcast3A_2878 = vector.bitcast %shift_left3A_2877 : vector<16xi32> to vector<16xf32>
      %shift_left3A_2879 = arith.constant 16 : i32
      %shift_left3A_2880 = vector.broadcast %shift_left3A_2879 : i32 to vector<16xi32>
      %shift_left3A_2881 = arith.shli %bitcast3A_2842, %shift_left3A_2880 : vector<16xi32>
      %bitcast3A_2882 = vector.bitcast %shift_left3A_2881 : vector<16xi32> to vector<16xf32>
      %shift_left3A_2883 = arith.constant 16 : i32
      %shift_left3A_2884 = vector.broadcast %shift_left3A_2883 : i32 to vector<16xi32>
      %shift_left3A_2885 = arith.shli %bitcast3A_2846, %shift_left3A_2884 : vector<16xi32>
      %bitcast3A_2886 = vector.bitcast %shift_left3A_2885 : vector<16xi32> to vector<16xf32>
      %shift_left3A_2887 = arith.constant 16 : i32
      %shift_left3A_2888 = vector.broadcast %shift_left3A_2887 : i32 to vector<16xi32>
      %shift_left3A_2889 = arith.shli %bitcast3A_2850, %shift_left3A_2888 : vector<16xi32>
      %bitcast3A_2890 = vector.bitcast %shift_left3A_2889 : vector<16xi32> to vector<16xf32>
      %shift_left3A_2891 = arith.constant 16 : i32
      %shift_left3A_2892 = vector.broadcast %shift_left3A_2891 : i32 to vector<16xi32>
      %shift_left3A_2893 = arith.shli %bitcast3A_2854, %shift_left3A_2892 : vector<16xi32>
      %bitcast3A_2894 = vector.bitcast %shift_left3A_2893 : vector<16xi32> to vector<16xf32>
      %shift_left3A_2895 = arith.constant 16 : i32
      %shift_left3A_2896 = vector.broadcast %shift_left3A_2895 : i32 to vector<16xi32>
      %shift_left3A_2897 = arith.shli %bitcast3A_2858, %shift_left3A_2896 : vector<16xi32>
      %bitcast3A_2898 = vector.bitcast %shift_left3A_2897 : vector<16xi32> to vector<16xf32>
      %and3A_2899 = arith.andi %bitcast3A_2822, %broadcast_in_dim3A_22 : vector<16xi32>
      %bitcast3A_2900 = vector.bitcast %and3A_2899 : vector<16xi32> to vector<16xf32>
      %and3A_2901 = arith.andi %bitcast3A_2826, %broadcast_in_dim3A_22 : vector<16xi32>
      %bitcast3A_2902 = vector.bitcast %and3A_2901 : vector<16xi32> to vector<16xf32>
      %and3A_2903 = arith.andi %bitcast3A_2830, %broadcast_in_dim3A_22 : vector<16xi32>
      %bitcast3A_2904 = vector.bitcast %and3A_2903 : vector<16xi32> to vector<16xf32>
      %and3A_2905 = arith.andi %bitcast3A_2834, %broadcast_in_dim3A_22 : vector<16xi32>
      %bitcast3A_2906 = vector.bitcast %and3A_2905 : vector<16xi32> to vector<16xf32>
      %and3A_2907 = arith.andi %bitcast3A_2838, %broadcast_in_dim3A_22 : vector<16xi32>
      %bitcast3A_2908 = vector.bitcast %and3A_2907 : vector<16xi32> to vector<16xf32>
      %and3A_2909 = arith.andi %bitcast3A_2842, %broadcast_in_dim3A_22 : vector<16xi32>
      %bitcast3A_2910 = vector.bitcast %and3A_2909 : vector<16xi32> to vector<16xf32>
      %and3A_2911 = arith.andi %bitcast3A_2846, %broadcast_in_dim3A_22 : vector<16xi32>
      %bitcast3A_2912 = vector.bitcast %and3A_2911 : vector<16xi32> to vector<16xf32>
      %and3A_2913 = arith.andi %bitcast3A_2850, %broadcast_in_dim3A_22 : vector<16xi32>
      %bitcast3A_2914 = vector.bitcast %and3A_2913 : vector<16xi32> to vector<16xf32>
      %and3A_2915 = arith.andi %bitcast3A_2854, %broadcast_in_dim3A_22 : vector<16xi32>
      %bitcast3A_2916 = vector.bitcast %and3A_2915 : vector<16xi32> to vector<16xf32>
      %and3A_2917 = arith.andi %bitcast3A_2858, %broadcast_in_dim3A_22 : vector<16xi32>
      %bitcast3A_2918 = vector.bitcast %and3A_2917 : vector<16xi32> to vector<16xf32>
      %add3A_2919 = arith.addf %bitcast3A_2862, %bitcast3A_2866 : vector<16xf32>
      %add3A_2920 = arith.addf %bitcast3A_2870, %bitcast3A_2874 : vector<16xf32>
      %add3A_2921 = arith.addf %bitcast3A_2878, %bitcast3A_2882 : vector<16xf32>
      %add3A_2922 = arith.addf %bitcast3A_2886, %bitcast3A_2890 : vector<16xf32>
      %add3A_2923 = arith.addf %bitcast3A_2894, %bitcast3A_2898 : vector<16xf32>
      %add3A_2924 = arith.addf %add3A_2919, %add3A_2920 : vector<16xf32>
      %add3A_2925 = arith.addf %add3A_2921, %add3A_2922 : vector<16xf32>
      %add3A_2926 = arith.addf %add3A_2924, %add3A_2925 : vector<16xf32>
      %add3A_2927 = arith.addf %add3A_2926, %add3A_2923 : vector<16xf32>
      %mul3A_2928 = arith.mulf %add3A_2927, %div3A_39 : vector<16xf32>
      %swap3A_2929 = arith.constant 26 : i32
      %swap3A_2930 = arith.index_cast %swap3A_2929 : i32 to index
      %swap3A_2931 = arith.index_cast %mul3A_33 : i32 to index
      %swap3A_2932 = tpu.vector_load %arg9[%swap3A_2930, %swap3A_2931] {strides = array<i32>} : memref<32x512xf32, #tpu.memory_space<vmem>>, vector<16xf32>,
      tpu.vector_store %arg9[%swap3A_2930, %swap3A_2931], %mul3A_2928 {strides = array<i32>} : memref<32x512xf32, #tpu.memory_space<vmem>>, vector<16xf32>,
      %add3A_2933 = arith.addf %bitcast3A_2900, %bitcast3A_2902 : vector<16xf32>
      %add3A_2934 = arith.addf %bitcast3A_2904, %bitcast3A_2906 : vector<16xf32>
      %add3A_2935 = arith.addf %bitcast3A_2908, %bitcast3A_2910 : vector<16xf32>
      %add3A_2936 = arith.addf %bitcast3A_2912, %bitcast3A_2914 : vector<16xf32>
      %add3A_2937 = arith.addf %bitcast3A_2916, %bitcast3A_2918 : vector<16xf32>
      %add3A_2938 = arith.addf %add3A_2933, %add3A_2934 : vector<16xf32>
      %add3A_2939 = arith.addf %add3A_2935, %add3A_2936 : vector<16xf32>
      %add3A_2940 = arith.addf %add3A_2938, %add3A_2939 : vector<16xf32>
      %add3A_2941 = arith.addf %add3A_2940, %add3A_2937 : vector<16xf32>
      %mul3A_2942 = arith.mulf %add3A_2941, %div3A_39 : vector<16xf32>
      %swap3A_2943 = arith.constant 27 : i32
      %swap3A_2944 = arith.index_cast %swap3A_2943 : i32 to index
      %swap3A_2945 = arith.index_cast %mul3A_33 : i32 to index
      %swap3A_2946 = tpu.vector_load %arg9[%swap3A_2944, %swap3A_2945] {strides = array<i32>} : memref<32x512xf32, #tpu.memory_space<vmem>>, vector<16xf32>,
      tpu.vector_store %arg9[%swap3A_2944, %swap3A_2945], %mul3A_2942 {strides = array<i32>} : memref<32x512xf32, #tpu.memory_space<vmem>>, vector<16xf32>,
      %gather3A_2947 = arith.constant 59136 : i32
      %gather3A_2948 = tpu.memref_slice %arg8[%gather3A_2947] : memref<67584xi32, #tpu.memory_space<vmem>> -> memref<4224xi32, #tpu.memory_space<vmem>>
      %gather3A_2949 = tpu.vector_load_idx %gather3A_2948[%add3A_52] : memref<4224xi32, #tpu.memory_space<vmem>>[vector<16xi32>], vector<16xi32>,
      %gather3A_2950 = arith.constant 59136 : i32
      %gather3A_2951 = tpu.memref_slice %arg8[%gather3A_2950] : memref<67584xi32, #tpu.memory_space<vmem>> -> memref<4224xi32, #tpu.memory_space<vmem>>
      %gather3A_2952 = tpu.vector_load_idx %gather3A_2951[%add3A_66] : memref<4224xi32, #tpu.memory_space<vmem>>[vector<16xi32>], vector<16xi32>,
      %gather3A_2953 = arith.constant 59136 : i32
      %gather3A_2954 = tpu.memref_slice %arg8[%gather3A_2953] : memref<67584xi32, #tpu.memory_space<vmem>> -> memref<4224xi32, #tpu.memory_space<vmem>>
      %gather3A_2955 = tpu.vector_load_idx %gather3A_2954[%add3A_80] : memref<4224xi32, #tpu.memory_space<vmem>>[vector<16xi32>], vector<16xi32>,
      %gather3A_2956 = arith.constant 59136 : i32
      %gather3A_2957 = tpu.memref_slice %arg8[%gather3A_2956] : memref<67584xi32, #tpu.memory_space<vmem>> -> memref<4224xi32, #tpu.memory_space<vmem>>
      %gather3A_2958 = tpu.vector_load_idx %gather3A_2957[%add3A_94] : memref<4224xi32, #tpu.memory_space<vmem>>[vector<16xi32>], vector<16xi32>,
      %gather3A_2959 = arith.constant 59136 : i32
      %gather3A_2960 = tpu.memref_slice %arg8[%gather3A_2959] : memref<67584xi32, #tpu.memory_space<vmem>> -> memref<4224xi32, #tpu.memory_space<vmem>>
      %gather3A_2961 = tpu.vector_load_idx %gather3A_2960[%add3A_108] : memref<4224xi32, #tpu.memory_space<vmem>>[vector<16xi32>], vector<16xi32>,
      %gather3A_2962 = arith.constant 59136 : i32
      %gather3A_2963 = tpu.memref_slice %arg8[%gather3A_2962] : memref<67584xi32, #tpu.memory_space<vmem>> -> memref<4224xi32, #tpu.memory_space<vmem>>
      %gather3A_2964 = tpu.vector_load_idx %gather3A_2963[%add3A_122] : memref<4224xi32, #tpu.memory_space<vmem>>[vector<16xi32>], vector<16xi32>,
      %gather3A_2965 = arith.constant 59136 : i32
      %gather3A_2966 = tpu.memref_slice %arg8[%gather3A_2965] : memref<67584xi32, #tpu.memory_space<vmem>> -> memref<4224xi32, #tpu.memory_space<vmem>>
      %gather3A_2967 = tpu.vector_load_idx %gather3A_2966[%add3A_136] : memref<4224xi32, #tpu.memory_space<vmem>>[vector<16xi32>], vector<16xi32>,
      %gather3A_2968 = arith.constant 59136 : i32
      %gather3A_2969 = tpu.memref_slice %arg8[%gather3A_2968] : memref<67584xi32, #tpu.memory_space<vmem>> -> memref<4224xi32, #tpu.memory_space<vmem>>
      %gather3A_2970 = tpu.vector_load_idx %gather3A_2969[%add3A_150] : memref<4224xi32, #tpu.memory_space<vmem>>[vector<16xi32>], vector<16xi32>,
      %gather3A_2971 = arith.constant 59136 : i32
      %gather3A_2972 = tpu.memref_slice %arg8[%gather3A_2971] : memref<67584xi32, #tpu.memory_space<vmem>> -> memref<4224xi32, #tpu.memory_space<vmem>>
      %gather3A_2973 = tpu.vector_load_idx %gather3A_2972[%add3A_164] : memref<4224xi32, #tpu.memory_space<vmem>>[vector<16xi32>], vector<16xi32>,
      %gather3A_2974 = arith.constant 59136 : i32
      %gather3A_2975 = tpu.memref_slice %arg8[%gather3A_2974] : memref<67584xi32, #tpu.memory_space<vmem>> -> memref<4224xi32, #tpu.memory_space<vmem>>
      %gather3A_2976 = tpu.vector_load_idx %gather3A_2975[%add3A_178] : memref<4224xi32, #tpu.memory_space<vmem>>[vector<16xi32>], vector<16xi32>,
      %gather3A_2977 = arith.constant 59136 : i32
      %gather3A_2978 = tpu.memref_slice %arg8[%gather3A_2977] : memref<67584xi32, #tpu.memory_space<vmem>> -> memref<4224xi32, #tpu.memory_space<vmem>>
      %gather3A_2979 = tpu.vector_load_idx %gather3A_2978[%add3A_192] : memref<4224xi32, #tpu.memory_space<vmem>>[vector<16xi32>], vector<16xi32>,
      %gather3A_2980 = arith.constant 59136 : i32
      %gather3A_2981 = tpu.memref_slice %arg8[%gather3A_2980] : memref<67584xi32, #tpu.memory_space<vmem>> -> memref<4224xi32, #tpu.memory_space<vmem>>
      %gather3A_2982 = tpu.vector_load_idx %gather3A_2981[%add3A_206] : memref<4224xi32, #tpu.memory_space<vmem>>[vector<16xi32>], vector<16xi32>,
      %gather3A_2983 = arith.constant 59136 : i32
      %gather3A_2984 = tpu.memref_slice %arg8[%gather3A_2983] : memref<67584xi32, #tpu.memory_space<vmem>> -> memref<4224xi32, #tpu.memory_space<vmem>>
      %gather3A_2985 = tpu.vector_load_idx %gather3A_2984[%add3A_220] : memref<4224xi32, #tpu.memory_space<vmem>>[vector<16xi32>], vector<16xi32>,
      %gather3A_2986 = arith.constant 59136 : i32
      %gather3A_2987 = tpu.memref_slice %arg8[%gather3A_2986] : memref<67584xi32, #tpu.memory_space<vmem>> -> memref<4224xi32, #tpu.memory_space<vmem>>
      %gather3A_2988 = tpu.vector_load_idx %gather3A_2987[%add3A_234] : memref<4224xi32, #tpu.memory_space<vmem>>[vector<16xi32>], vector<16xi32>,
      %gather3A_2989 = arith.constant 59136 : i32
      %gather3A_2990 = tpu.memref_slice %arg8[%gather3A_2989] : memref<67584xi32, #tpu.memory_space<vmem>> -> memref<4224xi32, #tpu.memory_space<vmem>>
      %gather3A_2991 = tpu.vector_load_idx %gather3A_2990[%add3A_248] : memref<4224xi32, #tpu.memory_space<vmem>>[vector<16xi32>], vector<16xi32>,
      %gather3A_2992 = arith.constant 59136 : i32
      %gather3A_2993 = tpu.memref_slice %arg8[%gather3A_2992] : memref<67584xi32, #tpu.memory_space<vmem>> -> memref<4224xi32, #tpu.memory_space<vmem>>
      %gather3A_2994 = tpu.vector_load_idx %gather3A_2993[%add3A_262] : memref<4224xi32, #tpu.memory_space<vmem>>[vector<16xi32>], vector<16xi32>,
      %gather3A_2995 = arith.constant 59136 : i32
      %gather3A_2996 = tpu.memref_slice %arg8[%gather3A_2995] : memref<67584xi32, #tpu.memory_space<vmem>> -> memref<4224xi32, #tpu.memory_space<vmem>>
      %gather3A_2997 = tpu.vector_load_idx %gather3A_2996[%add3A_276] : memref<4224xi32, #tpu.memory_space<vmem>>[vector<16xi32>], vector<16xi32>,
      %gather3A_2998 = arith.constant 59136 : i32
      %gather3A_2999 = tpu.memref_slice %arg8[%gather3A_2998] : memref<67584xi32, #tpu.memory_space<vmem>> -> memref<4224xi32, #tpu.memory_space<vmem>>
      %gather3A_3000 = tpu.vector_load_idx %gather3A_2999[%add3A_290] : memref<4224xi32, #tpu.memory_space<vmem>>[vector<16xi32>], vector<16xi32>,
      %gather3A_3001 = arith.constant 59136 : i32
      %gather3A_3002 = tpu.memref_slice %arg8[%gather3A_3001] : memref<67584xi32, #tpu.memory_space<vmem>> -> memref<4224xi32, #tpu.memory_space<vmem>>
      %gather3A_3003 = tpu.vector_load_idx %gather3A_3002[%add3A_304] : memref<4224xi32, #tpu.memory_space<vmem>>[vector<16xi32>], vector<16xi32>,
      %gather3A_3004 = arith.constant 59136 : i32
      %gather3A_3005 = tpu.memref_slice %arg8[%gather3A_3004] : memref<67584xi32, #tpu.memory_space<vmem>> -> memref<4224xi32, #tpu.memory_space<vmem>>
      %gather3A_3006 = tpu.vector_load_idx %gather3A_3005[%add3A_318] : memref<4224xi32, #tpu.memory_space<vmem>>[vector<16xi32>], vector<16xi32>,
      %bitcast3A_3007 = vector.bitcast %gather3A_2949 : vector<16xi32> to vector<32xbf16>
      %bitcast3A_3008 = vector.bitcast %gather3A_2952 : vector<16xi32> to vector<32xbf16>
      %add3A_3009 = arith.addf %bitcast3A_3007, %bitcast3A_3008 : vector<32xbf16>
      %bitcast3A_3010 = vector.bitcast %add3A_3009 : vector<32xbf16> to vector<16xi32>
      %bitcast3A_3011 = vector.bitcast %gather3A_2955 : vector<16xi32> to vector<32xbf16>
      %bitcast3A_3012 = vector.bitcast %gather3A_2958 : vector<16xi32> to vector<32xbf16>
      %add3A_3013 = arith.addf %bitcast3A_3011, %bitcast3A_3012 : vector<32xbf16>
      %bitcast3A_3014 = vector.bitcast %add3A_3013 : vector<32xbf16> to vector<16xi32>
      %bitcast3A_3015 = vector.bitcast %gather3A_2961 : vector<16xi32> to vector<32xbf16>
      %bitcast3A_3016 = vector.bitcast %gather3A_2964 : vector<16xi32> to vector<32xbf16>
      %add3A_3017 = arith.addf %bitcast3A_3015, %bitcast3A_3016 : vector<32xbf16>
      %bitcast3A_3018 = vector.bitcast %add3A_3017 : vector<32xbf16> to vector<16xi32>
      %bitcast3A_3019 = vector.bitcast %gather3A_2967 : vector<16xi32> to vector<32xbf16>
      %bitcast3A_3020 = vector.bitcast %gather3A_2970 : vector<16xi32> to vector<32xbf16>
      %add3A_3021 = arith.addf %bitcast3A_3019, %bitcast3A_3020 : vector<32xbf16>
      %bitcast3A_3022 = vector.bitcast %add3A_3021 : vector<32xbf16> to vector<16xi32>
      %bitcast3A_3023 = vector.bitcast %gather3A_2973 : vector<16xi32> to vector<32xbf16>
      %bitcast3A_3024 = vector.bitcast %gather3A_2976 : vector<16xi32> to vector<32xbf16>
      %add3A_3025 = arith.addf %bitcast3A_3023, %bitcast3A_3024 : vector<32xbf16>
      %bitcast3A_3026 = vector.bitcast %add3A_3025 : vector<32xbf16> to vector<16xi32>
      %bitcast3A_3027 = vector.bitcast %gather3A_2979 : vector<16xi32> to vector<32xbf16>
      %bitcast3A_3028 = vector.bitcast %gather3A_2982 : vector<16xi32> to vector<32xbf16>
      %add3A_3029 = arith.addf %bitcast3A_3027, %bitcast3A_3028 : vector<32xbf16>
      %bitcast3A_3030 = vector.bitcast %add3A_3029 : vector<32xbf16> to vector<16xi32>
      %bitcast3A_3031 = vector.bitcast %gather3A_2985 : vector<16xi32> to vector<32xbf16>
      %bitcast3A_3032 = vector.bitcast %gather3A_2988 : vector<16xi32> to vector<32xbf16>
      %add3A_3033 = arith.addf %bitcast3A_3031, %bitcast3A_3032 : vector<32xbf16>
      %bitcast3A_3034 = vector.bitcast %add3A_3033 : vector<32xbf16> to vector<16xi32>
      %bitcast3A_3035 = vector.bitcast %gather3A_2991 : vector<16xi32> to vector<32xbf16>
      %bitcast3A_3036 = vector.bitcast %gather3A_2994 : vector<16xi32> to vector<32xbf16>
      %add3A_3037 = arith.addf %bitcast3A_3035, %bitcast3A_3036 : vector<32xbf16>
      %bitcast3A_3038 = vector.bitcast %add3A_3037 : vector<32xbf16> to vector<16xi32>
      %bitcast3A_3039 = vector.bitcast %gather3A_2997 : vector<16xi32> to vector<32xbf16>
      %bitcast3A_3040 = vector.bitcast %gather3A_3000 : vector<16xi32> to vector<32xbf16>
      %add3A_3041 = arith.addf %bitcast3A_3039, %bitcast3A_3040 : vector<32xbf16>
      %bitcast3A_3042 = vector.bitcast %add3A_3041 : vector<32xbf16> to vector<16xi32>
      %bitcast3A_3043 = vector.bitcast %gather3A_3003 : vector<16xi32> to vector<32xbf16>
      %bitcast3A_3044 = vector.bitcast %gather3A_3006 : vector<16xi32> to vector<32xbf16>
      %add3A_3045 = arith.addf %bitcast3A_3043, %bitcast3A_3044 : vector<32xbf16>
      %bitcast3A_3046 = vector.bitcast %add3A_3045 : vector<32xbf16> to vector<16xi32>
      %shift_left3A_3047 = arith.constant 16 : i32
      %shift_left3A_3048 = vector.broadcast %shift_left3A_3047 : i32 to vector<16xi32>
      %shift_left3A_3049 = arith.shli %bitcast3A_3010, %shift_left3A_3048 : vector<16xi32>
      %bitcast3A_3050 = vector.bitcast %shift_left3A_3049 : vector<16xi32> to vector<16xf32>
      %shift_left3A_3051 = arith.constant 16 : i32
      %shift_left3A_3052 = vector.broadcast %shift_left3A_3051 : i32 to vector<16xi32>
      %shift_left3A_3053 = arith.shli %bitcast3A_3014, %shift_left3A_3052 : vector<16xi32>
      %bitcast3A_3054 = vector.bitcast %shift_left3A_3053 : vector<16xi32> to vector<16xf32>
      %shift_left3A_3055 = arith.constant 16 : i32
      %shift_left3A_3056 = vector.broadcast %shift_left3A_3055 : i32 to vector<16xi32>
      %shift_left3A_3057 = arith.shli %bitcast3A_3018, %shift_left3A_3056 : vector<16xi32>
      %bitcast3A_3058 = vector.bitcast %shift_left3A_3057 : vector<16xi32> to vector<16xf32>
      %shift_left3A_3059 = arith.constant 16 : i32
      %shift_left3A_3060 = vector.broadcast %shift_left3A_3059 : i32 to vector<16xi32>
      %shift_left3A_3061 = arith.shli %bitcast3A_3022, %shift_left3A_3060 : vector<16xi32>
      %bitcast3A_3062 = vector.bitcast %shift_left3A_3061 : vector<16xi32> to vector<16xf32>
      %shift_left3A_3063 = arith.constant 16 : i32
      %shift_left3A_3064 = vector.broadcast %shift_left3A_3063 : i32 to vector<16xi32>
      %shift_left3A_3065 = arith.shli %bitcast3A_3026, %shift_left3A_3064 : vector<16xi32>
      %bitcast3A_3066 = vector.bitcast %shift_left3A_3065 : vector<16xi32> to vector<16xf32>
      %shift_left3A_3067 = arith.constant 16 : i32
      %shift_left3A_3068 = vector.broadcast %shift_left3A_3067 : i32 to vector<16xi32>
      %shift_left3A_3069 = arith.shli %bitcast3A_3030, %shift_left3A_3068 : vector<16xi32>
      %bitcast3A_3070 = vector.bitcast %shift_left3A_3069 : vector<16xi32> to vector<16xf32>
      %shift_left3A_3071 = arith.constant 16 : i32
      %shift_left3A_3072 = vector.broadcast %shift_left3A_3071 : i32 to vector<16xi32>
      %shift_left3A_3073 = arith.shli %bitcast3A_3034, %shift_left3A_3072 : vector<16xi32>
      %bitcast3A_3074 = vector.bitcast %shift_left3A_3073 : vector<16xi32> to vector<16xf32>
      %shift_left3A_3075 = arith.constant 16 : i32
      %shift_left3A_3076 = vector.broadcast %shift_left3A_3075 : i32 to vector<16xi32>
      %shift_left3A_3077 = arith.shli %bitcast3A_3038, %shift_left3A_3076 : vector<16xi32>
      %bitcast3A_3078 = vector.bitcast %shift_left3A_3077 : vector<16xi32> to vector<16xf32>
      %shift_left3A_3079 = arith.constant 16 : i32
      %shift_left3A_3080 = vector.broadcast %shift_left3A_3079 : i32 to vector<16xi32>
      %shift_left3A_3081 = arith.shli %bitcast3A_3042, %shift_left3A_3080 : vector<16xi32>
      %bitcast3A_3082 = vector.bitcast %shift_left3A_3081 : vector<16xi32> to vector<16xf32>
      %shift_left3A_3083 = arith.constant 16 : i32
      %shift_left3A_3084 = vector.broadcast %shift_left3A_3083 : i32 to vector<16xi32>
      %shift_left3A_3085 = arith.shli %bitcast3A_3046, %shift_left3A_3084 : vector<16xi32>
      %bitcast3A_3086 = vector.bitcast %shift_left3A_3085 : vector<16xi32> to vector<16xf32>
      %and3A_3087 = arith.andi %bitcast3A_3010, %broadcast_in_dim3A_22 : vector<16xi32>
      %bitcast3A_3088 = vector.bitcast %and3A_3087 : vector<16xi32> to vector<16xf32>
      %and3A_3089 = arith.andi %bitcast3A_3014, %broadcast_in_dim3A_22 : vector<16xi32>
      %bitcast3A_3090 = vector.bitcast %and3A_3089 : vector<16xi32> to vector<16xf32>
      %and3A_3091 = arith.andi %bitcast3A_3018, %broadcast_in_dim3A_22 : vector<16xi32>
      %bitcast3A_3092 = vector.bitcast %and3A_3091 : vector<16xi32> to vector<16xf32>
      %and3A_3093 = arith.andi %bitcast3A_3022, %broadcast_in_dim3A_22 : vector<16xi32>
      %bitcast3A_3094 = vector.bitcast %and3A_3093 : vector<16xi32> to vector<16xf32>
      %and3A_3095 = arith.andi %bitcast3A_3026, %broadcast_in_dim3A_22 : vector<16xi32>
      %bitcast3A_3096 = vector.bitcast %and3A_3095 : vector<16xi32> to vector<16xf32>
      %and3A_3097 = arith.andi %bitcast3A_3030, %broadcast_in_dim3A_22 : vector<16xi32>
      %bitcast3A_3098 = vector.bitcast %and3A_3097 : vector<16xi32> to vector<16xf32>
      %and3A_3099 = arith.andi %bitcast3A_3034, %broadcast_in_dim3A_22 : vector<16xi32>
      %bitcast3A_3100 = vector.bitcast %and3A_3099 : vector<16xi32> to vector<16xf32>
      %and3A_3101 = arith.andi %bitcast3A_3038, %broadcast_in_dim3A_22 : vector<16xi32>
      %bitcast3A_3102 = vector.bitcast %and3A_3101 : vector<16xi32> to vector<16xf32>
      %and3A_3103 = arith.andi %bitcast3A_3042, %broadcast_in_dim3A_22 : vector<16xi32>
      %bitcast3A_3104 = vector.bitcast %and3A_3103 : vector<16xi32> to vector<16xf32>
      %and3A_3105 = arith.andi %bitcast3A_3046, %broadcast_in_dim3A_22 : vector<16xi32>
      %bitcast3A_3106 = vector.bitcast %and3A_3105 : vector<16xi32> to vector<16xf32>
      %add3A_3107 = arith.addf %bitcast3A_3050, %bitcast3A_3054 : vector<16xf32>
      %add3A_3108 = arith.addf %bitcast3A_3058, %bitcast3A_3062 : vector<16xf32>
      %add3A_3109 = arith.addf %bitcast3A_3066, %bitcast3A_3070 : vector<16xf32>
      %add3A_3110 = arith.addf %bitcast3A_3074, %bitcast3A_3078 : vector<16xf32>
      %add3A_3111 = arith.addf %bitcast3A_3082, %bitcast3A_3086 : vector<16xf32>
      %add3A_3112 = arith.addf %add3A_3107, %add3A_3108 : vector<16xf32>
      %add3A_3113 = arith.addf %add3A_3109, %add3A_3110 : vector<16xf32>
      %add3A_3114 = arith.addf %add3A_3112, %add3A_3113 : vector<16xf32>
      %add3A_3115 = arith.addf %add3A_3114, %add3A_3111 : vector<16xf32>
      %mul3A_3116 = arith.mulf %add3A_3115, %div3A_39 : vector<16xf32>
      %swap3A_3117 = arith.constant 28 : i32
      %swap3A_3118 = arith.index_cast %swap3A_3117 : i32 to index
      %swap3A_3119 = arith.index_cast %mul3A_33 : i32 to index
      %swap3A_3120 = tpu.vector_load %arg9[%swap3A_3118, %swap3A_3119] {strides = array<i32>} : memref<32x512xf32, #tpu.memory_space<vmem>>, vector<16xf32>,
      tpu.vector_store %arg9[%swap3A_3118, %swap3A_3119], %mul3A_3116 {strides = array<i32>} : memref<32x512xf32, #tpu.memory_space<vmem>>, vector<16xf32>,
      %add3A_3121 = arith.addf %bitcast3A_3088, %bitcast3A_3090 : vector<16xf32>
      %add3A_3122 = arith.addf %bitcast3A_3092, %bitcast3A_3094 : vector<16xf32>
      %add3A_3123 = arith.addf %bitcast3A_3096, %bitcast3A_3098 : vector<16xf32>
      %add3A_3124 = arith.addf %bitcast3A_3100, %bitcast3A_3102 : vector<16xf32>
      %add3A_3125 = arith.addf %bitcast3A_3104, %bitcast3A_3106 : vector<16xf32>
      %add3A_3126 = arith.addf %add3A_3121, %add3A_3122 : vector<16xf32>
      %add3A_3127 = arith.addf %add3A_3123, %add3A_3124 : vector<16xf32>
      %add3A_3128 = arith.addf %add3A_3126, %add3A_3127 : vector<16xf32>
      %add3A_3129 = arith.addf %add3A_3128, %add3A_3125 : vector<16xf32>
      %mul3A_3130 = arith.mulf %add3A_3129, %div3A_39 : vector<16xf32>
      %swap3A_3131 = arith.constant 29 : i32
      %swap3A_3132 = arith.index_cast %swap3A_3131 : i32 to index
      %swap3A_3133 = arith.index_cast %mul3A_33 : i32 to index
      %swap3A_3134 = tpu.vector_load %arg9[%swap3A_3132, %swap3A_3133] {strides = array<i32>} : memref<32x512xf32, #tpu.memory_space<vmem>>, vector<16xf32>,
      tpu.vector_store %arg9[%swap3A_3132, %swap3A_3133], %mul3A_3130 {strides = array<i32>} : memref<32x512xf32, #tpu.memory_space<vmem>>, vector<16xf32>,
      %gather3A_3135 = arith.constant 63360 : i32
      %gather3A_3136 = tpu.memref_slice %arg8[%gather3A_3135] : memref<67584xi32, #tpu.memory_space<vmem>> -> memref<4224xi32, #tpu.memory_space<vmem>>
      %gather3A_3137 = tpu.vector_load_idx %gather3A_3136[%add3A_52] : memref<4224xi32, #tpu.memory_space<vmem>>[vector<16xi32>], vector<16xi32>,
      %gather3A_3138 = arith.constant 63360 : i32
      %gather3A_3139 = tpu.memref_slice %arg8[%gather3A_3138] : memref<67584xi32, #tpu.memory_space<vmem>> -> memref<4224xi32, #tpu.memory_space<vmem>>
      %gather3A_3140 = tpu.vector_load_idx %gather3A_3139[%add3A_66] : memref<4224xi32, #tpu.memory_space<vmem>>[vector<16xi32>], vector<16xi32>,
      %gather3A_3141 = arith.constant 63360 : i32
      %gather3A_3142 = tpu.memref_slice %arg8[%gather3A_3141] : memref<67584xi32, #tpu.memory_space<vmem>> -> memref<4224xi32, #tpu.memory_space<vmem>>
      %gather3A_3143 = tpu.vector_load_idx %gather3A_3142[%add3A_80] : memref<4224xi32, #tpu.memory_space<vmem>>[vector<16xi32>], vector<16xi32>,
      %gather3A_3144 = arith.constant 63360 : i32
      %gather3A_3145 = tpu.memref_slice %arg8[%gather3A_3144] : memref<67584xi32, #tpu.memory_space<vmem>> -> memref<4224xi32, #tpu.memory_space<vmem>>
      %gather3A_3146 = tpu.vector_load_idx %gather3A_3145[%add3A_94] : memref<4224xi32, #tpu.memory_space<vmem>>[vector<16xi32>], vector<16xi32>,
      %gather3A_3147 = arith.constant 63360 : i32
      %gather3A_3148 = tpu.memref_slice %arg8[%gather3A_3147] : memref<67584xi32, #tpu.memory_space<vmem>> -> memref<4224xi32, #tpu.memory_space<vmem>>
      %gather3A_3149 = tpu.vector_load_idx %gather3A_3148[%add3A_108] : memref<4224xi32, #tpu.memory_space<vmem>>[vector<16xi32>], vector<16xi32>,
      %gather3A_3150 = arith.constant 63360 : i32
      %gather3A_3151 = tpu.memref_slice %arg8[%gather3A_3150] : memref<67584xi32, #tpu.memory_space<vmem>> -> memref<4224xi32, #tpu.memory_space<vmem>>
      %gather3A_3152 = tpu.vector_load_idx %gather3A_3151[%add3A_122] : memref<4224xi32, #tpu.memory_space<vmem>>[vector<16xi32>], vector<16xi32>,
      %gather3A_3153 = arith.constant 63360 : i32
      %gather3A_3154 = tpu.memref_slice %arg8[%gather3A_3153] : memref<67584xi32, #tpu.memory_space<vmem>> -> memref<4224xi32, #tpu.memory_space<vmem>>
      %gather3A_3155 = tpu.vector_load_idx %gather3A_3154[%add3A_136] : memref<4224xi32, #tpu.memory_space<vmem>>[vector<16xi32>], vector<16xi32>,
      %gather3A_3156 = arith.constant 63360 : i32
      %gather3A_3157 = tpu.memref_slice %arg8[%gather3A_3156] : memref<67584xi32, #tpu.memory_space<vmem>> -> memref<4224xi32, #tpu.memory_space<vmem>>
      %gather3A_3158 = tpu.vector_load_idx %gather3A_3157[%add3A_150] : memref<4224xi32, #tpu.memory_space<vmem>>[vector<16xi32>], vector<16xi32>,
      %gather3A_3159 = arith.constant 63360 : i32
      %gather3A_3160 = tpu.memref_slice %arg8[%gather3A_3159] : memref<67584xi32, #tpu.memory_space<vmem>> -> memref<4224xi32, #tpu.memory_space<vmem>>
      %gather3A_3161 = tpu.vector_load_idx %gather3A_3160[%add3A_164] : memref<4224xi32, #tpu.memory_space<vmem>>[vector<16xi32>], vector<16xi32>,
      %gather3A_3162 = arith.constant 63360 : i32
      %gather3A_3163 = tpu.memref_slice %arg8[%gather3A_3162] : memref<67584xi32, #tpu.memory_space<vmem>> -> memref<4224xi32, #tpu.memory_space<vmem>>
      %gather3A_3164 = tpu.vector_load_idx %gather3A_3163[%add3A_178] : memref<4224xi32, #tpu.memory_space<vmem>>[vector<16xi32>], vector<16xi32>,
      %gather3A_3165 = arith.constant 63360 : i32
      %gather3A_3166 = tpu.memref_slice %arg8[%gather3A_3165] : memref<67584xi32, #tpu.memory_space<vmem>> -> memref<4224xi32, #tpu.memory_space<vmem>>
      %gather3A_3167 = tpu.vector_load_idx %gather3A_3166[%add3A_192] : memref<4224xi32, #tpu.memory_space<vmem>>[vector<16xi32>], vector<16xi32>,
      %gather3A_3168 = arith.constant 63360 : i32
      %gather3A_3169 = tpu.memref_slice %arg8[%gather3A_3168] : memref<67584xi32, #tpu.memory_space<vmem>> -> memref<4224xi32, #tpu.memory_space<vmem>>
      %gather3A_3170 = tpu.vector_load_idx %gather3A_3169[%add3A_206] : memref<4224xi32, #tpu.memory_space<vmem>>[vector<16xi32>], vector<16xi32>,
      %gather3A_3171 = arith.constant 63360 : i32
      %gather3A_3172 = tpu.memref_slice %arg8[%gather3A_3171] : memref<67584xi32, #tpu.memory_space<vmem>> -> memref<4224xi32, #tpu.memory_space<vmem>>
      %gather3A_3173 = tpu.vector_load_idx %gather3A_3172[%add3A_220] : memref<4224xi32, #tpu.memory_space<vmem>>[vector<16xi32>], vector<16xi32>,
      %gather3A_3174 = arith.constant 63360 : i32
      %gather3A_3175 = tpu.memref_slice %arg8[%gather3A_3174] : memref<67584xi32, #tpu.memory_space<vmem>> -> memref<4224xi32, #tpu.memory_space<vmem>>
      %gather3A_3176 = tpu.vector_load_idx %gather3A_3175[%add3A_234] : memref<4224xi32, #tpu.memory_space<vmem>>[vector<16xi32>], vector<16xi32>,
      %gather3A_3177 = arith.constant 63360 : i32
      %gather3A_3178 = tpu.memref_slice %arg8[%gather3A_3177] : memref<67584xi32, #tpu.memory_space<vmem>> -> memref<4224xi32, #tpu.memory_space<vmem>>
      %gather3A_3179 = tpu.vector_load_idx %gather3A_3178[%add3A_248] : memref<4224xi32, #tpu.memory_space<vmem>>[vector<16xi32>], vector<16xi32>,
      %gather3A_3180 = arith.constant 63360 : i32
      %gather3A_3181 = tpu.memref_slice %arg8[%gather3A_3180] : memref<67584xi32, #tpu.memory_space<vmem>> -> memref<4224xi32, #tpu.memory_space<vmem>>
      %gather3A_3182 = tpu.vector_load_idx %gather3A_3181[%add3A_262] : memref<4224xi32, #tpu.memory_space<vmem>>[vector<16xi32>], vector<16xi32>,
      %gather3A_3183 = arith.constant 63360 : i32
      %gather3A_3184 = tpu.memref_slice %arg8[%gather3A_3183] : memref<67584xi32, #tpu.memory_space<vmem>> -> memref<4224xi32, #tpu.memory_space<vmem>>
      %gather3A_3185 = tpu.vector_load_idx %gather3A_3184[%add3A_276] : memref<4224xi32, #tpu.memory_space<vmem>>[vector<16xi32>], vector<16xi32>,
      %gather3A_3186 = arith.constant 63360 : i32
      %gather3A_3187 = tpu.memref_slice %arg8[%gather3A_3186] : memref<67584xi32, #tpu.memory_space<vmem>> -> memref<4224xi32, #tpu.memory_space<vmem>>
      %gather3A_3188 = tpu.vector_load_idx %gather3A_3187[%add3A_290] : memref<4224xi32, #tpu.memory_space<vmem>>[vector<16xi32>], vector<16xi32>,
      %gather3A_3189 = arith.constant 63360 : i32
      %gather3A_3190 = tpu.memref_slice %arg8[%gather3A_3189] : memref<67584xi32, #tpu.memory_space<vmem>> -> memref<4224xi32, #tpu.memory_space<vmem>>
      %gather3A_3191 = tpu.vector_load_idx %gather3A_3190[%add3A_304] : memref<4224xi32, #tpu.memory_space<vmem>>[vector<16xi32>], vector<16xi32>,
      %gather3A_3192 = arith.constant 63360 : i32
      %gather3A_3193 = tpu.memref_slice %arg8[%gather3A_3192] : memref<67584xi32, #tpu.memory_space<vmem>> -> memref<4224xi32, #tpu.memory_space<vmem>>
      %gather3A_3194 = tpu.vector_load_idx %gather3A_3193[%add3A_318] : memref<4224xi32, #tpu.memory_space<vmem>>[vector<16xi32>], vector<16xi32>,
      %bitcast3A_3195 = vector.bitcast %gather3A_3137 : vector<16xi32> to vector<32xbf16>
      %bitcast3A_3196 = vector.bitcast %gather3A_3140 : vector<16xi32> to vector<32xbf16>
      %add3A_3197 = arith.addf %bitcast3A_3195, %bitcast3A_3196 : vector<32xbf16>
      %bitcast3A_3198 = vector.bitcast %add3A_3197 : vector<32xbf16> to vector<16xi32>
      %bitcast3A_3199 = vector.bitcast %gather3A_3143 : vector<16xi32> to vector<32xbf16>
      %bitcast3A_3200 = vector.bitcast %gather3A_3146 : vector<16xi32> to vector<32xbf16>
      %add3A_3201 = arith.addf %bitcast3A_3199, %bitcast3A_3200 : vector<32xbf16>
      %bitcast3A_3202 = vector.bitcast %add3A_3201 : vector<32xbf16> to vector<16xi32>
      %bitcast3A_3203 = vector.bitcast %gather3A_3149 : vector<16xi32> to vector<32xbf16>
      %bitcast3A_3204 = vector.bitcast %gather3A_3152 : vector<16xi32> to vector<32xbf16>
      %add3A_3205 = arith.addf %bitcast3A_3203, %bitcast3A_3204 : vector<32xbf16>
      %bitcast3A_3206 = vector.bitcast %add3A_3205 : vector<32xbf16> to vector<16xi32>
      %bitcast3A_3207 = vector.bitcast %gather3A_3155 : vector<16xi32> to vector<32xbf16>
      %bitcast3A_3208 = vector.bitcast %gather3A_3158 : vector<16xi32> to vector<32xbf16>
      %add3A_3209 = arith.addf %bitcast3A_3207, %bitcast3A_3208 : vector<32xbf16>
      %bitcast3A_3210 = vector.bitcast %add3A_3209 : vector<32xbf16> to vector<16xi32>
      %bitcast3A_3211 = vector.bitcast %gather3A_3161 : vector<16xi32> to vector<32xbf16>
      %bitcast3A_3212 = vector.bitcast %gather3A_3164 : vector<16xi32> to vector<32xbf16>
      %add3A_3213 = arith.addf %bitcast3A_3211, %bitcast3A_3212 : vector<32xbf16>
      %bitcast3A_3214 = vector.bitcast %add3A_3213 : vector<32xbf16> to vector<16xi32>
      %bitcast3A_3215 = vector.bitcast %gather3A_3167 : vector<16xi32> to vector<32xbf16>
      %bitcast3A_3216 = vector.bitcast %gather3A_3170 : vector<16xi32> to vector<32xbf16>
      %add3A_3217 = arith.addf %bitcast3A_3215, %bitcast3A_3216 : vector<32xbf16>
      %bitcast3A_3218 = vector.bitcast %add3A_3217 : vector<32xbf16> to vector<16xi32>
      %bitcast3A_3219 = vector.bitcast %gather3A_3173 : vector<16xi32> to vector<32xbf16>
      %bitcast3A_3220 = vector.bitcast %gather3A_3176 : vector<16xi32> to vector<32xbf16>
      %add3A_3221 = arith.addf %bitcast3A_3219, %bitcast3A_3220 : vector<32xbf16>
      %bitcast3A_3222 = vector.bitcast %add3A_3221 : vector<32xbf16> to vector<16xi32>
      %bitcast3A_3223 = vector.bitcast %gather3A_3179 : vector<16xi32> to vector<32xbf16>
      %bitcast3A_3224 = vector.bitcast %gather3A_3182 : vector<16xi32> to vector<32xbf16>
      %add3A_3225 = arith.addf %bitcast3A_3223, %bitcast3A_3224 : vector<32xbf16>
      %bitcast3A_3226 = vector.bitcast %add3A_3225 : vector<32xbf16> to vector<16xi32>
      %bitcast3A_3227 = vector.bitcast %gather3A_3185 : vector<16xi32> to vector<32xbf16>
      %bitcast3A_3228 = vector.bitcast %gather3A_3188 : vector<16xi32> to vector<32xbf16>
      %add3A_3229 = arith.addf %bitcast3A_3227, %bitcast3A_3228 : vector<32xbf16>
      %bitcast3A_3230 = vector.bitcast %add3A_3229 : vector<32xbf16> to vector<16xi32>
      %bitcast3A_3231 = vector.bitcast %gather3A_3191 : vector<16xi32> to vector<32xbf16>
      %bitcast3A_3232 = vector.bitcast %gather3A_3194 : vector<16xi32> to vector<32xbf16>
      %add3A_3233 = arith.addf %bitcast3A_3231, %bitcast3A_3232 : vector<32xbf16>
      %bitcast3A_3234 = vector.bitcast %add3A_3233 : vector<32xbf16> to vector<16xi32>
      %shift_left3A_3235 = arith.constant 16 : i32
      %shift_left3A_3236 = vector.broadcast %shift_left3A_3235 : i32 to vector<16xi32>
      %shift_left3A_3237 = arith.shli %bitcast3A_3198, %shift_left3A_3236 : vector<16xi32>
      %bitcast3A_3238 = vector.bitcast %shift_left3A_3237 : vector<16xi32> to vector<16xf32>
      %shift_left3A_3239 = arith.constant 16 : i32
      %shift_left3A_3240 = vector.broadcast %shift_left3A_3239 : i32 to vector<16xi32>
      %shift_left3A_3241 = arith.shli %bitcast3A_3202, %shift_left3A_3240 : vector<16xi32>
      %bitcast3A_3242 = vector.bitcast %shift_left3A_3241 : vector<16xi32> to vector<16xf32>
      %shift_left3A_3243 = arith.constant 16 : i32
      %shift_left3A_3244 = vector.broadcast %shift_left3A_3243 : i32 to vector<16xi32>
      %shift_left3A_3245 = arith.shli %bitcast3A_3206, %shift_left3A_3244 : vector<16xi32>
      %bitcast3A_3246 = vector.bitcast %shift_left3A_3245 : vector<16xi32> to vector<16xf32>
      %shift_left3A_3247 = arith.constant 16 : i32
      %shift_left3A_3248 = vector.broadcast %shift_left3A_3247 : i32 to vector<16xi32>
      %shift_left3A_3249 = arith.shli %bitcast3A_3210, %shift_left3A_3248 : vector<16xi32>
      %bitcast3A_3250 = vector.bitcast %shift_left3A_3249 : vector<16xi32> to vector<16xf32>
      %shift_left3A_3251 = arith.constant 16 : i32
      %shift_left3A_3252 = vector.broadcast %shift_left3A_3251 : i32 to vector<16xi32>
      %shift_left3A_3253 = arith.shli %bitcast3A_3214, %shift_left3A_3252 : vector<16xi32>
      %bitcast3A_3254 = vector.bitcast %shift_left3A_3253 : vector<16xi32> to vector<16xf32>
      %shift_left3A_3255 = arith.constant 16 : i32
      %shift_left3A_3256 = vector.broadcast %shift_left3A_3255 : i32 to vector<16xi32>
      %shift_left3A_3257 = arith.shli %bitcast3A_3218, %shift_left3A_3256 : vector<16xi32>
      %bitcast3A_3258 = vector.bitcast %shift_left3A_3257 : vector<16xi32> to vector<16xf32>
      %shift_left3A_3259 = arith.constant 16 : i32
      %shift_left3A_3260 = vector.broadcast %shift_left3A_3259 : i32 to vector<16xi32>
      %shift_left3A_3261 = arith.shli %bitcast3A_3222, %shift_left3A_3260 : vector<16xi32>
      %bitcast3A_3262 = vector.bitcast %shift_left3A_3261 : vector<16xi32> to vector<16xf32>
      %shift_left3A_3263 = arith.constant 16 : i32
      %shift_left3A_3264 = vector.broadcast %shift_left3A_3263 : i32 to vector<16xi32>
      %shift_left3A_3265 = arith.shli %bitcast3A_3226, %shift_left3A_3264 : vector<16xi32>
      %bitcast3A_3266 = vector.bitcast %shift_left3A_3265 : vector<16xi32> to vector<16xf32>
      %shift_left3A_3267 = arith.constant 16 : i32
      %shift_left3A_3268 = vector.broadcast %shift_left3A_3267 : i32 to vector<16xi32>
      %shift_left3A_3269 = arith.shli %bitcast3A_3230, %shift_left3A_3268 : vector<16xi32>
      %bitcast3A_3270 = vector.bitcast %shift_left3A_3269 : vector<16xi32> to vector<16xf32>
      %shift_left3A_3271 = arith.constant 16 : i32
      %shift_left3A_3272 = vector.broadcast %shift_left3A_3271 : i32 to vector<16xi32>
      %shift_left3A_3273 = arith.shli %bitcast3A_3234, %shift_left3A_3272 : vector<16xi32>
      %bitcast3A_3274 = vector.bitcast %shift_left3A_3273 : vector<16xi32> to vector<16xf32>
      %and3A_3275 = arith.andi %bitcast3A_3198, %broadcast_in_dim3A_22 : vector<16xi32>
      %bitcast3A_3276 = vector.bitcast %and3A_3275 : vector<16xi32> to vector<16xf32>
      %and3A_3277 = arith.andi %bitcast3A_3202, %broadcast_in_dim3A_22 : vector<16xi32>
      %bitcast3A_3278 = vector.bitcast %and3A_3277 : vector<16xi32> to vector<16xf32>
      %and3A_3279 = arith.andi %bitcast3A_3206, %broadcast_in_dim3A_22 : vector<16xi32>
      %bitcast3A_3280 = vector.bitcast %and3A_3279 : vector<16xi32> to vector<16xf32>
      %and3A_3281 = arith.andi %bitcast3A_3210, %broadcast_in_dim3A_22 : vector<16xi32>
      %bitcast3A_3282 = vector.bitcast %and3A_3281 : vector<16xi32> to vector<16xf32>
      %and3A_3283 = arith.andi %bitcast3A_3214, %broadcast_in_dim3A_22 : vector<16xi32>
      %bitcast3A_3284 = vector.bitcast %and3A_3283 : vector<16xi32> to vector<16xf32>
      %and3A_3285 = arith.andi %bitcast3A_3218, %broadcast_in_dim3A_22 : vector<16xi32>
      %bitcast3A_3286 = vector.bitcast %and3A_3285 : vector<16xi32> to vector<16xf32>
      %and3A_3287 = arith.andi %bitcast3A_3222, %broadcast_in_dim3A_22 : vector<16xi32>
      %bitcast3A_3288 = vector.bitcast %and3A_3287 : vector<16xi32> to vector<16xf32>
      %and3A_3289 = arith.andi %bitcast3A_3226, %broadcast_in_dim3A_22 : vector<16xi32>
      %bitcast3A_3290 = vector.bitcast %and3A_3289 : vector<16xi32> to vector<16xf32>
      %and3A_3291 = arith.andi %bitcast3A_3230, %broadcast_in_dim3A_22 : vector<16xi32>
      %bitcast3A_3292 = vector.bitcast %and3A_3291 : vector<16xi32> to vector<16xf32>
      %and3A_3293 = arith.andi %bitcast3A_3234, %broadcast_in_dim3A_22 : vector<16xi32>
      %bitcast3A_3294 = vector.bitcast %and3A_3293 : vector<16xi32> to vector<16xf32>
      %add3A_3295 = arith.addf %bitcast3A_3238, %bitcast3A_3242 : vector<16xf32>
      %add3A_3296 = arith.addf %bitcast3A_3246, %bitcast3A_3250 : vector<16xf32>
      %add3A_3297 = arith.addf %bitcast3A_3254, %bitcast3A_3258 : vector<16xf32>
      %add3A_3298 = arith.addf %bitcast3A_3262, %bitcast3A_3266 : vector<16xf32>
      %add3A_3299 = arith.addf %bitcast3A_3270, %bitcast3A_3274 : vector<16xf32>
      %add3A_3300 = arith.addf %add3A_3295, %add3A_3296 : vector<16xf32>
      %add3A_3301 = arith.addf %add3A_3297, %add3A_3298 : vector<16xf32>
      %add3A_3302 = arith.addf %add3A_3300, %add3A_3301 : vector<16xf32>
      %add3A_3303 = arith.addf %add3A_3302, %add3A_3299 : vector<16xf32>
      %mul3A_3304 = arith.mulf %add3A_3303, %div3A_39 : vector<16xf32>
      %swap3A_3305 = arith.constant 30 : i32
      %swap3A_3306 = arith.index_cast %swap3A_3305 : i32 to index
      %swap3A_3307 = arith.index_cast %mul3A_33 : i32 to index
      %swap3A_3308 = tpu.vector_load %arg9[%swap3A_3306, %swap3A_3307] {strides = array<i32>} : memref<32x512xf32, #tpu.memory_space<vmem>>, vector<16xf32>,
      tpu.vector_store %arg9[%swap3A_3306, %swap3A_3307], %mul3A_3304 {strides = array<i32>} : memref<32x512xf32, #tpu.memory_space<vmem>>, vector<16xf32>,
      %add3A_3309 = arith.addf %bitcast3A_3276, %bitcast3A_3278 : vector<16xf32>
      %add3A_3310 = arith.addf %bitcast3A_3280, %bitcast3A_3282 : vector<16xf32>
      %add3A_3311 = arith.addf %bitcast3A_3284, %bitcast3A_3286 : vector<16xf32>
      %add3A_3312 = arith.addf %bitcast3A_3288, %bitcast3A_3290 : vector<16xf32>
      %add3A_3313 = arith.addf %bitcast3A_3292, %bitcast3A_3294 : vector<16xf32>
      %add3A_3314 = arith.addf %add3A_3309, %add3A_3310 : vector<16xf32>
      %add3A_3315 = arith.addf %add3A_3311, %add3A_3312 : vector<16xf32>
      %add3A_3316 = arith.addf %add3A_3314, %add3A_3315 : vector<16xf32>
      %add3A_3317 = arith.addf %add3A_3316, %add3A_3313 : vector<16xf32>
      %mul3A_3318 = arith.mulf %add3A_3317, %div3A_39 : vector<16xf32>
      %swap3A_3319 = arith.constant 31 : i32
      %swap3A_3320 = arith.index_cast %swap3A_3319 : i32 to index
      %swap3A_3321 = arith.index_cast %mul3A_33 : i32 to index
      %swap3A_3322 = tpu.vector_load %arg9[%swap3A_3320, %swap3A_3321] {strides = array<i32>} : memref<32x512xf32, #tpu.memory_space<vmem>>, vector<16xf32>,
      tpu.vector_store %arg9[%swap3A_3320, %swap3A_3321], %mul3A_3318 {strides = array<i32>} : memref<32x512xf32, #tpu.memory_space<vmem>>, vector<16xf32>,
    }
    %scan3A_26 = arith.constant 32 : i32
    "tpu.region"() ({
      %run_scoped3A = tpu.sem_alloc : memref<!tpu.dma_semaphore, #tpu.memory_space<semaphore_mem>>
      %dma_start3A = arith.constant 0 : i32
      %dma_start3A_27 = arith.constant 0 : i32
      %dma_start3A_28 = tpu.memref_slice %arg5[%select_n3A, %sub3A_19, %dma_start3A, %dma_start3A_27] : memref<16x2x32x512xf32, #tpu.memory_space<hbm>> -> memref<1x1x32x512xf32, #tpu.memory_space<hbm>>
      %dma_start3A_29 = tpu.memref_squeeze %dma_start3A_28 : memref<1x1x32x512xf32, #tpu.memory_space<hbm>> -> memref<32x512xf32, #tpu.memory_space<hbm>>
      %dma_start3A_30 = arith.constant 0 : i32
      %dma_start3A_31 = arith.constant 0 : i32
      %dma_start3A_32 = tpu.memref_slice %arg5[%select_n3A, %sub3A_19, %dma_start3A_30, %dma_start3A_31] : memref<16x2x32x512xf32, #tpu.memory_space<hbm>> -> memref<1x1x32x512xf32, #tpu.memory_space<hbm>>
      %dma_start3A_33 = tpu.memref_squeeze %dma_start3A_32 : memref<1x1x32x512xf32, #tpu.memory_space<hbm>> -> memref<32x512xf32, #tpu.memory_space<hbm>>
      tpu.enqueue_dma source(%arg9 : memref<32x512xf32, #tpu.memory_space<vmem>>) target(%dma_start3A_33 : memref<32x512xf32, #tpu.memory_space<hbm>>) target_semaphore(%run_scoped3A : memref<!tpu.dma_semaphore, #tpu.memory_space<semaphore_mem>>)
      %dma_wait3A = arith.constant 0 : i32
      %dma_wait3A_34 = arith.constant 0 : i32
      %dma_wait3A_35 = tpu.memref_slice %arg5[%select_n3A, %sub3A_19, %dma_wait3A, %dma_wait3A_34] : memref<16x2x32x512xf32, #tpu.memory_space<hbm>> -> memref<1x1x32x512xf32, #tpu.memory_space<hbm>>
      %dma_wait3A_36 = tpu.memref_squeeze %dma_wait3A_35 : memref<1x1x32x512xf32, #tpu.memory_space<hbm>> -> memref<32x512xf32, #tpu.memory_space<hbm>>
      %dma_wait3A_37 = arith.constant 0 : i32
      %dma_wait3A_38 = arith.constant 0 : i32
      %dma_wait3A_39 = tpu.memref_slice %arg5[%select_n3A, %sub3A_19, %dma_wait3A_37, %dma_wait3A_38] : memref<16x2x32x512xf32, #tpu.memory_space<hbm>> -> memref<1x1x32x512xf32, #tpu.memory_space<hbm>>
      %dma_wait3A_40 = tpu.memref_squeeze %dma_wait3A_39 : memref<1x1x32x512xf32, #tpu.memory_space<hbm>> -> memref<32x512xf32, #tpu.memory_space<hbm>>
      tpu.wait_dma2 semaphore(%run_scoped3A : memref<!tpu.dma_semaphore, #tpu.memory_space<semaphore_mem>>) src(%arg9 : memref<32x512xf32, #tpu.memory_space<vmem>>) dst(%dma_wait3A_40 : memref<32x512xf32, #tpu.memory_space<hbm>>)
      tpu.yield
    }) : () -> ()
    return
  }
}

module attributes {stable_mosaic.version = 14 : i64} {
  func.func @body(%arg0: memref<16x64x512xf32, #tpu.memory_space<vmem>>, %arg1: memref<64x128xf32, #tpu.memory_space<vmem>>, %arg2: memref<16x512x128xf32, #tpu.memory_space<vmem>>) attributes {dimension_semantics = [], scalar_prefetch = 0 : i64, scratch_operands = 0 : i64, tpu.core_type = #tpu.core_type<tc>} {
    %get3A = arith.constant 0 : index
    %get3A_0 = arith.constant 0 : index
    %get3A_1 = arith.constant 0 : index
    %get3A_2 = vector.load %arg0[%get3A, %get3A_0, %get3A_1] : memref<16x64x512xf32, #tpu.memory_space<vmem>>, vector<16x64x512xf32>
    %get3A_3 = arith.constant 0 : index
    %get3A_4 = arith.constant 0 : index
    %get3A_5 = vector.load %arg1[%get3A_3, %get3A_4] : memref<64x128xf32, #tpu.memory_space<vmem>>, vector<64x128xf32>
    %dot_general3A = arith.constant dense<0.000000e+00> : vector<16x512x128xf32>
    %dot_general3A_6 = tpu.matmul %get3A_2, %get3A_5, %dot_general3A {dimension_numbers = #tpu.dot_dimension_numbers<[1], [0], [0, 2], [1], [0, 0, 0, 2, 1, 1], [], []>, transpose_lhs_hint = false} : vector<16x64x512xf32>, vector<64x128xf32>, vector<16x512x128xf32> -> vector<16x512x128xf32>
    %swap3A = arith.constant 0 : index
    %swap3A_7 = arith.constant 0 : index
    %swap3A_8 = arith.constant 0 : index
    %swap3A_9 = vector.load %arg2[%swap3A, %swap3A_7, %swap3A_8] : memref<16x512x128xf32, #tpu.memory_space<vmem>>, vector<16x512x128xf32>
    tpu.vector_store %arg2[%swap3A, %swap3A_7, %swap3A_8], %dot_general3A_6 {strides = array<i32>} : memref<16x512x128xf32, #tpu.memory_space<vmem>>, vector<16x512x128xf32>,
    return
  }
}

</mosaic_0001>

<sc_bundles>
// kernel: kernel.4.cloned.1.call-start
scs
__scs_entry_jumppad:
0x0: {  	(pc) =	sbr.rel $0x88, $3  }
0x1: {  	(tag) =	ssettag $0x0;
	lr =	simm.s32 $0x1  }
0x2: {  	[smem:$0x3F9D] =	sst lr;
	_ =	strace $0xD0000000  }
0x3: {  	_ = 	snop  }
0x4: {  	_ = 	snop  }
0x5: {  	_ = 	snop  }
0x6: {  	_ = 	snop  }
0x7: {  	_ = 	snop  }
__scs_overlays_trampoline_lowered:
0x8: {  	[smem:$0x3FAC] =	sst s0  }
0x9: {  	[smem:$0x3FAD] =	sst s1  }
0xa: {  	[smem:$0x3FAE] =	sst s2  }
0xb: {  	[smem:$0x3FAF] =	sst s3  }
0xc: {  	[smem:$0x3FB0] =	sst s4  }
0xd: {  	[smem:$0x3FB1] =	sst s5  }
0xe: {  	[smem:$0x3FB2] =	sst s6  }
0xf: {  	[smem:$0x3FB3] =	sst s7  }
0x10: {  	[smem:$0x3FB4] =	sst s8  }
0x11: {  	[smem:$0x3FB5] =	sst s9;
	s0 =	simm.s32 @!p0 $0x0  }
0x12: {  	s1 =	sld [smem:$0x3F9B];
	s0 =	simm.s32 @p0 $0x1  }
0x13: {  	[smem:$0x3FB6] =	sst s0;
	s0 =	simm.s32 @!p1 $0x0  }
0x14: {  	s2 =	sld [smem:$0x3F9A];
	s0 =	simm.s32 @p1 $0x1  }
0x15: {  	[smem:$0x3FB7] =	sst s0;
	s0 =	simm.s32 @!p2 $0x0  }
0x16: {  	s3 =	sld [smem:$0x3FDB];
	s0 =	simm.s32 @p2 $0x1  }
0x17: {  	s4 =	simm.s32 $0x1BF5;
	[smem:$0x3FB9] =	sst s0  }
0x18: {  	s0 =	sld [smem:$0x3F9C];
	_ =	swait.ge [sflag:s4], $0x0  }
0x19: {  	s7 =	sld [smem:$0x3F9D]  }
0x1a: {  	s8 =	sadd.s32 $0xFFFFE003, lr  }
0x1b: {  	s9 =	sadd.s32 $0xFFFFFEF7, lr;
	s5 =	simm.s32 $0xFFFFFFFF;
	p2 =	slt.u32 s8, $0xFFFFF086  }
0x1c: {  	p1 =	slt.u32 s9, $0xF7A;
	s5 =	simm.s32 @!p2 $0x0  }
0x1d: {  	s5 =	simm.s32 @p1 $0x1;
	p0 =	seq.s32 s7, s2  }
0x1e: {  	s7 =	smul.u32 @!p0 $0xF7A, s2;
	p2 =	seq.s32 @!p0 s5, $0x0  }
0x1f: {  	s9 =	smul.u32 $0xF7A, s1;
	s8 =	simm.s32 @!p0 $0x1BF5;
	p2 =	por !p2, p0  }
0x20: {  	[sflag:s8] =	ssyncset.s32 @!p0 $0xFFFFF086;
	s6 =	sadd.s32 @!p0 s3, s7;
	s7 =	simm.s32 @!p0 $0x108  }
0x21: {  	s3 =	sadd.s32 s3, s9;
	s6 =	sadd.s32 @!p0 $0x88, s6;
	s7 =	simm.s32 @p2 $0x1082  }
0x22: {  	[simem:s7], [sflag:s8] =	dma.local @!p0 [hbm:s6], $0xF7A  }
0x23: {  	s9 =	sor.u32 $0xD0000000, s2;
	s6 =	simm.s32 $0x108;
	_ =	swait.ge @!p0 [sflag:s8], $0x0  }
0x24: {  	s3 =	sadd.s32 $0x88, s3;
	s6 =	simm.s32 @!p1 $0x1082;
	[sflag:s4] =	ssyncset.s32 $0xFFFFF086  }
0x25: {  	[simem:s6], [sflag:s4] =	dma.local [hbm:s3], $0xF7A  }
0x26: {  	[smem:$0x3F9D] =	sst s1;
	(tag) =	ssettag s2;
	_ =	strace s9  }
0x27: {  	s1 =	sld [smem:$0x3FAD]  }
0x28: {  	s2 =	sld [smem:$0x3FAE]  }
0x29: {  	s4 =	sld [smem:$0x3FB0]  }
0x2a: {  	p0 =	seq.s32 s5, $0x0;
	s5 =	sld [smem:$0x3FB1]  }
0x2b: {  	s6 =	sld [smem:$0x3FB2]  }
0x2c: {  	s7 =	sld [smem:$0x3FB3]  }
0x2d: {  	s3 =	simm.s32 $0x108;
	s8 =	sld [smem:$0x3FB4]  }
0x2e: {  	s3 =	simm.s32 @!p0 $0x1082;
	s9 =	sld [smem:$0x3FB5]  }
0x2f: {  	lr =	sadd.s32 s0, s3;
	s0 =	sld [smem:$0x3FAC]  }
0x30: {  	s3 =	sld [smem:$0x3FAF]  }
0x31: {  	[smem:$0x3FB8] =	sst s10  }
0x32: {  	s10 =	sld [smem:$0x3FB6];
	_ =	sdelay $0x3  }
0x33: {  	p0 =	seq.s32 s10, $0x1;
	s10 =	sld [smem:$0x3FB8];
	_ =	sdelay $0x3  }
0x34: {  	[smem:$0x3FB8] =	sst s10  }
0x35: {  	s10 =	sld [smem:$0x3FB7];
	_ =	sdelay $0x3  }
0x36: {  	p1 =	seq.s32 s10, $0x1;
	s10 =	sld [smem:$0x3FB8];
	_ =	sdelay $0x3  }
0x37: {  	[smem:$0x3FB8] =	sst s10  }
0x38: {  	s10 =	sld [smem:$0x3FB9]  }
0x39: {  	_ = 	snop;
	(pc) =	sbr.ind lr, $3  }
0x3a: {  	_ = 	snop  }
0x3b: {  	_ = 	snop  }
0x3c: {  	p2 =	seq.s32 s10, $0x1;
	s10 =	sld [smem:$0x3FB8]  }
0x3d: {  	_ =	shalt  }
0x3e: {  	_ =	shalt  }
0x3f: {  	_ =	shalt  }
0x40: {  	_ =	shalt  }
0x41: {  	_ =	shalt  }
0x42: {  	_ =	shalt  }
0x43: {  	_ =	shalt  }
0x44: {  	_ =	shalt  }
0x45: {  	_ =	shalt  }
0x46: {  	_ =	shalt  }
0x47: {  	_ =	shalt  }
0x48: {  	_ =	shalt  }
0x49: {  	_ =	shalt  }
0x4a: {  	_ =	shalt  }
0x4b: {  	_ =	shalt  }
0x4c: {  	_ =	shalt  }
0x4d: {  	_ =	shalt  }
0x4e: {  	_ =	shalt  }
0x4f: {  	_ =	shalt  }
0x50: {  	_ =	shalt  }
0x51: {  	_ =	shalt  }
0x52: {  	_ =	shalt  }
0x53: {  	_ =	shalt  }
0x54: {  	_ =	shalt  }
0x55: {  	_ =	shalt  }
0x56: {  	_ =	shalt  }
0x57: {  	_ =	shalt  }
0x58: {  	_ =	shalt  }
0x59: {  	_ =	shalt  }
0x5a: {  	_ =	shalt  }
0x5b: {  	_ =	shalt  }
0x5c: {  	_ =	shalt  }
0x5d: {  	_ =	shalt  }
0x5e: {  	_ =	shalt  }
0x5f: {  	_ =	shalt  }
0x60: {  	_ =	shalt  }
0x61: {  	_ =	shalt  }
0x62: {  	_ =	shalt  }
0x63: {  	_ =	shalt  }
0x64: {  	_ =	shalt  }
0x65: {  	_ =	shalt  }
0x66: {  	_ =	shalt  }
0x67: {  	_ =	shalt  }
0x68: {  	_ =	shalt  }
0x69: {  	_ =	shalt  }
0x6a: {  	_ =	shalt  }
0x6b: {  	_ =	shalt  }
0x6c: {  	_ =	shalt  }
0x6d: {  	_ =	shalt  }
0x6e: {  	_ =	shalt  }
0x6f: {  	_ =	shalt  }
0x70: {  	_ =	shalt  }
0x71: {  	_ =	shalt  }
0x72: {  	_ =	shalt  }
0x73: {  	_ =	shalt  }
0x74: {  	_ =	shalt  }
0x75: {  	_ =	shalt  }
0x76: {  	_ =	shalt  }
0x77: {  	_ =	shalt  }
0x78: {  	_ =	shalt  }
0x79: {  	_ =	shalt  }
0x7a: {  	_ =	shalt  }
0x7b: {  	_ =	shalt  }
0x7c: {  	_ =	shalt  }
0x7d: {  	_ =	shalt  }
0x7e: {  	_ =	shalt  }
0x7f: {  	_ =	shalt  }
0x80: {  	_ =	shalt  }
0x81: {  	_ =	shalt  }
0x82: {  	_ =	shalt  }
0x83: {  	_ =	shalt  }
0x84: {  	_ =	shalt  }
0x85: {  	_ =	shalt  }
0x86: {  	_ =	shalt  }
0x87: {  	_ =	shalt  }
.Lfunc_end0:
.L_simem_size_0:
called_computation_lowered:
.L_overlay_start_0:
0x88: {  	s2 =	sld [smem:$0x3FD9]  }
0x89: {  	s3 =	sld [smem:$0x3FFE];
	_ =	sdelay $0x1  }
0x8a: {  	s1 =	srdreg.scid  }
0x8b: {  	s0 =	sand.u32 $0x1, s1  }
0x8c: {  	s14 =	sshll.u32 s0, $0xA;
	s2 =	sadd.s32 s3, s2  }
0x8d: {  	s2 =	sadd.s32 s2, s14  }
0x8e: {  	[smem:$0x3FC4] =	sst s2  }
0x8f: {  	_ = 	snop  }
0x90: {  	s2 =	sld [smem:$0x3FD0];
	_ =	sdelay $0x2  }
0x91: {  	s15 =	simm.s32 $0xA;
	s4 =	simm.s32 $0x10  }
0x92: {  	[smem:s4], [sflag:s15] =	dma.local [hbm:s2], $0x1  }
0x93: {  	_ =	swait.eq [sflag:s15], $0x1  }
0x94: {  	[sflag:s15] =	ssyncset.done $0x0  }
0x95: {  	s16 =	sld [smem:$0x10];
	[sflag:s15] =	ssyncadd.s32 $0xFFFFFFFF  }
0x96: {  	s17 =	sld [smem:$0x11];
	(tm) =	ssettm $0x1  }
0x97: {  	s18 =	sld [smem:$0x3FFB];
	_ =	sdelay $0x3  }
0x98: {  	_ =	strace s18  }
0x99: {  	s4 =	sld [smem:$0x3FFC];
	_ =	sdelay $0x3  }
0x9a: {  	_ =	strace s4  }
0x9b: {  	s4 =	sld [smem:$0x3FFD];
	_ =	sdelay $0x3  }
0x9c: {  	_ =	strace s4  }
0x9d: {  	_ =	strace $0x8FFFFFFF  }
0x9e: {  	s19 =	sld [smem:$0x3FDB];
	_ =	sdelay $0x1  }
0x9f: {  	s5 =	simm.s32 $_scs_section_size  }
0xa0: {  	s6 =	simm.s32 $_size__tile_overlayer_lowered;
	s7 =	simm.s32 $_tile_overlayer_lowered  }
0xa1: {  	s22 =	simm.s32 $0x1BFF;
	s21 =	sshll.u32 s7, $0x1;
	s4 =	sadd.s32 s5, s19  }
0xa2: {  	s8 =	simm.s32 $0x0;
	s20 =	sshll.u32 s6, $0x1;
	s6 =	sadd.s32 s21, s4  }
0xa3: {  	[timem:s8], [sflag:s22] =	dma.local [hbm:s6], s20  }
0xa4: {  	_ =	swait.ge [sflag:s22], s20  }
0xa5: {  	s5 =	ssub.s32 $0x0, s20;
	[sflag:s22] =	ssyncset.done $0x0  }
0xa6: {  	[sflag:s22] =	ssyncadd.s32 s5;
	_ =	sdelay $0x1  }
0xa7: {  	s23 =	simm.s32 $0x1B8B  }
0xa8: {  	_ =	swait.ge [sflag:s23], $0x1  }
0xa9: {  	[sflag:s23] =	ssyncset.done $0x0  }
0xaa: {  	s25 =	simm.s32 $0x1B8E;
	s24 =	sld [smem:$0x3FFE];
	[sflag:s23] =	ssyncadd.s32 $0xFFFFFFFF  }
0xab: {  	s26 =	simm.s32 $execute0_lowered;
	[smem:$0x3FD2] =	sst s25  }
0xac: {  	s6 =	sshll.u32 s26, $0x1;
	_ =	strace $0x80000046;
	[dreg:$0x1] =	wrdreg $0xFFFFFFFF  }
0xad: {  	s28 =	simm.s32 $_size_execute0_lowered;
	s4 =	sadd.s32 s4, s6;
	[dreg:$0x0] =	wrdreg $0x0  }
0xae: {  	s6 =	sshll.u32 s28, $0x1;
	[dreg:$0x2] =	wrdreg s4  }
0xaf: {  	[dreg:$0x3] =	wrdreg s6  }
0xb0: {  	[dreg:$0x4] =	wrdreg $0xC0  }
0xb1: {  	_ =	task [dreg:s8], $0x5FFFF  }
0xb2: {  	[dreg:$0x1] =	wrdreg $0xFFFFFFFF  }
0xb3: {  	[dreg:$0x0] =	wrdreg $0x60  }
0xb4: {  	[dreg:$0x2] =	wrdreg s24  }
0xb5: {  	[dreg:$0x3] =	wrdreg s17  }
0xb6: {  	[dreg:$0x4] =	wrdreg s16  }
0xb7: {  	[dreg:$0x5] =	wrdreg $0x9  }
0xb8: {  	_ =	task.clear_ibuf [dreg:s8], $0x6FFFF;
	_ =	strace $0x90000046  }
0xb9: {  	s29 =	simm.s32 $0x9;
	_ =	strace $0x80000048  }
0xba: {  	_ =	swait.ge [sflag:s29], $0x1  }
0xbb: {  	[sflag:s29] =	ssyncadd.s32 $0xFFFFFFFF  }
0xbc: {  	_ =	strace $0x90000048  }
0xbd: {  	_ =	sfence  }
0xbe: {  	s30 =	sld [smem:$0x0];
	_ =	sdelay $0x2  }
0xbf: {  	s31 =	sshll.u32 s1, $0xD;
	s1 =	sshrl.u32 s1, $0x2  }
0xc0: {  	s3 =	sand.u32 $0x4000, s31;
	s1 =	sadd.s32 s1, s30  }
0xc1: {  	s0 =	sor.u32 s3, s0;
	s1 =	sshll.u32 s1, $0x11  }
0xc2: {  	s0 =	sor.u32 s1, s0  }
0xc3: {  	s0 =	sadd.s32 $0x8F2B, s0  }
0xc4: {  	[sflag:s0] =	ssyncadd.remote.s32 $0x1  }
0xc5: {  	_ =	sfence.sel $0xFFFF  }
0xc6: {  	[dreg:$0x0] =	wrdreg $0xFFFFFFFF;
	(pc) =	sbr.abs _section_cstart, $3  }
0xc7: {  	[dreg:$0x1] =	wrdreg $0xFFFFFFFF  }
0xc8: {  	_ =	task.clear_ibuf [dreg:s8], $0x2FFFF;
	_ =	strace $0x9FFFFFFF  }
0xc9: {  	(tm) =	ssettm $0x7FFFFFFF  }
tec
execute0_lowered:
.L_overlay_start_1:
0x0: {  	(tag) =	ssettag $0x1  }
0x1: {  	s5 =	rddreg [dreg:$0x0]  }
0x2: {  	s0 =	srdreg.scid;
	s6 =	rddreg [dreg:$0x1]  }
0x3: {  	s3 =	stileid.u32;
	s2 =	simm.s32 $0x1;
	s7 =	rddreg [dreg:$0x2]  }
0x4: {  	s11 =	simm.s32 $0x3200;
	s12 =	simm.s32 $0x4280;
	s13 =	simm.s32 $0x5300  }
0x5: {  	s14 =	simm.s32 $0x6380;
	s15 =	simm.s32 $0x7400;
	s16 =	simm.s32 $0x8480  }
0x6: {  	s17 =	simm.s32 $0x9500;
	s18 =	simm.s32 $0xA580;
	s19 =	simm.s32 $0xB600  }
0x7: {  	s20 =	simm.s32 $0xC680;
	s0 =	sand.u32 $0x1, s0;
	s1 =	sshll.u32 s3, $0x1  }
0x8: {  	s21 =	simm.s32 $0xD700;
	s22 =	simm.s32 $0xE780;
	s1 =	sor.u32 s0, s1  }
0x9: {  	s23 =	simm.s32 $0xF800;
	p1 =	seq.s32 s0, $0x1;
	p0 =	seq.s32 s1, $0x0  }
0xa: {  	s24 =	simm.s32 $0x10880;
	s25 =	simm.s32 $0x11900;
	p0 =	por !p0, !p1  }
0xb: {  	s9 =	sshll.u32 s0, $0x7;
	s0 =	ssub.s32 $0x2, s0;
	p0 =	por !p0, !p0  }
0xc: {  	s26 =	simm.s32 $0x12980;
	s31 =	sshrl.u32 s0, $0x1;
	s2 =	simm.s32 @!p0 $0x0  }
0xd: {  	s29 =	simm.s32 $0x0;
	s0 =	ssub.s32 s0, s31;
	s4 =	ssub.s32 s3, s2  }
0xe: {  	s2 =	sshll.u32 s4, $0x1;
	s8 =	smul.u32 $0x3000, s4;
	s10 =	sshll.u32 s4, $0xF  }
0xf: {  	s4 =	sshll.u32 s4, $0x6;
	s1 =	ssub.s32 s1, s2;
	s2 =	simm.s32 $0x0  }
0x10: {  	s4 =	sand.u32 $0x1FFFFFC0, s4;
	s30 =	sshrl.u32 s1, $0x1;
	[smem:$0x7FF] =	sst s2  }
0x11: {  	s8 =	sshrl.u32 s8, $0x3;
	s1 =	sshll.u32 s1, $0xE;
	s3 =	smul.u32 $0x21000, s30  }
0x12: {  	s4 =	sadd.s32 s6, s4;
	_ =	strace $0x80000047;
	s8 =	sadd.s32 s8, s5  }
0x13: {  	s1 =	sadd.s32 s10, s1;
	[dreg:$0x5] =	wrdreg s4;
	s9 =	sor.u32 s9, s3  }
0x14: {  	s8 =	sadd.s32 $0x400, s8;
	s1 =	sshrl.u32 s1, $0x3;
	s9 =	sshrl.u32 s9, $0x3  }
0x15: {  	s3 =	simm.s32 $0x1;
	[dreg:$0x4] =	wrdreg s8;
	s5 =	sadd.s32 s9, s5  }
0x16: {  	v0 =	vlaneseq.u32;
	s7 =	sadd.s32 s7, s1;
	s8 =	smax.u32 s0, $0x1;
	s6 =	sadd.s32 $0x6400, s5  }
.LBB2_1:
0x17: {  	s0 =	rddreg [dreg:$0x4]  }
0x18: {  	[tilespmem:s2], [sflag:$0x1] =	stream.linear.gather [hbm4b:s0+s2], $0x3000, $0x38;
	[tilespmem:$0x17A00] =	vst v63  }
0x19: {  	_ =	swait.ge [sflag:s3], $0x3000  }
0x1a: {  	[sflag:s3] =	ssyncset.done $0x0  }
0x1b: {  	s30 =	simm.s32 $0x3000;
	s10 =	rddreg [dreg:$0x5];
	[sflag:s3] =	ssyncadd.s32 $0xFFFFD000  }
0x1c: {  	[tilespmem:s30], [sflag:$0x1] =	stream.linear.gather [hbm4b:s10+s2], $0x200, $0x38;
	[tilespmem:$0x17A00] =	vst v63  }
0x1d: {  	_ =	swait.ge [sflag:s3], $0x200  }
0x1e: {  	[sflag:s3] =	ssyncset.done $0x0  }
0x1f: {  	s28 =	simm.s32 $0x80;
	s1 =	simm.s32 $0x100;
	[sflag:s3] =	ssyncadd.s32 $0xFFFFFE00  }
0x20: {  	[tilespmem:s11], [sflag:$0x1] =	stream.strided.gather [hbm4b:s6+s28], $0x10800, s1, s28, $0x38;
	[tilespmem:$0x17A00] =	vst v63  }
0x21: {  	_ =	swait.ge [sflag:s3], $0x10800  }
0x22: {  	[sflag:s3] =	ssyncset.done $0x0  }
0x23: {  	s31 =	simm.s32 $0x0;
	s1 =	simm.s32 $0x0;
	[sflag:s3] =	ssyncadd.s32 $0xFFFEF800  }
.LBB2_2:
0x24: {  	s0 =	sand.u32 $0x70, s1;
	s4 =	sand.u32 $0xC00, s31  }
0x25: {  	v21 =	vld [tilespmem:s30+$0x0];
	s0 =	sor.u32 s0, s4  }
0x26: {  	v1 =	vld [tilespmem:s0+$0x0]  }
0x27: {  	v2 =	vld [tilespmem:s0+$0x80]  }
0x28: {  	v3 =	vld [tilespmem:s0+$0x100]  }
0x29: {  	v5 =	vld [tilespmem:s0+$0x200]  }
0x2a: {  	s10 =	sor.u32 s1, s31;
	v6 =	vld [tilespmem:s0+$0x280]  }
0x2b: {  	s4 =	sor.u32 $0x380, s10;
	v7 =	vld [tilespmem:s0+$0x300]  }
0x2c: {  	v8 =	vld [tilespmem:s4+$0x0]  }
0x2d: {  	v9 =	vld [tilespmem:s0+$0x1000];
	vm0 =	vgt.s32 v21, $0x0  }
0x2e: {  	v10 =	vld [tilespmem:s0+$0x1080];
	vm11 =	vgt.s32 v21, $0x1;
	vm1 =	vgt.s32 v21, $0x2;
	vm2 =	vgt.s32 v21, $0x3  }
0x2f: {  	v11 =	vld [tilespmem:s0+$0x1100];
	vm12 =	vgt.s32 v21, $0x4;
	vm13 =	vgt.s32 v21, $0x5;
	vm14 =	vgt.s32 v21, $0x6  }
0x30: {  	v13 =	vld [tilespmem:s0+$0x1200];
	vm15 =	vgt.s32 v21, $0x7;
	vm4 =	vgt.s32 v21, $0x8;
	vm5 =	vgt.s32 v21, $0x9  }
0x31: {  	v14 =	vld [tilespmem:s0+$0x1280];
	vm6 =	vgt.s32 v21, $0xA;
	vm7 =	vgt.s32 v21, $0xB;
	vm8 =	vgt.s32 v21, $0xC  }
0x32: {  	s10 =	sor.u32 $0x1380, s10;
	v15 =	vld [tilespmem:s0+$0x1300];
	vm9 =	vgt.s32 v21, $0xD;
	vm10 =	vgt.s32 v21, $0xE;
	v1 =	vshll.u32 v1, $0x4  }
0x33: {  	v16 =	vld [tilespmem:s10+$0x0];
	v2 =	vshll.u32 v2, $0x4;
	v3 =	vshll.u32 v3, $0x4;
	v5 =	vshll.u32 v5, $0x4  }
0x34: {  	s28 =	sand.u32 $0xFFFFFC00, s31;
	v17 =	vld [tilespmem:s0+$0x2000];
	v6 =	vshll.u32 v6, $0x4;
	v7 =	vshll.u32 v7, $0x4;
	v1 =	vor.u32 v0, v1  }
0x35: {  	s9 =	sadd.s32 s28, s1;
	v18 =	vld [tilespmem:s0+$0x2080];
	v8 =	vshll.u32 v8, $0x4;
	v2 =	vor.u32 v0, v2;
	v1 =	vsel vm0, v1, v0  }
0x36: {  	s5 =	sor.u32 $0x180, s9;
	v19 =	vld [tilespmem:s0+$0x2100];
	v9 =	vshll.u32 v9, $0x4;
	v3 =	vor.u32 v0, v3;
	v2 =	vsel vm11, v2, v0  }
0x37: {  	s28 =	sor.u32 $0x1180, s9;
	v4 =	vld [tilespmem:s5+$0x0];
	v10 =	vshll.u32 v10, $0x4;
	v5 =	vor.u32 v0, v5;
	v3 =	vsel vm1, v3, v0  }
0x38: {  	s9 =	sor.u32 $0x2180, s9;
	v12 =	vld [tilespmem:s28+$0x0];
	v11 =	vshll.u32 v11, $0x4;
	v6 =	vor.u32 v0, v6;
	v5 =	vsel vm12, v5, v0  }
0x39: {  	v20 =	vld [tilespmem:s9+$0x0];
	v13 =	vshll.u32 v13, $0x4;
	v7 =	vor.u32 v0, v7;
	v6 =	vsel vm13, v6, v0  }
0x3a: {  	v14 =	vshll.u32 v14, $0x4;
	v8 =	vor.u32 v0, v8;
	v7 =	vsel vm14, v7, v0;
	v22 =	vld.idx.msk [tilespmem:v1+s11+$0x0], $0xffff  }
0x3b: {  	v15 =	vshll.u32 v15, $0x4;
	v9 =	vor.u32 v0, v9;
	v8 =	vsel vm15, v8, v0;
	v23 =	vld.idx.msk [tilespmem:v2+s11+$0x0], $0xffff  }
0x3c: {  	v16 =	vshll.u32 v16, $0x4;
	v10 =	vor.u32 v0, v10;
	v9 =	vsel vm4, v9, v0;
	v24 =	vld.idx.msk [tilespmem:v3+s11+$0x0], $0xffff  }
0x3d: {  	v17 =	vshll.u32 v17, $0x4;
	v11 =	vor.u32 v0, v11;
	v10 =	vsel vm5, v10, v0;
	v26 =	vld.idx.msk [tilespmem:v5+s11+$0x0], $0xffff  }
0x3e: {  	v18 =	vshll.u32 v18, $0x4;
	v13 =	vor.u32 v0, v13;
	v11 =	vsel vm6, v11, v0;
	v27 =	vld.idx.msk [tilespmem:v6+s11+$0x0], $0xffff  }
0x3f: {  	v19 =	vshll.u32 v19, $0x4;
	v14 =	vor.u32 v0, v14;
	v13 =	vsel vm8, v13, v0;
	v28 =	vld.idx.msk [tilespmem:v7+s11+$0x0], $0xffff  }
0x40: {  	v4 =	vshll.u32 v4, $0x4;
	v15 =	vor.u32 v0, v15;
	v14 =	vsel vm9, v14, v0;
	v29 =	vld.idx.msk [tilespmem:v8+s11+$0x0], $0xffff  }
0x41: {  	v12 =	vshll.u32 v12, $0x4;
	v4 =	vor.u32 v0, v4;
	v15 =	vsel vm10, v15, v0;
	v30 =	vld.idx.msk [tilespmem:v9+s11+$0x0], $0xffff  }
0x42: {  	v16 =	vor.u32 v0, v16;
	v12 =	vor.u32 v0, v12;
	v4 =	vsel vm2, v4, v0;
	v31 =	vld.idx.msk [tilespmem:v10+s11+$0x0], $0xffff  }
0x43: {  	v17 =	vor.u32 v0, v17;
	vm11 =	vgt.s32 v21, $0xF;
	v12 =	vsel vm7, v12, v0;
	v32 =	vld.idx.msk [tilespmem:v11+s11+$0x0], $0xffff  }
0x44: {  	v18 =	vor.u32 v0, v18;
	vm12 =	vgt.s32 v21, $0x10;
	v16 =	vsel vm11, v16, v0;
	v34 =	vld.idx.msk [tilespmem:v13+s11+$0x0], $0xffff  }
0x45: {  	v19 =	vor.u32 v0, v19;
	vm13 =	vgt.s32 v21, $0x11;
	v17 =	vsel vm12, v17, v0;
	v35 =	vld.idx.msk [tilespmem:v14+s11+$0x0], $0xffff  }
0x46: {  	v20 =	vshll.u32 v20, $0x4;
	vm14 =	vgt.s32 v21, $0x12;
	v18 =	vsel vm13, v18, v0;
	v36 =	vld.idx.msk [tilespmem:v15+s11+$0x0], $0xffff  }
0x47: {  	vm15 =	vgt.s32 v21, $0x13;
	v20 =	vor.u32 v0, v20;
	v19 =	vsel vm14, v19, v0;
	v25 =	vld.idx.msk [tilespmem:v4+s11+$0x0], $0xffff  }
0x48: {  	v20 =	vsel vm15, v20, v0;
	v33 =	vld.idx.msk [tilespmem:v12+s11+$0x0], $0xffff  }
0x49: {  	v37 =	vld.idx.msk [tilespmem:v16+s11+$0x0], $0xffff  }
0x4a: {  	v38 =	vld.idx.msk [tilespmem:v17+s11+$0x0], $0xffff  }
0x4b: {  	v39 =	vld.idx.msk [tilespmem:v18+s11+$0x0], $0xffff  }
0x4c: {  	v40 =	vld.idx.msk [tilespmem:v19+s11+$0x0], $0xffff  }
0x4d: {  	v41 =	vld.idx.msk [tilespmem:v20+s11+$0x0], $0xffff  }
0x4e: {  	v21 =	vcvt.s32.f32 v21;
	v22 =	vadd.bf16 v23, v22;
	v46 =	vadd.bf16 v27, v26  }
0x4f: {  	v47 =	vadd.bf16 v29, v28;
	v48 =	vadd.bf16 v31, v30  }
0x50: {  	v21 =	vmax.f32 v21, $1.000000000e+00;
	v50 =	vadd.bf16 v35, v34;
	v45 =	vadd.bf16 v25, v24  }
0x51: {  	(erf) = vrcp.f32 v21;
	v49 =	vadd.bf16 v33, v32;
	v51 =	vadd.bf16 v37, v36  }
0x52: {  	v52 =	vadd.bf16 v39, v38;
	v53 =	vadd.bf16 v41, v40;
	v54 =	vshll.u32 v22, $0x10  }
0x53: {  	v56 =	vshll.u32 v46, $0x10;
	v57 =	vshll.u32 v47, $0x10;
	v58 =	vshll.u32 v48, $0x10  }
0x54: {  	v60 =	vshll.u32 v50, $0x10;
	v22 =	vand.u32 $0xFFFF0000, v22;
	v24 =	vand.u32 $0xFFFF0000, v46  }
0x55: {  	v25 =	vand.u32 $0xFFFF0000, v47;
	v26 =	vand.u32 $0xFFFF0000, v48;
	v21 =	vand.u32 $0xFFFF0000, v50  }
0x56: {  	v55 =	vshll.u32 v45, $0x10;
	v59 =	vshll.u32 v49, $0x10;
	v61 =	vshll.u32 v51, $0x10  }
0x57: {  	v23 =	vand.u32 $0xFFFF0000, v45;
	v62 =	vadd.f32 v57, v56;
	v37 =	vadd.f32 v25, v24  }
0x58: {  	v27 =	vand.u32 $0xFFFF0000, v49;
	v31 =	vadd.f32 v55, v54;
	v63 =	vadd.f32 v59, v58  }
0x59: {  	v28 =	vand.u32 $0xFFFF0000, v51;
	v36 =	vadd.f32 v61, v60;
	v22 =	vadd.f32 v23, v22  }
0x5a: {  	v38 =	vshll.u32 v52, $0x10;
	v39 =	vadd.f32 v27, v26;
	v21 =	vadd.f32 v28, v21  }
0x5b: {  	v40 =	vshll.u32 v53, $0x10;
	v41 =	vadd.f32 v62, v31;
	v42 =	vadd.f32 v36, v63  }
0x5c: {  	v29 =	vand.u32 $0xFFFF0000, v52;
	v22 =	vadd.f32 v37, v22;
	v21 =	vadd.f32 v21, v39  }
0x5d: {  	v43 =	vand.u32 $0xFFFF0000, v53;
	v24 =	vadd.f32 v40, v38;
	v44 =	vadd.f32 v42, v41  }
0x5e: {  	v23 =	vadd.f32 v43, v29;
	v22 =	vadd.f32 v21, v22  }
0x5f: {  	v24 =	vadd.f32 v24, v44  }
0x60: {  	v21 =	vpop (erf);
	v22 =	vadd.f32 v23, v22  }
0x61: {  	v45 =	vmul.f32 v24, v21  }
0x62: {  	v22 =	vmul.f32 v22, v21  }
0x63: {  	[tilespmem:s0+$0x13A00] =	vst v45  }
0x64: {  	[tilespmem:s0+$0x13A80] =	vst v22  }
0x65: {  	v22 =	vld.idx.msk [tilespmem:v1+s12+$0x0], $0xffff  }
0x66: {  	v23 =	vld.idx.msk [tilespmem:v2+s12+$0x0], $0xffff  }
0x67: {  	v46 =	vld.idx.msk [tilespmem:v3+s12+$0x0], $0xffff  }
0x68: {  	v47 =	vld.idx.msk [tilespmem:v4+s12+$0x0], $0xffff  }
0x69: {  	v48 =	vld.idx.msk [tilespmem:v5+s12+$0x0], $0xffff  }
0x6a: {  	v49 =	vld.idx.msk [tilespmem:v6+s12+$0x0], $0xffff  }
0x6b: {  	v50 =	vld.idx.msk [tilespmem:v7+s12+$0x0], $0xffff  }
0x6c: {  	v51 =	vld.idx.msk [tilespmem:v8+s12+$0x0], $0xffff  }
0x6d: {  	v52 =	vld.idx.msk [tilespmem:v9+s12+$0x0], $0xffff  }
0x6e: {  	v53 =	vld.idx.msk [tilespmem:v10+s12+$0x0], $0xffff  }
0x6f: {  	v54 =	vld.idx.msk [tilespmem:v11+s12+$0x0], $0xffff  }
0x70: {  	v55 =	vld.idx.msk [tilespmem:v12+s12+$0x0], $0xffff  }
0x71: {  	v56 =	vld.idx.msk [tilespmem:v13+s12+$0x0], $0xffff  }
0x72: {  	v57 =	vld.idx.msk [tilespmem:v14+s12+$0x0], $0xffff  }
0x73: {  	v58 =	vld.idx.msk [tilespmem:v15+s12+$0x0], $0xffff  }
0x74: {  	v59 =	vld.idx.msk [tilespmem:v16+s12+$0x0], $0xffff  }
0x75: {  	v60 =	vld.idx.msk [tilespmem:v17+s12+$0x0], $0xffff  }
0x76: {  	v61 =	vld.idx.msk [tilespmem:v18+s12+$0x0], $0xffff  }
0x77: {  	v62 =	vld.idx.msk [tilespmem:v19+s12+$0x0], $0xffff  }
0x78: {  	v63 =	vld.idx.msk [tilespmem:v20+s12+$0x0], $0xffff  }
0x79: {  	v22 =	vadd.bf16 v23, v22;
	v43 =	vadd.bf16 v47, v46  }
0x7a: {  	v44 =	vadd.bf16 v49, v48;
	v45 =	vadd.bf16 v51, v50  }
0x7b: {  	v46 =	vadd.bf16 v53, v52;
	v47 =	vadd.bf16 v55, v54  }
0x7c: {  	v48 =	vadd.bf16 v57, v56;
	v49 =	vadd.bf16 v59, v58  }
0x7d: {  	v50 =	vadd.bf16 v61, v60;
	v51 =	vadd.bf16 v63, v62;
	v52 =	vshll.u32 v22, $0x10  }
0x7e: {  	v53 =	vshll.u32 v43, $0x10;
	v54 =	vshll.u32 v44, $0x10;
	v55 =	vshll.u32 v45, $0x10  }
0x7f: {  	v56 =	vshll.u32 v46, $0x10;
	v57 =	vshll.u32 v47, $0x10;
	v58 =	vshll.u32 v48, $0x10  }
0x80: {  	v59 =	vshll.u32 v49, $0x10;
	v22 =	vand.u32 $0xFFFF0000, v22;
	v23 =	vand.u32 $0xFFFF0000, v43  }
0x81: {  	v24 =	vand.u32 $0xFFFF0000, v44;
	v25 =	vand.u32 $0xFFFF0000, v45;
	v26 =	vand.u32 $0xFFFF0000, v46  }
0x82: {  	v27 =	vand.u32 $0xFFFF0000, v47;
	v32 =	vadd.f32 v53, v52;
	v60 =	vadd.f32 v55, v54  }
0x83: {  	v28 =	vand.u32 $0xFFFF0000, v48;
	v61 =	vadd.f32 v57, v56;
	v62 =	vadd.f32 v59, v58  }
0x84: {  	v29 =	vand.u32 $0xFFFF0000, v49;
	v22 =	vadd.f32 v23, v22;
	v63 =	vadd.f32 v25, v24  }
0x85: {  	v36 =	vshll.u32 v50, $0x10;
	v37 =	vadd.f32 v27, v26;
	v38 =	vadd.f32 v29, v28  }
0x86: {  	v39 =	vshll.u32 v51, $0x10;
	v40 =	vadd.f32 v60, v32;
	v41 =	vadd.f32 v62, v61  }
0x87: {  	v30 =	vand.u32 $0xFFFF0000, v50;
	v22 =	vadd.f32 v63, v22;
	v42 =	vadd.f32 v38, v37  }
0x88: {  	v43 =	vand.u32 $0xFFFF0000, v51;
	v24 =	vadd.f32 v39, v36;
	v44 =	vadd.f32 v41, v40  }
0x89: {  	v25 =	vadd.f32 v43, v30;
	v22 =	vadd.f32 v42, v22  }
0x8a: {  	v45 =	vadd.f32 v24, v44  }
0x8b: {  	v22 =	vadd.f32 v25, v22  }
0x8c: {  	v23 =	vmul.f32 v45, v21  }
0x8d: {  	v22 =	vmul.f32 v22, v21  }
0x8e: {  	[tilespmem:s0+$0x13B00] =	vst v23  }
0x8f: {  	[tilespmem:s5+$0x13A00] =	vst v22  }
0x90: {  	v22 =	vld.idx.msk [tilespmem:v1+s13+$0x0], $0xffff  }
0x91: {  	v23 =	vld.idx.msk [tilespmem:v2+s13+$0x0], $0xffff  }
0x92: {  	v46 =	vld.idx.msk [tilespmem:v3+s13+$0x0], $0xffff  }
0x93: {  	v47 =	vld.idx.msk [tilespmem:v4+s13+$0x0], $0xffff  }
0x94: {  	v48 =	vld.idx.msk [tilespmem:v5+s13+$0x0], $0xffff  }
0x95: {  	v49 =	vld.idx.msk [tilespmem:v6+s13+$0x0], $0xffff  }
0x96: {  	v50 =	vld.idx.msk [tilespmem:v7+s13+$0x0], $0xffff  }
0x97: {  	v51 =	vld.idx.msk [tilespmem:v8+s13+$0x0], $0xffff  }
0x98: {  	v52 =	vld.idx.msk [tilespmem:v9+s13+$0x0], $0xffff  }
0x99: {  	v53 =	vld.idx.msk [tilespmem:v10+s13+$0x0], $0xffff  }
0x9a: {  	v54 =	vld.idx.msk [tilespmem:v11+s13+$0x0], $0xffff  }
0x9b: {  	v55 =	vld.idx.msk [tilespmem:v12+s13+$0x0], $0xffff  }
0x9c: {  	v56 =	vld.idx.msk [tilespmem:v13+s13+$0x0], $0xffff  }
0x9d: {  	v57 =	vld.idx.msk [tilespmem:v14+s13+$0x0], $0xffff  }
0x9e: {  	v58 =	vld.idx.msk [tilespmem:v15+s13+$0x0], $0xffff  }
0x9f: {  	v59 =	vld.idx.msk [tilespmem:v16+s13+$0x0], $0xffff  }
0xa0: {  	v60 =	vld.idx.msk [tilespmem:v17+s13+$0x0], $0xffff  }
0xa1: {  	v61 =	vld.idx.msk [tilespmem:v18+s13+$0x0], $0xffff  }
0xa2: {  	v62 =	vld.idx.msk [tilespmem:v19+s13+$0x0], $0xffff  }
0xa3: {  	v63 =	vld.idx.msk [tilespmem:v20+s13+$0x0], $0xffff  }
0xa4: {  	v22 =	vadd.bf16 v23, v22;
	v43 =	vadd.bf16 v47, v46  }
0xa5: {  	v44 =	vadd.bf16 v49, v48;
	v45 =	vadd.bf16 v51, v50  }
0xa6: {  	v46 =	vadd.bf16 v53, v52;
	v47 =	vadd.bf16 v55, v54  }
0xa7: {  	v48 =	vadd.bf16 v57, v56;
	v49 =	vadd.bf16 v59, v58  }
0xa8: {  	v50 =	vadd.bf16 v61, v60;
	v51 =	vadd.bf16 v63, v62;
	v52 =	vshll.u32 v22, $0x10  }
0xa9: {  	v53 =	vshll.u32 v43, $0x10;
	v54 =	vshll.u32 v44, $0x10;
	v55 =	vshll.u32 v45, $0x10  }
0xaa: {  	v56 =	vshll.u32 v46, $0x10;
	v57 =	vshll.u32 v47, $0x10;
	v58 =	vshll.u32 v48, $0x10  }
0xab: {  	v59 =	vshll.u32 v49, $0x10;
	v22 =	vand.u32 $0xFFFF0000, v22;
	v23 =	vand.u32 $0xFFFF0000, v43  }
0xac: {  	v24 =	vand.u32 $0xFFFF0000, v44;
	v25 =	vand.u32 $0xFFFF0000, v45;
	v26 =	vand.u32 $0xFFFF0000, v46  }
0xad: {  	v27 =	vand.u32 $0xFFFF0000, v47;
	v32 =	vadd.f32 v53, v52;
	v60 =	vadd.f32 v55, v54  }
0xae: {  	v28 =	vand.u32 $0xFFFF0000, v48;
	v61 =	vadd.f32 v57, v56;
	v62 =	vadd.f32 v59, v58  }
0xaf: {  	v29 =	vand.u32 $0xFFFF0000, v49;
	v22 =	vadd.f32 v23, v22;
	v63 =	vadd.f32 v25, v24  }
0xb0: {  	v36 =	vshll.u32 v50, $0x10;
	v37 =	vadd.f32 v27, v26;
	v38 =	vadd.f32 v29, v28  }
0xb1: {  	v39 =	vshll.u32 v51, $0x10;
	v40 =	vadd.f32 v60, v32;
	v41 =	vadd.f32 v62, v61  }
0xb2: {  	v30 =	vand.u32 $0xFFFF0000, v50;
	v22 =	vadd.f32 v63, v22;
	v42 =	vadd.f32 v38, v37  }
0xb3: {  	v43 =	vand.u32 $0xFFFF0000, v51;
	v24 =	vadd.f32 v39, v36;
	v44 =	vadd.f32 v41, v40  }
0xb4: {  	v25 =	vadd.f32 v43, v30;
	v22 =	vadd.f32 v42, v22  }
0xb5: {  	v45 =	vadd.f32 v24, v44  }
0xb6: {  	v22 =	vadd.f32 v25, v22  }
0xb7: {  	v23 =	vmul.f32 v45, v21  }
0xb8: {  	v22 =	vmul.f32 v22, v21  }
0xb9: {  	[tilespmem:s0+$0x13C00] =	vst v23  }
0xba: {  	[tilespmem:s0+$0x13C80] =	vst v22  }
0xbb: {  	v22 =	vld.idx.msk [tilespmem:v1+s14+$0x0], $0xffff  }
0xbc: {  	v23 =	vld.idx.msk [tilespmem:v2+s14+$0x0], $0xffff  }
0xbd: {  	v46 =	vld.idx.msk [tilespmem:v3+s14+$0x0], $0xffff  }
0xbe: {  	v47 =	vld.idx.msk [tilespmem:v4+s14+$0x0], $0xffff  }
0xbf: {  	v48 =	vld.idx.msk [tilespmem:v5+s14+$0x0], $0xffff  }
0xc0: {  	v49 =	vld.idx.msk [tilespmem:v6+s14+$0x0], $0xffff  }
0xc1: {  	v50 =	vld.idx.msk [tilespmem:v7+s14+$0x0], $0xffff  }
0xc2: {  	v51 =	vld.idx.msk [tilespmem:v8+s14+$0x0], $0xffff  }
0xc3: {  	v52 =	vld.idx.msk [tilespmem:v9+s14+$0x0], $0xffff  }
0xc4: {  	v53 =	vld.idx.msk [tilespmem:v10+s14+$0x0], $0xffff  }
0xc5: {  	v54 =	vld.idx.msk [tilespmem:v11+s14+$0x0], $0xffff  }
0xc6: {  	v55 =	vld.idx.msk [tilespmem:v12+s14+$0x0], $0xffff  }
0xc7: {  	v56 =	vld.idx.msk [tilespmem:v13+s14+$0x0], $0xffff  }
0xc8: {  	v57 =	vld.idx.msk [tilespmem:v14+s14+$0x0], $0xffff  }
0xc9: {  	v58 =	vld.idx.msk [tilespmem:v15+s14+$0x0], $0xffff  }
0xca: {  	v59 =	vld.idx.msk [tilespmem:v16+s14+$0x0], $0xffff  }
0xcb: {  	v60 =	vld.idx.msk [tilespmem:v17+s14+$0x0], $0xffff  }
0xcc: {  	v61 =	vld.idx.msk [tilespmem:v18+s14+$0x0], $0xffff  }
0xcd: {  	v62 =	vld.idx.msk [tilespmem:v19+s14+$0x0], $0xffff  }
0xce: {  	v63 =	vld.idx.msk [tilespmem:v20+s14+$0x0], $0xffff  }
0xcf: {  	v22 =	vadd.bf16 v23, v22;
	v43 =	vadd.bf16 v47, v46  }
0xd0: {  	v44 =	vadd.bf16 v49, v48;
	v45 =	vadd.bf16 v51, v50  }
0xd1: {  	v46 =	vadd.bf16 v53, v52;
	v47 =	vadd.bf16 v55, v54  }
0xd2: {  	v48 =	vadd.bf16 v57, v56;
	v49 =	vadd.bf16 v59, v58  }
0xd3: {  	v50 =	vadd.bf16 v61, v60;
	v51 =	vadd.bf16 v63, v62;
	v52 =	vshll.u32 v22, $0x10  }
0xd4: {  	v53 =	vshll.u32 v43, $0x10;
	v54 =	vshll.u32 v44, $0x10;
	v55 =	vshll.u32 v45, $0x10  }
0xd5: {  	v56 =	vshll.u32 v46, $0x10;
	v57 =	vshll.u32 v47, $0x10;
	v58 =	vshll.u32 v48, $0x10  }
0xd6: {  	v59 =	vshll.u32 v49, $0x10;
	v22 =	vand.u32 $0xFFFF0000, v22;
	v23 =	vand.u32 $0xFFFF0000, v43  }
0xd7: {  	v24 =	vand.u32 $0xFFFF0000, v44;
	v25 =	vand.u32 $0xFFFF0000, v45;
	v26 =	vand.u32 $0xFFFF0000, v46  }
0xd8: {  	v27 =	vand.u32 $0xFFFF0000, v47;
	v32 =	vadd.f32 v53, v52;
	v60 =	vadd.f32 v55, v54  }
0xd9: {  	v28 =	vand.u32 $0xFFFF0000, v48;
	v61 =	vadd.f32 v57, v56;
	v62 =	vadd.f32 v59, v58  }
0xda: {  	v29 =	vand.u32 $0xFFFF0000, v49;
	v22 =	vadd.f32 v23, v22;
	v63 =	vadd.f32 v25, v24  }
0xdb: {  	v36 =	vshll.u32 v50, $0x10;
	v37 =	vadd.f32 v27, v26;
	v38 =	vadd.f32 v29, v28  }
0xdc: {  	v39 =	vshll.u32 v51, $0x10;
	v40 =	vadd.f32 v60, v32;
	v41 =	vadd.f32 v62, v61  }
0xdd: {  	v30 =	vand.u32 $0xFFFF0000, v50;
	v22 =	vadd.f32 v63, v22;
	v42 =	vadd.f32 v38, v37  }
0xde: {  	v43 =	vand.u32 $0xFFFF0000, v51;
	v24 =	vadd.f32 v39, v36;
	v44 =	vadd.f32 v41, v40  }
0xdf: {  	v25 =	vadd.f32 v43, v30;
	v22 =	vadd.f32 v42, v22  }
0xe0: {  	v45 =	vadd.f32 v24, v44  }
0xe1: {  	v22 =	vadd.f32 v25, v22  }
0xe2: {  	v23 =	vmul.f32 v45, v21  }
0xe3: {  	v22 =	vmul.f32 v22, v21  }
0xe4: {  	[tilespmem:s0+$0x13D00] =	vst v23  }
0xe5: {  	[tilespmem:s4+$0x13A00] =	vst v22  }
0xe6: {  	v22 =	vld.idx.msk [tilespmem:v1+s15+$0x0], $0xffff  }
0xe7: {  	v23 =	vld.idx.msk [tilespmem:v2+s15+$0x0], $0xffff  }
0xe8: {  	v46 =	vld.idx.msk [tilespmem:v3+s15+$0x0], $0xffff  }
0xe9: {  	v47 =	vld.idx.msk [tilespmem:v4+s15+$0x0], $0xffff  }
0xea: {  	v48 =	vld.idx.msk [tilespmem:v5+s15+$0x0], $0xffff  }
0xeb: {  	v49 =	vld.idx.msk [tilespmem:v6+s15+$0x0], $0xffff  }
0xec: {  	v50 =	vld.idx.msk [tilespmem:v7+s15+$0x0], $0xffff  }
0xed: {  	v51 =	vld.idx.msk [tilespmem:v8+s15+$0x0], $0xffff  }
0xee: {  	v52 =	vld.idx.msk [tilespmem:v9+s15+$0x0], $0xffff  }
0xef: {  	v53 =	vld.idx.msk [tilespmem:v10+s15+$0x0], $0xffff  }
0xf0: {  	v54 =	vld.idx.msk [tilespmem:v11+s15+$0x0], $0xffff  }
0xf1: {  	v55 =	vld.idx.msk [tilespmem:v12+s15+$0x0], $0xffff  }
0xf2: {  	v56 =	vld.idx.msk [tilespmem:v13+s15+$0x0], $0xffff  }
0xf3: {  	v57 =	vld.idx.msk [tilespmem:v14+s15+$0x0], $0xffff  }
0xf4: {  	v58 =	vld.idx.msk [tilespmem:v15+s15+$0x0], $0xffff  }
0xf5: {  	v59 =	vld.idx.msk [tilespmem:v16+s15+$0x0], $0xffff  }
0xf6: {  	v60 =	vld.idx.msk [tilespmem:v17+s15+$0x0], $0xffff  }
0xf7: {  	v61 =	vld.idx.msk [tilespmem:v18+s15+$0x0], $0xffff  }
0xf8: {  	v62 =	vld.idx.msk [tilespmem:v19+s15+$0x0], $0xffff  }
0xf9: {  	v63 =	vld.idx.msk [tilespmem:v20+s15+$0x0], $0xffff  }
0xfa: {  	v22 =	vadd.bf16 v23, v22;
	v43 =	vadd.bf16 v47, v46  }
0xfb: {  	v44 =	vadd.bf16 v49, v48;
	v45 =	vadd.bf16 v51, v50  }
0xfc: {  	v46 =	vadd.bf16 v53, v52;
	v47 =	vadd.bf16 v55, v54  }
0xfd: {  	v48 =	vadd.bf16 v57, v56;
	v49 =	vadd.bf16 v59, v58  }
0xfe: {  	v50 =	vadd.bf16 v61, v60;
	v51 =	vadd.bf16 v63, v62;
	v52 =	vshll.u32 v22, $0x10  }
0xff: {  	v53 =	vshll.u32 v43, $0x10;
	v54 =	vshll.u32 v44, $0x10;
	v55 =	vshll.u32 v45, $0x10  }
0x100: {  	v56 =	vshll.u32 v46, $0x10;
	v57 =	vshll.u32 v47, $0x10;
	v58 =	vshll.u32 v48, $0x10  }
0x101: {  	v59 =	vshll.u32 v49, $0x10;
	v22 =	vand.u32 $0xFFFF0000, v22;
	v23 =	vand.u32 $0xFFFF0000, v43  }
0x102: {  	v24 =	vand.u32 $0xFFFF0000, v44;
	v25 =	vand.u32 $0xFFFF0000, v45;
	v26 =	vand.u32 $0xFFFF0000, v46  }
0x103: {  	v27 =	vand.u32 $0xFFFF0000, v47;
	v32 =	vadd.f32 v53, v52;
	v60 =	vadd.f32 v55, v54  }
0x104: {  	v28 =	vand.u32 $0xFFFF0000, v48;
	v61 =	vadd.f32 v57, v56;
	v62 =	vadd.f32 v59, v58  }
0x105: {  	v29 =	vand.u32 $0xFFFF0000, v49;
	v22 =	vadd.f32 v23, v22;
	v63 =	vadd.f32 v25, v24  }
0x106: {  	v36 =	vshll.u32 v50, $0x10;
	v37 =	vadd.f32 v27, v26;
	v38 =	vadd.f32 v29, v28  }
0x107: {  	v39 =	vshll.u32 v51, $0x10;
	v40 =	vadd.f32 v60, v32;
	v41 =	vadd.f32 v62, v61  }
0x108: {  	v30 =	vand.u32 $0xFFFF0000, v50;
	v22 =	vadd.f32 v63, v22;
	v42 =	vadd.f32 v38, v37  }
0x109: {  	v43 =	vand.u32 $0xFFFF0000, v51;
	v24 =	vadd.f32 v39, v36;
	v44 =	vadd.f32 v41, v40  }
0x10a: {  	v25 =	vadd.f32 v43, v30;
	v22 =	vadd.f32 v42, v22  }
0x10b: {  	v45 =	vadd.f32 v24, v44  }
0x10c: {  	v22 =	vadd.f32 v25, v22  }
0x10d: {  	v23 =	vmul.f32 v45, v21  }
0x10e: {  	v22 =	vmul.f32 v22, v21  }
0x10f: {  	[tilespmem:s0+$0x14A00] =	vst v23  }
0x110: {  	[tilespmem:s0+$0x14A80] =	vst v22  }
0x111: {  	v22 =	vld.idx.msk [tilespmem:v1+s16+$0x0], $0xffff  }
0x112: {  	v23 =	vld.idx.msk [tilespmem:v2+s16+$0x0], $0xffff  }
0x113: {  	v46 =	vld.idx.msk [tilespmem:v3+s16+$0x0], $0xffff  }
0x114: {  	v47 =	vld.idx.msk [tilespmem:v4+s16+$0x0], $0xffff  }
0x115: {  	v48 =	vld.idx.msk [tilespmem:v5+s16+$0x0], $0xffff  }
0x116: {  	v49 =	vld.idx.msk [tilespmem:v6+s16+$0x0], $0xffff  }
0x117: {  	v50 =	vld.idx.msk [tilespmem:v7+s16+$0x0], $0xffff  }
0x118: {  	v51 =	vld.idx.msk [tilespmem:v8+s16+$0x0], $0xffff  }
0x119: {  	v52 =	vld.idx.msk [tilespmem:v9+s16+$0x0], $0xffff  }
0x11a: {  	v53 =	vld.idx.msk [tilespmem:v10+s16+$0x0], $0xffff  }
0x11b: {  	v54 =	vld.idx.msk [tilespmem:v11+s16+$0x0], $0xffff  }
0x11c: {  	v55 =	vld.idx.msk [tilespmem:v12+s16+$0x0], $0xffff  }
0x11d: {  	v56 =	vld.idx.msk [tilespmem:v13+s16+$0x0], $0xffff  }
0x11e: {  	v57 =	vld.idx.msk [tilespmem:v14+s16+$0x0], $0xffff  }
0x11f: {  	v58 =	vld.idx.msk [tilespmem:v15+s16+$0x0], $0xffff  }
0x120: {  	v59 =	vld.idx.msk [tilespmem:v16+s16+$0x0], $0xffff  }
0x121: {  	v60 =	vld.idx.msk [tilespmem:v17+s16+$0x0], $0xffff  }
0x122: {  	v61 =	vld.idx.msk [tilespmem:v18+s16+$0x0], $0xffff  }
0x123: {  	v62 =	vld.idx.msk [tilespmem:v19+s16+$0x0], $0xffff  }
0x124: {  	v63 =	vld.idx.msk [tilespmem:v20+s16+$0x0], $0xffff  }
0x125: {  	v22 =	vadd.bf16 v23, v22;
	v43 =	vadd.bf16 v47, v46  }
0x126: {  	v44 =	vadd.bf16 v49, v48;
	v45 =	vadd.bf16 v51, v50  }
0x127: {  	v46 =	vadd.bf16 v53, v52;
	v47 =	vadd.bf16 v55, v54  }
0x128: {  	v48 =	vadd.bf16 v57, v56;
	v49 =	vadd.bf16 v59, v58  }
0x129: {  	v50 =	vadd.bf16 v61, v60;
	v51 =	vadd.bf16 v63, v62;
	v52 =	vshll.u32 v22, $0x10  }
0x12a: {  	v53 =	vshll.u32 v43, $0x10;
	v54 =	vshll.u32 v44, $0x10;
	v55 =	vshll.u32 v45, $0x10  }
0x12b: {  	v56 =	vshll.u32 v46, $0x10;
	v57 =	vshll.u32 v47, $0x10;
	v58 =	vshll.u32 v48, $0x10  }
0x12c: {  	v59 =	vshll.u32 v49, $0x10;
	v22 =	vand.u32 $0xFFFF0000, v22;
	v23 =	vand.u32 $0xFFFF0000, v43  }
0x12d: {  	v24 =	vand.u32 $0xFFFF0000, v44;
	v25 =	vand.u32 $0xFFFF0000, v45;
	v26 =	vand.u32 $0xFFFF0000, v46  }
0x12e: {  	v27 =	vand.u32 $0xFFFF0000, v47;
	v32 =	vadd.f32 v53, v52;
	v60 =	vadd.f32 v55, v54  }
0x12f: {  	v28 =	vand.u32 $0xFFFF0000, v48;
	v61 =	vadd.f32 v57, v56;
	v62 =	vadd.f32 v59, v58  }
0x130: {  	v29 =	vand.u32 $0xFFFF0000, v49;
	v22 =	vadd.f32 v23, v22;
	v63 =	vadd.f32 v25, v24  }
0x131: {  	v36 =	vshll.u32 v50, $0x10;
	v37 =	vadd.f32 v27, v26;
	v38 =	vadd.f32 v29, v28  }
0x132: {  	v39 =	vshll.u32 v51, $0x10;
	v40 =	vadd.f32 v60, v32;
	v41 =	vadd.f32 v62, v61  }
0x133: {  	v30 =	vand.u32 $0xFFFF0000, v50;
	v22 =	vadd.f32 v63, v22;
	v42 =	vadd.f32 v38, v37  }
0x134: {  	v43 =	vand.u32 $0xFFFF0000, v51;
	v24 =	vadd.f32 v39, v36;
	v44 =	vadd.f32 v41, v40  }
0x135: {  	v25 =	vadd.f32 v43, v30;
	v22 =	vadd.f32 v42, v22  }
0x136: {  	v45 =	vadd.f32 v24, v44  }
0x137: {  	v22 =	vadd.f32 v25, v22  }
0x138: {  	v23 =	vmul.f32 v45, v21  }
0x139: {  	v22 =	vmul.f32 v22, v21  }
0x13a: {  	[tilespmem:s0+$0x14B00] =	vst v23  }
0x13b: {  	[tilespmem:s28+$0x13A00] =	vst v22  }
0x13c: {  	v22 =	vld.idx.msk [tilespmem:v1+s17+$0x0], $0xffff  }
0x13d: {  	v23 =	vld.idx.msk [tilespmem:v2+s17+$0x0], $0xffff  }
0x13e: {  	v46 =	vld.idx.msk [tilespmem:v3+s17+$0x0], $0xffff  }
0x13f: {  	v47 =	vld.idx.msk [tilespmem:v4+s17+$0x0], $0xffff  }
0x140: {  	v48 =	vld.idx.msk [tilespmem:v5+s17+$0x0], $0xffff  }
0x141: {  	v49 =	vld.idx.msk [tilespmem:v6+s17+$0x0], $0xffff  }
0x142: {  	v50 =	vld.idx.msk [tilespmem:v7+s17+$0x0], $0xffff  }
0x143: {  	v51 =	vld.idx.msk [tilespmem:v8+s17+$0x0], $0xffff  }
0x144: {  	v52 =	vld.idx.msk [tilespmem:v9+s17+$0x0], $0xffff  }
0x145: {  	v53 =	vld.idx.msk [tilespmem:v10+s17+$0x0], $0xffff  }
0x146: {  	v54 =	vld.idx.msk [tilespmem:v11+s17+$0x0], $0xffff  }
0x147: {  	v55 =	vld.idx.msk [tilespmem:v12+s17+$0x0], $0xffff  }
0x148: {  	v56 =	vld.idx.msk [tilespmem:v13+s17+$0x0], $0xffff  }
0x149: {  	v57 =	vld.idx.msk [tilespmem:v14+s17+$0x0], $0xffff  }
0x14a: {  	v58 =	vld.idx.msk [tilespmem:v15+s17+$0x0], $0xffff  }
0x14b: {  	v59 =	vld.idx.msk [tilespmem:v16+s17+$0x0], $0xffff  }
0x14c: {  	v60 =	vld.idx.msk [tilespmem:v17+s17+$0x0], $0xffff  }
0x14d: {  	v61 =	vld.idx.msk [tilespmem:v18+s17+$0x0], $0xffff  }
0x14e: {  	v62 =	vld.idx.msk [tilespmem:v19+s17+$0x0], $0xffff  }
0x14f: {  	v63 =	vld.idx.msk [tilespmem:v20+s17+$0x0], $0xffff  }
0x150: {  	v22 =	vadd.bf16 v23, v22;
	v43 =	vadd.bf16 v47, v46  }
0x151: {  	v44 =	vadd.bf16 v49, v48;
	v45 =	vadd.bf16 v51, v50  }
0x152: {  	v46 =	vadd.bf16 v53, v52;
	v47 =	vadd.bf16 v55, v54  }
0x153: {  	v48 =	vadd.bf16 v57, v56;
	v49 =	vadd.bf16 v59, v58  }
0x154: {  	v50 =	vadd.bf16 v61, v60;
	v51 =	vadd.bf16 v63, v62;
	v52 =	vshll.u32 v22, $0x10  }
0x155: {  	v53 =	vshll.u32 v43, $0x10;
	v54 =	vshll.u32 v44, $0x10;
	v55 =	vshll.u32 v45, $0x10  }
0x156: {  	v56 =	vshll.u32 v46, $0x10;
	v57 =	vshll.u32 v47, $0x10;
	v58 =	vshll.u32 v48, $0x10  }
0x157: {  	v59 =	vshll.u32 v49, $0x10;
	v22 =	vand.u32 $0xFFFF0000, v22;
	v23 =	vand.u32 $0xFFFF0000, v43  }
0x158: {  	v24 =	vand.u32 $0xFFFF0000, v44;
	v25 =	vand.u32 $0xFFFF0000, v45;
	v26 =	vand.u32 $0xFFFF0000, v46  }
0x159: {  	v27 =	vand.u32 $0xFFFF0000, v47;
	v32 =	vadd.f32 v53, v52;
	v60 =	vadd.f32 v55, v54  }
0x15a: {  	v28 =	vand.u32 $0xFFFF0000, v48;
	v61 =	vadd.f32 v57, v56;
	v62 =	vadd.f32 v59, v58  }
0x15b: {  	v29 =	vand.u32 $0xFFFF0000, v49;
	v22 =	vadd.f32 v23, v22;
	v63 =	vadd.f32 v25, v24  }
0x15c: {  	v36 =	vshll.u32 v50, $0x10;
	v37 =	vadd.f32 v27, v26;
	v38 =	vadd.f32 v29, v28  }
0x15d: {  	v39 =	vshll.u32 v51, $0x10;
	v40 =	vadd.f32 v60, v32;
	v41 =	vadd.f32 v62, v61  }
0x15e: {  	v30 =	vand.u32 $0xFFFF0000, v50;
	v22 =	vadd.f32 v63, v22;
	v42 =	vadd.f32 v38, v37  }
0x15f: {  	v43 =	vand.u32 $0xFFFF0000, v51;
	v24 =	vadd.f32 v39, v36;
	v44 =	vadd.f32 v41, v40  }
0x160: {  	v25 =	vadd.f32 v43, v30;
	v22 =	vadd.f32 v42, v22  }
0x161: {  	v45 =	vadd.f32 v24, v44  }
0x162: {  	v22 =	vadd.f32 v25, v22  }
0x163: {  	v23 =	vmul.f32 v45, v21  }
0x164: {  	v22 =	vmul.f32 v22, v21  }
0x165: {  	[tilespmem:s0+$0x14C00] =	vst v23  }
0x166: {  	[tilespmem:s0+$0x14C80] =	vst v22  }
0x167: {  	v22 =	vld.idx.msk [tilespmem:v1+s18+$0x0], $0xffff  }
0x168: {  	v23 =	vld.idx.msk [tilespmem:v2+s18+$0x0], $0xffff  }
0x169: {  	v46 =	vld.idx.msk [tilespmem:v3+s18+$0x0], $0xffff  }
0x16a: {  	v47 =	vld.idx.msk [tilespmem:v4+s18+$0x0], $0xffff  }
0x16b: {  	v48 =	vld.idx.msk [tilespmem:v5+s18+$0x0], $0xffff  }
0x16c: {  	v49 =	vld.idx.msk [tilespmem:v6+s18+$0x0], $0xffff  }
0x16d: {  	v50 =	vld.idx.msk [tilespmem:v7+s18+$0x0], $0xffff  }
0x16e: {  	v51 =	vld.idx.msk [tilespmem:v8+s18+$0x0], $0xffff  }
0x16f: {  	v52 =	vld.idx.msk [tilespmem:v9+s18+$0x0], $0xffff  }
0x170: {  	v53 =	vld.idx.msk [tilespmem:v10+s18+$0x0], $0xffff  }
0x171: {  	v54 =	vld.idx.msk [tilespmem:v11+s18+$0x0], $0xffff  }
0x172: {  	v55 =	vld.idx.msk [tilespmem:v12+s18+$0x0], $0xffff  }
0x173: {  	v56 =	vld.idx.msk [tilespmem:v13+s18+$0x0], $0xffff  }
0x174: {  	v57 =	vld.idx.msk [tilespmem:v14+s18+$0x0], $0xffff  }
0x175: {  	v58 =	vld.idx.msk [tilespmem:v15+s18+$0x0], $0xffff  }
0x176: {  	v59 =	vld.idx.msk [tilespmem:v16+s18+$0x0], $0xffff  }
0x177: {  	v60 =	vld.idx.msk [tilespmem:v17+s18+$0x0], $0xffff  }
0x178: {  	v61 =	vld.idx.msk [tilespmem:v18+s18+$0x0], $0xffff  }
0x179: {  	v62 =	vld.idx.msk [tilespmem:v19+s18+$0x0], $0xffff  }
0x17a: {  	v63 =	vld.idx.msk [tilespmem:v20+s18+$0x0], $0xffff  }
0x17b: {  	v22 =	vadd.bf16 v23, v22;
	v43 =	vadd.bf16 v47, v46  }
0x17c: {  	v44 =	vadd.bf16 v49, v48;
	v45 =	vadd.bf16 v51, v50  }
0x17d: {  	v46 =	vadd.bf16 v53, v52;
	v47 =	vadd.bf16 v55, v54  }
0x17e: {  	v48 =	vadd.bf16 v57, v56;
	v49 =	vadd.bf16 v59, v58  }
0x17f: {  	v50 =	vadd.bf16 v61, v60;
	v51 =	vadd.bf16 v63, v62;
	v52 =	vshll.u32 v22, $0x10  }
0x180: {  	v53 =	vshll.u32 v43, $0x10;
	v54 =	vshll.u32 v44, $0x10;
	v55 =	vshll.u32 v45, $0x10  }
0x181: {  	v56 =	vshll.u32 v46, $0x10;
	v57 =	vshll.u32 v47, $0x10;
	v58 =	vshll.u32 v48, $0x10  }
0x182: {  	v59 =	vshll.u32 v49, $0x10;
	v22 =	vand.u32 $0xFFFF0000, v22;
	v23 =	vand.u32 $0xFFFF0000, v43  }
0x183: {  	v24 =	vand.u32 $0xFFFF0000, v44;
	v25 =	vand.u32 $0xFFFF0000, v45;
	v26 =	vand.u32 $0xFFFF0000, v46  }
0x184: {  	v27 =	vand.u32 $0xFFFF0000, v47;
	v32 =	vadd.f32 v53, v52;
	v60 =	vadd.f32 v55, v54  }
0x185: {  	v28 =	vand.u32 $0xFFFF0000, v48;
	v61 =	vadd.f32 v57, v56;
	v62 =	vadd.f32 v59, v58  }
0x186: {  	v29 =	vand.u32 $0xFFFF0000, v49;
	v22 =	vadd.f32 v23, v22;
	v63 =	vadd.f32 v25, v24  }
0x187: {  	v36 =	vshll.u32 v50, $0x10;
	v37 =	vadd.f32 v27, v26;
	v38 =	vadd.f32 v29, v28  }
0x188: {  	v39 =	vshll.u32 v51, $0x10;
	v40 =	vadd.f32 v60, v32;
	v41 =	vadd.f32 v62, v61  }
0x189: {  	v30 =	vand.u32 $0xFFFF0000, v50;
	v22 =	vadd.f32 v63, v22;
	v42 =	vadd.f32 v38, v37  }
0x18a: {  	v43 =	vand.u32 $0xFFFF0000, v51;
	v24 =	vadd.f32 v39, v36;
	v44 =	vadd.f32 v41, v40  }
0x18b: {  	v25 =	vadd.f32 v43, v30;
	v22 =	vadd.f32 v42, v22  }
0x18c: {  	v45 =	vadd.f32 v24, v44  }
0x18d: {  	v22 =	vadd.f32 v25, v22  }
0x18e: {  	v23 =	vmul.f32 v45, v21  }
0x18f: {  	v22 =	vmul.f32 v22, v21  }
0x190: {  	[tilespmem:s0+$0x14D00] =	vst v23  }
0x191: {  	[tilespmem:s10+$0x13A00] =	vst v22  }
0x192: {  	v22 =	vld.idx.msk [tilespmem:v1+s19+$0x0], $0xffff  }
0x193: {  	v23 =	vld.idx.msk [tilespmem:v2+s19+$0x0], $0xffff  }
0x194: {  	v46 =	vld.idx.msk [tilespmem:v3+s19+$0x0], $0xffff  }
0x195: {  	v47 =	vld.idx.msk [tilespmem:v4+s19+$0x0], $0xffff  }
0x196: {  	v48 =	vld.idx.msk [tilespmem:v5+s19+$0x0], $0xffff  }
0x197: {  	v49 =	vld.idx.msk [tilespmem:v6+s19+$0x0], $0xffff  }
0x198: {  	v50 =	vld.idx.msk [tilespmem:v7+s19+$0x0], $0xffff  }
0x199: {  	v51 =	vld.idx.msk [tilespmem:v8+s19+$0x0], $0xffff  }
0x19a: {  	v52 =	vld.idx.msk [tilespmem:v9+s19+$0x0], $0xffff  }
0x19b: {  	v53 =	vld.idx.msk [tilespmem:v10+s19+$0x0], $0xffff  }
0x19c: {  	v54 =	vld.idx.msk [tilespmem:v11+s19+$0x0], $0xffff  }
0x19d: {  	v55 =	vld.idx.msk [tilespmem:v12+s19+$0x0], $0xffff  }
0x19e: {  	v56 =	vld.idx.msk [tilespmem:v13+s19+$0x0], $0xffff  }
0x19f: {  	v57 =	vld.idx.msk [tilespmem:v14+s19+$0x0], $0xffff  }
0x1a0: {  	v58 =	vld.idx.msk [tilespmem:v15+s19+$0x0], $0xffff  }
0x1a1: {  	v59 =	vld.idx.msk [tilespmem:v16+s19+$0x0], $0xffff  }
0x1a2: {  	v60 =	vld.idx.msk [tilespmem:v17+s19+$0x0], $0xffff  }
0x1a3: {  	v61 =	vld.idx.msk [tilespmem:v18+s19+$0x0], $0xffff  }
0x1a4: {  	v62 =	vld.idx.msk [tilespmem:v19+s19+$0x0], $0xffff  }
0x1a5: {  	v63 =	vld.idx.msk [tilespmem:v20+s19+$0x0], $0xffff  }
0x1a6: {  	v22 =	vadd.bf16 v23, v22;
	v43 =	vadd.bf16 v47, v46  }
0x1a7: {  	v44 =	vadd.bf16 v49, v48;
	v45 =	vadd.bf16 v51, v50  }
0x1a8: {  	v46 =	vadd.bf16 v53, v52;
	v47 =	vadd.bf16 v55, v54  }
0x1a9: {  	v48 =	vadd.bf16 v57, v56;
	v49 =	vadd.bf16 v59, v58  }
0x1aa: {  	v50 =	vadd.bf16 v61, v60;
	v51 =	vadd.bf16 v63, v62;
	v52 =	vshll.u32 v22, $0x10  }
0x1ab: {  	v53 =	vshll.u32 v43, $0x10;
	v54 =	vshll.u32 v44, $0x10;
	v55 =	vshll.u32 v45, $0x10  }
0x1ac: {  	v56 =	vshll.u32 v46, $0x10;
	v57 =	vshll.u32 v47, $0x10;
	v58 =	vshll.u32 v48, $0x10  }
0x1ad: {  	v59 =	vshll.u32 v49, $0x10;
	v22 =	vand.u32 $0xFFFF0000, v22;
	v23 =	vand.u32 $0xFFFF0000, v43  }
0x1ae: {  	v24 =	vand.u32 $0xFFFF0000, v44;
	v25 =	vand.u32 $0xFFFF0000, v45;
	v26 =	vand.u32 $0xFFFF0000, v46  }
0x1af: {  	v27 =	vand.u32 $0xFFFF0000, v47;
	v32 =	vadd.f32 v53, v52;
	v60 =	vadd.f32 v55, v54  }
0x1b0: {  	v28 =	vand.u32 $0xFFFF0000, v48;
	v61 =	vadd.f32 v57, v56;
	v62 =	vadd.f32 v59, v58  }
0x1b1: {  	v29 =	vand.u32 $0xFFFF0000, v49;
	v22 =	vadd.f32 v23, v22;
	v63 =	vadd.f32 v25, v24  }
0x1b2: {  	v36 =	vshll.u32 v50, $0x10;
	v37 =	vadd.f32 v27, v26;
	v38 =	vadd.f32 v29, v28  }
0x1b3: {  	v39 =	vshll.u32 v51, $0x10;
	v40 =	vadd.f32 v60, v32;
	v41 =	vadd.f32 v62, v61  }
0x1b4: {  	v30 =	vand.u32 $0xFFFF0000, v50;
	v22 =	vadd.f32 v63, v22;
	v42 =	vadd.f32 v38, v37  }
0x1b5: {  	v43 =	vand.u32 $0xFFFF0000, v51;
	v24 =	vadd.f32 v39, v36;
	v44 =	vadd.f32 v41, v40  }
0x1b6: {  	v25 =	vadd.f32 v43, v30;
	v22 =	vadd.f32 v42, v22  }
0x1b7: {  	v45 =	vadd.f32 v24, v44  }
0x1b8: {  	v22 =	vadd.f32 v25, v22  }
0x1b9: {  	v23 =	vmul.f32 v45, v21  }
0x1ba: {  	v22 =	vmul.f32 v22, v21  }
0x1bb: {  	[tilespmem:s0+$0x15A00] =	vst v23  }
0x1bc: {  	[tilespmem:s0+$0x15A80] =	vst v22  }
0x1bd: {  	v22 =	vld.idx.msk [tilespmem:v1+s20+$0x0], $0xffff  }
0x1be: {  	v23 =	vld.idx.msk [tilespmem:v2+s20+$0x0], $0xffff  }
0x1bf: {  	v46 =	vld.idx.msk [tilespmem:v3+s20+$0x0], $0xffff  }
0x1c0: {  	v47 =	vld.idx.msk [tilespmem:v4+s20+$0x0], $0xffff  }
0x1c1: {  	v48 =	vld.idx.msk [tilespmem:v5+s20+$0x0], $0xffff  }
0x1c2: {  	v49 =	vld.idx.msk [tilespmem:v6+s20+$0x0], $0xffff  }
0x1c3: {  	v50 =	vld.idx.msk [tilespmem:v7+s20+$0x0], $0xffff  }
0x1c4: {  	v51 =	vld.idx.msk [tilespmem:v8+s20+$0x0], $0xffff  }
0x1c5: {  	v52 =	vld.idx.msk [tilespmem:v9+s20+$0x0], $0xffff  }
0x1c6: {  	v53 =	vld.idx.msk [tilespmem:v10+s20+$0x0], $0xffff  }
0x1c7: {  	v54 =	vld.idx.msk [tilespmem:v11+s20+$0x0], $0xffff  }
0x1c8: {  	v55 =	vld.idx.msk [tilespmem:v12+s20+$0x0], $0xffff  }
0x1c9: {  	v56 =	vld.idx.msk [tilespmem:v13+s20+$0x0], $0xffff  }
0x1ca: {  	v57 =	vld.idx.msk [tilespmem:v14+s20+$0x0], $0xffff  }
0x1cb: {  	v58 =	vld.idx.msk [tilespmem:v15+s20+$0x0], $0xffff  }
0x1cc: {  	v59 =	vld.idx.msk [tilespmem:v16+s20+$0x0], $0xffff  }
0x1cd: {  	v60 =	vld.idx.msk [tilespmem:v17+s20+$0x0], $0xffff  }
0x1ce: {  	v61 =	vld.idx.msk [tilespmem:v18+s20+$0x0], $0xffff  }
0x1cf: {  	v62 =	vld.idx.msk [tilespmem:v19+s20+$0x0], $0xffff  }
0x1d0: {  	v63 =	vld.idx.msk [tilespmem:v20+s20+$0x0], $0xffff  }
0x1d1: {  	v22 =	vadd.bf16 v23, v22;
	v44 =	vadd.bf16 v47, v46  }
0x1d2: {  	v45 =	vadd.bf16 v49, v48;
	v46 =	vadd.bf16 v51, v50  }
0x1d3: {  	v47 =	vadd.bf16 v53, v52;
	v48 =	vadd.bf16 v55, v54  }
0x1d4: {  	v49 =	vadd.bf16 v57, v56;
	v50 =	vadd.bf16 v59, v58  }
0x1d5: {  	v51 =	vadd.bf16 v61, v60;
	v52 =	vadd.bf16 v63, v62;
	v53 =	vshll.u32 v22, $0x10  }
0x1d6: {  	v54 =	vshll.u32 v44, $0x10;
	v55 =	vshll.u32 v45, $0x10;
	v56 =	vshll.u32 v46, $0x10  }
0x1d7: {  	v57 =	vshll.u32 v47, $0x10;
	v58 =	vshll.u32 v48, $0x10;
	v59 =	vshll.u32 v49, $0x10  }
0x1d8: {  	v60 =	vshll.u32 v50, $0x10;
	v22 =	vand.u32 $0xFFFF0000, v22;
	v23 =	vand.u32 $0xFFFF0000, v44  }
0x1d9: {  	v24 =	vand.u32 $0xFFFF0000, v45;
	v25 =	vand.u32 $0xFFFF0000, v46;
	v26 =	vand.u32 $0xFFFF0000, v47  }
0x1da: {  	v27 =	vand.u32 $0xFFFF0000, v48;
	v32 =	vadd.f32 v54, v53;
	v61 =	vadd.f32 v56, v55  }
0x1db: {  	v28 =	vand.u32 $0xFFFF0000, v49;
	v62 =	vadd.f32 v58, v57;
	v63 =	vadd.f32 v60, v59  }
0x1dc: {  	v29 =	vand.u32 $0xFFFF0000, v50;
	v22 =	vadd.f32 v23, v22;
	v36 =	vadd.f32 v25, v24  }
0x1dd: {  	v37 =	vshll.u32 v51, $0x10;
	v38 =	vadd.f32 v27, v26;
	v39 =	vadd.f32 v29, v28  }
0x1de: {  	v40 =	vshll.u32 v52, $0x10;
	v41 =	vadd.f32 v61, v32;
	v42 =	vadd.f32 v63, v62  }
0x1df: {  	v30 =	vand.u32 $0xFFFF0000, v51;
	v22 =	vadd.f32 v36, v22;
	v43 =	vadd.f32 v39, v38  }
0x1e0: {  	v44 =	vand.u32 $0xFFFF0000, v52;
	v24 =	vadd.f32 v40, v37;
	v45 =	vadd.f32 v42, v41  }
0x1e1: {  	v25 =	vadd.f32 v44, v30;
	v22 =	vadd.f32 v43, v22  }
0x1e2: {  	v46 =	vadd.f32 v24, v45  }
0x1e3: {  	v22 =	vadd.f32 v25, v22  }
0x1e4: {  	v23 =	vmul.f32 v46, v21  }
0x1e5: {  	v22 =	vmul.f32 v22, v21  }
0x1e6: {  	[tilespmem:s0+$0x15B00] =	vst v23  }
0x1e7: {  	[tilespmem:s9+$0x13A00] =	vst v22  }
0x1e8: {  	v22 =	vld.idx.msk [tilespmem:v1+s21+$0x0], $0xffff  }
0x1e9: {  	v23 =	vld.idx.msk [tilespmem:v2+s21+$0x0], $0xffff  }
0x1ea: {  	v47 =	vld.idx.msk [tilespmem:v3+s21+$0x0], $0xffff  }
0x1eb: {  	v48 =	vld.idx.msk [tilespmem:v4+s21+$0x0], $0xffff  }
0x1ec: {  	v49 =	vld.idx.msk [tilespmem:v5+s21+$0x0], $0xffff  }
0x1ed: {  	v50 =	vld.idx.msk [tilespmem:v6+s21+$0x0], $0xffff  }
0x1ee: {  	v51 =	vld.idx.msk [tilespmem:v7+s21+$0x0], $0xffff  }
0x1ef: {  	v52 =	vld.idx.msk [tilespmem:v8+s21+$0x0], $0xffff  }
0x1f0: {  	v53 =	vld.idx.msk [tilespmem:v9+s21+$0x0], $0xffff  }
0x1f1: {  	v54 =	vld.idx.msk [tilespmem:v10+s21+$0x0], $0xffff  }
0x1f2: {  	v55 =	vld.idx.msk [tilespmem:v11+s21+$0x0], $0xffff  }
0x1f3: {  	v56 =	vld.idx.msk [tilespmem:v12+s21+$0x0], $0xffff  }
0x1f4: {  	v57 =	vld.idx.msk [tilespmem:v13+s21+$0x0], $0xffff  }
0x1f5: {  	v58 =	vld.idx.msk [tilespmem:v14+s21+$0x0], $0xffff  }
0x1f6: {  	v59 =	vld.idx.msk [tilespmem:v15+s21+$0x0], $0xffff  }
0x1f7: {  	v60 =	vld.idx.msk [tilespmem:v16+s21+$0x0], $0xffff  }
0x1f8: {  	v61 =	vld.idx.msk [tilespmem:v17+s21+$0x0], $0xffff  }
0x1f9: {  	v62 =	vld.idx.msk [tilespmem:v18+s21+$0x0], $0xffff  }
0x1fa: {  	v63 =	vld.idx.msk [tilespmem:v19+s21+$0x0], $0xffff  }
0x1fb: {  	v44 =	vld.idx.msk [tilespmem:v20+s21+$0x0], $0xffff  }
0x1fc: {  	v22 =	vadd.bf16 v23, v22;
	v45 =	vadd.bf16 v48, v47  }
0x1fd: {  	v46 =	vadd.bf16 v50, v49;
	v47 =	vadd.bf16 v52, v51  }
0x1fe: {  	v48 =	vadd.bf16 v54, v53;
	v49 =	vadd.bf16 v56, v55  }
0x1ff: {  	v50 =	vadd.bf16 v58, v57;
	v51 =	vadd.bf16 v60, v59  }
0x200: {  	v52 =	vadd.bf16 v62, v61;
	v53 =	vadd.bf16 v44, v63;
	v54 =	vshll.u32 v22, $0x10  }
0x201: {  	v55 =	vshll.u32 v45, $0x10;
	v56 =	vshll.u32 v46, $0x10;
	v57 =	vshll.u32 v47, $0x10  }
0x202: {  	v58 =	vshll.u32 v48, $0x10;
	v59 =	vshll.u32 v49, $0x10;
	v60 =	vshll.u32 v50, $0x10  }
0x203: {  	v61 =	vshll.u32 v51, $0x10;
	v22 =	vand.u32 $0xFFFF0000, v22;
	v23 =	vand.u32 $0xFFFF0000, v45  }
0x204: {  	v24 =	vand.u32 $0xFFFF0000, v46;
	v25 =	vand.u32 $0xFFFF0000, v47;
	v26 =	vand.u32 $0xFFFF0000, v48  }
0x205: {  	v27 =	vand.u32 $0xFFFF0000, v49;
	v32 =	vadd.f32 v55, v54;
	v62 =	vadd.f32 v57, v56  }
0x206: {  	v28 =	vand.u32 $0xFFFF0000, v50;
	v63 =	vadd.f32 v59, v58;
	v36 =	vadd.f32 v61, v60  }
0x207: {  	v29 =	vand.u32 $0xFFFF0000, v51;
	v22 =	vadd.f32 v23, v22;
	v37 =	vadd.f32 v25, v24  }
0x208: {  	v38 =	vshll.u32 v52, $0x10;
	v39 =	vadd.f32 v27, v26;
	v40 =	vadd.f32 v29, v28  }
0x209: {  	v41 =	vshll.u32 v53, $0x10;
	v42 =	vadd.f32 v62, v32;
	v43 =	vadd.f32 v36, v63  }
0x20a: {  	v30 =	vand.u32 $0xFFFF0000, v52;
	v22 =	vadd.f32 v37, v22;
	v44 =	vadd.f32 v40, v39  }
0x20b: {  	v45 =	vand.u32 $0xFFFF0000, v53;
	v24 =	vadd.f32 v41, v38;
	v46 =	vadd.f32 v43, v42  }
0x20c: {  	v25 =	vadd.f32 v45, v30;
	v22 =	vadd.f32 v44, v22  }
0x20d: {  	v47 =	vadd.f32 v24, v46  }
0x20e: {  	v22 =	vadd.f32 v25, v22  }
0x20f: {  	v23 =	vmul.f32 v47, v21  }
0x210: {  	v22 =	vmul.f32 v22, v21  }
0x211: {  	[tilespmem:s0+$0x15C00] =	vst v23  }
0x212: {  	[tilespmem:s0+$0x15C80] =	vst v22  }
0x213: {  	v22 =	vld.idx.msk [tilespmem:v1+s22+$0x0], $0xffff  }
0x214: {  	v23 =	vld.idx.msk [tilespmem:v2+s22+$0x0], $0xffff  }
0x215: {  	v48 =	vld.idx.msk [tilespmem:v3+s22+$0x0], $0xffff  }
0x216: {  	v49 =	vld.idx.msk [tilespmem:v4+s22+$0x0], $0xffff  }
0x217: {  	v50 =	vld.idx.msk [tilespmem:v5+s22+$0x0], $0xffff  }
0x218: {  	v51 =	vld.idx.msk [tilespmem:v6+s22+$0x0], $0xffff  }
0x219: {  	v52 =	vld.idx.msk [tilespmem:v7+s22+$0x0], $0xffff  }
0x21a: {  	v53 =	vld.idx.msk [tilespmem:v8+s22+$0x0], $0xffff  }
0x21b: {  	v54 =	vld.idx.msk [tilespmem:v9+s22+$0x0], $0xffff  }
0x21c: {  	v55 =	vld.idx.msk [tilespmem:v10+s22+$0x0], $0xffff  }
0x21d: {  	v56 =	vld.idx.msk [tilespmem:v11+s22+$0x0], $0xffff  }
0x21e: {  	v57 =	vld.idx.msk [tilespmem:v12+s22+$0x0], $0xffff  }
0x21f: {  	v58 =	vld.idx.msk [tilespmem:v13+s22+$0x0], $0xffff  }
0x220: {  	v59 =	vld.idx.msk [tilespmem:v14+s22+$0x0], $0xffff  }
0x221: {  	v60 =	vld.idx.msk [tilespmem:v15+s22+$0x0], $0xffff  }
0x222: {  	v61 =	vld.idx.msk [tilespmem:v16+s22+$0x0], $0xffff  }
0x223: {  	v62 =	vld.idx.msk [tilespmem:v17+s22+$0x0], $0xffff  }
0x224: {  	v63 =	vld.idx.msk [tilespmem:v18+s22+$0x0], $0xffff  }
0x225: {  	v44 =	vld.idx.msk [tilespmem:v19+s22+$0x0], $0xffff  }
0x226: {  	v45 =	vld.idx.msk [tilespmem:v20+s22+$0x0], $0xffff  }
0x227: {  	v22 =	vadd.bf16 v23, v22;
	v46 =	vadd.bf16 v49, v48  }
0x228: {  	v47 =	vadd.bf16 v51, v50;
	v48 =	vadd.bf16 v53, v52  }
0x229: {  	v49 =	vadd.bf16 v55, v54;
	v50 =	vadd.bf16 v57, v56  }
0x22a: {  	v51 =	vadd.bf16 v59, v58;
	v52 =	vadd.bf16 v61, v60  }
0x22b: {  	v53 =	vadd.bf16 v63, v62;
	v54 =	vadd.bf16 v45, v44;
	v55 =	vshll.u32 v22, $0x10  }
0x22c: {  	v56 =	vshll.u32 v46, $0x10;
	v57 =	vshll.u32 v47, $0x10;
	v58 =	vshll.u32 v48, $0x10  }
0x22d: {  	v59 =	vshll.u32 v49, $0x10;
	v60 =	vshll.u32 v50, $0x10;
	v61 =	vshll.u32 v51, $0x10  }
0x22e: {  	v62 =	vshll.u32 v52, $0x10;
	v22 =	vand.u32 $0xFFFF0000, v22;
	v23 =	vand.u32 $0xFFFF0000, v46  }
0x22f: {  	v24 =	vand.u32 $0xFFFF0000, v47;
	v25 =	vand.u32 $0xFFFF0000, v48;
	v26 =	vand.u32 $0xFFFF0000, v49  }
0x230: {  	v27 =	vand.u32 $0xFFFF0000, v50;
	v32 =	vadd.f32 v56, v55;
	v63 =	vadd.f32 v58, v57  }
0x231: {  	v28 =	vand.u32 $0xFFFF0000, v51;
	v36 =	vadd.f32 v60, v59;
	v37 =	vadd.f32 v62, v61  }
0x232: {  	v29 =	vand.u32 $0xFFFF0000, v52;
	v22 =	vadd.f32 v23, v22;
	v38 =	vadd.f32 v25, v24  }
0x233: {  	v39 =	vshll.u32 v53, $0x10;
	v40 =	vadd.f32 v27, v26;
	v41 =	vadd.f32 v29, v28  }
0x234: {  	v42 =	vshll.u32 v54, $0x10;
	v43 =	vadd.f32 v63, v32;
	v44 =	vadd.f32 v37, v36  }
0x235: {  	v30 =	vand.u32 $0xFFFF0000, v53;
	v22 =	vadd.f32 v38, v22;
	v45 =	vadd.f32 v41, v40  }
0x236: {  	v46 =	vand.u32 $0xFFFF0000, v54;
	v24 =	vadd.f32 v42, v39;
	v47 =	vadd.f32 v44, v43  }
0x237: {  	v25 =	vadd.f32 v46, v30;
	v22 =	vadd.f32 v45, v22  }
0x238: {  	v48 =	vadd.f32 v24, v47  }
0x239: {  	v22 =	vadd.f32 v25, v22  }
0x23a: {  	v23 =	vmul.f32 v48, v21  }
0x23b: {  	v22 =	vmul.f32 v22, v21  }
0x23c: {  	[tilespmem:s0+$0x15D00] =	vst v23  }
0x23d: {  	[tilespmem:s0+$0x15D80] =	vst v22  }
0x23e: {  	v22 =	vld.idx.msk [tilespmem:v1+s23+$0x0], $0xffff  }
0x23f: {  	v23 =	vld.idx.msk [tilespmem:v2+s23+$0x0], $0xffff  }
0x240: {  	v49 =	vld.idx.msk [tilespmem:v3+s23+$0x0], $0xffff  }
0x241: {  	v50 =	vld.idx.msk [tilespmem:v4+s23+$0x0], $0xffff  }
0x242: {  	v51 =	vld.idx.msk [tilespmem:v5+s23+$0x0], $0xffff  }
0x243: {  	v52 =	vld.idx.msk [tilespmem:v6+s23+$0x0], $0xffff  }
0x244: {  	v53 =	vld.idx.msk [tilespmem:v7+s23+$0x0], $0xffff  }
0x245: {  	v54 =	vld.idx.msk [tilespmem:v8+s23+$0x0], $0xffff  }
0x246: {  	v55 =	vld.idx.msk [tilespmem:v9+s23+$0x0], $0xffff  }
0x247: {  	v56 =	vld.idx.msk [tilespmem:v10+s23+$0x0], $0xffff  }
0x248: {  	v57 =	vld.idx.msk [tilespmem:v11+s23+$0x0], $0xffff  }
0x249: {  	v58 =	vld.idx.msk [tilespmem:v12+s23+$0x0], $0xffff  }
0x24a: {  	v59 =	vld.idx.msk [tilespmem:v13+s23+$0x0], $0xffff  }
0x24b: {  	v60 =	vld.idx.msk [tilespmem:v14+s23+$0x0], $0xffff  }
0x24c: {  	v61 =	vld.idx.msk [tilespmem:v15+s23+$0x0], $0xffff  }
0x24d: {  	v62 =	vld.idx.msk [tilespmem:v16+s23+$0x0], $0xffff  }
0x24e: {  	v63 =	vld.idx.msk [tilespmem:v17+s23+$0x0], $0xffff  }
0x24f: {  	v44 =	vld.idx.msk [tilespmem:v18+s23+$0x0], $0xffff  }
0x250: {  	v45 =	vld.idx.msk [tilespmem:v19+s23+$0x0], $0xffff  }
0x251: {  	v46 =	vld.idx.msk [tilespmem:v20+s23+$0x0], $0xffff  }
0x252: {  	v22 =	vadd.bf16 v23, v22;
	v47 =	vadd.bf16 v50, v49  }
0x253: {  	v48 =	vadd.bf16 v52, v51;
	v49 =	vadd.bf16 v54, v53  }
0x254: {  	v50 =	vadd.bf16 v56, v55;
	v51 =	vadd.bf16 v58, v57  }
0x255: {  	v52 =	vadd.bf16 v60, v59;
	v53 =	vadd.bf16 v62, v61  }
0x256: {  	v54 =	vadd.bf16 v44, v63;
	v55 =	vadd.bf16 v46, v45;
	v56 =	vshll.u32 v22, $0x10  }
0x257: {  	v57 =	vshll.u32 v47, $0x10;
	v58 =	vshll.u32 v48, $0x10;
	v59 =	vshll.u32 v49, $0x10  }
0x258: {  	v60 =	vshll.u32 v50, $0x10;
	v61 =	vshll.u32 v51, $0x10;
	v62 =	vshll.u32 v52, $0x10  }
0x259: {  	v63 =	vshll.u32 v53, $0x10;
	v22 =	vand.u32 $0xFFFF0000, v22;
	v23 =	vand.u32 $0xFFFF0000, v47  }
0x25a: {  	v24 =	vand.u32 $0xFFFF0000, v48;
	v25 =	vand.u32 $0xFFFF0000, v49;
	v26 =	vand.u32 $0xFFFF0000, v50  }
0x25b: {  	v27 =	vand.u32 $0xFFFF0000, v51;
	v32 =	vadd.f32 v57, v56;
	v42 =	vadd.f32 v59, v58  }
0x25c: {  	v28 =	vand.u32 $0xFFFF0000, v52;
	v43 =	vadd.f32 v61, v60;
	v44 =	vadd.f32 v63, v62  }
0x25d: {  	v29 =	vand.u32 $0xFFFF0000, v53;
	v22 =	vadd.f32 v23, v22;
	v45 =	vadd.f32 v25, v24  }
0x25e: {  	v46 =	vshll.u32 v54, $0x10;
	v47 =	vadd.f32 v27, v26;
	v48 =	vadd.f32 v29, v28  }
0x25f: {  	v49 =	vshll.u32 v55, $0x10;
	v50 =	vadd.f32 v42, v32;
	v51 =	vadd.f32 v44, v43  }
0x260: {  	v30 =	vand.u32 $0xFFFF0000, v54;
	v22 =	vadd.f32 v45, v22;
	v52 =	vadd.f32 v48, v47  }
0x261: {  	v53 =	vand.u32 $0xFFFF0000, v55;
	v24 =	vadd.f32 v49, v46;
	v54 =	vadd.f32 v51, v50  }
0x262: {  	v25 =	vadd.f32 v53, v30;
	v22 =	vadd.f32 v52, v22  }
0x263: {  	v55 =	vadd.f32 v24, v54  }
0x264: {  	v22 =	vadd.f32 v25, v22  }
0x265: {  	v23 =	vmul.f32 v55, v21  }
0x266: {  	v22 =	vmul.f32 v22, v21  }
0x267: {  	[tilespmem:s0+$0x16A00] =	vst v23  }
0x268: {  	[tilespmem:s0+$0x16A80] =	vst v22  }
0x269: {  	v22 =	vld.idx.msk [tilespmem:v1+s24+$0x0], $0xffff  }
0x26a: {  	v23 =	vld.idx.msk [tilespmem:v2+s24+$0x0], $0xffff  }
0x26b: {  	v56 =	vld.idx.msk [tilespmem:v3+s24+$0x0], $0xffff  }
0x26c: {  	v57 =	vld.idx.msk [tilespmem:v4+s24+$0x0], $0xffff  }
0x26d: {  	v58 =	vld.idx.msk [tilespmem:v5+s24+$0x0], $0xffff  }
0x26e: {  	v59 =	vld.idx.msk [tilespmem:v6+s24+$0x0], $0xffff  }
0x26f: {  	v60 =	vld.idx.msk [tilespmem:v7+s24+$0x0], $0xffff  }
0x270: {  	v61 =	vld.idx.msk [tilespmem:v8+s24+$0x0], $0xffff  }
0x271: {  	v62 =	vld.idx.msk [tilespmem:v9+s24+$0x0], $0xffff  }
0x272: {  	v63 =	vld.idx.msk [tilespmem:v10+s24+$0x0], $0xffff  }
0x273: {  	v44 =	vld.idx.msk [tilespmem:v11+s24+$0x0], $0xffff  }
0x274: {  	v45 =	vld.idx.msk [tilespmem:v12+s24+$0x0], $0xffff  }
0x275: {  	v46 =	vld.idx.msk [tilespmem:v13+s24+$0x0], $0xffff  }
0x276: {  	v47 =	vld.idx.msk [tilespmem:v14+s24+$0x0], $0xffff  }
0x277: {  	v48 =	vld.idx.msk [tilespmem:v15+s24+$0x0], $0xffff  }
0x278: {  	v49 =	vld.idx.msk [tilespmem:v16+s24+$0x0], $0xffff  }
0x279: {  	v50 =	vld.idx.msk [tilespmem:v17+s24+$0x0], $0xffff  }
0x27a: {  	v51 =	vld.idx.msk [tilespmem:v18+s24+$0x0], $0xffff  }
0x27b: {  	v52 =	vld.idx.msk [tilespmem:v19+s24+$0x0], $0xffff  }
0x27c: {  	v53 =	vld.idx.msk [tilespmem:v20+s24+$0x0], $0xffff  }
0x27d: {  	v22 =	vadd.bf16 v23, v22;
	v54 =	vadd.bf16 v57, v56  }
0x27e: {  	v55 =	vadd.bf16 v59, v58;
	v56 =	vadd.bf16 v61, v60  }
0x27f: {  	v57 =	vadd.bf16 v63, v62;
	v58 =	vadd.bf16 v45, v44  }
0x280: {  	v59 =	vadd.bf16 v47, v46;
	v60 =	vadd.bf16 v49, v48  }
0x281: {  	v61 =	vadd.bf16 v51, v50;
	v62 =	vadd.bf16 v53, v52;
	v63 =	vshll.u32 v22, $0x10  }
0x282: {  	v42 =	vshll.u32 v54, $0x10;
	v43 =	vshll.u32 v55, $0x10;
	v44 =	vshll.u32 v56, $0x10  }
0x283: {  	v45 =	vshll.u32 v57, $0x10;
	v46 =	vshll.u32 v58, $0x10;
	v47 =	vshll.u32 v59, $0x10  }
0x284: {  	v48 =	vshll.u32 v60, $0x10;
	v22 =	vand.u32 $0xFFFF0000, v22;
	v23 =	vand.u32 $0xFFFF0000, v54  }
0x285: {  	v24 =	vand.u32 $0xFFFF0000, v55;
	v25 =	vand.u32 $0xFFFF0000, v56;
	v26 =	vand.u32 $0xFFFF0000, v57  }
0x286: {  	v27 =	vand.u32 $0xFFFF0000, v58;
	v32 =	vadd.f32 v42, v63;
	v49 =	vadd.f32 v44, v43  }
0x287: {  	v28 =	vand.u32 $0xFFFF0000, v59;
	v50 =	vadd.f32 v46, v45;
	v51 =	vadd.f32 v48, v47  }
0x288: {  	v29 =	vand.u32 $0xFFFF0000, v60;
	v22 =	vadd.f32 v23, v22;
	v52 =	vadd.f32 v25, v24  }
0x289: {  	v53 =	vshll.u32 v61, $0x10;
	v54 =	vadd.f32 v27, v26;
	v55 =	vadd.f32 v29, v28  }
0x28a: {  	v56 =	vshll.u32 v62, $0x10;
	v57 =	vadd.f32 v49, v32;
	v58 =	vadd.f32 v51, v50  }
0x28b: {  	v30 =	vand.u32 $0xFFFF0000, v61;
	v22 =	vadd.f32 v52, v22;
	v59 =	vadd.f32 v55, v54  }
0x28c: {  	v60 =	vand.u32 $0xFFFF0000, v62;
	v24 =	vadd.f32 v56, v53;
	v61 =	vadd.f32 v58, v57  }
0x28d: {  	v25 =	vadd.f32 v60, v30;
	v22 =	vadd.f32 v59, v22  }
0x28e: {  	v62 =	vadd.f32 v24, v61  }
0x28f: {  	v22 =	vadd.f32 v25, v22  }
0x290: {  	v23 =	vmul.f32 v62, v21  }
0x291: {  	v22 =	vmul.f32 v22, v21  }
0x292: {  	[tilespmem:s0+$0x16B00] =	vst v23  }
0x293: {  	[tilespmem:s0+$0x16B80] =	vst v22  }
0x294: {  	v22 =	vld.idx.msk [tilespmem:v1+s25+$0x0], $0xffff  }
0x295: {  	v23 =	vld.idx.msk [tilespmem:v2+s25+$0x0], $0xffff  }
0x296: {  	v63 =	vld.idx.msk [tilespmem:v3+s25+$0x0], $0xffff  }
0x297: {  	v44 =	vld.idx.msk [tilespmem:v4+s25+$0x0], $0xffff  }
0x298: {  	v45 =	vld.idx.msk [tilespmem:v5+s25+$0x0], $0xffff  }
0x299: {  	v46 =	vld.idx.msk [tilespmem:v6+s25+$0x0], $0xffff  }
0x29a: {  	v47 =	vld.idx.msk [tilespmem:v7+s25+$0x0], $0xffff  }
0x29b: {  	v48 =	vld.idx.msk [tilespmem:v8+s25+$0x0], $0xffff  }
0x29c: {  	v49 =	vld.idx.msk [tilespmem:v9+s25+$0x0], $0xffff  }
0x29d: {  	v50 =	vld.idx.msk [tilespmem:v10+s25+$0x0], $0xffff  }
0x29e: {  	v51 =	vld.idx.msk [tilespmem:v11+s25+$0x0], $0xffff  }
0x29f: {  	v52 =	vld.idx.msk [tilespmem:v12+s25+$0x0], $0xffff  }
0x2a0: {  	v53 =	vld.idx.msk [tilespmem:v13+s25+$0x0], $0xffff  }
0x2a1: {  	v54 =	vld.idx.msk [tilespmem:v14+s25+$0x0], $0xffff  }
0x2a2: {  	v55 =	vld.idx.msk [tilespmem:v15+s25+$0x0], $0xffff  }
0x2a3: {  	v56 =	vld.idx.msk [tilespmem:v16+s25+$0x0], $0xffff  }
0x2a4: {  	v57 =	vld.idx.msk [tilespmem:v17+s25+$0x0], $0xffff  }
0x2a5: {  	v58 =	vld.idx.msk [tilespmem:v18+s25+$0x0], $0xffff  }
0x2a6: {  	v59 =	vld.idx.msk [tilespmem:v19+s25+$0x0], $0xffff  }
0x2a7: {  	v60 =	vld.idx.msk [tilespmem:v20+s25+$0x0], $0xffff  }
0x2a8: {  	v22 =	vadd.bf16 v23, v22;
	v61 =	vadd.bf16 v44, v63  }
0x2a9: {  	v62 =	vadd.bf16 v46, v45;
	v63 =	vadd.bf16 v48, v47  }
0x2aa: {  	v42 =	vadd.bf16 v50, v49;
	v43 =	vadd.bf16 v52, v51  }
0x2ab: {  	v44 =	vadd.bf16 v54, v53;
	v45 =	vadd.bf16 v56, v55  }
0x2ac: {  	v46 =	vadd.bf16 v58, v57;
	v47 =	vadd.bf16 v60, v59;
	v48 =	vshll.u32 v22, $0x10  }
0x2ad: {  	v49 =	vshll.u32 v61, $0x10;
	v50 =	vshll.u32 v62, $0x10;
	v51 =	vshll.u32 v63, $0x10  }
0x2ae: {  	v52 =	vshll.u32 v42, $0x10;
	v53 =	vshll.u32 v43, $0x10;
	v54 =	vshll.u32 v44, $0x10  }
0x2af: {  	v55 =	vshll.u32 v45, $0x10;
	v22 =	vand.u32 $0xFFFF0000, v22;
	v23 =	vand.u32 $0xFFFF0000, v61  }
0x2b0: {  	v24 =	vand.u32 $0xFFFF0000, v62;
	v25 =	vand.u32 $0xFFFF0000, v63;
	v26 =	vand.u32 $0xFFFF0000, v42  }
0x2b1: {  	v27 =	vand.u32 $0xFFFF0000, v43;
	v32 =	vadd.f32 v49, v48;
	v56 =	vadd.f32 v51, v50  }
0x2b2: {  	v28 =	vand.u32 $0xFFFF0000, v44;
	v57 =	vadd.f32 v53, v52;
	v58 =	vadd.f32 v55, v54  }
0x2b3: {  	v29 =	vand.u32 $0xFFFF0000, v45;
	v22 =	vadd.f32 v23, v22;
	v59 =	vadd.f32 v25, v24  }
0x2b4: {  	v60 =	vshll.u32 v46, $0x10;
	v61 =	vadd.f32 v27, v26;
	v62 =	vadd.f32 v29, v28  }
0x2b5: {  	v63 =	vshll.u32 v47, $0x10;
	v33 =	vadd.f32 v56, v32;
	v34 =	vadd.f32 v58, v57  }
0x2b6: {  	v30 =	vand.u32 $0xFFFF0000, v46;
	v22 =	vadd.f32 v59, v22;
	v35 =	vadd.f32 v62, v61  }
0x2b7: {  	v36 =	vand.u32 $0xFFFF0000, v47;
	v24 =	vadd.f32 v63, v60;
	v37 =	vadd.f32 v34, v33  }
0x2b8: {  	v25 =	vadd.f32 v36, v30;
	v22 =	vadd.f32 v35, v22  }
0x2b9: {  	v38 =	vadd.f32 v24, v37  }
0x2ba: {  	v22 =	vadd.f32 v25, v22  }
0x2bb: {  	v23 =	vmul.f32 v38, v21  }
0x2bc: {  	v22 =	vmul.f32 v22, v21  }
0x2bd: {  	[tilespmem:s0+$0x16C00] =	vst v23  }
0x2be: {  	[tilespmem:s0+$0x16C80] =	vst v22  }
0x2bf: {  	v1 =	vld.idx.msk [tilespmem:v1+s26+$0x0], $0xffff  }
0x2c0: {  	v2 =	vld.idx.msk [tilespmem:v2+s26+$0x0], $0xffff  }
0x2c1: {  	v3 =	vld.idx.msk [tilespmem:v3+s26+$0x0], $0xffff  }
0x2c2: {  	v4 =	vld.idx.msk [tilespmem:v4+s26+$0x0], $0xffff  }
0x2c3: {  	v5 =	vld.idx.msk [tilespmem:v5+s26+$0x0], $0xffff  }
0x2c4: {  	v6 =	vld.idx.msk [tilespmem:v6+s26+$0x0], $0xffff  }
0x2c5: {  	v7 =	vld.idx.msk [tilespmem:v7+s26+$0x0], $0xffff  }
0x2c6: {  	v8 =	vld.idx.msk [tilespmem:v8+s26+$0x0], $0xffff  }
0x2c7: {  	v9 =	vld.idx.msk [tilespmem:v9+s26+$0x0], $0xffff  }
0x2c8: {  	v10 =	vld.idx.msk [tilespmem:v10+s26+$0x0], $0xffff  }
0x2c9: {  	v11 =	vld.idx.msk [tilespmem:v11+s26+$0x0], $0xffff  }
0x2ca: {  	v12 =	vld.idx.msk [tilespmem:v12+s26+$0x0], $0xffff  }
0x2cb: {  	v13 =	vld.idx.msk [tilespmem:v13+s26+$0x0], $0xffff  }
0x2cc: {  	v14 =	vld.idx.msk [tilespmem:v14+s26+$0x0], $0xffff  }
0x2cd: {  	v15 =	vld.idx.msk [tilespmem:v15+s26+$0x0], $0xffff  }
0x2ce: {  	v16 =	vld.idx.msk [tilespmem:v16+s26+$0x0], $0xffff  }
0x2cf: {  	v17 =	vld.idx.msk [tilespmem:v17+s26+$0x0], $0xffff  }
0x2d0: {  	v18 =	vld.idx.msk [tilespmem:v18+s26+$0x0], $0xffff  }
0x2d1: {  	v19 =	vld.idx.msk [tilespmem:v19+s26+$0x0], $0xffff  }
0x2d2: {  	v20 =	vld.idx.msk [tilespmem:v20+s26+$0x0], $0xffff  }
0x2d3: {  	v1 =	vadd.bf16 v2, v1;
	v2 =	vadd.bf16 v4, v3  }
0x2d4: {  	v3 =	vadd.bf16 v6, v5;
	v39 =	vadd.bf16 v8, v7  }
0x2d5: {  	v40 =	vadd.bf16 v10, v9;
	v41 =	vadd.bf16 v12, v11  }
0x2d6: {  	v42 =	vadd.bf16 v14, v13;
	v43 =	vadd.bf16 v16, v15  }
0x2d7: {  	v44 =	vadd.bf16 v18, v17;
	v45 =	vadd.bf16 v20, v19;
	v46 =	vshll.u32 v1, $0x10  }
0x2d8: {  	v47 =	vshll.u32 v2, $0x10;
	v48 =	vshll.u32 v3, $0x10;
	v49 =	vshll.u32 v39, $0x10  }
0x2d9: {  	v50 =	vshll.u32 v40, $0x10;
	v51 =	vshll.u32 v41, $0x10;
	v52 =	vshll.u32 v42, $0x10  }
0x2da: {  	v53 =	vshll.u32 v43, $0x10;
	v1 =	vand.u32 $0xFFFF0000, v1;
	v2 =	vand.u32 $0xFFFF0000, v2  }
0x2db: {  	v3 =	vand.u32 $0xFFFF0000, v3;
	v4 =	vand.u32 $0xFFFF0000, v39;
	v5 =	vand.u32 $0xFFFF0000, v40  }
0x2dc: {  	v6 =	vand.u32 $0xFFFF0000, v41;
	v11 =	vadd.f32 v47, v46;
	v54 =	vadd.f32 v49, v48  }
0x2dd: {  	v7 =	vand.u32 $0xFFFF0000, v42;
	v55 =	vadd.f32 v51, v50;
	v56 =	vadd.f32 v53, v52  }
0x2de: {  	v8 =	vand.u32 $0xFFFF0000, v43;
	v1 =	vadd.f32 v2, v1;
	v2 =	vadd.f32 v4, v3  }
0x2df: {  	v59 =	vshll.u32 v45, $0x10;
	v57 =	vadd.f32 v6, v5;
	v58 =	vadd.f32 v8, v7  }
0x2e0: {  	v9 =	vand.u32 $0xFFFF0000, v44;
	v60 =	vadd.f32 v54, v11;
	v61 =	vadd.f32 v56, v55  }
0x2e1: {  	v3 =	vshll.u32 v44, $0x10;
	v1 =	vadd.f32 v2, v1;
	v2 =	vadd.f32 v58, v57  }
0x2e2: {  	v62 =	vand.u32 $0xFFFF0000, v45;
	v3 =	vadd.f32 v59, v3;
	v63 =	vadd.f32 v61, v60  }
0x2e3: {  	v4 =	vadd.f32 v62, v9;
	v1 =	vadd.f32 v2, v1  }
0x2e4: {  	p0 =	sne.s32 s1, $0x1F0;
	v2 =	vadd.f32 v3, v63  }
.Ltmp0:
0x2e5: {  	v1 =	vadd.f32 v4, v1;
	(pc) =	sbr.rel @p0 .LBB2_2-.Ltmp0, $4  }
0x2e6: {  	v2 =	vmul.f32 v2, v21  }
0x2e7: {  	v1 =	vmul.f32 v1, v21  }
0x2e8: {  	[tilespmem:s0+$0x16D00] =	vst v2  }
0x2e9: {  	s31 =	sadd.s32 $0x80, s31;
	s30 =	sadd.s32 $0x10, s30;
	s1 =	sadd.s32 $0x10, s1;
	[tilespmem:s0+$0x16D80] =	vst v1  }
0x2ea: {  	s29 =	sadd.s32 $0x1, s29  }
0x2eb: {  	p0 =	sne.s32 s29, s8  }
.Ltmp1:
0x2ec: {  	s0 =	simm.s32 $0x13A00;
	(pc) =	sbr.rel @p0 .LBB2_1-.Ltmp1, $4  }
0x2ed: {  	[hbm4b:s7+s2] =	stream.linear.scatter [tilespmem:s0], [sflag:$0x1], $0x4000, $0x38;
	[tilespmem:$0x17A00] =	vst v63  }
0x2ee: {  	_ =	swait.ge [sflag:s3], $0x4000  }
0x2ef: {  	[sflag:s3] =	ssyncset.done $0x0  }
0x2f0: {  	[sflag:s3] =	ssyncadd.s32 $0xFFFFC000  }
0x2f1: {  	_ =	sfence.sel $0x180000  }
0x2f2: {  	[bflag:$0x0] =	sbarrier.arrive $0xFFFF  }
0x2f3: {  	_ =	strace $0x90000047  }
0x2f4: {  	s0 =	stileid.u32;
	[bflag:$0x2] =	sbarrier.arrive $0xFFFF  }
0x2f5: {  	p0 =	sne.s32 s0, $0x0;
	s0 =	rddreg [dreg:$0x3]  }
0x2f6: {  	s0 =	sadd.s32 @!p0 $0x100000, s0  }
0x2f7: {  	[sflag:s0] =	ssyncadd.tile.s32 @!p0 $0x1;
	_ =	shalt  }
.Lfunc_end2:
_tile_overlayer_lowered:
.L_overlay_start_2:
0x2f8: {  	(tag) =	ssettag $0x2  }
0x2f9: {  	s0 =	rddreg [dreg:$0x0];
	s2 =	stileid.u32  }
0x2fa: {  	s1 =	rddreg [dreg:$0x1];
	p0 =	sne.s32 s2, $0x0  }
0x2fb: {  	s3 =	rddreg [dreg:$0x2];
	[bflag:$0x3] =	sbarrier.arrive $0xFFFF;
	s2 =	simm.s32 @!p0 $0x1C01  }
0x2fc: {  	[timem:s3], [sflag:s2] =	dma.local @!p0 [hbm:s0], s1  }
0x2fd: {  	s0 =	simm.s32 @!p0 $0x1  }
0x2fe: {  	_ =	swait.ge @!p0 [sflag:s0], s1  }
0x2ff: {  	s1 =	ssub.s32 @!p0 $0x0, s1;
	[sflag:s0] =	ssyncset.done @!p0 $0x0  }
0x300: {  	[sflag:s0] =	ssyncadd.s32 @!p0 s1  }
0x301: {  	[bflag:$0x3] =	sbarrier.arrive $0xFFFF  }
0x302: {  	_ =	shalt  }

</sc_bundles>
